<compile_context>
chip_gen: v7x
topology: tpu7x:2x2x1
jax: 0.10.2.dev20260603
libtpu: 0.0.44.dev20260713+nightly
codegen_flags: <defaults>
</compile_context>

<pallas_src>
import functools

import jax
import jax.numpy as jnp
from jax import lax
from jax.experimental import pallas as pl
from jax.experimental.pallas import tpu as pltpu
from jax.experimental.pallas import tpu_sc as plsc

NUM_CORES = 2
NUM_SUBCORES = 16
NUM_WORKERS = NUM_CORES * NUM_SUBCORES
PANEL = 128
NBUF = 2


def _embed_call(b0, b1, d):
    mesh = plsc.VectorSubcoreMesh(core_axis_name="c", subcore_axis_name="s")
    slabs_per_w = b0 // NUM_WORKERS
    n_groups = slabs_per_w // NBUF
    d_slv = d - 2 * PANEL

    buf_t = pltpu.VMEM((b1, PANEL), jnp.float32)
    scratch = [pltpu.VMEM((slabs_per_w, b1), jnp.int32)]
    for _ in range(NBUF):
        scratch += [buf_t, buf_t, buf_t, pltpu.VMEM((b1, d_slv), jnp.float32),
                    pltpu.SemaphoreType.DMA, pltpu.SemaphoreType.DMA]
    scratch += [pltpu.VMEM_SHARED((1000, PANEL), jnp.float32) for _ in range(3)]

    @functools.partial(
        pl.kernel,
        mesh=mesh,
        out_type=jax.ShapeDtypeStruct((b0, b1, d), jnp.float32),
        scratch_types=scratch,
    )
    def emb(x_hbm, p0_hbm, p1_hbm, p2_hbm, out_hbm, idx_all, *scr):
        sets = [scr[i * 6:(i + 1) * 6] for i in range(NBUF)]
        sp0, sp1, sp2 = scr[NBUF * 6:NBUF * 6 + 3]
        sid = lax.axis_index("s")
        wid = sid * NUM_CORES + lax.axis_index("c")
        base = wid * slabs_per_w

        @pl.when(sid == 0)
        def _():
            pltpu.sync_copy(p0_hbm, sp0)
            pltpu.sync_copy(p1_hbm, sp1)
            pltpu.sync_copy(p2_hbm, sp2)

        pltpu.sync_copy(x_hbm.at[pl.ds(base, slabs_per_w)], idx_all)
        plsc.subcore_barrier()

        def writes_of(k, b, issue):
            b0_v, b1_v, b2_v, slv_v, sem_g, sem_w = sets[k]
            mk = pltpu.async_copy if issue else pltpu.make_async_copy
            return [
                mk(b0_v, out_hbm.at[b, :, pl.ds(0, PANEL)], sem_w),
                mk(b1_v, out_hbm.at[b, :, pl.ds(PANEL, PANEL)], sem_w),
                mk(slv_v, out_hbm.at[b, :, pl.ds(2 * PANEL, d_slv)], sem_w),
            ]

        def body(g, carry):
            for k in range(NBUF):
                j = g * NBUF + k
                b = base + j
                b0_v, b1_v, b2_v, slv_v, sem_g, sem_w = sets[k]

                @pl.when(g > 0)
                def _():
                    for w in writes_of(k, b, issue=False):
                        w.wait()

                idx = idx_all.at[j]
                pltpu.async_copy(sp0.at[idx], b0_v, sem_g)
                pltpu.async_copy(sp1.at[idx], b1_v, sem_g)
                pltpu.async_copy(sp2.at[idx], b2_v, sem_g)

            for k in range(NBUF):
                j = g * NBUF + k
                b = base + j
                b0_v, b1_v, b2_v, slv_v, sem_g, sem_w = sets[k]
                pltpu.make_async_copy(sp0.at[idx_all.at[j]], b0_v, sem_g).wait()
                pltpu.make_async_copy(sp1.at[idx_all.at[j]], b1_v, sem_g).wait()
                pltpu.make_async_copy(sp2.at[idx_all.at[j]], b2_v, sem_g).wait()
                for i in range(b1):
                    slv_v[i, pl.ds(0, 16)] = b2_v[i, pl.ds(0, 16)]
                    slv_v[i, pl.ds(16, 16)] = b2_v[i, pl.ds(16, 16)]
                    slv_v[i, pl.ds(d_slv - 16, 16)] = b2_v[i, pl.ds(d_slv - 16, 16)]
                writes_of(k, b, issue=True)
            return carry

        lax.fori_loop(0, n_groups, body, 0)
        for k in range(NBUF):
            b = base + (n_groups - 1) * NBUF + k
            for w in writes_of(k, b, issue=False):
                w.wait()

    return emb


def kernel(x, table):
    b0, b1 = x.shape
    d = table.shape[1]
    p0 = table[:, :PANEL]
    p1 = table[:, PANEL:2 * PANEL]
    p2 = jnp.pad(table[:, 2 * PANEL:], ((0, 0), (0, 3 * PANEL - d)))
    return _embed_call(b0, b1, d)(x, p0, p1, p2)

# --- scband reference (transcript-rebuilt; emitter-appended) ---
"""Pipeline reference for scband-embedder-29703993819733 (READ-ONLY COPY).

The authoritative reference and input builder live on the scoring server;
editing this copy changes nothing except your own understanding.
"""

import jax, jax.numpy as jnp
import numpy as np

VOCAB = 1000
EMBED_DIM = 300
PADDING_IDX = 900


def setup_inputs(seed: int = 0) -> dict:
    key = jax.random.key(seed)
    k1, k2 = jax.random.split(key)
    # indices into the embedding table (values in [0, VOCAB))
    x = jax.random.randint(k1, (4096, 50), 0, VOCAB, dtype=jnp.int32)
    # embedding table; padding row initialized to zeros like nn.Embedding(padding_idx=900)
    table = jax.random.normal(k2, (VOCAB, EMBED_DIM), dtype=jnp.float32)
    table = table.at[PADDING_IDX].set(0.0)
    return {"x": x, "table": table}


def reference(x, table):
    # nn.Embedding forward: plain row gather from the table
    return jnp.take(table, x, axis=0)

if __name__ == "__main__":
    import jax
    _d = setup_inputs()
    print(jax.jit(kernel)(*tuple(_d.values())))

</pallas_src>

<mosaic_0001>
#map = affine_map<(d0, d1) -> (0, 0)>
#map1 = affine_map<(d0, d1) -> (0, 0, 0)>
module attributes {stable_mosaic.version = 14 : i64} {
  func.func @emb(%arg0: i32, %arg1: i32, %arg2: memref<4096x50xi32, #tpu.memory_space<hbm>>, %arg3: memref<1000x128xf32, #tpu.memory_space<hbm>>, %arg4: memref<1000x128xf32, #tpu.memory_space<hbm>>, %arg5: memref<1000x128xf32, #tpu.memory_space<hbm>>, %arg6: memref<4096x50x300xf32, #tpu.memory_space<hbm>>, %arg7: memref<128x50xi32, #tpu.memory_space<vmem>>, %arg8: memref<50x128xf32, #tpu.memory_space<vmem>>, %arg9: memref<50x128xf32, #tpu.memory_space<vmem>>, %arg10: memref<50x128xf32, #tpu.memory_space<vmem>>, %arg11: memref<50x44xf32, #tpu.memory_space<vmem>>, %arg12: memref<!tpu.dma_semaphore, #tpu.memory_space<semaphore_mem>>, %arg13: memref<!tpu.dma_semaphore, #tpu.memory_space<semaphore_mem>>, %arg14: memref<50x128xf32, #tpu.memory_space<vmem>>, %arg15: memref<50x128xf32, #tpu.memory_space<vmem>>, %arg16: memref<50x128xf32, #tpu.memory_space<vmem>>, %arg17: memref<50x44xf32, #tpu.memory_space<vmem>>, %arg18: memref<!tpu.dma_semaphore, #tpu.memory_space<semaphore_mem>>, %arg19: memref<!tpu.dma_semaphore, #tpu.memory_space<semaphore_mem>>, %arg20: memref<1000x128xf32, #tpu.memory_space<vmem_shared>>, %arg21: memref<1000x128xf32, #tpu.memory_space<vmem_shared>>, %arg22: memref<1000x128xf32, #tpu.memory_space<vmem_shared>>) attributes {dimension_semantics = [#tpu.dimension_semantics<core_parallel>, #tpu.dimension_semantics<subcore_parallel>], iteration_bounds = array<i64: 2, 16>, scalar_prefetch = 0 : i64, scratch_operands = 16 : i64, tpu.core_type = #tpu.core_type<sc_vector_subcore>, window_params = [{transform_indices = #map}, {transform_indices = #map}, {transform_indices = #map}, {transform_indices = #map}, {transform_indices = #map1}]} {
    %mul3A = arith.constant 2 : i32
    %mul3A_0 = arith.muli %arg1, %mul3A : i32
    %add3A = arith.addi %mul3A_0, %arg0 : i32
    %mul3A_1 = arith.constant 128 : i32
    %mul3A_2 = arith.muli %add3A, %mul3A_1 : i32
    %eq3A = arith.constant 0 : i32
    %eq3A_3 = arith.cmpi eq, %arg1, %eq3A : i32
    %convert_element_type3A = arith.extui %eq3A_3 : i1 to i32
    %cond3A = arith.constant 0 : i32
    %cond3A_4 = arith.cmpi ne, %convert_element_type3A, %cond3A : i32
    scf.if %cond3A_4 {
      "tpu.region"() ({
        %run_scoped3A = tpu.sem_alloc : memref<!tpu.dma_semaphore, #tpu.memory_space<semaphore_mem>>
        tpu.enqueue_dma source(%arg3 : memref<1000x128xf32, #tpu.memory_space<hbm>>) target(%arg20 : memref<1000x128xf32, #tpu.memory_space<vmem_shared>>) target_semaphore(%run_scoped3A : memref<!tpu.dma_semaphore, #tpu.memory_space<semaphore_mem>>)
        tpu.wait_dma2 semaphore(%run_scoped3A : memref<!tpu.dma_semaphore, #tpu.memory_space<semaphore_mem>>) src(%arg3 : memref<1000x128xf32, #tpu.memory_space<hbm>>) dst(%arg20 : memref<1000x128xf32, #tpu.memory_space<vmem_shared>>)
        tpu.yield
      }) : () -> ()
      "tpu.region"() ({
        %run_scoped3A = tpu.sem_alloc : memref<!tpu.dma_semaphore, #tpu.memory_space<semaphore_mem>>
        tpu.enqueue_dma source(%arg4 : memref<1000x128xf32, #tpu.memory_space<hbm>>) target(%arg21 : memref<1000x128xf32, #tpu.memory_space<vmem_shared>>) target_semaphore(%run_scoped3A : memref<!tpu.dma_semaphore, #tpu.memory_space<semaphore_mem>>)
        tpu.wait_dma2 semaphore(%run_scoped3A : memref<!tpu.dma_semaphore, #tpu.memory_space<semaphore_mem>>) src(%arg4 : memref<1000x128xf32, #tpu.memory_space<hbm>>) dst(%arg21 : memref<1000x128xf32, #tpu.memory_space<vmem_shared>>)
        tpu.yield
      }) : () -> ()
      "tpu.region"() ({
        %run_scoped3A = tpu.sem_alloc : memref<!tpu.dma_semaphore, #tpu.memory_space<semaphore_mem>>
        tpu.enqueue_dma source(%arg5 : memref<1000x128xf32, #tpu.memory_space<hbm>>) target(%arg22 : memref<1000x128xf32, #tpu.memory_space<vmem_shared>>) target_semaphore(%run_scoped3A : memref<!tpu.dma_semaphore, #tpu.memory_space<semaphore_mem>>)
        tpu.wait_dma2 semaphore(%run_scoped3A : memref<!tpu.dma_semaphore, #tpu.memory_space<semaphore_mem>>) src(%arg5 : memref<1000x128xf32, #tpu.memory_space<hbm>>) dst(%arg22 : memref<1000x128xf32, #tpu.memory_space<vmem_shared>>)
        tpu.yield
      }) : () -> ()
    } else {
    }
    "tpu.region"() ({
      %run_scoped3A = tpu.sem_alloc : memref<!tpu.dma_semaphore, #tpu.memory_space<semaphore_mem>>
      %dma_start3A = arith.constant 0 : i32
      %dma_start3A_65 = tpu.memref_slice %arg2[%mul3A_2, %dma_start3A] : memref<4096x50xi32, #tpu.memory_space<hbm>> -> memref<128x50xi32, #tpu.memory_space<hbm>>
      %dma_start3A_66 = arith.constant 0 : i32
      %dma_start3A_67 = tpu.memref_slice %arg2[%mul3A_2, %dma_start3A_66] : memref<4096x50xi32, #tpu.memory_space<hbm>> -> memref<128x50xi32, #tpu.memory_space<hbm>>
      tpu.enqueue_dma source(%dma_start3A_67 : memref<128x50xi32, #tpu.memory_space<hbm>>) target(%arg7 : memref<128x50xi32, #tpu.memory_space<vmem>>) target_semaphore(%run_scoped3A : memref<!tpu.dma_semaphore, #tpu.memory_space<semaphore_mem>>)
      %dma_wait3A_68 = arith.constant 0 : i32
      %dma_wait3A_69 = tpu.memref_slice %arg2[%mul3A_2, %dma_wait3A_68] : memref<4096x50xi32, #tpu.memory_space<hbm>> -> memref<128x50xi32, #tpu.memory_space<hbm>>
      %dma_wait3A_70 = arith.constant 0 : i32
      %dma_wait3A_71 = tpu.memref_slice %arg2[%mul3A_2, %dma_wait3A_70] : memref<4096x50xi32, #tpu.memory_space<hbm>> -> memref<128x50xi32, #tpu.memory_space<hbm>>
      tpu.wait_dma2 semaphore(%run_scoped3A : memref<!tpu.dma_semaphore, #tpu.memory_space<semaphore_mem>>) src(%dma_wait3A_71 : memref<128x50xi32, #tpu.memory_space<hbm>>) dst(%arg7 : memref<128x50xi32, #tpu.memory_space<vmem>>)
      tpu.yield
    }) : () -> ()
    %barrier3A = arith.constant 0 : index
    tpu.barrier barrier_id(%barrier3A)
    %scan3A = arith.constant 0 : i32
    %scan3A_5 = arith.constant 0 : i32
    %scan3A_6 = arith.constant 64 : i32
    %scan3A_7 = arith.addi %scan3A_5, %scan3A_6 : i32
    %scan3A_8 = arith.constant 1 : i32
    scf.for %scan3A_65 = %scan3A_5 to %scan3A_7 step %scan3A_8  : i32 {
      %mul3A_66 = arith.constant 2 : i32
      %mul3A_67 = arith.muli %scan3A_65, %mul3A_66 : i32
      %add3A_68 = arith.constant 0 : i32
      %add3A_69 = arith.addi %mul3A_67, %add3A_68 : i32
      %add3A_70 = arith.addi %mul3A_2, %add3A_69 : i32
      %gt3A = arith.constant 0 : i32
      %gt3A_71 = arith.cmpi sgt, %scan3A_65, %gt3A : i32
      %convert_element_type3A_72 = arith.extui %gt3A_71 : i1 to i32
      %cond3A_73 = arith.constant 0 : i32
      %cond3A_74 = arith.cmpi ne, %convert_element_type3A_72, %cond3A_73 : i32
      scf.if %cond3A_74 {
        %dma_wait3A_3512 = arith.constant 0 : i32
        %dma_wait3A_3513 = arith.constant 0 : i32
        %dma_wait3A_3514 = tpu.memref_slice %arg6[%add3A_70, %dma_wait3A_3512, %dma_wait3A_3513] : memref<4096x50x300xf32, #tpu.memory_space<hbm>> -> memref<1x50x128xf32, #tpu.memory_space<hbm>>
        %dma_wait3A_3515 = tpu.memref_squeeze %dma_wait3A_3514 : memref<1x50x128xf32, #tpu.memory_space<hbm>> -> memref<50x128xf32, #tpu.memory_space<hbm>>
        %dma_wait3A_3516 = arith.constant 0 : i32
        %dma_wait3A_3517 = arith.constant 0 : i32
        %dma_wait3A_3518 = tpu.memref_slice %arg6[%add3A_70, %dma_wait3A_3516, %dma_wait3A_3517] : memref<4096x50x300xf32, #tpu.memory_space<hbm>> -> memref<1x50x128xf32, #tpu.memory_space<hbm>>
        %dma_wait3A_3519 = tpu.memref_squeeze %dma_wait3A_3518 : memref<1x50x128xf32, #tpu.memory_space<hbm>> -> memref<50x128xf32, #tpu.memory_space<hbm>>
        tpu.wait_dma2 semaphore(%arg13 : memref<!tpu.dma_semaphore, #tpu.memory_space<semaphore_mem>>) src(%arg8 : memref<50x128xf32, #tpu.memory_space<vmem>>) dst(%dma_wait3A_3519 : memref<50x128xf32, #tpu.memory_space<hbm>>)
        %dma_wait3A_3520 = arith.constant 0 : i32
        %dma_wait3A_3521 = arith.constant 128 : i32
        %dma_wait3A_3522 = tpu.memref_slice %arg6[%add3A_70, %dma_wait3A_3520, %dma_wait3A_3521] : memref<4096x50x300xf32, #tpu.memory_space<hbm>> -> memref<1x50x128xf32, #tpu.memory_space<hbm>>
        %dma_wait3A_3523 = tpu.memref_squeeze %dma_wait3A_3522 : memref<1x50x128xf32, #tpu.memory_space<hbm>> -> memref<50x128xf32, #tpu.memory_space<hbm>>
        %dma_wait3A_3524 = arith.constant 0 : i32
        %dma_wait3A_3525 = arith.constant 128 : i32
        %dma_wait3A_3526 = tpu.memref_slice %arg6[%add3A_70, %dma_wait3A_3524, %dma_wait3A_3525] : memref<4096x50x300xf32, #tpu.memory_space<hbm>> -> memref<1x50x128xf32, #tpu.memory_space<hbm>>
        %dma_wait3A_3527 = tpu.memref_squeeze %dma_wait3A_3526 : memref<1x50x128xf32, #tpu.memory_space<hbm>> -> memref<50x128xf32, #tpu.memory_space<hbm>>
        tpu.wait_dma2 semaphore(%arg13 : memref<!tpu.dma_semaphore, #tpu.memory_space<semaphore_mem>>) src(%arg9 : memref<50x128xf32, #tpu.memory_space<vmem>>) dst(%dma_wait3A_3527 : memref<50x128xf32, #tpu.memory_space<hbm>>)
        %dma_wait3A_3528 = arith.constant 0 : i32
        %dma_wait3A_3529 = arith.constant 256 : i32
        %dma_wait3A_3530 = tpu.memref_slice %arg6[%add3A_70, %dma_wait3A_3528, %dma_wait3A_3529] : memref<4096x50x300xf32, #tpu.memory_space<hbm>> -> memref<1x50x44xf32, #tpu.memory_space<hbm>>
        %dma_wait3A_3531 = tpu.memref_squeeze %dma_wait3A_3530 : memref<1x50x44xf32, #tpu.memory_space<hbm>> -> memref<50x44xf32, #tpu.memory_space<hbm>>
        %dma_wait3A_3532 = arith.constant 0 : i32
        %dma_wait3A_3533 = arith.constant 256 : i32
        %dma_wait3A_3534 = tpu.memref_slice %arg6[%add3A_70, %dma_wait3A_3532, %dma_wait3A_3533] : memref<4096x50x300xf32, #tpu.memory_space<hbm>> -> memref<1x50x44xf32, #tpu.memory_space<hbm>>
        %dma_wait3A_3535 = tpu.memref_squeeze %dma_wait3A_3534 : memref<1x50x44xf32, #tpu.memory_space<hbm>> -> memref<50x44xf32, #tpu.memory_space<hbm>>
        tpu.wait_dma2 semaphore(%arg13 : memref<!tpu.dma_semaphore, #tpu.memory_space<semaphore_mem>>) src(%arg11 : memref<50x44xf32, #tpu.memory_space<vmem>>) dst(%dma_wait3A_3535 : memref<50x44xf32, #tpu.memory_space<hbm>>)
      } else {
      }
      %dma_start3A = arith.constant 0 : i32
      %dma_start3A_75 = tpu.memref_slice %arg7[%add3A_69, %dma_start3A] : memref<128x50xi32, #tpu.memory_space<vmem>> -> memref<1x50xi32, #tpu.memory_space<vmem>>
      %dma_start3A_76 = tpu.memref_squeeze %dma_start3A_75 : memref<1x50xi32, #tpu.memory_space<vmem>> -> memref<50xi32, #tpu.memory_space<vmem>>
      %dma_start3A_77 = arith.constant 0 : i32
      %dma_start3A_78 = arith.constant 0 : i32
      %dma_start3A_79 = tpu.memref_slice %arg20[%dma_start3A_77, %dma_start3A_78] : memref<1000x128xf32, #tpu.memory_space<vmem_shared>> -> memref<1000x128xf32, #tpu.memory_space<vmem_shared>>
      tpu.enqueue_indirect_dma source(%dma_start3A_79 : memref<1000x128xf32, #tpu.memory_space<vmem_shared>>) target(%arg8 : memref<50x128xf32, #tpu.memory_space<vmem>>) offsets(%dma_start3A_76 : memref<50xi32, #tpu.memory_space<vmem>>) semaphore(%arg12 : memref<!tpu.dma_semaphore, #tpu.memory_space<semaphore_mem>>)
      %dma_start3A_80 = arith.constant 0 : i32
      %dma_start3A_81 = tpu.memref_slice %arg7[%add3A_69, %dma_start3A_80] : memref<128x50xi32, #tpu.memory_space<vmem>> -> memref<1x50xi32, #tpu.memory_space<vmem>>
      %dma_start3A_82 = tpu.memref_squeeze %dma_start3A_81 : memref<1x50xi32, #tpu.memory_space<vmem>> -> memref<50xi32, #tpu.memory_space<vmem>>
      %dma_start3A_83 = arith.constant 0 : i32
      %dma_start3A_84 = arith.constant 0 : i32
      %dma_start3A_85 = tpu.memref_slice %arg21[%dma_start3A_83, %dma_start3A_84] : memref<1000x128xf32, #tpu.memory_space<vmem_shared>> -> memref<1000x128xf32, #tpu.memory_space<vmem_shared>>
      tpu.enqueue_indirect_dma source(%dma_start3A_85 : memref<1000x128xf32, #tpu.memory_space<vmem_shared>>) target(%arg9 : memref<50x128xf32, #tpu.memory_space<vmem>>) offsets(%dma_start3A_82 : memref<50xi32, #tpu.memory_space<vmem>>) semaphore(%arg12 : memref<!tpu.dma_semaphore, #tpu.memory_space<semaphore_mem>>)
      %dma_start3A_86 = arith.constant 0 : i32
      %dma_start3A_87 = tpu.memref_slice %arg7[%add3A_69, %dma_start3A_86] : memref<128x50xi32, #tpu.memory_space<vmem>> -> memref<1x50xi32, #tpu.memory_space<vmem>>
      %dma_start3A_88 = tpu.memref_squeeze %dma_start3A_87 : memref<1x50xi32, #tpu.memory_space<vmem>> -> memref<50xi32, #tpu.memory_space<vmem>>
      %dma_start3A_89 = arith.constant 0 : i32
      %dma_start3A_90 = arith.constant 0 : i32
      %dma_start3A_91 = tpu.memref_slice %arg22[%dma_start3A_89, %dma_start3A_90] : memref<1000x128xf32, #tpu.memory_space<vmem_shared>> -> memref<1000x128xf32, #tpu.memory_space<vmem_shared>>
      tpu.enqueue_indirect_dma source(%dma_start3A_91 : memref<1000x128xf32, #tpu.memory_space<vmem_shared>>) target(%arg10 : memref<50x128xf32, #tpu.memory_space<vmem>>) offsets(%dma_start3A_88 : memref<50xi32, #tpu.memory_space<vmem>>) semaphore(%arg12 : memref<!tpu.dma_semaphore, #tpu.memory_space<semaphore_mem>>)
      %mul3A_92 = arith.constant 2 : i32
      %mul3A_93 = arith.muli %scan3A_65, %mul3A_92 : i32
      %add3A_94 = arith.constant 1 : i32
      %add3A_95 = arith.addi %mul3A_93, %add3A_94 : i32
      %add3A_96 = arith.addi %mul3A_2, %add3A_95 : i32
      %gt3A_97 = arith.constant 0 : i32
      %gt3A_98 = arith.cmpi sgt, %scan3A_65, %gt3A_97 : i32
      %convert_element_type3A_99 = arith.extui %gt3A_98 : i1 to i32
      %cond3A_100 = arith.constant 0 : i32
      %cond3A_101 = arith.cmpi ne, %convert_element_type3A_99, %cond3A_100 : i32
      scf.if %cond3A_101 {
        %dma_wait3A_3512 = arith.constant 0 : i32
        %dma_wait3A_3513 = arith.constant 0 : i32
        %dma_wait3A_3514 = tpu.memref_slice %arg6[%add3A_96, %dma_wait3A_3512, %dma_wait3A_3513] : memref<4096x50x300xf32, #tpu.memory_space<hbm>> -> memref<1x50x128xf32, #tpu.memory_space<hbm>>
        %dma_wait3A_3515 = tpu.memref_squeeze %dma_wait3A_3514 : memref<1x50x128xf32, #tpu.memory_space<hbm>> -> memref<50x128xf32, #tpu.memory_space<hbm>>
        %dma_wait3A_3516 = arith.constant 0 : i32
        %dma_wait3A_3517 = arith.constant 0 : i32
        %dma_wait3A_3518 = tpu.memref_slice %arg6[%add3A_96, %dma_wait3A_3516, %dma_wait3A_3517] : memref<4096x50x300xf32, #tpu.memory_space<hbm>> -> memref<1x50x128xf32, #tpu.memory_space<hbm>>
        %dma_wait3A_3519 = tpu.memref_squeeze %dma_wait3A_3518 : memref<1x50x128xf32, #tpu.memory_space<hbm>> -> memref<50x128xf32, #tpu.memory_space<hbm>>
        tpu.wait_dma2 semaphore(%arg19 : memref<!tpu.dma_semaphore, #tpu.memory_space<semaphore_mem>>) src(%arg14 : memref<50x128xf32, #tpu.memory_space<vmem>>) dst(%dma_wait3A_3519 : memref<50x128xf32, #tpu.memory_space<hbm>>)
        %dma_wait3A_3520 = arith.constant 0 : i32
        %dma_wait3A_3521 = arith.constant 128 : i32
        %dma_wait3A_3522 = tpu.memref_slice %arg6[%add3A_96, %dma_wait3A_3520, %dma_wait3A_3521] : memref<4096x50x300xf32, #tpu.memory_space<hbm>> -> memref<1x50x128xf32, #tpu.memory_space<hbm>>
        %dma_wait3A_3523 = tpu.memref_squeeze %dma_wait3A_3522 : memref<1x50x128xf32, #tpu.memory_space<hbm>> -> memref<50x128xf32, #tpu.memory_space<hbm>>
        %dma_wait3A_3524 = arith.constant 0 : i32
        %dma_wait3A_3525 = arith.constant 128 : i32
        %dma_wait3A_3526 = tpu.memref_slice %arg6[%add3A_96, %dma_wait3A_3524, %dma_wait3A_3525] : memref<4096x50x300xf32, #tpu.memory_space<hbm>> -> memref<1x50x128xf32, #tpu.memory_space<hbm>>
        %dma_wait3A_3527 = tpu.memref_squeeze %dma_wait3A_3526 : memref<1x50x128xf32, #tpu.memory_space<hbm>> -> memref<50x128xf32, #tpu.memory_space<hbm>>
        tpu.wait_dma2 semaphore(%arg19 : memref<!tpu.dma_semaphore, #tpu.memory_space<semaphore_mem>>) src(%arg15 : memref<50x128xf32, #tpu.memory_space<vmem>>) dst(%dma_wait3A_3527 : memref<50x128xf32, #tpu.memory_space<hbm>>)
        %dma_wait3A_3528 = arith.constant 0 : i32
        %dma_wait3A_3529 = arith.constant 256 : i32
        %dma_wait3A_3530 = tpu.memref_slice %arg6[%add3A_96, %dma_wait3A_3528, %dma_wait3A_3529] : memref<4096x50x300xf32, #tpu.memory_space<hbm>> -> memref<1x50x44xf32, #tpu.memory_space<hbm>>
        %dma_wait3A_3531 = tpu.memref_squeeze %dma_wait3A_3530 : memref<1x50x44xf32, #tpu.memory_space<hbm>> -> memref<50x44xf32, #tpu.memory_space<hbm>>
        %dma_wait3A_3532 = arith.constant 0 : i32
        %dma_wait3A_3533 = arith.constant 256 : i32
        %dma_wait3A_3534 = tpu.memref_slice %arg6[%add3A_96, %dma_wait3A_3532, %dma_wait3A_3533] : memref<4096x50x300xf32, #tpu.memory_space<hbm>> -> memref<1x50x44xf32, #tpu.memory_space<hbm>>
        %dma_wait3A_3535 = tpu.memref_squeeze %dma_wait3A_3534 : memref<1x50x44xf32, #tpu.memory_space<hbm>> -> memref<50x44xf32, #tpu.memory_space<hbm>>
        tpu.wait_dma2 semaphore(%arg19 : memref<!tpu.dma_semaphore, #tpu.memory_space<semaphore_mem>>) src(%arg17 : memref<50x44xf32, #tpu.memory_space<vmem>>) dst(%dma_wait3A_3535 : memref<50x44xf32, #tpu.memory_space<hbm>>)
      } else {
      }
      %dma_start3A_102 = arith.constant 0 : i32
      %dma_start3A_103 = tpu.memref_slice %arg7[%add3A_95, %dma_start3A_102] : memref<128x50xi32, #tpu.memory_space<vmem>> -> memref<1x50xi32, #tpu.memory_space<vmem>>
      %dma_start3A_104 = tpu.memref_squeeze %dma_start3A_103 : memref<1x50xi32, #tpu.memory_space<vmem>> -> memref<50xi32, #tpu.memory_space<vmem>>
      %dma_start3A_105 = arith.constant 0 : i32
      %dma_start3A_106 = arith.constant 0 : i32
      %dma_start3A_107 = tpu.memref_slice %arg20[%dma_start3A_105, %dma_start3A_106] : memref<1000x128xf32, #tpu.memory_space<vmem_shared>> -> memref<1000x128xf32, #tpu.memory_space<vmem_shared>>
      tpu.enqueue_indirect_dma source(%dma_start3A_107 : memref<1000x128xf32, #tpu.memory_space<vmem_shared>>) target(%arg14 : memref<50x128xf32, #tpu.memory_space<vmem>>) offsets(%dma_start3A_104 : memref<50xi32, #tpu.memory_space<vmem>>) semaphore(%arg18 : memref<!tpu.dma_semaphore, #tpu.memory_space<semaphore_mem>>)
      %dma_start3A_108 = arith.constant 0 : i32
      %dma_start3A_109 = tpu.memref_slice %arg7[%add3A_95, %dma_start3A_108] : memref<128x50xi32, #tpu.memory_space<vmem>> -> memref<1x50xi32, #tpu.memory_space<vmem>>
      %dma_start3A_110 = tpu.memref_squeeze %dma_start3A_109 : memref<1x50xi32, #tpu.memory_space<vmem>> -> memref<50xi32, #tpu.memory_space<vmem>>
      %dma_start3A_111 = arith.constant 0 : i32
      %dma_start3A_112 = arith.constant 0 : i32
      %dma_start3A_113 = tpu.memref_slice %arg21[%dma_start3A_111, %dma_start3A_112] : memref<1000x128xf32, #tpu.memory_space<vmem_shared>> -> memref<1000x128xf32, #tpu.memory_space<vmem_shared>>
      tpu.enqueue_indirect_dma source(%dma_start3A_113 : memref<1000x128xf32, #tpu.memory_space<vmem_shared>>) target(%arg15 : memref<50x128xf32, #tpu.memory_space<vmem>>) offsets(%dma_start3A_110 : memref<50xi32, #tpu.memory_space<vmem>>) semaphore(%arg18 : memref<!tpu.dma_semaphore, #tpu.memory_space<semaphore_mem>>)
      %dma_start3A_114 = arith.constant 0 : i32
      %dma_start3A_115 = tpu.memref_slice %arg7[%add3A_95, %dma_start3A_114] : memref<128x50xi32, #tpu.memory_space<vmem>> -> memref<1x50xi32, #tpu.memory_space<vmem>>
      %dma_start3A_116 = tpu.memref_squeeze %dma_start3A_115 : memref<1x50xi32, #tpu.memory_space<vmem>> -> memref<50xi32, #tpu.memory_space<vmem>>
      %dma_start3A_117 = arith.constant 0 : i32
      %dma_start3A_118 = arith.constant 0 : i32
      %dma_start3A_119 = tpu.memref_slice %arg22[%dma_start3A_117, %dma_start3A_118] : memref<1000x128xf32, #tpu.memory_space<vmem_shared>> -> memref<1000x128xf32, #tpu.memory_space<vmem_shared>>
      tpu.enqueue_indirect_dma source(%dma_start3A_119 : memref<1000x128xf32, #tpu.memory_space<vmem_shared>>) target(%arg16 : memref<50x128xf32, #tpu.memory_space<vmem>>) offsets(%dma_start3A_116 : memref<50xi32, #tpu.memory_space<vmem>>) semaphore(%arg18 : memref<!tpu.dma_semaphore, #tpu.memory_space<semaphore_mem>>)
      %mul3A_120 = arith.constant 2 : i32
      %mul3A_121 = arith.muli %scan3A_65, %mul3A_120 : i32
      %add3A_122 = arith.constant 0 : i32
      %add3A_123 = arith.addi %mul3A_121, %add3A_122 : i32
      %add3A_124 = arith.addi %mul3A_2, %add3A_123 : i32
      %dma_wait3A_125 = arith.constant 0 : i32
      %dma_wait3A_126 = tpu.memref_slice %arg7[%add3A_123, %dma_wait3A_125] : memref<128x50xi32, #tpu.memory_space<vmem>> -> memref<1x50xi32, #tpu.memory_space<vmem>>
      %dma_wait3A_127 = tpu.memref_squeeze %dma_wait3A_126 : memref<1x50xi32, #tpu.memory_space<vmem>> -> memref<50xi32, #tpu.memory_space<vmem>>
      %dma_wait3A_128 = arith.constant 0 : i32
      %dma_wait3A_129 = arith.constant 0 : i32
      %dma_wait3A_130 = tpu.memref_slice %arg20[%dma_wait3A_128, %dma_wait3A_129] : memref<1000x128xf32, #tpu.memory_space<vmem_shared>> -> memref<1000x128xf32, #tpu.memory_space<vmem_shared>>
      tpu.wait_indirect_dma semaphore(%arg12 : memref<!tpu.dma_semaphore, #tpu.memory_space<semaphore_mem>>) src(%dma_wait3A_130 : memref<1000x128xf32, #tpu.memory_space<vmem_shared>>) dst(%arg8 : memref<50x128xf32, #tpu.memory_space<vmem>>)
      %dma_wait3A_131 = arith.constant 0 : i32
      %dma_wait3A_132 = tpu.memref_slice %arg7[%add3A_123, %dma_wait3A_131] : memref<128x50xi32, #tpu.memory_space<vmem>> -> memref<1x50xi32, #tpu.memory_space<vmem>>
      %dma_wait3A_133 = tpu.memref_squeeze %dma_wait3A_132 : memref<1x50xi32, #tpu.memory_space<vmem>> -> memref<50xi32, #tpu.memory_space<vmem>>
      %dma_wait3A_134 = arith.constant 0 : i32
      %dma_wait3A_135 = arith.constant 0 : i32
      %dma_wait3A_136 = tpu.memref_slice %arg21[%dma_wait3A_134, %dma_wait3A_135] : memref<1000x128xf32, #tpu.memory_space<vmem_shared>> -> memref<1000x128xf32, #tpu.memory_space<vmem_shared>>
      tpu.wait_indirect_dma semaphore(%arg12 : memref<!tpu.dma_semaphore, #tpu.memory_space<semaphore_mem>>) src(%dma_wait3A_136 : memref<1000x128xf32, #tpu.memory_space<vmem_shared>>) dst(%arg9 : memref<50x128xf32, #tpu.memory_space<vmem>>)
      %dma_wait3A_137 = arith.constant 0 : i32
      %dma_wait3A_138 = tpu.memref_slice %arg7[%add3A_123, %dma_wait3A_137] : memref<128x50xi32, #tpu.memory_space<vmem>> -> memref<1x50xi32, #tpu.memory_space<vmem>>
      %dma_wait3A_139 = tpu.memref_squeeze %dma_wait3A_138 : memref<1x50xi32, #tpu.memory_space<vmem>> -> memref<50xi32, #tpu.memory_space<vmem>>
      %dma_wait3A_140 = arith.constant 0 : i32
      %dma_wait3A_141 = arith.constant 0 : i32
      %dma_wait3A_142 = tpu.memref_slice %arg22[%dma_wait3A_140, %dma_wait3A_141] : memref<1000x128xf32, #tpu.memory_space<vmem_shared>> -> memref<1000x128xf32, #tpu.memory_space<vmem_shared>>
      tpu.wait_indirect_dma semaphore(%arg12 : memref<!tpu.dma_semaphore, #tpu.memory_space<semaphore_mem>>) src(%dma_wait3A_142 : memref<1000x128xf32, #tpu.memory_space<vmem_shared>>) dst(%arg10 : memref<50x128xf32, #tpu.memory_space<vmem>>)
      %get3A = arith.constant 0 : i32
      %get3A_143 = arith.index_cast %get3A : i32 to index
      %get3A_144 = arith.constant 0 : index
      %get3A_145 = tpu.vector_load %arg10[%get3A_143, %get3A_144] {strides = array<i32>} : memref<50x128xf32, #tpu.memory_space<vmem>>, vector<1x16xf32>,
      %get3A_146 = vector.shape_cast %get3A_145 : vector<1x16xf32> to vector<16xf32>
      %swap3A = arith.constant 0 : i32
      %swap3A_147 = arith.index_cast %swap3A : i32 to index
      %swap3A_148 = arith.constant 0 : index
      %swap3A_149 = tpu.vector_load %arg11[%swap3A_147, %swap3A_148] {strides = array<i32>} : memref<50x44xf32, #tpu.memory_space<vmem>>, vector<1x16xf32>,
      %swap3A_150 = vector.shape_cast %swap3A_149 : vector<1x16xf32> to vector<16xf32>
      %swap3A_151 = vector.shape_cast %get3A_146 : vector<16xf32> to vector<1x16xf32>
      tpu.vector_store %arg11[%swap3A_147, %swap3A_148], %swap3A_151 {strides = array<i32>} : memref<50x44xf32, #tpu.memory_space<vmem>>, vector<1x16xf32>,
      %get3A_152 = arith.constant 0 : i32
      %get3A_153 = arith.index_cast %get3A_152 : i32 to index
      %get3A_154 = arith.constant 16 : index
      %get3A_155 = tpu.vector_load %arg10[%get3A_153, %get3A_154] {strides = array<i32>} : memref<50x128xf32, #tpu.memory_space<vmem>>, vector<1x16xf32>,
      %get3A_156 = vector.shape_cast %get3A_155 : vector<1x16xf32> to vector<16xf32>
      %swap3A_157 = arith.constant 0 : i32
      %swap3A_158 = arith.index_cast %swap3A_157 : i32 to index
      %swap3A_159 = arith.constant 16 : index
      %swap3A_160 = tpu.vector_load %arg11[%swap3A_158, %swap3A_159] {strides = array<i32>} : memref<50x44xf32, #tpu.memory_space<vmem>>, vector<1x16xf32>,
      %swap3A_161 = vector.shape_cast %swap3A_160 : vector<1x16xf32> to vector<16xf32>
      %swap3A_162 = vector.shape_cast %get3A_156 : vector<16xf32> to vector<1x16xf32>
      tpu.vector_store %arg11[%swap3A_158, %swap3A_159], %swap3A_162 {strides = array<i32>} : memref<50x44xf32, #tpu.memory_space<vmem>>, vector<1x16xf32>,
      %get3A_163 = arith.constant 0 : i32
      %get3A_164 = arith.index_cast %get3A_163 : i32 to index
      %get3A_165 = arith.constant 28 : index
      %get3A_166 = tpu.vector_load %arg10[%get3A_164, %get3A_165] {strides = array<i32>} : memref<50x128xf32, #tpu.memory_space<vmem>>, vector<1x16xf32>,
      %get3A_167 = vector.shape_cast %get3A_166 : vector<1x16xf32> to vector<16xf32>
      %swap3A_168 = arith.constant 0 : i32
      %swap3A_169 = arith.index_cast %swap3A_168 : i32 to index
      %swap3A_170 = arith.constant 28 : index
      %swap3A_171 = tpu.vector_load %arg11[%swap3A_169, %swap3A_170] {strides = array<i32>} : memref<50x44xf32, #tpu.memory_space<vmem>>, vector<1x16xf32>,
      %swap3A_172 = vector.shape_cast %swap3A_171 : vector<1x16xf32> to vector<16xf32>
      %swap3A_173 = vector.shape_cast %get3A_167 : vector<16xf32> to vector<1x16xf32>
      tpu.vector_store %arg11[%swap3A_169, %swap3A_170], %swap3A_173 {strides = array<i32>} : memref<50x44xf32, #tpu.memory_space<vmem>>, vector<1x16xf32>,
      %get3A_174 = arith.constant 1 : i32
      %get3A_175 = arith.index_cast %get3A_174 : i32 to index
      %get3A_176 = arith.constant 0 : index
      %get3A_177 = tpu.vector_load %arg10[%get3A_175, %get3A_176] {strides = array<i32>} : memref<50x128xf32, #tpu.memory_space<vmem>>, vector<1x16xf32>,
      %get3A_178 = vector.shape_cast %get3A_177 : vector<1x16xf32> to vector<16xf32>
      %swap3A_179 = arith.constant 1 : i32
      %swap3A_180 = arith.index_cast %swap3A_179 : i32 to index
      %swap3A_181 = arith.constant 0 : index
      %swap3A_182 = tpu.vector_load %arg11[%swap3A_180, %swap3A_181] {strides = array<i32>} : memref<50x44xf32, #tpu.memory_space<vmem>>, vector<1x16xf32>,
      %swap3A_183 = vector.shape_cast %swap3A_182 : vector<1x16xf32> to vector<16xf32>
      %swap3A_184 = vector.shape_cast %get3A_178 : vector<16xf32> to vector<1x16xf32>
      tpu.vector_store %arg11[%swap3A_180, %swap3A_181], %swap3A_184 {strides = array<i32>} : memref<50x44xf32, #tpu.memory_space<vmem>>, vector<1x16xf32>,
      %get3A_185 = arith.constant 1 : i32
      %get3A_186 = arith.index_cast %get3A_185 : i32 to index
      %get3A_187 = arith.constant 16 : index
      %get3A_188 = tpu.vector_load %arg10[%get3A_186, %get3A_187] {strides = array<i32>} : memref<50x128xf32, #tpu.memory_space<vmem>>, vector<1x16xf32>,
      %get3A_189 = vector.shape_cast %get3A_188 : vector<1x16xf32> to vector<16xf32>
      %swap3A_190 = arith.constant 1 : i32
      %swap3A_191 = arith.index_cast %swap3A_190 : i32 to index
      %swap3A_192 = arith.constant 16 : index
      %swap3A_193 = tpu.vector_load %arg11[%swap3A_191, %swap3A_192] {strides = array<i32>} : memref<50x44xf32, #tpu.memory_space<vmem>>, vector<1x16xf32>,
      %swap3A_194 = vector.shape_cast %swap3A_193 : vector<1x16xf32> to vector<16xf32>
      %swap3A_195 = vector.shape_cast %get3A_189 : vector<16xf32> to vector<1x16xf32>
      tpu.vector_store %arg11[%swap3A_191, %swap3A_192], %swap3A_195 {strides = array<i32>} : memref<50x44xf32, #tpu.memory_space<vmem>>, vector<1x16xf32>,
      %get3A_196 = arith.constant 1 : i32
      %get3A_197 = arith.index_cast %get3A_196 : i32 to index
      %get3A_198 = arith.constant 28 : index
      %get3A_199 = tpu.vector_load %arg10[%get3A_197, %get3A_198] {strides = array<i32>} : memref<50x128xf32, #tpu.memory_space<vmem>>, vector<1x16xf32>,
      %get3A_200 = vector.shape_cast %get3A_199 : vector<1x16xf32> to vector<16xf32>
      %swap3A_201 = arith.constant 1 : i32
      %swap3A_202 = arith.index_cast %swap3A_201 : i32 to index
      %swap3A_203 = arith.constant 28 : index
      %swap3A_204 = tpu.vector_load %arg11[%swap3A_202, %swap3A_203] {strides = array<i32>} : memref<50x44xf32, #tpu.memory_space<vmem>>, vector<1x16xf32>,
      %swap3A_205 = vector.shape_cast %swap3A_204 : vector<1x16xf32> to vector<16xf32>
      %swap3A_206 = vector.shape_cast %get3A_200 : vector<16xf32> to vector<1x16xf32>
      tpu.vector_store %arg11[%swap3A_202, %swap3A_203], %swap3A_206 {strides = array<i32>} : memref<50x44xf32, #tpu.memory_space<vmem>>, vector<1x16xf32>,
      %get3A_207 = arith.constant 2 : i32
      %get3A_208 = arith.index_cast %get3A_207 : i32 to index
      %get3A_209 = arith.constant 0 : index
      %get3A_210 = tpu.vector_load %arg10[%get3A_208, %get3A_209] {strides = array<i32>} : memref<50x128xf32, #tpu.memory_space<vmem>>, vector<1x16xf32>,
      %get3A_211 = vector.shape_cast %get3A_210 : vector<1x16xf32> to vector<16xf32>
      %swap3A_212 = arith.constant 2 : i32
      %swap3A_213 = arith.index_cast %swap3A_212 : i32 to index
      %swap3A_214 = arith.constant 0 : index
      %swap3A_215 = tpu.vector_load %arg11[%swap3A_213, %swap3A_214] {strides = array<i32>} : memref<50x44xf32, #tpu.memory_space<vmem>>, vector<1x16xf32>,
      %swap3A_216 = vector.shape_cast %swap3A_215 : vector<1x16xf32> to vector<16xf32>
      %swap3A_217 = vector.shape_cast %get3A_211 : vector<16xf32> to vector<1x16xf32>
      tpu.vector_store %arg11[%swap3A_213, %swap3A_214], %swap3A_217 {strides = array<i32>} : memref<50x44xf32, #tpu.memory_space<vmem>>, vector<1x16xf32>,
      %get3A_218 = arith.constant 2 : i32
      %get3A_219 = arith.index_cast %get3A_218 : i32 to index
      %get3A_220 = arith.constant 16 : index
      %get3A_221 = tpu.vector_load %arg10[%get3A_219, %get3A_220] {strides = array<i32>} : memref<50x128xf32, #tpu.memory_space<vmem>>, vector<1x16xf32>,
      %get3A_222 = vector.shape_cast %get3A_221 : vector<1x16xf32> to vector<16xf32>
      %swap3A_223 = arith.constant 2 : i32
      %swap3A_224 = arith.index_cast %swap3A_223 : i32 to index
      %swap3A_225 = arith.constant 16 : index
      %swap3A_226 = tpu.vector_load %arg11[%swap3A_224, %swap3A_225] {strides = array<i32>} : memref<50x44xf32, #tpu.memory_space<vmem>>, vector<1x16xf32>,
      %swap3A_227 = vector.shape_cast %swap3A_226 : vector<1x16xf32> to vector<16xf32>
      %swap3A_228 = vector.shape_cast %get3A_222 : vector<16xf32> to vector<1x16xf32>
      tpu.vector_store %arg11[%swap3A_224, %swap3A_225], %swap3A_228 {strides = array<i32>} : memref<50x44xf32, #tpu.memory_space<vmem>>, vector<1x16xf32>,
      %get3A_229 = arith.constant 2 : i32
      %get3A_230 = arith.index_cast %get3A_229 : i32 to index
      %get3A_231 = arith.constant 28 : index
      %get3A_232 = tpu.vector_load %arg10[%get3A_230, %get3A_231] {strides = array<i32>} : memref<50x128xf32, #tpu.memory_space<vmem>>, vector<1x16xf32>,
      %get3A_233 = vector.shape_cast %get3A_232 : vector<1x16xf32> to vector<16xf32>
      %swap3A_234 = arith.constant 2 : i32
      %swap3A_235 = arith.index_cast %swap3A_234 : i32 to index
      %swap3A_236 = arith.constant 28 : index
      %swap3A_237 = tpu.vector_load %arg11[%swap3A_235, %swap3A_236] {strides = array<i32>} : memref<50x44xf32, #tpu.memory_space<vmem>>, vector<1x16xf32>,
      %swap3A_238 = vector.shape_cast %swap3A_237 : vector<1x16xf32> to vector<16xf32>
      %swap3A_239 = vector.shape_cast %get3A_233 : vector<16xf32> to vector<1x16xf32>
      tpu.vector_store %arg11[%swap3A_235, %swap3A_236], %swap3A_239 {strides = array<i32>} : memref<50x44xf32, #tpu.memory_space<vmem>>, vector<1x16xf32>,
      %get3A_240 = arith.constant 3 : i32
      %get3A_241 = arith.index_cast %get3A_240 : i32 to index
      %get3A_242 = arith.constant 0 : index
      %get3A_243 = tpu.vector_load %arg10[%get3A_241, %get3A_242] {strides = array<i32>} : memref<50x128xf32, #tpu.memory_space<vmem>>, vector<1x16xf32>,
      %get3A_244 = vector.shape_cast %get3A_243 : vector<1x16xf32> to vector<16xf32>
      %swap3A_245 = arith.constant 3 : i32
      %swap3A_246 = arith.index_cast %swap3A_245 : i32 to index
      %swap3A_247 = arith.constant 0 : index
      %swap3A_248 = tpu.vector_load %arg11[%swap3A_246, %swap3A_247] {strides = array<i32>} : memref<50x44xf32, #tpu.memory_space<vmem>>, vector<1x16xf32>,
      %swap3A_249 = vector.shape_cast %swap3A_248 : vector<1x16xf32> to vector<16xf32>
      %swap3A_250 = vector.shape_cast %get3A_244 : vector<16xf32> to vector<1x16xf32>
      tpu.vector_store %arg11[%swap3A_246, %swap3A_247], %swap3A_250 {strides = array<i32>} : memref<50x44xf32, #tpu.memory_space<vmem>>, vector<1x16xf32>,
      %get3A_251 = arith.constant 3 : i32
      %get3A_252 = arith.index_cast %get3A_251 : i32 to index
      %get3A_253 = arith.constant 16 : index
      %get3A_254 = tpu.vector_load %arg10[%get3A_252, %get3A_253] {strides = array<i32>} : memref<50x128xf32, #tpu.memory_space<vmem>>, vector<1x16xf32>,
      %get3A_255 = vector.shape_cast %get3A_254 : vector<1x16xf32> to vector<16xf32>
      %swap3A_256 = arith.constant 3 : i32
      %swap3A_257 = arith.index_cast %swap3A_256 : i32 to index
      %swap3A_258 = arith.constant 16 : index
      %swap3A_259 = tpu.vector_load %arg11[%swap3A_257, %swap3A_258] {strides = array<i32>} : memref<50x44xf32, #tpu.memory_space<vmem>>, vector<1x16xf32>,
      %swap3A_260 = vector.shape_cast %swap3A_259 : vector<1x16xf32> to vector<16xf32>
      %swap3A_261 = vector.shape_cast %get3A_255 : vector<16xf32> to vector<1x16xf32>
      tpu.vector_store %arg11[%swap3A_257, %swap3A_258], %swap3A_261 {strides = array<i32>} : memref<50x44xf32, #tpu.memory_space<vmem>>, vector<1x16xf32>,
      %get3A_262 = arith.constant 3 : i32
      %get3A_263 = arith.index_cast %get3A_262 : i32 to index
      %get3A_264 = arith.constant 28 : index
      %get3A_265 = tpu.vector_load %arg10[%get3A_263, %get3A_264] {strides = array<i32>} : memref<50x128xf32, #tpu.memory_space<vmem>>, vector<1x16xf32>,
      %get3A_266 = vector.shape_cast %get3A_265 : vector<1x16xf32> to vector<16xf32>
      %swap3A_267 = arith.constant 3 : i32
      %swap3A_268 = arith.index_cast %swap3A_267 : i32 to index
      %swap3A_269 = arith.constant 28 : index
      %swap3A_270 = tpu.vector_load %arg11[%swap3A_268, %swap3A_269] {strides = array<i32>} : memref<50x44xf32, #tpu.memory_space<vmem>>, vector<1x16xf32>,
      %swap3A_271 = vector.shape_cast %swap3A_270 : vector<1x16xf32> to vector<16xf32>
      %swap3A_272 = vector.shape_cast %get3A_266 : vector<16xf32> to vector<1x16xf32>
      tpu.vector_store %arg11[%swap3A_268, %swap3A_269], %swap3A_272 {strides = array<i32>} : memref<50x44xf32, #tpu.memory_space<vmem>>, vector<1x16xf32>,
      %get3A_273 = arith.constant 4 : i32
      %get3A_274 = arith.index_cast %get3A_273 : i32 to index
      %get3A_275 = arith.constant 0 : index
      %get3A_276 = tpu.vector_load %arg10[%get3A_274, %get3A_275] {strides = array<i32>} : memref<50x128xf32, #tpu.memory_space<vmem>>, vector<1x16xf32>,
      %get3A_277 = vector.shape_cast %get3A_276 : vector<1x16xf32> to vector<16xf32>
      %swap3A_278 = arith.constant 4 : i32
      %swap3A_279 = arith.index_cast %swap3A_278 : i32 to index
      %swap3A_280 = arith.constant 0 : index
      %swap3A_281 = tpu.vector_load %arg11[%swap3A_279, %swap3A_280] {strides = array<i32>} : memref<50x44xf32, #tpu.memory_space<vmem>>, vector<1x16xf32>,
      %swap3A_282 = vector.shape_cast %swap3A_281 : vector<1x16xf32> to vector<16xf32>
      %swap3A_283 = vector.shape_cast %get3A_277 : vector<16xf32> to vector<1x16xf32>
      tpu.vector_store %arg11[%swap3A_279, %swap3A_280], %swap3A_283 {strides = array<i32>} : memref<50x44xf32, #tpu.memory_space<vmem>>, vector<1x16xf32>,
      %get3A_284 = arith.constant 4 : i32
      %get3A_285 = arith.index_cast %get3A_284 : i32 to index
      %get3A_286 = arith.constant 16 : index
      %get3A_287 = tpu.vector_load %arg10[%get3A_285, %get3A_286] {strides = array<i32>} : memref<50x128xf32, #tpu.memory_space<vmem>>, vector<1x16xf32>,
      %get3A_288 = vector.shape_cast %get3A_287 : vector<1x16xf32> to vector<16xf32>
      %swap3A_289 = arith.constant 4 : i32
      %swap3A_290 = arith.index_cast %swap3A_289 : i32 to index
      %swap3A_291 = arith.constant 16 : index
      %swap3A_292 = tpu.vector_load %arg11[%swap3A_290, %swap3A_291] {strides = array<i32>} : memref<50x44xf32, #tpu.memory_space<vmem>>, vector<1x16xf32>,
      %swap3A_293 = vector.shape_cast %swap3A_292 : vector<1x16xf32> to vector<16xf32>
      %swap3A_294 = vector.shape_cast %get3A_288 : vector<16xf32> to vector<1x16xf32>
      tpu.vector_store %arg11[%swap3A_290, %swap3A_291], %swap3A_294 {strides = array<i32>} : memref<50x44xf32, #tpu.memory_space<vmem>>, vector<1x16xf32>,
      %get3A_295 = arith.constant 4 : i32
      %get3A_296 = arith.index_cast %get3A_295 : i32 to index
      %get3A_297 = arith.constant 28 : index
      %get3A_298 = tpu.vector_load %arg10[%get3A_296, %get3A_297] {strides = array<i32>} : memref<50x128xf32, #tpu.memory_space<vmem>>, vector<1x16xf32>,
      %get3A_299 = vector.shape_cast %get3A_298 : vector<1x16xf32> to vector<16xf32>
      %swap3A_300 = arith.constant 4 : i32
      %swap3A_301 = arith.index_cast %swap3A_300 : i32 to index
      %swap3A_302 = arith.constant 28 : index
      %swap3A_303 = tpu.vector_load %arg11[%swap3A_301, %swap3A_302] {strides = array<i32>} : memref<50x44xf32, #tpu.memory_space<vmem>>, vector<1x16xf32>,
      %swap3A_304 = vector.shape_cast %swap3A_303 : vector<1x16xf32> to vector<16xf32>
      %swap3A_305 = vector.shape_cast %get3A_299 : vector<16xf32> to vector<1x16xf32>
      tpu.vector_store %arg11[%swap3A_301, %swap3A_302], %swap3A_305 {strides = array<i32>} : memref<50x44xf32, #tpu.memory_space<vmem>>, vector<1x16xf32>,
      %get3A_306 = arith.constant 5 : i32
      %get3A_307 = arith.index_cast %get3A_306 : i32 to index
      %get3A_308 = arith.constant 0 : index
      %get3A_309 = tpu.vector_load %arg10[%get3A_307, %get3A_308] {strides = array<i32>} : memref<50x128xf32, #tpu.memory_space<vmem>>, vector<1x16xf32>,
      %get3A_310 = vector.shape_cast %get3A_309 : vector<1x16xf32> to vector<16xf32>
      %swap3A_311 = arith.constant 5 : i32
      %swap3A_312 = arith.index_cast %swap3A_311 : i32 to index
      %swap3A_313 = arith.constant 0 : index
      %swap3A_314 = tpu.vector_load %arg11[%swap3A_312, %swap3A_313] {strides = array<i32>} : memref<50x44xf32, #tpu.memory_space<vmem>>, vector<1x16xf32>,
      %swap3A_315 = vector.shape_cast %swap3A_314 : vector<1x16xf32> to vector<16xf32>
      %swap3A_316 = vector.shape_cast %get3A_310 : vector<16xf32> to vector<1x16xf32>
      tpu.vector_store %arg11[%swap3A_312, %swap3A_313], %swap3A_316 {strides = array<i32>} : memref<50x44xf32, #tpu.memory_space<vmem>>, vector<1x16xf32>,
      %get3A_317 = arith.constant 5 : i32
      %get3A_318 = arith.index_cast %get3A_317 : i32 to index
      %get3A_319 = arith.constant 16 : index
      %get3A_320 = tpu.vector_load %arg10[%get3A_318, %get3A_319] {strides = array<i32>} : memref<50x128xf32, #tpu.memory_space<vmem>>, vector<1x16xf32>,
      %get3A_321 = vector.shape_cast %get3A_320 : vector<1x16xf32> to vector<16xf32>
      %swap3A_322 = arith.constant 5 : i32
      %swap3A_323 = arith.index_cast %swap3A_322 : i32 to index
      %swap3A_324 = arith.constant 16 : index
      %swap3A_325 = tpu.vector_load %arg11[%swap3A_323, %swap3A_324] {strides = array<i32>} : memref<50x44xf32, #tpu.memory_space<vmem>>, vector<1x16xf32>,
      %swap3A_326 = vector.shape_cast %swap3A_325 : vector<1x16xf32> to vector<16xf32>
      %swap3A_327 = vector.shape_cast %get3A_321 : vector<16xf32> to vector<1x16xf32>
      tpu.vector_store %arg11[%swap3A_323, %swap3A_324], %swap3A_327 {strides = array<i32>} : memref<50x44xf32, #tpu.memory_space<vmem>>, vector<1x16xf32>,
      %get3A_328 = arith.constant 5 : i32
      %get3A_329 = arith.index_cast %get3A_328 : i32 to index
      %get3A_330 = arith.constant 28 : index
      %get3A_331 = tpu.vector_load %arg10[%get3A_329, %get3A_330] {strides = array<i32>} : memref<50x128xf32, #tpu.memory_space<vmem>>, vector<1x16xf32>,
      %get3A_332 = vector.shape_cast %get3A_331 : vector<1x16xf32> to vector<16xf32>
      %swap3A_333 = arith.constant 5 : i32
      %swap3A_334 = arith.index_cast %swap3A_333 : i32 to index
      %swap3A_335 = arith.constant 28 : index
      %swap3A_336 = tpu.vector_load %arg11[%swap3A_334, %swap3A_335] {strides = array<i32>} : memref<50x44xf32, #tpu.memory_space<vmem>>, vector<1x16xf32>,
      %swap3A_337 = vector.shape_cast %swap3A_336 : vector<1x16xf32> to vector<16xf32>
      %swap3A_338 = vector.shape_cast %get3A_332 : vector<16xf32> to vector<1x16xf32>
      tpu.vector_store %arg11[%swap3A_334, %swap3A_335], %swap3A_338 {strides = array<i32>} : memref<50x44xf32, #tpu.memory_space<vmem>>, vector<1x16xf32>,
      %get3A_339 = arith.constant 6 : i32
      %get3A_340 = arith.index_cast %get3A_339 : i32 to index
      %get3A_341 = arith.constant 0 : index
      %get3A_342 = tpu.vector_load %arg10[%get3A_340, %get3A_341] {strides = array<i32>} : memref<50x128xf32, #tpu.memory_space<vmem>>, vector<1x16xf32>,
      %get3A_343 = vector.shape_cast %get3A_342 : vector<1x16xf32> to vector<16xf32>
      %swap3A_344 = arith.constant 6 : i32
      %swap3A_345 = arith.index_cast %swap3A_344 : i32 to index
      %swap3A_346 = arith.constant 0 : index
      %swap3A_347 = tpu.vector_load %arg11[%swap3A_345, %swap3A_346] {strides = array<i32>} : memref<50x44xf32, #tpu.memory_space<vmem>>, vector<1x16xf32>,
      %swap3A_348 = vector.shape_cast %swap3A_347 : vector<1x16xf32> to vector<16xf32>
      %swap3A_349 = vector.shape_cast %get3A_343 : vector<16xf32> to vector<1x16xf32>
      tpu.vector_store %arg11[%swap3A_345, %swap3A_346], %swap3A_349 {strides = array<i32>} : memref<50x44xf32, #tpu.memory_space<vmem>>, vector<1x16xf32>,
      %get3A_350 = arith.constant 6 : i32
      %get3A_351 = arith.index_cast %get3A_350 : i32 to index
      %get3A_352 = arith.constant 16 : index
      %get3A_353 = tpu.vector_load %arg10[%get3A_351, %get3A_352] {strides = array<i32>} : memref<50x128xf32, #tpu.memory_space<vmem>>, vector<1x16xf32>,
      %get3A_354 = vector.shape_cast %get3A_353 : vector<1x16xf32> to vector<16xf32>
      %swap3A_355 = arith.constant 6 : i32
      %swap3A_356 = arith.index_cast %swap3A_355 : i32 to index
      %swap3A_357 = arith.constant 16 : index
      %swap3A_358 = tpu.vector_load %arg11[%swap3A_356, %swap3A_357] {strides = array<i32>} : memref<50x44xf32, #tpu.memory_space<vmem>>, vector<1x16xf32>,
      %swap3A_359 = vector.shape_cast %swap3A_358 : vector<1x16xf32> to vector<16xf32>
      %swap3A_360 = vector.shape_cast %get3A_354 : vector<16xf32> to vector<1x16xf32>
      tpu.vector_store %arg11[%swap3A_356, %swap3A_357], %swap3A_360 {strides = array<i32>} : memref<50x44xf32, #tpu.memory_space<vmem>>, vector<1x16xf32>,
      %get3A_361 = arith.constant 6 : i32
      %get3A_362 = arith.index_cast %get3A_361 : i32 to index
      %get3A_363 = arith.constant 28 : index
      %get3A_364 = tpu.vector_load %arg10[%get3A_362, %get3A_363] {strides = array<i32>} : memref<50x128xf32, #tpu.memory_space<vmem>>, vector<1x16xf32>,
      %get3A_365 = vector.shape_cast %get3A_364 : vector<1x16xf32> to vector<16xf32>
      %swap3A_366 = arith.constant 6 : i32
      %swap3A_367 = arith.index_cast %swap3A_366 : i32 to index
      %swap3A_368 = arith.constant 28 : index
      %swap3A_369 = tpu.vector_load %arg11[%swap3A_367, %swap3A_368] {strides = array<i32>} : memref<50x44xf32, #tpu.memory_space<vmem>>, vector<1x16xf32>,
      %swap3A_370 = vector.shape_cast %swap3A_369 : vector<1x16xf32> to vector<16xf32>
      %swap3A_371 = vector.shape_cast %get3A_365 : vector<16xf32> to vector<1x16xf32>
      tpu.vector_store %arg11[%swap3A_367, %swap3A_368], %swap3A_371 {strides = array<i32>} : memref<50x44xf32, #tpu.memory_space<vmem>>, vector<1x16xf32>,
      %get3A_372 = arith.constant 7 : i32
      %get3A_373 = arith.index_cast %get3A_372 : i32 to index
      %get3A_374 = arith.constant 0 : index
      %get3A_375 = tpu.vector_load %arg10[%get3A_373, %get3A_374] {strides = array<i32>} : memref<50x128xf32, #tpu.memory_space<vmem>>, vector<1x16xf32>,
      %get3A_376 = vector.shape_cast %get3A_375 : vector<1x16xf32> to vector<16xf32>
      %swap3A_377 = arith.constant 7 : i32
      %swap3A_378 = arith.index_cast %swap3A_377 : i32 to index
      %swap3A_379 = arith.constant 0 : index
      %swap3A_380 = tpu.vector_load %arg11[%swap3A_378, %swap3A_379] {strides = array<i32>} : memref<50x44xf32, #tpu.memory_space<vmem>>, vector<1x16xf32>,
      %swap3A_381 = vector.shape_cast %swap3A_380 : vector<1x16xf32> to vector<16xf32>
      %swap3A_382 = vector.shape_cast %get3A_376 : vector<16xf32> to vector<1x16xf32>
      tpu.vector_store %arg11[%swap3A_378, %swap3A_379], %swap3A_382 {strides = array<i32>} : memref<50x44xf32, #tpu.memory_space<vmem>>, vector<1x16xf32>,
      %get3A_383 = arith.constant 7 : i32
      %get3A_384 = arith.index_cast %get3A_383 : i32 to index
      %get3A_385 = arith.constant 16 : index
      %get3A_386 = tpu.vector_load %arg10[%get3A_384, %get3A_385] {strides = array<i32>} : memref<50x128xf32, #tpu.memory_space<vmem>>, vector<1x16xf32>,
      %get3A_387 = vector.shape_cast %get3A_386 : vector<1x16xf32> to vector<16xf32>
      %swap3A_388 = arith.constant 7 : i32
      %swap3A_389 = arith.index_cast %swap3A_388 : i32 to index
      %swap3A_390 = arith.constant 16 : index
      %swap3A_391 = tpu.vector_load %arg11[%swap3A_389, %swap3A_390] {strides = array<i32>} : memref<50x44xf32, #tpu.memory_space<vmem>>, vector<1x16xf32>,
      %swap3A_392 = vector.shape_cast %swap3A_391 : vector<1x16xf32> to vector<16xf32>
      %swap3A_393 = vector.shape_cast %get3A_387 : vector<16xf32> to vector<1x16xf32>
      tpu.vector_store %arg11[%swap3A_389, %swap3A_390], %swap3A_393 {strides = array<i32>} : memref<50x44xf32, #tpu.memory_space<vmem>>, vector<1x16xf32>,
      %get3A_394 = arith.constant 7 : i32
      %get3A_395 = arith.index_cast %get3A_394 : i32 to index
      %get3A_396 = arith.constant 28 : index
      %get3A_397 = tpu.vector_load %arg10[%get3A_395, %get3A_396] {strides = array<i32>} : memref<50x128xf32, #tpu.memory_space<vmem>>, vector<1x16xf32>,
      %get3A_398 = vector.shape_cast %get3A_397 : vector<1x16xf32> to vector<16xf32>
      %swap3A_399 = arith.constant 7 : i32
      %swap3A_400 = arith.index_cast %swap3A_399 : i32 to index
      %swap3A_401 = arith.constant 28 : index
      %swap3A_402 = tpu.vector_load %arg11[%swap3A_400, %swap3A_401] {strides = array<i32>} : memref<50x44xf32, #tpu.memory_space<vmem>>, vector<1x16xf32>,
      %swap3A_403 = vector.shape_cast %swap3A_402 : vector<1x16xf32> to vector<16xf32>
      %swap3A_404 = vector.shape_cast %get3A_398 : vector<16xf32> to vector<1x16xf32>
      tpu.vector_store %arg11[%swap3A_400, %swap3A_401], %swap3A_404 {strides = array<i32>} : memref<50x44xf32, #tpu.memory_space<vmem>>, vector<1x16xf32>,
      %get3A_405 = arith.constant 8 : i32
      %get3A_406 = arith.index_cast %get3A_405 : i32 to index
      %get3A_407 = arith.constant 0 : index
      %get3A_408 = tpu.vector_load %arg10[%get3A_406, %get3A_407] {strides = array<i32>} : memref<50x128xf32, #tpu.memory_space<vmem>>, vector<1x16xf32>,
      %get3A_409 = vector.shape_cast %get3A_408 : vector<1x16xf32> to vector<16xf32>
      %swap3A_410 = arith.constant 8 : i32
      %swap3A_411 = arith.index_cast %swap3A_410 : i32 to index
      %swap3A_412 = arith.constant 0 : index
      %swap3A_413 = tpu.vector_load %arg11[%swap3A_411, %swap3A_412] {strides = array<i32>} : memref<50x44xf32, #tpu.memory_space<vmem>>, vector<1x16xf32>,
      %swap3A_414 = vector.shape_cast %swap3A_413 : vector<1x16xf32> to vector<16xf32>
      %swap3A_415 = vector.shape_cast %get3A_409 : vector<16xf32> to vector<1x16xf32>
      tpu.vector_store %arg11[%swap3A_411, %swap3A_412], %swap3A_415 {strides = array<i32>} : memref<50x44xf32, #tpu.memory_space<vmem>>, vector<1x16xf32>,
      %get3A_416 = arith.constant 8 : i32
      %get3A_417 = arith.index_cast %get3A_416 : i32 to index
      %get3A_418 = arith.constant 16 : index
      %get3A_419 = tpu.vector_load %arg10[%get3A_417, %get3A_418] {strides = array<i32>} : memref<50x128xf32, #tpu.memory_space<vmem>>, vector<1x16xf32>,
      %get3A_420 = vector.shape_cast %get3A_419 : vector<1x16xf32> to vector<16xf32>
      %swap3A_421 = arith.constant 8 : i32
      %swap3A_422 = arith.index_cast %swap3A_421 : i32 to index
      %swap3A_423 = arith.constant 16 : index
      %swap3A_424 = tpu.vector_load %arg11[%swap3A_422, %swap3A_423] {strides = array<i32>} : memref<50x44xf32, #tpu.memory_space<vmem>>, vector<1x16xf32>,
      %swap3A_425 = vector.shape_cast %swap3A_424 : vector<1x16xf32> to vector<16xf32>
      %swap3A_426 = vector.shape_cast %get3A_420 : vector<16xf32> to vector<1x16xf32>
      tpu.vector_store %arg11[%swap3A_422, %swap3A_423], %swap3A_426 {strides = array<i32>} : memref<50x44xf32, #tpu.memory_space<vmem>>, vector<1x16xf32>,
      %get3A_427 = arith.constant 8 : i32
      %get3A_428 = arith.index_cast %get3A_427 : i32 to index
      %get3A_429 = arith.constant 28 : index
      %get3A_430 = tpu.vector_load %arg10[%get3A_428, %get3A_429] {strides = array<i32>} : memref<50x128xf32, #tpu.memory_space<vmem>>, vector<1x16xf32>,
      %get3A_431 = vector.shape_cast %get3A_430 : vector<1x16xf32> to vector<16xf32>
      %swap3A_432 = arith.constant 8 : i32
      %swap3A_433 = arith.index_cast %swap3A_432 : i32 to index
      %swap3A_434 = arith.constant 28 : index
      %swap3A_435 = tpu.vector_load %arg11[%swap3A_433, %swap3A_434] {strides = array<i32>} : memref<50x44xf32, #tpu.memory_space<vmem>>, vector<1x16xf32>,
      %swap3A_436 = vector.shape_cast %swap3A_435 : vector<1x16xf32> to vector<16xf32>
      %swap3A_437 = vector.shape_cast %get3A_431 : vector<16xf32> to vector<1x16xf32>
      tpu.vector_store %arg11[%swap3A_433, %swap3A_434], %swap3A_437 {strides = array<i32>} : memref<50x44xf32, #tpu.memory_space<vmem>>, vector<1x16xf32>,
      %get3A_438 = arith.constant 9 : i32
      %get3A_439 = arith.index_cast %get3A_438 : i32 to index
      %get3A_440 = arith.constant 0 : index
      %get3A_441 = tpu.vector_load %arg10[%get3A_439, %get3A_440] {strides = array<i32>} : memref<50x128xf32, #tpu.memory_space<vmem>>, vector<1x16xf32>,
      %get3A_442 = vector.shape_cast %get3A_441 : vector<1x16xf32> to vector<16xf32>
      %swap3A_443 = arith.constant 9 : i32
      %swap3A_444 = arith.index_cast %swap3A_443 : i32 to index
      %swap3A_445 = arith.constant 0 : index
      %swap3A_446 = tpu.vector_load %arg11[%swap3A_444, %swap3A_445] {strides = array<i32>} : memref<50x44xf32, #tpu.memory_space<vmem>>, vector<1x16xf32>,
      %swap3A_447 = vector.shape_cast %swap3A_446 : vector<1x16xf32> to vector<16xf32>
      %swap3A_448 = vector.shape_cast %get3A_442 : vector<16xf32> to vector<1x16xf32>
      tpu.vector_store %arg11[%swap3A_444, %swap3A_445], %swap3A_448 {strides = array<i32>} : memref<50x44xf32, #tpu.memory_space<vmem>>, vector<1x16xf32>,
      %get3A_449 = arith.constant 9 : i32
      %get3A_450 = arith.index_cast %get3A_449 : i32 to index
      %get3A_451 = arith.constant 16 : index
      %get3A_452 = tpu.vector_load %arg10[%get3A_450, %get3A_451] {strides = array<i32>} : memref<50x128xf32, #tpu.memory_space<vmem>>, vector<1x16xf32>,
      %get3A_453 = vector.shape_cast %get3A_452 : vector<1x16xf32> to vector<16xf32>
      %swap3A_454 = arith.constant 9 : i32
      %swap3A_455 = arith.index_cast %swap3A_454 : i32 to index
      %swap3A_456 = arith.constant 16 : index
      %swap3A_457 = tpu.vector_load %arg11[%swap3A_455, %swap3A_456] {strides = array<i32>} : memref<50x44xf32, #tpu.memory_space<vmem>>, vector<1x16xf32>,
      %swap3A_458 = vector.shape_cast %swap3A_457 : vector<1x16xf32> to vector<16xf32>
      %swap3A_459 = vector.shape_cast %get3A_453 : vector<16xf32> to vector<1x16xf32>
      tpu.vector_store %arg11[%swap3A_455, %swap3A_456], %swap3A_459 {strides = array<i32>} : memref<50x44xf32, #tpu.memory_space<vmem>>, vector<1x16xf32>,
      %get3A_460 = arith.constant 9 : i32
      %get3A_461 = arith.index_cast %get3A_460 : i32 to index
      %get3A_462 = arith.constant 28 : index
      %get3A_463 = tpu.vector_load %arg10[%get3A_461, %get3A_462] {strides = array<i32>} : memref<50x128xf32, #tpu.memory_space<vmem>>, vector<1x16xf32>,
      %get3A_464 = vector.shape_cast %get3A_463 : vector<1x16xf32> to vector<16xf32>
      %swap3A_465 = arith.constant 9 : i32
      %swap3A_466 = arith.index_cast %swap3A_465 : i32 to index
      %swap3A_467 = arith.constant 28 : index
      %swap3A_468 = tpu.vector_load %arg11[%swap3A_466, %swap3A_467] {strides = array<i32>} : memref<50x44xf32, #tpu.memory_space<vmem>>, vector<1x16xf32>,
      %swap3A_469 = vector.shape_cast %swap3A_468 : vector<1x16xf32> to vector<16xf32>
      %swap3A_470 = vector.shape_cast %get3A_464 : vector<16xf32> to vector<1x16xf32>
      tpu.vector_store %arg11[%swap3A_466, %swap3A_467], %swap3A_470 {strides = array<i32>} : memref<50x44xf32, #tpu.memory_space<vmem>>, vector<1x16xf32>,
      %get3A_471 = arith.constant 10 : i32
      %get3A_472 = arith.index_cast %get3A_471 : i32 to index
      %get3A_473 = arith.constant 0 : index
      %get3A_474 = tpu.vector_load %arg10[%get3A_472, %get3A_473] {strides = array<i32>} : memref<50x128xf32, #tpu.memory_space<vmem>>, vector<1x16xf32>,
      %get3A_475 = vector.shape_cast %get3A_474 : vector<1x16xf32> to vector<16xf32>
      %swap3A_476 = arith.constant 10 : i32
      %swap3A_477 = arith.index_cast %swap3A_476 : i32 to index
      %swap3A_478 = arith.constant 0 : index
      %swap3A_479 = tpu.vector_load %arg11[%swap3A_477, %swap3A_478] {strides = array<i32>} : memref<50x44xf32, #tpu.memory_space<vmem>>, vector<1x16xf32>,
      %swap3A_480 = vector.shape_cast %swap3A_479 : vector<1x16xf32> to vector<16xf32>
      %swap3A_481 = vector.shape_cast %get3A_475 : vector<16xf32> to vector<1x16xf32>
      tpu.vector_store %arg11[%swap3A_477, %swap3A_478], %swap3A_481 {strides = array<i32>} : memref<50x44xf32, #tpu.memory_space<vmem>>, vector<1x16xf32>,
      %get3A_482 = arith.constant 10 : i32
      %get3A_483 = arith.index_cast %get3A_482 : i32 to index
      %get3A_484 = arith.constant 16 : index
      %get3A_485 = tpu.vector_load %arg10[%get3A_483, %get3A_484] {strides = array<i32>} : memref<50x128xf32, #tpu.memory_space<vmem>>, vector<1x16xf32>,
      %get3A_486 = vector.shape_cast %get3A_485 : vector<1x16xf32> to vector<16xf32>
      %swap3A_487 = arith.constant 10 : i32
      %swap3A_488 = arith.index_cast %swap3A_487 : i32 to index
      %swap3A_489 = arith.constant 16 : index
      %swap3A_490 = tpu.vector_load %arg11[%swap3A_488, %swap3A_489] {strides = array<i32>} : memref<50x44xf32, #tpu.memory_space<vmem>>, vector<1x16xf32>,
      %swap3A_491 = vector.shape_cast %swap3A_490 : vector<1x16xf32> to vector<16xf32>
      %swap3A_492 = vector.shape_cast %get3A_486 : vector<16xf32> to vector<1x16xf32>
      tpu.vector_store %arg11[%swap3A_488, %swap3A_489], %swap3A_492 {strides = array<i32>} : memref<50x44xf32, #tpu.memory_space<vmem>>, vector<1x16xf32>,
      %get3A_493 = arith.constant 10 : i32
      %get3A_494 = arith.index_cast %get3A_493 : i32 to index
      %get3A_495 = arith.constant 28 : index
      %get3A_496 = tpu.vector_load %arg10[%get3A_494, %get3A_495] {strides = array<i32>} : memref<50x128xf32, #tpu.memory_space<vmem>>, vector<1x16xf32>,
      %get3A_497 = vector.shape_cast %get3A_496 : vector<1x16xf32> to vector<16xf32>
      %swap3A_498 = arith.constant 10 : i32
      %swap3A_499 = arith.index_cast %swap3A_498 : i32 to index
      %swap3A_500 = arith.constant 28 : index
      %swap3A_501 = tpu.vector_load %arg11[%swap3A_499, %swap3A_500] {strides = array<i32>} : memref<50x44xf32, #tpu.memory_space<vmem>>, vector<1x16xf32>,
      %swap3A_502 = vector.shape_cast %swap3A_501 : vector<1x16xf32> to vector<16xf32>
      %swap3A_503 = vector.shape_cast %get3A_497 : vector<16xf32> to vector<1x16xf32>
      tpu.vector_store %arg11[%swap3A_499, %swap3A_500], %swap3A_503 {strides = array<i32>} : memref<50x44xf32, #tpu.memory_space<vmem>>, vector<1x16xf32>,
      %get3A_504 = arith.constant 11 : i32
      %get3A_505 = arith.index_cast %get3A_504 : i32 to index
      %get3A_506 = arith.constant 0 : index
      %get3A_507 = tpu.vector_load %arg10[%get3A_505, %get3A_506] {strides = array<i32>} : memref<50x128xf32, #tpu.memory_space<vmem>>, vector<1x16xf32>,
      %get3A_508 = vector.shape_cast %get3A_507 : vector<1x16xf32> to vector<16xf32>
      %swap3A_509 = arith.constant 11 : i32
      %swap3A_510 = arith.index_cast %swap3A_509 : i32 to index
      %swap3A_511 = arith.constant 0 : index
      %swap3A_512 = tpu.vector_load %arg11[%swap3A_510, %swap3A_511] {strides = array<i32>} : memref<50x44xf32, #tpu.memory_space<vmem>>, vector<1x16xf32>,
      %swap3A_513 = vector.shape_cast %swap3A_512 : vector<1x16xf32> to vector<16xf32>
      %swap3A_514 = vector.shape_cast %get3A_508 : vector<16xf32> to vector<1x16xf32>
      tpu.vector_store %arg11[%swap3A_510, %swap3A_511], %swap3A_514 {strides = array<i32>} : memref<50x44xf32, #tpu.memory_space<vmem>>, vector<1x16xf32>,
      %get3A_515 = arith.constant 11 : i32
      %get3A_516 = arith.index_cast %get3A_515 : i32 to index
      %get3A_517 = arith.constant 16 : index
      %get3A_518 = tpu.vector_load %arg10[%get3A_516, %get3A_517] {strides = array<i32>} : memref<50x128xf32, #tpu.memory_space<vmem>>, vector<1x16xf32>,
      %get3A_519 = vector.shape_cast %get3A_518 : vector<1x16xf32> to vector<16xf32>
      %swap3A_520 = arith.constant 11 : i32
      %swap3A_521 = arith.index_cast %swap3A_520 : i32 to index
      %swap3A_522 = arith.constant 16 : index
      %swap3A_523 = tpu.vector_load %arg11[%swap3A_521, %swap3A_522] {strides = array<i32>} : memref<50x44xf32, #tpu.memory_space<vmem>>, vector<1x16xf32>,
      %swap3A_524 = vector.shape_cast %swap3A_523 : vector<1x16xf32> to vector<16xf32>
      %swap3A_525 = vector.shape_cast %get3A_519 : vector<16xf32> to vector<1x16xf32>
      tpu.vector_store %arg11[%swap3A_521, %swap3A_522], %swap3A_525 {strides = array<i32>} : memref<50x44xf32, #tpu.memory_space<vmem>>, vector<1x16xf32>,
      %get3A_526 = arith.constant 11 : i32
      %get3A_527 = arith.index_cast %get3A_526 : i32 to index
      %get3A_528 = arith.constant 28 : index
      %get3A_529 = tpu.vector_load %arg10[%get3A_527, %get3A_528] {strides = array<i32>} : memref<50x128xf32, #tpu.memory_space<vmem>>, vector<1x16xf32>,
      %get3A_530 = vector.shape_cast %get3A_529 : vector<1x16xf32> to vector<16xf32>
      %swap3A_531 = arith.constant 11 : i32
      %swap3A_532 = arith.index_cast %swap3A_531 : i32 to index
      %swap3A_533 = arith.constant 28 : index
      %swap3A_534 = tpu.vector_load %arg11[%swap3A_532, %swap3A_533] {strides = array<i32>} : memref<50x44xf32, #tpu.memory_space<vmem>>, vector<1x16xf32>,
      %swap3A_535 = vector.shape_cast %swap3A_534 : vector<1x16xf32> to vector<16xf32>
      %swap3A_536 = vector.shape_cast %get3A_530 : vector<16xf32> to vector<1x16xf32>
      tpu.vector_store %arg11[%swap3A_532, %swap3A_533], %swap3A_536 {strides = array<i32>} : memref<50x44xf32, #tpu.memory_space<vmem>>, vector<1x16xf32>,
      %get3A_537 = arith.constant 12 : i32
      %get3A_538 = arith.index_cast %get3A_537 : i32 to index
      %get3A_539 = arith.constant 0 : index
      %get3A_540 = tpu.vector_load %arg10[%get3A_538, %get3A_539] {strides = array<i32>} : memref<50x128xf32, #tpu.memory_space<vmem>>, vector<1x16xf32>,
      %get3A_541 = vector.shape_cast %get3A_540 : vector<1x16xf32> to vector<16xf32>
      %swap3A_542 = arith.constant 12 : i32
      %swap3A_543 = arith.index_cast %swap3A_542 : i32 to index
      %swap3A_544 = arith.constant 0 : index
      %swap3A_545 = tpu.vector_load %arg11[%swap3A_543, %swap3A_544] {strides = array<i32>} : memref<50x44xf32, #tpu.memory_space<vmem>>, vector<1x16xf32>,
      %swap3A_546 = vector.shape_cast %swap3A_545 : vector<1x16xf32> to vector<16xf32>
      %swap3A_547 = vector.shape_cast %get3A_541 : vector<16xf32> to vector<1x16xf32>
      tpu.vector_store %arg11[%swap3A_543, %swap3A_544], %swap3A_547 {strides = array<i32>} : memref<50x44xf32, #tpu.memory_space<vmem>>, vector<1x16xf32>,
      %get3A_548 = arith.constant 12 : i32
      %get3A_549 = arith.index_cast %get3A_548 : i32 to index
      %get3A_550 = arith.constant 16 : index
      %get3A_551 = tpu.vector_load %arg10[%get3A_549, %get3A_550] {strides = array<i32>} : memref<50x128xf32, #tpu.memory_space<vmem>>, vector<1x16xf32>,
      %get3A_552 = vector.shape_cast %get3A_551 : vector<1x16xf32> to vector<16xf32>
      %swap3A_553 = arith.constant 12 : i32
      %swap3A_554 = arith.index_cast %swap3A_553 : i32 to index
      %swap3A_555 = arith.constant 16 : index
      %swap3A_556 = tpu.vector_load %arg11[%swap3A_554, %swap3A_555] {strides = array<i32>} : memref<50x44xf32, #tpu.memory_space<vmem>>, vector<1x16xf32>,
      %swap3A_557 = vector.shape_cast %swap3A_556 : vector<1x16xf32> to vector<16xf32>
      %swap3A_558 = vector.shape_cast %get3A_552 : vector<16xf32> to vector<1x16xf32>
      tpu.vector_store %arg11[%swap3A_554, %swap3A_555], %swap3A_558 {strides = array<i32>} : memref<50x44xf32, #tpu.memory_space<vmem>>, vector<1x16xf32>,
      %get3A_559 = arith.constant 12 : i32
      %get3A_560 = arith.index_cast %get3A_559 : i32 to index
      %get3A_561 = arith.constant 28 : index
      %get3A_562 = tpu.vector_load %arg10[%get3A_560, %get3A_561] {strides = array<i32>} : memref<50x128xf32, #tpu.memory_space<vmem>>, vector<1x16xf32>,
      %get3A_563 = vector.shape_cast %get3A_562 : vector<1x16xf32> to vector<16xf32>
      %swap3A_564 = arith.constant 12 : i32
      %swap3A_565 = arith.index_cast %swap3A_564 : i32 to index
      %swap3A_566 = arith.constant 28 : index
      %swap3A_567 = tpu.vector_load %arg11[%swap3A_565, %swap3A_566] {strides = array<i32>} : memref<50x44xf32, #tpu.memory_space<vmem>>, vector<1x16xf32>,
      %swap3A_568 = vector.shape_cast %swap3A_567 : vector<1x16xf32> to vector<16xf32>
      %swap3A_569 = vector.shape_cast %get3A_563 : vector<16xf32> to vector<1x16xf32>
      tpu.vector_store %arg11[%swap3A_565, %swap3A_566], %swap3A_569 {strides = array<i32>} : memref<50x44xf32, #tpu.memory_space<vmem>>, vector<1x16xf32>,
      %get3A_570 = arith.constant 13 : i32
      %get3A_571 = arith.index_cast %get3A_570 : i32 to index
      %get3A_572 = arith.constant 0 : index
      %get3A_573 = tpu.vector_load %arg10[%get3A_571, %get3A_572] {strides = array<i32>} : memref<50x128xf32, #tpu.memory_space<vmem>>, vector<1x16xf32>,
      %get3A_574 = vector.shape_cast %get3A_573 : vector<1x16xf32> to vector<16xf32>
      %swap3A_575 = arith.constant 13 : i32
      %swap3A_576 = arith.index_cast %swap3A_575 : i32 to index
      %swap3A_577 = arith.constant 0 : index
      %swap3A_578 = tpu.vector_load %arg11[%swap3A_576, %swap3A_577] {strides = array<i32>} : memref<50x44xf32, #tpu.memory_space<vmem>>, vector<1x16xf32>,
      %swap3A_579 = vector.shape_cast %swap3A_578 : vector<1x16xf32> to vector<16xf32>
      %swap3A_580 = vector.shape_cast %get3A_574 : vector<16xf32> to vector<1x16xf32>
      tpu.vector_store %arg11[%swap3A_576, %swap3A_577], %swap3A_580 {strides = array<i32>} : memref<50x44xf32, #tpu.memory_space<vmem>>, vector<1x16xf32>,
      %get3A_581 = arith.constant 13 : i32
      %get3A_582 = arith.index_cast %get3A_581 : i32 to index
      %get3A_583 = arith.constant 16 : index
      %get3A_584 = tpu.vector_load %arg10[%get3A_582, %get3A_583] {strides = array<i32>} : memref<50x128xf32, #tpu.memory_space<vmem>>, vector<1x16xf32>,
      %get3A_585 = vector.shape_cast %get3A_584 : vector<1x16xf32> to vector<16xf32>
      %swap3A_586 = arith.constant 13 : i32
      %swap3A_587 = arith.index_cast %swap3A_586 : i32 to index
      %swap3A_588 = arith.constant 16 : index
      %swap3A_589 = tpu.vector_load %arg11[%swap3A_587, %swap3A_588] {strides = array<i32>} : memref<50x44xf32, #tpu.memory_space<vmem>>, vector<1x16xf32>,
      %swap3A_590 = vector.shape_cast %swap3A_589 : vector<1x16xf32> to vector<16xf32>
      %swap3A_591 = vector.shape_cast %get3A_585 : vector<16xf32> to vector<1x16xf32>
      tpu.vector_store %arg11[%swap3A_587, %swap3A_588], %swap3A_591 {strides = array<i32>} : memref<50x44xf32, #tpu.memory_space<vmem>>, vector<1x16xf32>,
      %get3A_592 = arith.constant 13 : i32
      %get3A_593 = arith.index_cast %get3A_592 : i32 to index
      %get3A_594 = arith.constant 28 : index
      %get3A_595 = tpu.vector_load %arg10[%get3A_593, %get3A_594] {strides = array<i32>} : memref<50x128xf32, #tpu.memory_space<vmem>>, vector<1x16xf32>,
      %get3A_596 = vector.shape_cast %get3A_595 : vector<1x16xf32> to vector<16xf32>
      %swap3A_597 = arith.constant 13 : i32
      %swap3A_598 = arith.index_cast %swap3A_597 : i32 to index
      %swap3A_599 = arith.constant 28 : index
      %swap3A_600 = tpu.vector_load %arg11[%swap3A_598, %swap3A_599] {strides = array<i32>} : memref<50x44xf32, #tpu.memory_space<vmem>>, vector<1x16xf32>,
      %swap3A_601 = vector.shape_cast %swap3A_600 : vector<1x16xf32> to vector<16xf32>
      %swap3A_602 = vector.shape_cast %get3A_596 : vector<16xf32> to vector<1x16xf32>
      tpu.vector_store %arg11[%swap3A_598, %swap3A_599], %swap3A_602 {strides = array<i32>} : memref<50x44xf32, #tpu.memory_space<vmem>>, vector<1x16xf32>,
      %get3A_603 = arith.constant 14 : i32
      %get3A_604 = arith.index_cast %get3A_603 : i32 to index
      %get3A_605 = arith.constant 0 : index
      %get3A_606 = tpu.vector_load %arg10[%get3A_604, %get3A_605] {strides = array<i32>} : memref<50x128xf32, #tpu.memory_space<vmem>>, vector<1x16xf32>,
      %get3A_607 = vector.shape_cast %get3A_606 : vector<1x16xf32> to vector<16xf32>
      %swap3A_608 = arith.constant 14 : i32
      %swap3A_609 = arith.index_cast %swap3A_608 : i32 to index
      %swap3A_610 = arith.constant 0 : index
      %swap3A_611 = tpu.vector_load %arg11[%swap3A_609, %swap3A_610] {strides = array<i32>} : memref<50x44xf32, #tpu.memory_space<vmem>>, vector<1x16xf32>,
      %swap3A_612 = vector.shape_cast %swap3A_611 : vector<1x16xf32> to vector<16xf32>
      %swap3A_613 = vector.shape_cast %get3A_607 : vector<16xf32> to vector<1x16xf32>
      tpu.vector_store %arg11[%swap3A_609, %swap3A_610], %swap3A_613 {strides = array<i32>} : memref<50x44xf32, #tpu.memory_space<vmem>>, vector<1x16xf32>,
      %get3A_614 = arith.constant 14 : i32
      %get3A_615 = arith.index_cast %get3A_614 : i32 to index
      %get3A_616 = arith.constant 16 : index
      %get3A_617 = tpu.vector_load %arg10[%get3A_615, %get3A_616] {strides = array<i32>} : memref<50x128xf32, #tpu.memory_space<vmem>>, vector<1x16xf32>,
      %get3A_618 = vector.shape_cast %get3A_617 : vector<1x16xf32> to vector<16xf32>
      %swap3A_619 = arith.constant 14 : i32
      %swap3A_620 = arith.index_cast %swap3A_619 : i32 to index
      %swap3A_621 = arith.constant 16 : index
      %swap3A_622 = tpu.vector_load %arg11[%swap3A_620, %swap3A_621] {strides = array<i32>} : memref<50x44xf32, #tpu.memory_space<vmem>>, vector<1x16xf32>,
      %swap3A_623 = vector.shape_cast %swap3A_622 : vector<1x16xf32> to vector<16xf32>
      %swap3A_624 = vector.shape_cast %get3A_618 : vector<16xf32> to vector<1x16xf32>
      tpu.vector_store %arg11[%swap3A_620, %swap3A_621], %swap3A_624 {strides = array<i32>} : memref<50x44xf32, #tpu.memory_space<vmem>>, vector<1x16xf32>,
      %get3A_625 = arith.constant 14 : i32
      %get3A_626 = arith.index_cast %get3A_625 : i32 to index
      %get3A_627 = arith.constant 28 : index
      %get3A_628 = tpu.vector_load %arg10[%get3A_626, %get3A_627] {strides = array<i32>} : memref<50x128xf32, #tpu.memory_space<vmem>>, vector<1x16xf32>,
      %get3A_629 = vector.shape_cast %get3A_628 : vector<1x16xf32> to vector<16xf32>
      %swap3A_630 = arith.constant 14 : i32
      %swap3A_631 = arith.index_cast %swap3A_630 : i32 to index
      %swap3A_632 = arith.constant 28 : index
      %swap3A_633 = tpu.vector_load %arg11[%swap3A_631, %swap3A_632] {strides = array<i32>} : memref<50x44xf32, #tpu.memory_space<vmem>>, vector<1x16xf32>,
      %swap3A_634 = vector.shape_cast %swap3A_633 : vector<1x16xf32> to vector<16xf32>
      %swap3A_635 = vector.shape_cast %get3A_629 : vector<16xf32> to vector<1x16xf32>
      tpu.vector_store %arg11[%swap3A_631, %swap3A_632], %swap3A_635 {strides = array<i32>} : memref<50x44xf32, #tpu.memory_space<vmem>>, vector<1x16xf32>,
      %get3A_636 = arith.constant 15 : i32
      %get3A_637 = arith.index_cast %get3A_636 : i32 to index
      %get3A_638 = arith.constant 0 : index
      %get3A_639 = tpu.vector_load %arg10[%get3A_637, %get3A_638] {strides = array<i32>} : memref<50x128xf32, #tpu.memory_space<vmem>>, vector<1x16xf32>,
      %get3A_640 = vector.shape_cast %get3A_639 : vector<1x16xf32> to vector<16xf32>
      %swap3A_641 = arith.constant 15 : i32
      %swap3A_642 = arith.index_cast %swap3A_641 : i32 to index
      %swap3A_643 = arith.constant 0 : index
      %swap3A_644 = tpu.vector_load %arg11[%swap3A_642, %swap3A_643] {strides = array<i32>} : memref<50x44xf32, #tpu.memory_space<vmem>>, vector<1x16xf32>,
      %swap3A_645 = vector.shape_cast %swap3A_644 : vector<1x16xf32> to vector<16xf32>
      %swap3A_646 = vector.shape_cast %get3A_640 : vector<16xf32> to vector<1x16xf32>
      tpu.vector_store %arg11[%swap3A_642, %swap3A_643], %swap3A_646 {strides = array<i32>} : memref<50x44xf32, #tpu.memory_space<vmem>>, vector<1x16xf32>,
      %get3A_647 = arith.constant 15 : i32
      %get3A_648 = arith.index_cast %get3A_647 : i32 to index
      %get3A_649 = arith.constant 16 : index
      %get3A_650 = tpu.vector_load %arg10[%get3A_648, %get3A_649] {strides = array<i32>} : memref<50x128xf32, #tpu.memory_space<vmem>>, vector<1x16xf32>,
      %get3A_651 = vector.shape_cast %get3A_650 : vector<1x16xf32> to vector<16xf32>
      %swap3A_652 = arith.constant 15 : i32
      %swap3A_653 = arith.index_cast %swap3A_652 : i32 to index
      %swap3A_654 = arith.constant 16 : index
      %swap3A_655 = tpu.vector_load %arg11[%swap3A_653, %swap3A_654] {strides = array<i32>} : memref<50x44xf32, #tpu.memory_space<vmem>>, vector<1x16xf32>,
      %swap3A_656 = vector.shape_cast %swap3A_655 : vector<1x16xf32> to vector<16xf32>
      %swap3A_657 = vector.shape_cast %get3A_651 : vector<16xf32> to vector<1x16xf32>
      tpu.vector_store %arg11[%swap3A_653, %swap3A_654], %swap3A_657 {strides = array<i32>} : memref<50x44xf32, #tpu.memory_space<vmem>>, vector<1x16xf32>,
      %get3A_658 = arith.constant 15 : i32
      %get3A_659 = arith.index_cast %get3A_658 : i32 to index
      %get3A_660 = arith.constant 28 : index
      %get3A_661 = tpu.vector_load %arg10[%get3A_659, %get3A_660] {strides = array<i32>} : memref<50x128xf32, #tpu.memory_space<vmem>>, vector<1x16xf32>,
      %get3A_662 = vector.shape_cast %get3A_661 : vector<1x16xf32> to vector<16xf32>
      %swap3A_663 = arith.constant 15 : i32
      %swap3A_664 = arith.index_cast %swap3A_663 : i32 to index
      %swap3A_665 = arith.constant 28 : index
      %swap3A_666 = tpu.vector_load %arg11[%swap3A_664, %swap3A_665] {strides = array<i32>} : memref<50x44xf32, #tpu.memory_space<vmem>>, vector<1x16xf32>,
      %swap3A_667 = vector.shape_cast %swap3A_666 : vector<1x16xf32> to vector<16xf32>
      %swap3A_668 = vector.shape_cast %get3A_662 : vector<16xf32> to vector<1x16xf32>
      tpu.vector_store %arg11[%swap3A_664, %swap3A_665], %swap3A_668 {strides = array<i32>} : memref<50x44xf32, #tpu.memory_space<vmem>>, vector<1x16xf32>,
      %get3A_669 = arith.constant 16 : i32
      %get3A_670 = arith.index_cast %get3A_669 : i32 to index
      %get3A_671 = arith.constant 0 : index
      %get3A_672 = tpu.vector_load %arg10[%get3A_670, %get3A_671] {strides = array<i32>} : memref<50x128xf32, #tpu.memory_space<vmem>>, vector<1x16xf32>,
      %get3A_673 = vector.shape_cast %get3A_672 : vector<1x16xf32> to vector<16xf32>
      %swap3A_674 = arith.constant 16 : i32
      %swap3A_675 = arith.index_cast %swap3A_674 : i32 to index
      %swap3A_676 = arith.constant 0 : index
      %swap3A_677 = tpu.vector_load %arg11[%swap3A_675, %swap3A_676] {strides = array<i32>} : memref<50x44xf32, #tpu.memory_space<vmem>>, vector<1x16xf32>,
      %swap3A_678 = vector.shape_cast %swap3A_677 : vector<1x16xf32> to vector<16xf32>
      %swap3A_679 = vector.shape_cast %get3A_673 : vector<16xf32> to vector<1x16xf32>
      tpu.vector_store %arg11[%swap3A_675, %swap3A_676], %swap3A_679 {strides = array<i32>} : memref<50x44xf32, #tpu.memory_space<vmem>>, vector<1x16xf32>,
      %get3A_680 = arith.constant 16 : i32
      %get3A_681 = arith.index_cast %get3A_680 : i32 to index
      %get3A_682 = arith.constant 16 : index
      %get3A_683 = tpu.vector_load %arg10[%get3A_681, %get3A_682] {strides = array<i32>} : memref<50x128xf32, #tpu.memory_space<vmem>>, vector<1x16xf32>,
      %get3A_684 = vector.shape_cast %get3A_683 : vector<1x16xf32> to vector<16xf32>
      %swap3A_685 = arith.constant 16 : i32
      %swap3A_686 = arith.index_cast %swap3A_685 : i32 to index
      %swap3A_687 = arith.constant 16 : index
      %swap3A_688 = tpu.vector_load %arg11[%swap3A_686, %swap3A_687] {strides = array<i32>} : memref<50x44xf32, #tpu.memory_space<vmem>>, vector<1x16xf32>,
      %swap3A_689 = vector.shape_cast %swap3A_688 : vector<1x16xf32> to vector<16xf32>
      %swap3A_690 = vector.shape_cast %get3A_684 : vector<16xf32> to vector<1x16xf32>
      tpu.vector_store %arg11[%swap3A_686, %swap3A_687], %swap3A_690 {strides = array<i32>} : memref<50x44xf32, #tpu.memory_space<vmem>>, vector<1x16xf32>,
      %get3A_691 = arith.constant 16 : i32
      %get3A_692 = arith.index_cast %get3A_691 : i32 to index
      %get3A_693 = arith.constant 28 : index
      %get3A_694 = tpu.vector_load %arg10[%get3A_692, %get3A_693] {strides = array<i32>} : memref<50x128xf32, #tpu.memory_space<vmem>>, vector<1x16xf32>,
      %get3A_695 = vector.shape_cast %get3A_694 : vector<1x16xf32> to vector<16xf32>
      %swap3A_696 = arith.constant 16 : i32
      %swap3A_697 = arith.index_cast %swap3A_696 : i32 to index
      %swap3A_698 = arith.constant 28 : index
      %swap3A_699 = tpu.vector_load %arg11[%swap3A_697, %swap3A_698] {strides = array<i32>} : memref<50x44xf32, #tpu.memory_space<vmem>>, vector<1x16xf32>,
      %swap3A_700 = vector.shape_cast %swap3A_699 : vector<1x16xf32> to vector<16xf32>
      %swap3A_701 = vector.shape_cast %get3A_695 : vector<16xf32> to vector<1x16xf32>
      tpu.vector_store %arg11[%swap3A_697, %swap3A_698], %swap3A_701 {strides = array<i32>} : memref<50x44xf32, #tpu.memory_space<vmem>>, vector<1x16xf32>,
      %get3A_702 = arith.constant 17 : i32
      %get3A_703 = arith.index_cast %get3A_702 : i32 to index
      %get3A_704 = arith.constant 0 : index
      %get3A_705 = tpu.vector_load %arg10[%get3A_703, %get3A_704] {strides = array<i32>} : memref<50x128xf32, #tpu.memory_space<vmem>>, vector<1x16xf32>,
      %get3A_706 = vector.shape_cast %get3A_705 : vector<1x16xf32> to vector<16xf32>
      %swap3A_707 = arith.constant 17 : i32
      %swap3A_708 = arith.index_cast %swap3A_707 : i32 to index
      %swap3A_709 = arith.constant 0 : index
      %swap3A_710 = tpu.vector_load %arg11[%swap3A_708, %swap3A_709] {strides = array<i32>} : memref<50x44xf32, #tpu.memory_space<vmem>>, vector<1x16xf32>,
      %swap3A_711 = vector.shape_cast %swap3A_710 : vector<1x16xf32> to vector<16xf32>
      %swap3A_712 = vector.shape_cast %get3A_706 : vector<16xf32> to vector<1x16xf32>
      tpu.vector_store %arg11[%swap3A_708, %swap3A_709], %swap3A_712 {strides = array<i32>} : memref<50x44xf32, #tpu.memory_space<vmem>>, vector<1x16xf32>,
      %get3A_713 = arith.constant 17 : i32
      %get3A_714 = arith.index_cast %get3A_713 : i32 to index
      %get3A_715 = arith.constant 16 : index
      %get3A_716 = tpu.vector_load %arg10[%get3A_714, %get3A_715] {strides = array<i32>} : memref<50x128xf32, #tpu.memory_space<vmem>>, vector<1x16xf32>,
      %get3A_717 = vector.shape_cast %get3A_716 : vector<1x16xf32> to vector<16xf32>
      %swap3A_718 = arith.constant 17 : i32
      %swap3A_719 = arith.index_cast %swap3A_718 : i32 to index
      %swap3A_720 = arith.constant 16 : index
      %swap3A_721 = tpu.vector_load %arg11[%swap3A_719, %swap3A_720] {strides = array<i32>} : memref<50x44xf32, #tpu.memory_space<vmem>>, vector<1x16xf32>,
      %swap3A_722 = vector.shape_cast %swap3A_721 : vector<1x16xf32> to vector<16xf32>
      %swap3A_723 = vector.shape_cast %get3A_717 : vector<16xf32> to vector<1x16xf32>
      tpu.vector_store %arg11[%swap3A_719, %swap3A_720], %swap3A_723 {strides = array<i32>} : memref<50x44xf32, #tpu.memory_space<vmem>>, vector<1x16xf32>,
      %get3A_724 = arith.constant 17 : i32
      %get3A_725 = arith.index_cast %get3A_724 : i32 to index
      %get3A_726 = arith.constant 28 : index
      %get3A_727 = tpu.vector_load %arg10[%get3A_725, %get3A_726] {strides = array<i32>} : memref<50x128xf32, #tpu.memory_space<vmem>>, vector<1x16xf32>,
      %get3A_728 = vector.shape_cast %get3A_727 : vector<1x16xf32> to vector<16xf32>
      %swap3A_729 = arith.constant 17 : i32
      %swap3A_730 = arith.index_cast %swap3A_729 : i32 to index
      %swap3A_731 = arith.constant 28 : index
      %swap3A_732 = tpu.vector_load %arg11[%swap3A_730, %swap3A_731] {strides = array<i32>} : memref<50x44xf32, #tpu.memory_space<vmem>>, vector<1x16xf32>,
      %swap3A_733 = vector.shape_cast %swap3A_732 : vector<1x16xf32> to vector<16xf32>
      %swap3A_734 = vector.shape_cast %get3A_728 : vector<16xf32> to vector<1x16xf32>
      tpu.vector_store %arg11[%swap3A_730, %swap3A_731], %swap3A_734 {strides = array<i32>} : memref<50x44xf32, #tpu.memory_space<vmem>>, vector<1x16xf32>,
      %get3A_735 = arith.constant 18 : i32
      %get3A_736 = arith.index_cast %get3A_735 : i32 to index
      %get3A_737 = arith.constant 0 : index
      %get3A_738 = tpu.vector_load %arg10[%get3A_736, %get3A_737] {strides = array<i32>} : memref<50x128xf32, #tpu.memory_space<vmem>>, vector<1x16xf32>,
      %get3A_739 = vector.shape_cast %get3A_738 : vector<1x16xf32> to vector<16xf32>
      %swap3A_740 = arith.constant 18 : i32
      %swap3A_741 = arith.index_cast %swap3A_740 : i32 to index
      %swap3A_742 = arith.constant 0 : index
      %swap3A_743 = tpu.vector_load %arg11[%swap3A_741, %swap3A_742] {strides = array<i32>} : memref<50x44xf32, #tpu.memory_space<vmem>>, vector<1x16xf32>,
      %swap3A_744 = vector.shape_cast %swap3A_743 : vector<1x16xf32> to vector<16xf32>
      %swap3A_745 = vector.shape_cast %get3A_739 : vector<16xf32> to vector<1x16xf32>
      tpu.vector_store %arg11[%swap3A_741, %swap3A_742], %swap3A_745 {strides = array<i32>} : memref<50x44xf32, #tpu.memory_space<vmem>>, vector<1x16xf32>,
      %get3A_746 = arith.constant 18 : i32
      %get3A_747 = arith.index_cast %get3A_746 : i32 to index
      %get3A_748 = arith.constant 16 : index
      %get3A_749 = tpu.vector_load %arg10[%get3A_747, %get3A_748] {strides = array<i32>} : memref<50x128xf32, #tpu.memory_space<vmem>>, vector<1x16xf32>,
      %get3A_750 = vector.shape_cast %get3A_749 : vector<1x16xf32> to vector<16xf32>
      %swap3A_751 = arith.constant 18 : i32
      %swap3A_752 = arith.index_cast %swap3A_751 : i32 to index
      %swap3A_753 = arith.constant 16 : index
      %swap3A_754 = tpu.vector_load %arg11[%swap3A_752, %swap3A_753] {strides = array<i32>} : memref<50x44xf32, #tpu.memory_space<vmem>>, vector<1x16xf32>,
      %swap3A_755 = vector.shape_cast %swap3A_754 : vector<1x16xf32> to vector<16xf32>
      %swap3A_756 = vector.shape_cast %get3A_750 : vector<16xf32> to vector<1x16xf32>
      tpu.vector_store %arg11[%swap3A_752, %swap3A_753], %swap3A_756 {strides = array<i32>} : memref<50x44xf32, #tpu.memory_space<vmem>>, vector<1x16xf32>,
      %get3A_757 = arith.constant 18 : i32
      %get3A_758 = arith.index_cast %get3A_757 : i32 to index
      %get3A_759 = arith.constant 28 : index
      %get3A_760 = tpu.vector_load %arg10[%get3A_758, %get3A_759] {strides = array<i32>} : memref<50x128xf32, #tpu.memory_space<vmem>>, vector<1x16xf32>,
      %get3A_761 = vector.shape_cast %get3A_760 : vector<1x16xf32> to vector<16xf32>
      %swap3A_762 = arith.constant 18 : i32
      %swap3A_763 = arith.index_cast %swap3A_762 : i32 to index
      %swap3A_764 = arith.constant 28 : index
      %swap3A_765 = tpu.vector_load %arg11[%swap3A_763, %swap3A_764] {strides = array<i32>} : memref<50x44xf32, #tpu.memory_space<vmem>>, vector<1x16xf32>,
      %swap3A_766 = vector.shape_cast %swap3A_765 : vector<1x16xf32> to vector<16xf32>
      %swap3A_767 = vector.shape_cast %get3A_761 : vector<16xf32> to vector<1x16xf32>
      tpu.vector_store %arg11[%swap3A_763, %swap3A_764], %swap3A_767 {strides = array<i32>} : memref<50x44xf32, #tpu.memory_space<vmem>>, vector<1x16xf32>,
      %get3A_768 = arith.constant 19 : i32
      %get3A_769 = arith.index_cast %get3A_768 : i32 to index
      %get3A_770 = arith.constant 0 : index
      %get3A_771 = tpu.vector_load %arg10[%get3A_769, %get3A_770] {strides = array<i32>} : memref<50x128xf32, #tpu.memory_space<vmem>>, vector<1x16xf32>,
      %get3A_772 = vector.shape_cast %get3A_771 : vector<1x16xf32> to vector<16xf32>
      %swap3A_773 = arith.constant 19 : i32
      %swap3A_774 = arith.index_cast %swap3A_773 : i32 to index
      %swap3A_775 = arith.constant 0 : index
      %swap3A_776 = tpu.vector_load %arg11[%swap3A_774, %swap3A_775] {strides = array<i32>} : memref<50x44xf32, #tpu.memory_space<vmem>>, vector<1x16xf32>,
      %swap3A_777 = vector.shape_cast %swap3A_776 : vector<1x16xf32> to vector<16xf32>
      %swap3A_778 = vector.shape_cast %get3A_772 : vector<16xf32> to vector<1x16xf32>
      tpu.vector_store %arg11[%swap3A_774, %swap3A_775], %swap3A_778 {strides = array<i32>} : memref<50x44xf32, #tpu.memory_space<vmem>>, vector<1x16xf32>,
      %get3A_779 = arith.constant 19 : i32
      %get3A_780 = arith.index_cast %get3A_779 : i32 to index
      %get3A_781 = arith.constant 16 : index
      %get3A_782 = tpu.vector_load %arg10[%get3A_780, %get3A_781] {strides = array<i32>} : memref<50x128xf32, #tpu.memory_space<vmem>>, vector<1x16xf32>,
      %get3A_783 = vector.shape_cast %get3A_782 : vector<1x16xf32> to vector<16xf32>
      %swap3A_784 = arith.constant 19 : i32
      %swap3A_785 = arith.index_cast %swap3A_784 : i32 to index
      %swap3A_786 = arith.constant 16 : index
      %swap3A_787 = tpu.vector_load %arg11[%swap3A_785, %swap3A_786] {strides = array<i32>} : memref<50x44xf32, #tpu.memory_space<vmem>>, vector<1x16xf32>,
      %swap3A_788 = vector.shape_cast %swap3A_787 : vector<1x16xf32> to vector<16xf32>
      %swap3A_789 = vector.shape_cast %get3A_783 : vector<16xf32> to vector<1x16xf32>
      tpu.vector_store %arg11[%swap3A_785, %swap3A_786], %swap3A_789 {strides = array<i32>} : memref<50x44xf32, #tpu.memory_space<vmem>>, vector<1x16xf32>,
      %get3A_790 = arith.constant 19 : i32
      %get3A_791 = arith.index_cast %get3A_790 : i32 to index
      %get3A_792 = arith.constant 28 : index
      %get3A_793 = tpu.vector_load %arg10[%get3A_791, %get3A_792] {strides = array<i32>} : memref<50x128xf32, #tpu.memory_space<vmem>>, vector<1x16xf32>,
      %get3A_794 = vector.shape_cast %get3A_793 : vector<1x16xf32> to vector<16xf32>
      %swap3A_795 = arith.constant 19 : i32
      %swap3A_796 = arith.index_cast %swap3A_795 : i32 to index
      %swap3A_797 = arith.constant 28 : index
      %swap3A_798 = tpu.vector_load %arg11[%swap3A_796, %swap3A_797] {strides = array<i32>} : memref<50x44xf32, #tpu.memory_space<vmem>>, vector<1x16xf32>,
      %swap3A_799 = vector.shape_cast %swap3A_798 : vector<1x16xf32> to vector<16xf32>
      %swap3A_800 = vector.shape_cast %get3A_794 : vector<16xf32> to vector<1x16xf32>
      tpu.vector_store %arg11[%swap3A_796, %swap3A_797], %swap3A_800 {strides = array<i32>} : memref<50x44xf32, #tpu.memory_space<vmem>>, vector<1x16xf32>,
      %get3A_801 = arith.constant 20 : i32
      %get3A_802 = arith.index_cast %get3A_801 : i32 to index
      %get3A_803 = arith.constant 0 : index
      %get3A_804 = tpu.vector_load %arg10[%get3A_802, %get3A_803] {strides = array<i32>} : memref<50x128xf32, #tpu.memory_space<vmem>>, vector<1x16xf32>,
      %get3A_805 = vector.shape_cast %get3A_804 : vector<1x16xf32> to vector<16xf32>
      %swap3A_806 = arith.constant 20 : i32
      %swap3A_807 = arith.index_cast %swap3A_806 : i32 to index
      %swap3A_808 = arith.constant 0 : index
      %swap3A_809 = tpu.vector_load %arg11[%swap3A_807, %swap3A_808] {strides = array<i32>} : memref<50x44xf32, #tpu.memory_space<vmem>>, vector<1x16xf32>,
      %swap3A_810 = vector.shape_cast %swap3A_809 : vector<1x16xf32> to vector<16xf32>
      %swap3A_811 = vector.shape_cast %get3A_805 : vector<16xf32> to vector<1x16xf32>
      tpu.vector_store %arg11[%swap3A_807, %swap3A_808], %swap3A_811 {strides = array<i32>} : memref<50x44xf32, #tpu.memory_space<vmem>>, vector<1x16xf32>,
      %get3A_812 = arith.constant 20 : i32
      %get3A_813 = arith.index_cast %get3A_812 : i32 to index
      %get3A_814 = arith.constant 16 : index
      %get3A_815 = tpu.vector_load %arg10[%get3A_813, %get3A_814] {strides = array<i32>} : memref<50x128xf32, #tpu.memory_space<vmem>>, vector<1x16xf32>,
      %get3A_816 = vector.shape_cast %get3A_815 : vector<1x16xf32> to vector<16xf32>
      %swap3A_817 = arith.constant 20 : i32
      %swap3A_818 = arith.index_cast %swap3A_817 : i32 to index
      %swap3A_819 = arith.constant 16 : index
      %swap3A_820 = tpu.vector_load %arg11[%swap3A_818, %swap3A_819] {strides = array<i32>} : memref<50x44xf32, #tpu.memory_space<vmem>>, vector<1x16xf32>,
      %swap3A_821 = vector.shape_cast %swap3A_820 : vector<1x16xf32> to vector<16xf32>
      %swap3A_822 = vector.shape_cast %get3A_816 : vector<16xf32> to vector<1x16xf32>
      tpu.vector_store %arg11[%swap3A_818, %swap3A_819], %swap3A_822 {strides = array<i32>} : memref<50x44xf32, #tpu.memory_space<vmem>>, vector<1x16xf32>,
      %get3A_823 = arith.constant 20 : i32
      %get3A_824 = arith.index_cast %get3A_823 : i32 to index
      %get3A_825 = arith.constant 28 : index
      %get3A_826 = tpu.vector_load %arg10[%get3A_824, %get3A_825] {strides = array<i32>} : memref<50x128xf32, #tpu.memory_space<vmem>>, vector<1x16xf32>,
      %get3A_827 = vector.shape_cast %get3A_826 : vector<1x16xf32> to vector<16xf32>
      %swap3A_828 = arith.constant 20 : i32
      %swap3A_829 = arith.index_cast %swap3A_828 : i32 to index
      %swap3A_830 = arith.constant 28 : index
      %swap3A_831 = tpu.vector_load %arg11[%swap3A_829, %swap3A_830] {strides = array<i32>} : memref<50x44xf32, #tpu.memory_space<vmem>>, vector<1x16xf32>,
      %swap3A_832 = vector.shape_cast %swap3A_831 : vector<1x16xf32> to vector<16xf32>
      %swap3A_833 = vector.shape_cast %get3A_827 : vector<16xf32> to vector<1x16xf32>
      tpu.vector_store %arg11[%swap3A_829, %swap3A_830], %swap3A_833 {strides = array<i32>} : memref<50x44xf32, #tpu.memory_space<vmem>>, vector<1x16xf32>,
      %get3A_834 = arith.constant 21 : i32
      %get3A_835 = arith.index_cast %get3A_834 : i32 to index
      %get3A_836 = arith.constant 0 : index
      %get3A_837 = tpu.vector_load %arg10[%get3A_835, %get3A_836] {strides = array<i32>} : memref<50x128xf32, #tpu.memory_space<vmem>>, vector<1x16xf32>,
      %get3A_838 = vector.shape_cast %get3A_837 : vector<1x16xf32> to vector<16xf32>
      %swap3A_839 = arith.constant 21 : i32
      %swap3A_840 = arith.index_cast %swap3A_839 : i32 to index
      %swap3A_841 = arith.constant 0 : index
      %swap3A_842 = tpu.vector_load %arg11[%swap3A_840, %swap3A_841] {strides = array<i32>} : memref<50x44xf32, #tpu.memory_space<vmem>>, vector<1x16xf32>,
      %swap3A_843 = vector.shape_cast %swap3A_842 : vector<1x16xf32> to vector<16xf32>
      %swap3A_844 = vector.shape_cast %get3A_838 : vector<16xf32> to vector<1x16xf32>
      tpu.vector_store %arg11[%swap3A_840, %swap3A_841], %swap3A_844 {strides = array<i32>} : memref<50x44xf32, #tpu.memory_space<vmem>>, vector<1x16xf32>,
      %get3A_845 = arith.constant 21 : i32
      %get3A_846 = arith.index_cast %get3A_845 : i32 to index
      %get3A_847 = arith.constant 16 : index
      %get3A_848 = tpu.vector_load %arg10[%get3A_846, %get3A_847] {strides = array<i32>} : memref<50x128xf32, #tpu.memory_space<vmem>>, vector<1x16xf32>,
      %get3A_849 = vector.shape_cast %get3A_848 : vector<1x16xf32> to vector<16xf32>
      %swap3A_850 = arith.constant 21 : i32
      %swap3A_851 = arith.index_cast %swap3A_850 : i32 to index
      %swap3A_852 = arith.constant 16 : index
      %swap3A_853 = tpu.vector_load %arg11[%swap3A_851, %swap3A_852] {strides = array<i32>} : memref<50x44xf32, #tpu.memory_space<vmem>>, vector<1x16xf32>,
      %swap3A_854 = vector.shape_cast %swap3A_853 : vector<1x16xf32> to vector<16xf32>
      %swap3A_855 = vector.shape_cast %get3A_849 : vector<16xf32> to vector<1x16xf32>
      tpu.vector_store %arg11[%swap3A_851, %swap3A_852], %swap3A_855 {strides = array<i32>} : memref<50x44xf32, #tpu.memory_space<vmem>>, vector<1x16xf32>,
      %get3A_856 = arith.constant 21 : i32
      %get3A_857 = arith.index_cast %get3A_856 : i32 to index
      %get3A_858 = arith.constant 28 : index
      %get3A_859 = tpu.vector_load %arg10[%get3A_857, %get3A_858] {strides = array<i32>} : memref<50x128xf32, #tpu.memory_space<vmem>>, vector<1x16xf32>,
      %get3A_860 = vector.shape_cast %get3A_859 : vector<1x16xf32> to vector<16xf32>
      %swap3A_861 = arith.constant 21 : i32
      %swap3A_862 = arith.index_cast %swap3A_861 : i32 to index
      %swap3A_863 = arith.constant 28 : index
      %swap3A_864 = tpu.vector_load %arg11[%swap3A_862, %swap3A_863] {strides = array<i32>} : memref<50x44xf32, #tpu.memory_space<vmem>>, vector<1x16xf32>,
      %swap3A_865 = vector.shape_cast %swap3A_864 : vector<1x16xf32> to vector<16xf32>
      %swap3A_866 = vector.shape_cast %get3A_860 : vector<16xf32> to vector<1x16xf32>
      tpu.vector_store %arg11[%swap3A_862, %swap3A_863], %swap3A_866 {strides = array<i32>} : memref<50x44xf32, #tpu.memory_space<vmem>>, vector<1x16xf32>,
      %get3A_867 = arith.constant 22 : i32
      %get3A_868 = arith.index_cast %get3A_867 : i32 to index
      %get3A_869 = arith.constant 0 : index
      %get3A_870 = tpu.vector_load %arg10[%get3A_868, %get3A_869] {strides = array<i32>} : memref<50x128xf32, #tpu.memory_space<vmem>>, vector<1x16xf32>,
      %get3A_871 = vector.shape_cast %get3A_870 : vector<1x16xf32> to vector<16xf32>
      %swap3A_872 = arith.constant 22 : i32
      %swap3A_873 = arith.index_cast %swap3A_872 : i32 to index
      %swap3A_874 = arith.constant 0 : index
      %swap3A_875 = tpu.vector_load %arg11[%swap3A_873, %swap3A_874] {strides = array<i32>} : memref<50x44xf32, #tpu.memory_space<vmem>>, vector<1x16xf32>,
      %swap3A_876 = vector.shape_cast %swap3A_875 : vector<1x16xf32> to vector<16xf32>
      %swap3A_877 = vector.shape_cast %get3A_871 : vector<16xf32> to vector<1x16xf32>
      tpu.vector_store %arg11[%swap3A_873, %swap3A_874], %swap3A_877 {strides = array<i32>} : memref<50x44xf32, #tpu.memory_space<vmem>>, vector<1x16xf32>,
      %get3A_878 = arith.constant 22 : i32
      %get3A_879 = arith.index_cast %get3A_878 : i32 to index
      %get3A_880 = arith.constant 16 : index
      %get3A_881 = tpu.vector_load %arg10[%get3A_879, %get3A_880] {strides = array<i32>} : memref<50x128xf32, #tpu.memory_space<vmem>>, vector<1x16xf32>,
      %get3A_882 = vector.shape_cast %get3A_881 : vector<1x16xf32> to vector<16xf32>
      %swap3A_883 = arith.constant 22 : i32
      %swap3A_884 = arith.index_cast %swap3A_883 : i32 to index
      %swap3A_885 = arith.constant 16 : index
      %swap3A_886 = tpu.vector_load %arg11[%swap3A_884, %swap3A_885] {strides = array<i32>} : memref<50x44xf32, #tpu.memory_space<vmem>>, vector<1x16xf32>,
      %swap3A_887 = vector.shape_cast %swap3A_886 : vector<1x16xf32> to vector<16xf32>
      %swap3A_888 = vector.shape_cast %get3A_882 : vector<16xf32> to vector<1x16xf32>
      tpu.vector_store %arg11[%swap3A_884, %swap3A_885], %swap3A_888 {strides = array<i32>} : memref<50x44xf32, #tpu.memory_space<vmem>>, vector<1x16xf32>,
      %get3A_889 = arith.constant 22 : i32
      %get3A_890 = arith.index_cast %get3A_889 : i32 to index
      %get3A_891 = arith.constant 28 : index
      %get3A_892 = tpu.vector_load %arg10[%get3A_890, %get3A_891] {strides = array<i32>} : memref<50x128xf32, #tpu.memory_space<vmem>>, vector<1x16xf32>,
      %get3A_893 = vector.shape_cast %get3A_892 : vector<1x16xf32> to vector<16xf32>
      %swap3A_894 = arith.constant 22 : i32
      %swap3A_895 = arith.index_cast %swap3A_894 : i32 to index
      %swap3A_896 = arith.constant 28 : index
      %swap3A_897 = tpu.vector_load %arg11[%swap3A_895, %swap3A_896] {strides = array<i32>} : memref<50x44xf32, #tpu.memory_space<vmem>>, vector<1x16xf32>,
      %swap3A_898 = vector.shape_cast %swap3A_897 : vector<1x16xf32> to vector<16xf32>
      %swap3A_899 = vector.shape_cast %get3A_893 : vector<16xf32> to vector<1x16xf32>
      tpu.vector_store %arg11[%swap3A_895, %swap3A_896], %swap3A_899 {strides = array<i32>} : memref<50x44xf32, #tpu.memory_space<vmem>>, vector<1x16xf32>,
      %get3A_900 = arith.constant 23 : i32
      %get3A_901 = arith.index_cast %get3A_900 : i32 to index
      %get3A_902 = arith.constant 0 : index
      %get3A_903 = tpu.vector_load %arg10[%get3A_901, %get3A_902] {strides = array<i32>} : memref<50x128xf32, #tpu.memory_space<vmem>>, vector<1x16xf32>,
      %get3A_904 = vector.shape_cast %get3A_903 : vector<1x16xf32> to vector<16xf32>
      %swap3A_905 = arith.constant 23 : i32
      %swap3A_906 = arith.index_cast %swap3A_905 : i32 to index
      %swap3A_907 = arith.constant 0 : index
      %swap3A_908 = tpu.vector_load %arg11[%swap3A_906, %swap3A_907] {strides = array<i32>} : memref<50x44xf32, #tpu.memory_space<vmem>>, vector<1x16xf32>,
      %swap3A_909 = vector.shape_cast %swap3A_908 : vector<1x16xf32> to vector<16xf32>
      %swap3A_910 = vector.shape_cast %get3A_904 : vector<16xf32> to vector<1x16xf32>
      tpu.vector_store %arg11[%swap3A_906, %swap3A_907], %swap3A_910 {strides = array<i32>} : memref<50x44xf32, #tpu.memory_space<vmem>>, vector<1x16xf32>,
      %get3A_911 = arith.constant 23 : i32
      %get3A_912 = arith.index_cast %get3A_911 : i32 to index
      %get3A_913 = arith.constant 16 : index
      %get3A_914 = tpu.vector_load %arg10[%get3A_912, %get3A_913] {strides = array<i32>} : memref<50x128xf32, #tpu.memory_space<vmem>>, vector<1x16xf32>,
      %get3A_915 = vector.shape_cast %get3A_914 : vector<1x16xf32> to vector<16xf32>
      %swap3A_916 = arith.constant 23 : i32
      %swap3A_917 = arith.index_cast %swap3A_916 : i32 to index
      %swap3A_918 = arith.constant 16 : index
      %swap3A_919 = tpu.vector_load %arg11[%swap3A_917, %swap3A_918] {strides = array<i32>} : memref<50x44xf32, #tpu.memory_space<vmem>>, vector<1x16xf32>,
      %swap3A_920 = vector.shape_cast %swap3A_919 : vector<1x16xf32> to vector<16xf32>
      %swap3A_921 = vector.shape_cast %get3A_915 : vector<16xf32> to vector<1x16xf32>
      tpu.vector_store %arg11[%swap3A_917, %swap3A_918], %swap3A_921 {strides = array<i32>} : memref<50x44xf32, #tpu.memory_space<vmem>>, vector<1x16xf32>,
      %get3A_922 = arith.constant 23 : i32
      %get3A_923 = arith.index_cast %get3A_922 : i32 to index
      %get3A_924 = arith.constant 28 : index
      %get3A_925 = tpu.vector_load %arg10[%get3A_923, %get3A_924] {strides = array<i32>} : memref<50x128xf32, #tpu.memory_space<vmem>>, vector<1x16xf32>,
      %get3A_926 = vector.shape_cast %get3A_925 : vector<1x16xf32> to vector<16xf32>
      %swap3A_927 = arith.constant 23 : i32
      %swap3A_928 = arith.index_cast %swap3A_927 : i32 to index
      %swap3A_929 = arith.constant 28 : index
      %swap3A_930 = tpu.vector_load %arg11[%swap3A_928, %swap3A_929] {strides = array<i32>} : memref<50x44xf32, #tpu.memory_space<vmem>>, vector<1x16xf32>,
      %swap3A_931 = vector.shape_cast %swap3A_930 : vector<1x16xf32> to vector<16xf32>
      %swap3A_932 = vector.shape_cast %get3A_926 : vector<16xf32> to vector<1x16xf32>
      tpu.vector_store %arg11[%swap3A_928, %swap3A_929], %swap3A_932 {strides = array<i32>} : memref<50x44xf32, #tpu.memory_space<vmem>>, vector<1x16xf32>,
      %get3A_933 = arith.constant 24 : i32
      %get3A_934 = arith.index_cast %get3A_933 : i32 to index
      %get3A_935 = arith.constant 0 : index
      %get3A_936 = tpu.vector_load %arg10[%get3A_934, %get3A_935] {strides = array<i32>} : memref<50x128xf32, #tpu.memory_space<vmem>>, vector<1x16xf32>,
      %get3A_937 = vector.shape_cast %get3A_936 : vector<1x16xf32> to vector<16xf32>
      %swap3A_938 = arith.constant 24 : i32
      %swap3A_939 = arith.index_cast %swap3A_938 : i32 to index
      %swap3A_940 = arith.constant 0 : index
      %swap3A_941 = tpu.vector_load %arg11[%swap3A_939, %swap3A_940] {strides = array<i32>} : memref<50x44xf32, #tpu.memory_space<vmem>>, vector<1x16xf32>,
      %swap3A_942 = vector.shape_cast %swap3A_941 : vector<1x16xf32> to vector<16xf32>
      %swap3A_943 = vector.shape_cast %get3A_937 : vector<16xf32> to vector<1x16xf32>
      tpu.vector_store %arg11[%swap3A_939, %swap3A_940], %swap3A_943 {strides = array<i32>} : memref<50x44xf32, #tpu.memory_space<vmem>>, vector<1x16xf32>,
      %get3A_944 = arith.constant 24 : i32
      %get3A_945 = arith.index_cast %get3A_944 : i32 to index
      %get3A_946 = arith.constant 16 : index
      %get3A_947 = tpu.vector_load %arg10[%get3A_945, %get3A_946] {strides = array<i32>} : memref<50x128xf32, #tpu.memory_space<vmem>>, vector<1x16xf32>,
      %get3A_948 = vector.shape_cast %get3A_947 : vector<1x16xf32> to vector<16xf32>
      %swap3A_949 = arith.constant 24 : i32
      %swap3A_950 = arith.index_cast %swap3A_949 : i32 to index
      %swap3A_951 = arith.constant 16 : index
      %swap3A_952 = tpu.vector_load %arg11[%swap3A_950, %swap3A_951] {strides = array<i32>} : memref<50x44xf32, #tpu.memory_space<vmem>>, vector<1x16xf32>,
      %swap3A_953 = vector.shape_cast %swap3A_952 : vector<1x16xf32> to vector<16xf32>
      %swap3A_954 = vector.shape_cast %get3A_948 : vector<16xf32> to vector<1x16xf32>
      tpu.vector_store %arg11[%swap3A_950, %swap3A_951], %swap3A_954 {strides = array<i32>} : memref<50x44xf32, #tpu.memory_space<vmem>>, vector<1x16xf32>,
      %get3A_955 = arith.constant 24 : i32
      %get3A_956 = arith.index_cast %get3A_955 : i32 to index
      %get3A_957 = arith.constant 28 : index
      %get3A_958 = tpu.vector_load %arg10[%get3A_956, %get3A_957] {strides = array<i32>} : memref<50x128xf32, #tpu.memory_space<vmem>>, vector<1x16xf32>,
      %get3A_959 = vector.shape_cast %get3A_958 : vector<1x16xf32> to vector<16xf32>
      %swap3A_960 = arith.constant 24 : i32
      %swap3A_961 = arith.index_cast %swap3A_960 : i32 to index
      %swap3A_962 = arith.constant 28 : index
      %swap3A_963 = tpu.vector_load %arg11[%swap3A_961, %swap3A_962] {strides = array<i32>} : memref<50x44xf32, #tpu.memory_space<vmem>>, vector<1x16xf32>,
      %swap3A_964 = vector.shape_cast %swap3A_963 : vector<1x16xf32> to vector<16xf32>
      %swap3A_965 = vector.shape_cast %get3A_959 : vector<16xf32> to vector<1x16xf32>
      tpu.vector_store %arg11[%swap3A_961, %swap3A_962], %swap3A_965 {strides = array<i32>} : memref<50x44xf32, #tpu.memory_space<vmem>>, vector<1x16xf32>,
      %get3A_966 = arith.constant 25 : i32
      %get3A_967 = arith.index_cast %get3A_966 : i32 to index
      %get3A_968 = arith.constant 0 : index
      %get3A_969 = tpu.vector_load %arg10[%get3A_967, %get3A_968] {strides = array<i32>} : memref<50x128xf32, #tpu.memory_space<vmem>>, vector<1x16xf32>,
      %get3A_970 = vector.shape_cast %get3A_969 : vector<1x16xf32> to vector<16xf32>
      %swap3A_971 = arith.constant 25 : i32
      %swap3A_972 = arith.index_cast %swap3A_971 : i32 to index
      %swap3A_973 = arith.constant 0 : index
      %swap3A_974 = tpu.vector_load %arg11[%swap3A_972, %swap3A_973] {strides = array<i32>} : memref<50x44xf32, #tpu.memory_space<vmem>>, vector<1x16xf32>,
      %swap3A_975 = vector.shape_cast %swap3A_974 : vector<1x16xf32> to vector<16xf32>
      %swap3A_976 = vector.shape_cast %get3A_970 : vector<16xf32> to vector<1x16xf32>
      tpu.vector_store %arg11[%swap3A_972, %swap3A_973], %swap3A_976 {strides = array<i32>} : memref<50x44xf32, #tpu.memory_space<vmem>>, vector<1x16xf32>,
      %get3A_977 = arith.constant 25 : i32
      %get3A_978 = arith.index_cast %get3A_977 : i32 to index
      %get3A_979 = arith.constant 16 : index
      %get3A_980 = tpu.vector_load %arg10[%get3A_978, %get3A_979] {strides = array<i32>} : memref<50x128xf32, #tpu.memory_space<vmem>>, vector<1x16xf32>,
      %get3A_981 = vector.shape_cast %get3A_980 : vector<1x16xf32> to vector<16xf32>
      %swap3A_982 = arith.constant 25 : i32
      %swap3A_983 = arith.index_cast %swap3A_982 : i32 to index
      %swap3A_984 = arith.constant 16 : index
      %swap3A_985 = tpu.vector_load %arg11[%swap3A_983, %swap3A_984] {strides = array<i32>} : memref<50x44xf32, #tpu.memory_space<vmem>>, vector<1x16xf32>,
      %swap3A_986 = vector.shape_cast %swap3A_985 : vector<1x16xf32> to vector<16xf32>
      %swap3A_987 = vector.shape_cast %get3A_981 : vector<16xf32> to vector<1x16xf32>
      tpu.vector_store %arg11[%swap3A_983, %swap3A_984], %swap3A_987 {strides = array<i32>} : memref<50x44xf32, #tpu.memory_space<vmem>>, vector<1x16xf32>,
      %get3A_988 = arith.constant 25 : i32
      %get3A_989 = arith.index_cast %get3A_988 : i32 to index
      %get3A_990 = arith.constant 28 : index
      %get3A_991 = tpu.vector_load %arg10[%get3A_989, %get3A_990] {strides = array<i32>} : memref<50x128xf32, #tpu.memory_space<vmem>>, vector<1x16xf32>,
      %get3A_992 = vector.shape_cast %get3A_991 : vector<1x16xf32> to vector<16xf32>
      %swap3A_993 = arith.constant 25 : i32
      %swap3A_994 = arith.index_cast %swap3A_993 : i32 to index
      %swap3A_995 = arith.constant 28 : index
      %swap3A_996 = tpu.vector_load %arg11[%swap3A_994, %swap3A_995] {strides = array<i32>} : memref<50x44xf32, #tpu.memory_space<vmem>>, vector<1x16xf32>,
      %swap3A_997 = vector.shape_cast %swap3A_996 : vector<1x16xf32> to vector<16xf32>
      %swap3A_998 = vector.shape_cast %get3A_992 : vector<16xf32> to vector<1x16xf32>
      tpu.vector_store %arg11[%swap3A_994, %swap3A_995], %swap3A_998 {strides = array<i32>} : memref<50x44xf32, #tpu.memory_space<vmem>>, vector<1x16xf32>,
      %get3A_999 = arith.constant 26 : i32
      %get3A_1000 = arith.index_cast %get3A_999 : i32 to index
      %get3A_1001 = arith.constant 0 : index
      %get3A_1002 = tpu.vector_load %arg10[%get3A_1000, %get3A_1001] {strides = array<i32>} : memref<50x128xf32, #tpu.memory_space<vmem>>, vector<1x16xf32>,
      %get3A_1003 = vector.shape_cast %get3A_1002 : vector<1x16xf32> to vector<16xf32>
      %swap3A_1004 = arith.constant 26 : i32
      %swap3A_1005 = arith.index_cast %swap3A_1004 : i32 to index
      %swap3A_1006 = arith.constant 0 : index
      %swap3A_1007 = tpu.vector_load %arg11[%swap3A_1005, %swap3A_1006] {strides = array<i32>} : memref<50x44xf32, #tpu.memory_space<vmem>>, vector<1x16xf32>,
      %swap3A_1008 = vector.shape_cast %swap3A_1007 : vector<1x16xf32> to vector<16xf32>
      %swap3A_1009 = vector.shape_cast %get3A_1003 : vector<16xf32> to vector<1x16xf32>
      tpu.vector_store %arg11[%swap3A_1005, %swap3A_1006], %swap3A_1009 {strides = array<i32>} : memref<50x44xf32, #tpu.memory_space<vmem>>, vector<1x16xf32>,
      %get3A_1010 = arith.constant 26 : i32
      %get3A_1011 = arith.index_cast %get3A_1010 : i32 to index
      %get3A_1012 = arith.constant 16 : index
      %get3A_1013 = tpu.vector_load %arg10[%get3A_1011, %get3A_1012] {strides = array<i32>} : memref<50x128xf32, #tpu.memory_space<vmem>>, vector<1x16xf32>,
      %get3A_1014 = vector.shape_cast %get3A_1013 : vector<1x16xf32> to vector<16xf32>
      %swap3A_1015 = arith.constant 26 : i32
      %swap3A_1016 = arith.index_cast %swap3A_1015 : i32 to index
      %swap3A_1017 = arith.constant 16 : index
      %swap3A_1018 = tpu.vector_load %arg11[%swap3A_1016, %swap3A_1017] {strides = array<i32>} : memref<50x44xf32, #tpu.memory_space<vmem>>, vector<1x16xf32>,
      %swap3A_1019 = vector.shape_cast %swap3A_1018 : vector<1x16xf32> to vector<16xf32>
      %swap3A_1020 = vector.shape_cast %get3A_1014 : vector<16xf32> to vector<1x16xf32>
      tpu.vector_store %arg11[%swap3A_1016, %swap3A_1017], %swap3A_1020 {strides = array<i32>} : memref<50x44xf32, #tpu.memory_space<vmem>>, vector<1x16xf32>,
      %get3A_1021 = arith.constant 26 : i32
      %get3A_1022 = arith.index_cast %get3A_1021 : i32 to index
      %get3A_1023 = arith.constant 28 : index
      %get3A_1024 = tpu.vector_load %arg10[%get3A_1022, %get3A_1023] {strides = array<i32>} : memref<50x128xf32, #tpu.memory_space<vmem>>, vector<1x16xf32>,
      %get3A_1025 = vector.shape_cast %get3A_1024 : vector<1x16xf32> to vector<16xf32>
      %swap3A_1026 = arith.constant 26 : i32
      %swap3A_1027 = arith.index_cast %swap3A_1026 : i32 to index
      %swap3A_1028 = arith.constant 28 : index
      %swap3A_1029 = tpu.vector_load %arg11[%swap3A_1027, %swap3A_1028] {strides = array<i32>} : memref<50x44xf32, #tpu.memory_space<vmem>>, vector<1x16xf32>,
      %swap3A_1030 = vector.shape_cast %swap3A_1029 : vector<1x16xf32> to vector<16xf32>
      %swap3A_1031 = vector.shape_cast %get3A_1025 : vector<16xf32> to vector<1x16xf32>
      tpu.vector_store %arg11[%swap3A_1027, %swap3A_1028], %swap3A_1031 {strides = array<i32>} : memref<50x44xf32, #tpu.memory_space<vmem>>, vector<1x16xf32>,
      %get3A_1032 = arith.constant 27 : i32
      %get3A_1033 = arith.index_cast %get3A_1032 : i32 to index
      %get3A_1034 = arith.constant 0 : index
      %get3A_1035 = tpu.vector_load %arg10[%get3A_1033, %get3A_1034] {strides = array<i32>} : memref<50x128xf32, #tpu.memory_space<vmem>>, vector<1x16xf32>,
      %get3A_1036 = vector.shape_cast %get3A_1035 : vector<1x16xf32> to vector<16xf32>
      %swap3A_1037 = arith.constant 27 : i32
      %swap3A_1038 = arith.index_cast %swap3A_1037 : i32 to index
      %swap3A_1039 = arith.constant 0 : index
      %swap3A_1040 = tpu.vector_load %arg11[%swap3A_1038, %swap3A_1039] {strides = array<i32>} : memref<50x44xf32, #tpu.memory_space<vmem>>, vector<1x16xf32>,
      %swap3A_1041 = vector.shape_cast %swap3A_1040 : vector<1x16xf32> to vector<16xf32>
      %swap3A_1042 = vector.shape_cast %get3A_1036 : vector<16xf32> to vector<1x16xf32>
      tpu.vector_store %arg11[%swap3A_1038, %swap3A_1039], %swap3A_1042 {strides = array<i32>} : memref<50x44xf32, #tpu.memory_space<vmem>>, vector<1x16xf32>,
      %get3A_1043 = arith.constant 27 : i32
      %get3A_1044 = arith.index_cast %get3A_1043 : i32 to index
      %get3A_1045 = arith.constant 16 : index
      %get3A_1046 = tpu.vector_load %arg10[%get3A_1044, %get3A_1045] {strides = array<i32>} : memref<50x128xf32, #tpu.memory_space<vmem>>, vector<1x16xf32>,
      %get3A_1047 = vector.shape_cast %get3A_1046 : vector<1x16xf32> to vector<16xf32>
      %swap3A_1048 = arith.constant 27 : i32
      %swap3A_1049 = arith.index_cast %swap3A_1048 : i32 to index
      %swap3A_1050 = arith.constant 16 : index
      %swap3A_1051 = tpu.vector_load %arg11[%swap3A_1049, %swap3A_1050] {strides = array<i32>} : memref<50x44xf32, #tpu.memory_space<vmem>>, vector<1x16xf32>,
      %swap3A_1052 = vector.shape_cast %swap3A_1051 : vector<1x16xf32> to vector<16xf32>
      %swap3A_1053 = vector.shape_cast %get3A_1047 : vector<16xf32> to vector<1x16xf32>
      tpu.vector_store %arg11[%swap3A_1049, %swap3A_1050], %swap3A_1053 {strides = array<i32>} : memref<50x44xf32, #tpu.memory_space<vmem>>, vector<1x16xf32>,
      %get3A_1054 = arith.constant 27 : i32
      %get3A_1055 = arith.index_cast %get3A_1054 : i32 to index
      %get3A_1056 = arith.constant 28 : index
      %get3A_1057 = tpu.vector_load %arg10[%get3A_1055, %get3A_1056] {strides = array<i32>} : memref<50x128xf32, #tpu.memory_space<vmem>>, vector<1x16xf32>,
      %get3A_1058 = vector.shape_cast %get3A_1057 : vector<1x16xf32> to vector<16xf32>
      %swap3A_1059 = arith.constant 27 : i32
      %swap3A_1060 = arith.index_cast %swap3A_1059 : i32 to index
      %swap3A_1061 = arith.constant 28 : index
      %swap3A_1062 = tpu.vector_load %arg11[%swap3A_1060, %swap3A_1061] {strides = array<i32>} : memref<50x44xf32, #tpu.memory_space<vmem>>, vector<1x16xf32>,
      %swap3A_1063 = vector.shape_cast %swap3A_1062 : vector<1x16xf32> to vector<16xf32>
      %swap3A_1064 = vector.shape_cast %get3A_1058 : vector<16xf32> to vector<1x16xf32>
      tpu.vector_store %arg11[%swap3A_1060, %swap3A_1061], %swap3A_1064 {strides = array<i32>} : memref<50x44xf32, #tpu.memory_space<vmem>>, vector<1x16xf32>,
      %get3A_1065 = arith.constant 28 : i32
      %get3A_1066 = arith.index_cast %get3A_1065 : i32 to index
      %get3A_1067 = arith.constant 0 : index
      %get3A_1068 = tpu.vector_load %arg10[%get3A_1066, %get3A_1067] {strides = array<i32>} : memref<50x128xf32, #tpu.memory_space<vmem>>, vector<1x16xf32>,
      %get3A_1069 = vector.shape_cast %get3A_1068 : vector<1x16xf32> to vector<16xf32>
      %swap3A_1070 = arith.constant 28 : i32
      %swap3A_1071 = arith.index_cast %swap3A_1070 : i32 to index
      %swap3A_1072 = arith.constant 0 : index
      %swap3A_1073 = tpu.vector_load %arg11[%swap3A_1071, %swap3A_1072] {strides = array<i32>} : memref<50x44xf32, #tpu.memory_space<vmem>>, vector<1x16xf32>,
      %swap3A_1074 = vector.shape_cast %swap3A_1073 : vector<1x16xf32> to vector<16xf32>
      %swap3A_1075 = vector.shape_cast %get3A_1069 : vector<16xf32> to vector<1x16xf32>
      tpu.vector_store %arg11[%swap3A_1071, %swap3A_1072], %swap3A_1075 {strides = array<i32>} : memref<50x44xf32, #tpu.memory_space<vmem>>, vector<1x16xf32>,
      %get3A_1076 = arith.constant 28 : i32
      %get3A_1077 = arith.index_cast %get3A_1076 : i32 to index
      %get3A_1078 = arith.constant 16 : index
      %get3A_1079 = tpu.vector_load %arg10[%get3A_1077, %get3A_1078] {strides = array<i32>} : memref<50x128xf32, #tpu.memory_space<vmem>>, vector<1x16xf32>,
      %get3A_1080 = vector.shape_cast %get3A_1079 : vector<1x16xf32> to vector<16xf32>
      %swap3A_1081 = arith.constant 28 : i32
      %swap3A_1082 = arith.index_cast %swap3A_1081 : i32 to index
      %swap3A_1083 = arith.constant 16 : index
      %swap3A_1084 = tpu.vector_load %arg11[%swap3A_1082, %swap3A_1083] {strides = array<i32>} : memref<50x44xf32, #tpu.memory_space<vmem>>, vector<1x16xf32>,
      %swap3A_1085 = vector.shape_cast %swap3A_1084 : vector<1x16xf32> to vector<16xf32>
      %swap3A_1086 = vector.shape_cast %get3A_1080 : vector<16xf32> to vector<1x16xf32>
      tpu.vector_store %arg11[%swap3A_1082, %swap3A_1083], %swap3A_1086 {strides = array<i32>} : memref<50x44xf32, #tpu.memory_space<vmem>>, vector<1x16xf32>,
      %get3A_1087 = arith.constant 28 : i32
      %get3A_1088 = arith.index_cast %get3A_1087 : i32 to index
      %get3A_1089 = arith.constant 28 : index
      %get3A_1090 = tpu.vector_load %arg10[%get3A_1088, %get3A_1089] {strides = array<i32>} : memref<50x128xf32, #tpu.memory_space<vmem>>, vector<1x16xf32>,
      %get3A_1091 = vector.shape_cast %get3A_1090 : vector<1x16xf32> to vector<16xf32>
      %swap3A_1092 = arith.constant 28 : i32
      %swap3A_1093 = arith.index_cast %swap3A_1092 : i32 to index
      %swap3A_1094 = arith.constant 28 : index
      %swap3A_1095 = tpu.vector_load %arg11[%swap3A_1093, %swap3A_1094] {strides = array<i32>} : memref<50x44xf32, #tpu.memory_space<vmem>>, vector<1x16xf32>,
      %swap3A_1096 = vector.shape_cast %swap3A_1095 : vector<1x16xf32> to vector<16xf32>
      %swap3A_1097 = vector.shape_cast %get3A_1091 : vector<16xf32> to vector<1x16xf32>
      tpu.vector_store %arg11[%swap3A_1093, %swap3A_1094], %swap3A_1097 {strides = array<i32>} : memref<50x44xf32, #tpu.memory_space<vmem>>, vector<1x16xf32>,
      %get3A_1098 = arith.constant 29 : i32
      %get3A_1099 = arith.index_cast %get3A_1098 : i32 to index
      %get3A_1100 = arith.constant 0 : index
      %get3A_1101 = tpu.vector_load %arg10[%get3A_1099, %get3A_1100] {strides = array<i32>} : memref<50x128xf32, #tpu.memory_space<vmem>>, vector<1x16xf32>,
      %get3A_1102 = vector.shape_cast %get3A_1101 : vector<1x16xf32> to vector<16xf32>
      %swap3A_1103 = arith.constant 29 : i32
      %swap3A_1104 = arith.index_cast %swap3A_1103 : i32 to index
      %swap3A_1105 = arith.constant 0 : index
      %swap3A_1106 = tpu.vector_load %arg11[%swap3A_1104, %swap3A_1105] {strides = array<i32>} : memref<50x44xf32, #tpu.memory_space<vmem>>, vector<1x16xf32>,
      %swap3A_1107 = vector.shape_cast %swap3A_1106 : vector<1x16xf32> to vector<16xf32>
      %swap3A_1108 = vector.shape_cast %get3A_1102 : vector<16xf32> to vector<1x16xf32>
      tpu.vector_store %arg11[%swap3A_1104, %swap3A_1105], %swap3A_1108 {strides = array<i32>} : memref<50x44xf32, #tpu.memory_space<vmem>>, vector<1x16xf32>,
      %get3A_1109 = arith.constant 29 : i32
      %get3A_1110 = arith.index_cast %get3A_1109 : i32 to index
      %get3A_1111 = arith.constant 16 : index
      %get3A_1112 = tpu.vector_load %arg10[%get3A_1110, %get3A_1111] {strides = array<i32>} : memref<50x128xf32, #tpu.memory_space<vmem>>, vector<1x16xf32>,
      %get3A_1113 = vector.shape_cast %get3A_1112 : vector<1x16xf32> to vector<16xf32>
      %swap3A_1114 = arith.constant 29 : i32
      %swap3A_1115 = arith.index_cast %swap3A_1114 : i32 to index
      %swap3A_1116 = arith.constant 16 : index
      %swap3A_1117 = tpu.vector_load %arg11[%swap3A_1115, %swap3A_1116] {strides = array<i32>} : memref<50x44xf32, #tpu.memory_space<vmem>>, vector<1x16xf32>,
      %swap3A_1118 = vector.shape_cast %swap3A_1117 : vector<1x16xf32> to vector<16xf32>
      %swap3A_1119 = vector.shape_cast %get3A_1113 : vector<16xf32> to vector<1x16xf32>
      tpu.vector_store %arg11[%swap3A_1115, %swap3A_1116], %swap3A_1119 {strides = array<i32>} : memref<50x44xf32, #tpu.memory_space<vmem>>, vector<1x16xf32>,
      %get3A_1120 = arith.constant 29 : i32
      %get3A_1121 = arith.index_cast %get3A_1120 : i32 to index
      %get3A_1122 = arith.constant 28 : index
      %get3A_1123 = tpu.vector_load %arg10[%get3A_1121, %get3A_1122] {strides = array<i32>} : memref<50x128xf32, #tpu.memory_space<vmem>>, vector<1x16xf32>,
      %get3A_1124 = vector.shape_cast %get3A_1123 : vector<1x16xf32> to vector<16xf32>
      %swap3A_1125 = arith.constant 29 : i32
      %swap3A_1126 = arith.index_cast %swap3A_1125 : i32 to index
      %swap3A_1127 = arith.constant 28 : index
      %swap3A_1128 = tpu.vector_load %arg11[%swap3A_1126, %swap3A_1127] {strides = array<i32>} : memref<50x44xf32, #tpu.memory_space<vmem>>, vector<1x16xf32>,
      %swap3A_1129 = vector.shape_cast %swap3A_1128 : vector<1x16xf32> to vector<16xf32>
      %swap3A_1130 = vector.shape_cast %get3A_1124 : vector<16xf32> to vector<1x16xf32>
      tpu.vector_store %arg11[%swap3A_1126, %swap3A_1127], %swap3A_1130 {strides = array<i32>} : memref<50x44xf32, #tpu.memory_space<vmem>>, vector<1x16xf32>,
      %get3A_1131 = arith.constant 30 : i32
      %get3A_1132 = arith.index_cast %get3A_1131 : i32 to index
      %get3A_1133 = arith.constant 0 : index
      %get3A_1134 = tpu.vector_load %arg10[%get3A_1132, %get3A_1133] {strides = array<i32>} : memref<50x128xf32, #tpu.memory_space<vmem>>, vector<1x16xf32>,
      %get3A_1135 = vector.shape_cast %get3A_1134 : vector<1x16xf32> to vector<16xf32>
      %swap3A_1136 = arith.constant 30 : i32
      %swap3A_1137 = arith.index_cast %swap3A_1136 : i32 to index
      %swap3A_1138 = arith.constant 0 : index
      %swap3A_1139 = tpu.vector_load %arg11[%swap3A_1137, %swap3A_1138] {strides = array<i32>} : memref<50x44xf32, #tpu.memory_space<vmem>>, vector<1x16xf32>,
      %swap3A_1140 = vector.shape_cast %swap3A_1139 : vector<1x16xf32> to vector<16xf32>
      %swap3A_1141 = vector.shape_cast %get3A_1135 : vector<16xf32> to vector<1x16xf32>
      tpu.vector_store %arg11[%swap3A_1137, %swap3A_1138], %swap3A_1141 {strides = array<i32>} : memref<50x44xf32, #tpu.memory_space<vmem>>, vector<1x16xf32>,
      %get3A_1142 = arith.constant 30 : i32
      %get3A_1143 = arith.index_cast %get3A_1142 : i32 to index
      %get3A_1144 = arith.constant 16 : index
      %get3A_1145 = tpu.vector_load %arg10[%get3A_1143, %get3A_1144] {strides = array<i32>} : memref<50x128xf32, #tpu.memory_space<vmem>>, vector<1x16xf32>,
      %get3A_1146 = vector.shape_cast %get3A_1145 : vector<1x16xf32> to vector<16xf32>
      %swap3A_1147 = arith.constant 30 : i32
      %swap3A_1148 = arith.index_cast %swap3A_1147 : i32 to index
      %swap3A_1149 = arith.constant 16 : index
      %swap3A_1150 = tpu.vector_load %arg11[%swap3A_1148, %swap3A_1149] {strides = array<i32>} : memref<50x44xf32, #tpu.memory_space<vmem>>, vector<1x16xf32>,
      %swap3A_1151 = vector.shape_cast %swap3A_1150 : vector<1x16xf32> to vector<16xf32>
      %swap3A_1152 = vector.shape_cast %get3A_1146 : vector<16xf32> to vector<1x16xf32>
      tpu.vector_store %arg11[%swap3A_1148, %swap3A_1149], %swap3A_1152 {strides = array<i32>} : memref<50x44xf32, #tpu.memory_space<vmem>>, vector<1x16xf32>,
      %get3A_1153 = arith.constant 30 : i32
      %get3A_1154 = arith.index_cast %get3A_1153 : i32 to index
      %get3A_1155 = arith.constant 28 : index
      %get3A_1156 = tpu.vector_load %arg10[%get3A_1154, %get3A_1155] {strides = array<i32>} : memref<50x128xf32, #tpu.memory_space<vmem>>, vector<1x16xf32>,
      %get3A_1157 = vector.shape_cast %get3A_1156 : vector<1x16xf32> to vector<16xf32>
      %swap3A_1158 = arith.constant 30 : i32
      %swap3A_1159 = arith.index_cast %swap3A_1158 : i32 to index
      %swap3A_1160 = arith.constant 28 : index
      %swap3A_1161 = tpu.vector_load %arg11[%swap3A_1159, %swap3A_1160] {strides = array<i32>} : memref<50x44xf32, #tpu.memory_space<vmem>>, vector<1x16xf32>,
      %swap3A_1162 = vector.shape_cast %swap3A_1161 : vector<1x16xf32> to vector<16xf32>
      %swap3A_1163 = vector.shape_cast %get3A_1157 : vector<16xf32> to vector<1x16xf32>
      tpu.vector_store %arg11[%swap3A_1159, %swap3A_1160], %swap3A_1163 {strides = array<i32>} : memref<50x44xf32, #tpu.memory_space<vmem>>, vector<1x16xf32>,
      %get3A_1164 = arith.constant 31 : i32
      %get3A_1165 = arith.index_cast %get3A_1164 : i32 to index
      %get3A_1166 = arith.constant 0 : index
      %get3A_1167 = tpu.vector_load %arg10[%get3A_1165, %get3A_1166] {strides = array<i32>} : memref<50x128xf32, #tpu.memory_space<vmem>>, vector<1x16xf32>,
      %get3A_1168 = vector.shape_cast %get3A_1167 : vector<1x16xf32> to vector<16xf32>
      %swap3A_1169 = arith.constant 31 : i32
      %swap3A_1170 = arith.index_cast %swap3A_1169 : i32 to index
      %swap3A_1171 = arith.constant 0 : index
      %swap3A_1172 = tpu.vector_load %arg11[%swap3A_1170, %swap3A_1171] {strides = array<i32>} : memref<50x44xf32, #tpu.memory_space<vmem>>, vector<1x16xf32>,
      %swap3A_1173 = vector.shape_cast %swap3A_1172 : vector<1x16xf32> to vector<16xf32>
      %swap3A_1174 = vector.shape_cast %get3A_1168 : vector<16xf32> to vector<1x16xf32>
      tpu.vector_store %arg11[%swap3A_1170, %swap3A_1171], %swap3A_1174 {strides = array<i32>} : memref<50x44xf32, #tpu.memory_space<vmem>>, vector<1x16xf32>,
      %get3A_1175 = arith.constant 31 : i32
      %get3A_1176 = arith.index_cast %get3A_1175 : i32 to index
      %get3A_1177 = arith.constant 16 : index
      %get3A_1178 = tpu.vector_load %arg10[%get3A_1176, %get3A_1177] {strides = array<i32>} : memref<50x128xf32, #tpu.memory_space<vmem>>, vector<1x16xf32>,
      %get3A_1179 = vector.shape_cast %get3A_1178 : vector<1x16xf32> to vector<16xf32>
      %swap3A_1180 = arith.constant 31 : i32
      %swap3A_1181 = arith.index_cast %swap3A_1180 : i32 to index
      %swap3A_1182 = arith.constant 16 : index
      %swap3A_1183 = tpu.vector_load %arg11[%swap3A_1181, %swap3A_1182] {strides = array<i32>} : memref<50x44xf32, #tpu.memory_space<vmem>>, vector<1x16xf32>,
      %swap3A_1184 = vector.shape_cast %swap3A_1183 : vector<1x16xf32> to vector<16xf32>
      %swap3A_1185 = vector.shape_cast %get3A_1179 : vector<16xf32> to vector<1x16xf32>
      tpu.vector_store %arg11[%swap3A_1181, %swap3A_1182], %swap3A_1185 {strides = array<i32>} : memref<50x44xf32, #tpu.memory_space<vmem>>, vector<1x16xf32>,
      %get3A_1186 = arith.constant 31 : i32
      %get3A_1187 = arith.index_cast %get3A_1186 : i32 to index
      %get3A_1188 = arith.constant 28 : index
      %get3A_1189 = tpu.vector_load %arg10[%get3A_1187, %get3A_1188] {strides = array<i32>} : memref<50x128xf32, #tpu.memory_space<vmem>>, vector<1x16xf32>,
      %get3A_1190 = vector.shape_cast %get3A_1189 : vector<1x16xf32> to vector<16xf32>
      %swap3A_1191 = arith.constant 31 : i32
      %swap3A_1192 = arith.index_cast %swap3A_1191 : i32 to index
      %swap3A_1193 = arith.constant 28 : index
      %swap3A_1194 = tpu.vector_load %arg11[%swap3A_1192, %swap3A_1193] {strides = array<i32>} : memref<50x44xf32, #tpu.memory_space<vmem>>, vector<1x16xf32>,
      %swap3A_1195 = vector.shape_cast %swap3A_1194 : vector<1x16xf32> to vector<16xf32>
      %swap3A_1196 = vector.shape_cast %get3A_1190 : vector<16xf32> to vector<1x16xf32>
      tpu.vector_store %arg11[%swap3A_1192, %swap3A_1193], %swap3A_1196 {strides = array<i32>} : memref<50x44xf32, #tpu.memory_space<vmem>>, vector<1x16xf32>,
      %get3A_1197 = arith.constant 32 : i32
      %get3A_1198 = arith.index_cast %get3A_1197 : i32 to index
      %get3A_1199 = arith.constant 0 : index
      %get3A_1200 = tpu.vector_load %arg10[%get3A_1198, %get3A_1199] {strides = array<i32>} : memref<50x128xf32, #tpu.memory_space<vmem>>, vector<1x16xf32>,
      %get3A_1201 = vector.shape_cast %get3A_1200 : vector<1x16xf32> to vector<16xf32>
      %swap3A_1202 = arith.constant 32 : i32
      %swap3A_1203 = arith.index_cast %swap3A_1202 : i32 to index
      %swap3A_1204 = arith.constant 0 : index
      %swap3A_1205 = tpu.vector_load %arg11[%swap3A_1203, %swap3A_1204] {strides = array<i32>} : memref<50x44xf32, #tpu.memory_space<vmem>>, vector<1x16xf32>,
      %swap3A_1206 = vector.shape_cast %swap3A_1205 : vector<1x16xf32> to vector<16xf32>
      %swap3A_1207 = vector.shape_cast %get3A_1201 : vector<16xf32> to vector<1x16xf32>
      tpu.vector_store %arg11[%swap3A_1203, %swap3A_1204], %swap3A_1207 {strides = array<i32>} : memref<50x44xf32, #tpu.memory_space<vmem>>, vector<1x16xf32>,
      %get3A_1208 = arith.constant 32 : i32
      %get3A_1209 = arith.index_cast %get3A_1208 : i32 to index
      %get3A_1210 = arith.constant 16 : index
      %get3A_1211 = tpu.vector_load %arg10[%get3A_1209, %get3A_1210] {strides = array<i32>} : memref<50x128xf32, #tpu.memory_space<vmem>>, vector<1x16xf32>,
      %get3A_1212 = vector.shape_cast %get3A_1211 : vector<1x16xf32> to vector<16xf32>
      %swap3A_1213 = arith.constant 32 : i32
      %swap3A_1214 = arith.index_cast %swap3A_1213 : i32 to index
      %swap3A_1215 = arith.constant 16 : index
      %swap3A_1216 = tpu.vector_load %arg11[%swap3A_1214, %swap3A_1215] {strides = array<i32>} : memref<50x44xf32, #tpu.memory_space<vmem>>, vector<1x16xf32>,
      %swap3A_1217 = vector.shape_cast %swap3A_1216 : vector<1x16xf32> to vector<16xf32>
      %swap3A_1218 = vector.shape_cast %get3A_1212 : vector<16xf32> to vector<1x16xf32>
      tpu.vector_store %arg11[%swap3A_1214, %swap3A_1215], %swap3A_1218 {strides = array<i32>} : memref<50x44xf32, #tpu.memory_space<vmem>>, vector<1x16xf32>,
      %get3A_1219 = arith.constant 32 : i32
      %get3A_1220 = arith.index_cast %get3A_1219 : i32 to index
      %get3A_1221 = arith.constant 28 : index
      %get3A_1222 = tpu.vector_load %arg10[%get3A_1220, %get3A_1221] {strides = array<i32>} : memref<50x128xf32, #tpu.memory_space<vmem>>, vector<1x16xf32>,
      %get3A_1223 = vector.shape_cast %get3A_1222 : vector<1x16xf32> to vector<16xf32>
      %swap3A_1224 = arith.constant 32 : i32
      %swap3A_1225 = arith.index_cast %swap3A_1224 : i32 to index
      %swap3A_1226 = arith.constant 28 : index
      %swap3A_1227 = tpu.vector_load %arg11[%swap3A_1225, %swap3A_1226] {strides = array<i32>} : memref<50x44xf32, #tpu.memory_space<vmem>>, vector<1x16xf32>,
      %swap3A_1228 = vector.shape_cast %swap3A_1227 : vector<1x16xf32> to vector<16xf32>
      %swap3A_1229 = vector.shape_cast %get3A_1223 : vector<16xf32> to vector<1x16xf32>
      tpu.vector_store %arg11[%swap3A_1225, %swap3A_1226], %swap3A_1229 {strides = array<i32>} : memref<50x44xf32, #tpu.memory_space<vmem>>, vector<1x16xf32>,
      %get3A_1230 = arith.constant 33 : i32
      %get3A_1231 = arith.index_cast %get3A_1230 : i32 to index
      %get3A_1232 = arith.constant 0 : index
      %get3A_1233 = tpu.vector_load %arg10[%get3A_1231, %get3A_1232] {strides = array<i32>} : memref<50x128xf32, #tpu.memory_space<vmem>>, vector<1x16xf32>,
      %get3A_1234 = vector.shape_cast %get3A_1233 : vector<1x16xf32> to vector<16xf32>
      %swap3A_1235 = arith.constant 33 : i32
      %swap3A_1236 = arith.index_cast %swap3A_1235 : i32 to index
      %swap3A_1237 = arith.constant 0 : index
      %swap3A_1238 = tpu.vector_load %arg11[%swap3A_1236, %swap3A_1237] {strides = array<i32>} : memref<50x44xf32, #tpu.memory_space<vmem>>, vector<1x16xf32>,
      %swap3A_1239 = vector.shape_cast %swap3A_1238 : vector<1x16xf32> to vector<16xf32>
      %swap3A_1240 = vector.shape_cast %get3A_1234 : vector<16xf32> to vector<1x16xf32>
      tpu.vector_store %arg11[%swap3A_1236, %swap3A_1237], %swap3A_1240 {strides = array<i32>} : memref<50x44xf32, #tpu.memory_space<vmem>>, vector<1x16xf32>,
      %get3A_1241 = arith.constant 33 : i32
      %get3A_1242 = arith.index_cast %get3A_1241 : i32 to index
      %get3A_1243 = arith.constant 16 : index
      %get3A_1244 = tpu.vector_load %arg10[%get3A_1242, %get3A_1243] {strides = array<i32>} : memref<50x128xf32, #tpu.memory_space<vmem>>, vector<1x16xf32>,
      %get3A_1245 = vector.shape_cast %get3A_1244 : vector<1x16xf32> to vector<16xf32>
      %swap3A_1246 = arith.constant 33 : i32
      %swap3A_1247 = arith.index_cast %swap3A_1246 : i32 to index
      %swap3A_1248 = arith.constant 16 : index
      %swap3A_1249 = tpu.vector_load %arg11[%swap3A_1247, %swap3A_1248] {strides = array<i32>} : memref<50x44xf32, #tpu.memory_space<vmem>>, vector<1x16xf32>,
      %swap3A_1250 = vector.shape_cast %swap3A_1249 : vector<1x16xf32> to vector<16xf32>
      %swap3A_1251 = vector.shape_cast %get3A_1245 : vector<16xf32> to vector<1x16xf32>
      tpu.vector_store %arg11[%swap3A_1247, %swap3A_1248], %swap3A_1251 {strides = array<i32>} : memref<50x44xf32, #tpu.memory_space<vmem>>, vector<1x16xf32>,
      %get3A_1252 = arith.constant 33 : i32
      %get3A_1253 = arith.index_cast %get3A_1252 : i32 to index
      %get3A_1254 = arith.constant 28 : index
      %get3A_1255 = tpu.vector_load %arg10[%get3A_1253, %get3A_1254] {strides = array<i32>} : memref<50x128xf32, #tpu.memory_space<vmem>>, vector<1x16xf32>,
      %get3A_1256 = vector.shape_cast %get3A_1255 : vector<1x16xf32> to vector<16xf32>
      %swap3A_1257 = arith.constant 33 : i32
      %swap3A_1258 = arith.index_cast %swap3A_1257 : i32 to index
      %swap3A_1259 = arith.constant 28 : index
      %swap3A_1260 = tpu.vector_load %arg11[%swap3A_1258, %swap3A_1259] {strides = array<i32>} : memref<50x44xf32, #tpu.memory_space<vmem>>, vector<1x16xf32>,
      %swap3A_1261 = vector.shape_cast %swap3A_1260 : vector<1x16xf32> to vector<16xf32>
      %swap3A_1262 = vector.shape_cast %get3A_1256 : vector<16xf32> to vector<1x16xf32>
      tpu.vector_store %arg11[%swap3A_1258, %swap3A_1259], %swap3A_1262 {strides = array<i32>} : memref<50x44xf32, #tpu.memory_space<vmem>>, vector<1x16xf32>,
      %get3A_1263 = arith.constant 34 : i32
      %get3A_1264 = arith.index_cast %get3A_1263 : i32 to index
      %get3A_1265 = arith.constant 0 : index
      %get3A_1266 = tpu.vector_load %arg10[%get3A_1264, %get3A_1265] {strides = array<i32>} : memref<50x128xf32, #tpu.memory_space<vmem>>, vector<1x16xf32>,
      %get3A_1267 = vector.shape_cast %get3A_1266 : vector<1x16xf32> to vector<16xf32>
      %swap3A_1268 = arith.constant 34 : i32
      %swap3A_1269 = arith.index_cast %swap3A_1268 : i32 to index
      %swap3A_1270 = arith.constant 0 : index
      %swap3A_1271 = tpu.vector_load %arg11[%swap3A_1269, %swap3A_1270] {strides = array<i32>} : memref<50x44xf32, #tpu.memory_space<vmem>>, vector<1x16xf32>,
      %swap3A_1272 = vector.shape_cast %swap3A_1271 : vector<1x16xf32> to vector<16xf32>
      %swap3A_1273 = vector.shape_cast %get3A_1267 : vector<16xf32> to vector<1x16xf32>
      tpu.vector_store %arg11[%swap3A_1269, %swap3A_1270], %swap3A_1273 {strides = array<i32>} : memref<50x44xf32, #tpu.memory_space<vmem>>, vector<1x16xf32>,
      %get3A_1274 = arith.constant 34 : i32
      %get3A_1275 = arith.index_cast %get3A_1274 : i32 to index
      %get3A_1276 = arith.constant 16 : index
      %get3A_1277 = tpu.vector_load %arg10[%get3A_1275, %get3A_1276] {strides = array<i32>} : memref<50x128xf32, #tpu.memory_space<vmem>>, vector<1x16xf32>,
      %get3A_1278 = vector.shape_cast %get3A_1277 : vector<1x16xf32> to vector<16xf32>
      %swap3A_1279 = arith.constant 34 : i32
      %swap3A_1280 = arith.index_cast %swap3A_1279 : i32 to index
      %swap3A_1281 = arith.constant 16 : index
      %swap3A_1282 = tpu.vector_load %arg11[%swap3A_1280, %swap3A_1281] {strides = array<i32>} : memref<50x44xf32, #tpu.memory_space<vmem>>, vector<1x16xf32>,
      %swap3A_1283 = vector.shape_cast %swap3A_1282 : vector<1x16xf32> to vector<16xf32>
      %swap3A_1284 = vector.shape_cast %get3A_1278 : vector<16xf32> to vector<1x16xf32>
      tpu.vector_store %arg11[%swap3A_1280, %swap3A_1281], %swap3A_1284 {strides = array<i32>} : memref<50x44xf32, #tpu.memory_space<vmem>>, vector<1x16xf32>,
      %get3A_1285 = arith.constant 34 : i32
      %get3A_1286 = arith.index_cast %get3A_1285 : i32 to index
      %get3A_1287 = arith.constant 28 : index
      %get3A_1288 = tpu.vector_load %arg10[%get3A_1286, %get3A_1287] {strides = array<i32>} : memref<50x128xf32, #tpu.memory_space<vmem>>, vector<1x16xf32>,
      %get3A_1289 = vector.shape_cast %get3A_1288 : vector<1x16xf32> to vector<16xf32>
      %swap3A_1290 = arith.constant 34 : i32
      %swap3A_1291 = arith.index_cast %swap3A_1290 : i32 to index
      %swap3A_1292 = arith.constant 28 : index
      %swap3A_1293 = tpu.vector_load %arg11[%swap3A_1291, %swap3A_1292] {strides = array<i32>} : memref<50x44xf32, #tpu.memory_space<vmem>>, vector<1x16xf32>,
      %swap3A_1294 = vector.shape_cast %swap3A_1293 : vector<1x16xf32> to vector<16xf32>
      %swap3A_1295 = vector.shape_cast %get3A_1289 : vector<16xf32> to vector<1x16xf32>
      tpu.vector_store %arg11[%swap3A_1291, %swap3A_1292], %swap3A_1295 {strides = array<i32>} : memref<50x44xf32, #tpu.memory_space<vmem>>, vector<1x16xf32>,
      %get3A_1296 = arith.constant 35 : i32
      %get3A_1297 = arith.index_cast %get3A_1296 : i32 to index
      %get3A_1298 = arith.constant 0 : index
      %get3A_1299 = tpu.vector_load %arg10[%get3A_1297, %get3A_1298] {strides = array<i32>} : memref<50x128xf32, #tpu.memory_space<vmem>>, vector<1x16xf32>,
      %get3A_1300 = vector.shape_cast %get3A_1299 : vector<1x16xf32> to vector<16xf32>
      %swap3A_1301 = arith.constant 35 : i32
      %swap3A_1302 = arith.index_cast %swap3A_1301 : i32 to index
      %swap3A_1303 = arith.constant 0 : index
      %swap3A_1304 = tpu.vector_load %arg11[%swap3A_1302, %swap3A_1303] {strides = array<i32>} : memref<50x44xf32, #tpu.memory_space<vmem>>, vector<1x16xf32>,
      %swap3A_1305 = vector.shape_cast %swap3A_1304 : vector<1x16xf32> to vector<16xf32>
      %swap3A_1306 = vector.shape_cast %get3A_1300 : vector<16xf32> to vector<1x16xf32>
      tpu.vector_store %arg11[%swap3A_1302, %swap3A_1303], %swap3A_1306 {strides = array<i32>} : memref<50x44xf32, #tpu.memory_space<vmem>>, vector<1x16xf32>,
      %get3A_1307 = arith.constant 35 : i32
      %get3A_1308 = arith.index_cast %get3A_1307 : i32 to index
      %get3A_1309 = arith.constant 16 : index
      %get3A_1310 = tpu.vector_load %arg10[%get3A_1308, %get3A_1309] {strides = array<i32>} : memref<50x128xf32, #tpu.memory_space<vmem>>, vector<1x16xf32>,
      %get3A_1311 = vector.shape_cast %get3A_1310 : vector<1x16xf32> to vector<16xf32>
      %swap3A_1312 = arith.constant 35 : i32
      %swap3A_1313 = arith.index_cast %swap3A_1312 : i32 to index
      %swap3A_1314 = arith.constant 16 : index
      %swap3A_1315 = tpu.vector_load %arg11[%swap3A_1313, %swap3A_1314] {strides = array<i32>} : memref<50x44xf32, #tpu.memory_space<vmem>>, vector<1x16xf32>,
      %swap3A_1316 = vector.shape_cast %swap3A_1315 : vector<1x16xf32> to vector<16xf32>
      %swap3A_1317 = vector.shape_cast %get3A_1311 : vector<16xf32> to vector<1x16xf32>
      tpu.vector_store %arg11[%swap3A_1313, %swap3A_1314], %swap3A_1317 {strides = array<i32>} : memref<50x44xf32, #tpu.memory_space<vmem>>, vector<1x16xf32>,
      %get3A_1318 = arith.constant 35 : i32
      %get3A_1319 = arith.index_cast %get3A_1318 : i32 to index
      %get3A_1320 = arith.constant 28 : index
      %get3A_1321 = tpu.vector_load %arg10[%get3A_1319, %get3A_1320] {strides = array<i32>} : memref<50x128xf32, #tpu.memory_space<vmem>>, vector<1x16xf32>,
      %get3A_1322 = vector.shape_cast %get3A_1321 : vector<1x16xf32> to vector<16xf32>
      %swap3A_1323 = arith.constant 35 : i32
      %swap3A_1324 = arith.index_cast %swap3A_1323 : i32 to index
      %swap3A_1325 = arith.constant 28 : index
      %swap3A_1326 = tpu.vector_load %arg11[%swap3A_1324, %swap3A_1325] {strides = array<i32>} : memref<50x44xf32, #tpu.memory_space<vmem>>, vector<1x16xf32>,
      %swap3A_1327 = vector.shape_cast %swap3A_1326 : vector<1x16xf32> to vector<16xf32>
      %swap3A_1328 = vector.shape_cast %get3A_1322 : vector<16xf32> to vector<1x16xf32>
      tpu.vector_store %arg11[%swap3A_1324, %swap3A_1325], %swap3A_1328 {strides = array<i32>} : memref<50x44xf32, #tpu.memory_space<vmem>>, vector<1x16xf32>,
      %get3A_1329 = arith.constant 36 : i32
      %get3A_1330 = arith.index_cast %get3A_1329 : i32 to index
      %get3A_1331 = arith.constant 0 : index
      %get3A_1332 = tpu.vector_load %arg10[%get3A_1330, %get3A_1331] {strides = array<i32>} : memref<50x128xf32, #tpu.memory_space<vmem>>, vector<1x16xf32>,
      %get3A_1333 = vector.shape_cast %get3A_1332 : vector<1x16xf32> to vector<16xf32>
      %swap3A_1334 = arith.constant 36 : i32
      %swap3A_1335 = arith.index_cast %swap3A_1334 : i32 to index
      %swap3A_1336 = arith.constant 0 : index
      %swap3A_1337 = tpu.vector_load %arg11[%swap3A_1335, %swap3A_1336] {strides = array<i32>} : memref<50x44xf32, #tpu.memory_space<vmem>>, vector<1x16xf32>,
      %swap3A_1338 = vector.shape_cast %swap3A_1337 : vector<1x16xf32> to vector<16xf32>
      %swap3A_1339 = vector.shape_cast %get3A_1333 : vector<16xf32> to vector<1x16xf32>
      tpu.vector_store %arg11[%swap3A_1335, %swap3A_1336], %swap3A_1339 {strides = array<i32>} : memref<50x44xf32, #tpu.memory_space<vmem>>, vector<1x16xf32>,
      %get3A_1340 = arith.constant 36 : i32
      %get3A_1341 = arith.index_cast %get3A_1340 : i32 to index
      %get3A_1342 = arith.constant 16 : index
      %get3A_1343 = tpu.vector_load %arg10[%get3A_1341, %get3A_1342] {strides = array<i32>} : memref<50x128xf32, #tpu.memory_space<vmem>>, vector<1x16xf32>,
      %get3A_1344 = vector.shape_cast %get3A_1343 : vector<1x16xf32> to vector<16xf32>
      %swap3A_1345 = arith.constant 36 : i32
      %swap3A_1346 = arith.index_cast %swap3A_1345 : i32 to index
      %swap3A_1347 = arith.constant 16 : index
      %swap3A_1348 = tpu.vector_load %arg11[%swap3A_1346, %swap3A_1347] {strides = array<i32>} : memref<50x44xf32, #tpu.memory_space<vmem>>, vector<1x16xf32>,
      %swap3A_1349 = vector.shape_cast %swap3A_1348 : vector<1x16xf32> to vector<16xf32>
      %swap3A_1350 = vector.shape_cast %get3A_1344 : vector<16xf32> to vector<1x16xf32>
      tpu.vector_store %arg11[%swap3A_1346, %swap3A_1347], %swap3A_1350 {strides = array<i32>} : memref<50x44xf32, #tpu.memory_space<vmem>>, vector<1x16xf32>,
      %get3A_1351 = arith.constant 36 : i32
      %get3A_1352 = arith.index_cast %get3A_1351 : i32 to index
      %get3A_1353 = arith.constant 28 : index
      %get3A_1354 = tpu.vector_load %arg10[%get3A_1352, %get3A_1353] {strides = array<i32>} : memref<50x128xf32, #tpu.memory_space<vmem>>, vector<1x16xf32>,
      %get3A_1355 = vector.shape_cast %get3A_1354 : vector<1x16xf32> to vector<16xf32>
      %swap3A_1356 = arith.constant 36 : i32
      %swap3A_1357 = arith.index_cast %swap3A_1356 : i32 to index
      %swap3A_1358 = arith.constant 28 : index
      %swap3A_1359 = tpu.vector_load %arg11[%swap3A_1357, %swap3A_1358] {strides = array<i32>} : memref<50x44xf32, #tpu.memory_space<vmem>>, vector<1x16xf32>,
      %swap3A_1360 = vector.shape_cast %swap3A_1359 : vector<1x16xf32> to vector<16xf32>
      %swap3A_1361 = vector.shape_cast %get3A_1355 : vector<16xf32> to vector<1x16xf32>
      tpu.vector_store %arg11[%swap3A_1357, %swap3A_1358], %swap3A_1361 {strides = array<i32>} : memref<50x44xf32, #tpu.memory_space<vmem>>, vector<1x16xf32>,
      %get3A_1362 = arith.constant 37 : i32
      %get3A_1363 = arith.index_cast %get3A_1362 : i32 to index
      %get3A_1364 = arith.constant 0 : index
      %get3A_1365 = tpu.vector_load %arg10[%get3A_1363, %get3A_1364] {strides = array<i32>} : memref<50x128xf32, #tpu.memory_space<vmem>>, vector<1x16xf32>,
      %get3A_1366 = vector.shape_cast %get3A_1365 : vector<1x16xf32> to vector<16xf32>
      %swap3A_1367 = arith.constant 37 : i32
      %swap3A_1368 = arith.index_cast %swap3A_1367 : i32 to index
      %swap3A_1369 = arith.constant 0 : index
      %swap3A_1370 = tpu.vector_load %arg11[%swap3A_1368, %swap3A_1369] {strides = array<i32>} : memref<50x44xf32, #tpu.memory_space<vmem>>, vector<1x16xf32>,
      %swap3A_1371 = vector.shape_cast %swap3A_1370 : vector<1x16xf32> to vector<16xf32>
      %swap3A_1372 = vector.shape_cast %get3A_1366 : vector<16xf32> to vector<1x16xf32>
      tpu.vector_store %arg11[%swap3A_1368, %swap3A_1369], %swap3A_1372 {strides = array<i32>} : memref<50x44xf32, #tpu.memory_space<vmem>>, vector<1x16xf32>,
      %get3A_1373 = arith.constant 37 : i32
      %get3A_1374 = arith.index_cast %get3A_1373 : i32 to index
      %get3A_1375 = arith.constant 16 : index
      %get3A_1376 = tpu.vector_load %arg10[%get3A_1374, %get3A_1375] {strides = array<i32>} : memref<50x128xf32, #tpu.memory_space<vmem>>, vector<1x16xf32>,
      %get3A_1377 = vector.shape_cast %get3A_1376 : vector<1x16xf32> to vector<16xf32>
      %swap3A_1378 = arith.constant 37 : i32
      %swap3A_1379 = arith.index_cast %swap3A_1378 : i32 to index
      %swap3A_1380 = arith.constant 16 : index
      %swap3A_1381 = tpu.vector_load %arg11[%swap3A_1379, %swap3A_1380] {strides = array<i32>} : memref<50x44xf32, #tpu.memory_space<vmem>>, vector<1x16xf32>,
      %swap3A_1382 = vector.shape_cast %swap3A_1381 : vector<1x16xf32> to vector<16xf32>
      %swap3A_1383 = vector.shape_cast %get3A_1377 : vector<16xf32> to vector<1x16xf32>
      tpu.vector_store %arg11[%swap3A_1379, %swap3A_1380], %swap3A_1383 {strides = array<i32>} : memref<50x44xf32, #tpu.memory_space<vmem>>, vector<1x16xf32>,
      %get3A_1384 = arith.constant 37 : i32
      %get3A_1385 = arith.index_cast %get3A_1384 : i32 to index
      %get3A_1386 = arith.constant 28 : index
      %get3A_1387 = tpu.vector_load %arg10[%get3A_1385, %get3A_1386] {strides = array<i32>} : memref<50x128xf32, #tpu.memory_space<vmem>>, vector<1x16xf32>,
      %get3A_1388 = vector.shape_cast %get3A_1387 : vector<1x16xf32> to vector<16xf32>
      %swap3A_1389 = arith.constant 37 : i32
      %swap3A_1390 = arith.index_cast %swap3A_1389 : i32 to index
      %swap3A_1391 = arith.constant 28 : index
      %swap3A_1392 = tpu.vector_load %arg11[%swap3A_1390, %swap3A_1391] {strides = array<i32>} : memref<50x44xf32, #tpu.memory_space<vmem>>, vector<1x16xf32>,
      %swap3A_1393 = vector.shape_cast %swap3A_1392 : vector<1x16xf32> to vector<16xf32>
      %swap3A_1394 = vector.shape_cast %get3A_1388 : vector<16xf32> to vector<1x16xf32>
      tpu.vector_store %arg11[%swap3A_1390, %swap3A_1391], %swap3A_1394 {strides = array<i32>} : memref<50x44xf32, #tpu.memory_space<vmem>>, vector<1x16xf32>,
      %get3A_1395 = arith.constant 38 : i32
      %get3A_1396 = arith.index_cast %get3A_1395 : i32 to index
      %get3A_1397 = arith.constant 0 : index
      %get3A_1398 = tpu.vector_load %arg10[%get3A_1396, %get3A_1397] {strides = array<i32>} : memref<50x128xf32, #tpu.memory_space<vmem>>, vector<1x16xf32>,
      %get3A_1399 = vector.shape_cast %get3A_1398 : vector<1x16xf32> to vector<16xf32>
      %swap3A_1400 = arith.constant 38 : i32
      %swap3A_1401 = arith.index_cast %swap3A_1400 : i32 to index
      %swap3A_1402 = arith.constant 0 : index
      %swap3A_1403 = tpu.vector_load %arg11[%swap3A_1401, %swap3A_1402] {strides = array<i32>} : memref<50x44xf32, #tpu.memory_space<vmem>>, vector<1x16xf32>,
      %swap3A_1404 = vector.shape_cast %swap3A_1403 : vector<1x16xf32> to vector<16xf32>
      %swap3A_1405 = vector.shape_cast %get3A_1399 : vector<16xf32> to vector<1x16xf32>
      tpu.vector_store %arg11[%swap3A_1401, %swap3A_1402], %swap3A_1405 {strides = array<i32>} : memref<50x44xf32, #tpu.memory_space<vmem>>, vector<1x16xf32>,
      %get3A_1406 = arith.constant 38 : i32
      %get3A_1407 = arith.index_cast %get3A_1406 : i32 to index
      %get3A_1408 = arith.constant 16 : index
      %get3A_1409 = tpu.vector_load %arg10[%get3A_1407, %get3A_1408] {strides = array<i32>} : memref<50x128xf32, #tpu.memory_space<vmem>>, vector<1x16xf32>,
      %get3A_1410 = vector.shape_cast %get3A_1409 : vector<1x16xf32> to vector<16xf32>
      %swap3A_1411 = arith.constant 38 : i32
      %swap3A_1412 = arith.index_cast %swap3A_1411 : i32 to index
      %swap3A_1413 = arith.constant 16 : index
      %swap3A_1414 = tpu.vector_load %arg11[%swap3A_1412, %swap3A_1413] {strides = array<i32>} : memref<50x44xf32, #tpu.memory_space<vmem>>, vector<1x16xf32>,
      %swap3A_1415 = vector.shape_cast %swap3A_1414 : vector<1x16xf32> to vector<16xf32>
      %swap3A_1416 = vector.shape_cast %get3A_1410 : vector<16xf32> to vector<1x16xf32>
      tpu.vector_store %arg11[%swap3A_1412, %swap3A_1413], %swap3A_1416 {strides = array<i32>} : memref<50x44xf32, #tpu.memory_space<vmem>>, vector<1x16xf32>,
      %get3A_1417 = arith.constant 38 : i32
      %get3A_1418 = arith.index_cast %get3A_1417 : i32 to index
      %get3A_1419 = arith.constant 28 : index
      %get3A_1420 = tpu.vector_load %arg10[%get3A_1418, %get3A_1419] {strides = array<i32>} : memref<50x128xf32, #tpu.memory_space<vmem>>, vector<1x16xf32>,
      %get3A_1421 = vector.shape_cast %get3A_1420 : vector<1x16xf32> to vector<16xf32>
      %swap3A_1422 = arith.constant 38 : i32
      %swap3A_1423 = arith.index_cast %swap3A_1422 : i32 to index
      %swap3A_1424 = arith.constant 28 : index
      %swap3A_1425 = tpu.vector_load %arg11[%swap3A_1423, %swap3A_1424] {strides = array<i32>} : memref<50x44xf32, #tpu.memory_space<vmem>>, vector<1x16xf32>,
      %swap3A_1426 = vector.shape_cast %swap3A_1425 : vector<1x16xf32> to vector<16xf32>
      %swap3A_1427 = vector.shape_cast %get3A_1421 : vector<16xf32> to vector<1x16xf32>
      tpu.vector_store %arg11[%swap3A_1423, %swap3A_1424], %swap3A_1427 {strides = array<i32>} : memref<50x44xf32, #tpu.memory_space<vmem>>, vector<1x16xf32>,
      %get3A_1428 = arith.constant 39 : i32
      %get3A_1429 = arith.index_cast %get3A_1428 : i32 to index
      %get3A_1430 = arith.constant 0 : index
      %get3A_1431 = tpu.vector_load %arg10[%get3A_1429, %get3A_1430] {strides = array<i32>} : memref<50x128xf32, #tpu.memory_space<vmem>>, vector<1x16xf32>,
      %get3A_1432 = vector.shape_cast %get3A_1431 : vector<1x16xf32> to vector<16xf32>
      %swap3A_1433 = arith.constant 39 : i32
      %swap3A_1434 = arith.index_cast %swap3A_1433 : i32 to index
      %swap3A_1435 = arith.constant 0 : index
      %swap3A_1436 = tpu.vector_load %arg11[%swap3A_1434, %swap3A_1435] {strides = array<i32>} : memref<50x44xf32, #tpu.memory_space<vmem>>, vector<1x16xf32>,
      %swap3A_1437 = vector.shape_cast %swap3A_1436 : vector<1x16xf32> to vector<16xf32>
      %swap3A_1438 = vector.shape_cast %get3A_1432 : vector<16xf32> to vector<1x16xf32>
      tpu.vector_store %arg11[%swap3A_1434, %swap3A_1435], %swap3A_1438 {strides = array<i32>} : memref<50x44xf32, #tpu.memory_space<vmem>>, vector<1x16xf32>,
      %get3A_1439 = arith.constant 39 : i32
      %get3A_1440 = arith.index_cast %get3A_1439 : i32 to index
      %get3A_1441 = arith.constant 16 : index
      %get3A_1442 = tpu.vector_load %arg10[%get3A_1440, %get3A_1441] {strides = array<i32>} : memref<50x128xf32, #tpu.memory_space<vmem>>, vector<1x16xf32>,
      %get3A_1443 = vector.shape_cast %get3A_1442 : vector<1x16xf32> to vector<16xf32>
      %swap3A_1444 = arith.constant 39 : i32
      %swap3A_1445 = arith.index_cast %swap3A_1444 : i32 to index
      %swap3A_1446 = arith.constant 16 : index
      %swap3A_1447 = tpu.vector_load %arg11[%swap3A_1445, %swap3A_1446] {strides = array<i32>} : memref<50x44xf32, #tpu.memory_space<vmem>>, vector<1x16xf32>,
      %swap3A_1448 = vector.shape_cast %swap3A_1447 : vector<1x16xf32> to vector<16xf32>
      %swap3A_1449 = vector.shape_cast %get3A_1443 : vector<16xf32> to vector<1x16xf32>
      tpu.vector_store %arg11[%swap3A_1445, %swap3A_1446], %swap3A_1449 {strides = array<i32>} : memref<50x44xf32, #tpu.memory_space<vmem>>, vector<1x16xf32>,
      %get3A_1450 = arith.constant 39 : i32
      %get3A_1451 = arith.index_cast %get3A_1450 : i32 to index
      %get3A_1452 = arith.constant 28 : index
      %get3A_1453 = tpu.vector_load %arg10[%get3A_1451, %get3A_1452] {strides = array<i32>} : memref<50x128xf32, #tpu.memory_space<vmem>>, vector<1x16xf32>,
      %get3A_1454 = vector.shape_cast %get3A_1453 : vector<1x16xf32> to vector<16xf32>
      %swap3A_1455 = arith.constant 39 : i32
      %swap3A_1456 = arith.index_cast %swap3A_1455 : i32 to index
      %swap3A_1457 = arith.constant 28 : index
      %swap3A_1458 = tpu.vector_load %arg11[%swap3A_1456, %swap3A_1457] {strides = array<i32>} : memref<50x44xf32, #tpu.memory_space<vmem>>, vector<1x16xf32>,
      %swap3A_1459 = vector.shape_cast %swap3A_1458 : vector<1x16xf32> to vector<16xf32>
      %swap3A_1460 = vector.shape_cast %get3A_1454 : vector<16xf32> to vector<1x16xf32>
      tpu.vector_store %arg11[%swap3A_1456, %swap3A_1457], %swap3A_1460 {strides = array<i32>} : memref<50x44xf32, #tpu.memory_space<vmem>>, vector<1x16xf32>,
      %get3A_1461 = arith.constant 40 : i32
      %get3A_1462 = arith.index_cast %get3A_1461 : i32 to index
      %get3A_1463 = arith.constant 0 : index
      %get3A_1464 = tpu.vector_load %arg10[%get3A_1462, %get3A_1463] {strides = array<i32>} : memref<50x128xf32, #tpu.memory_space<vmem>>, vector<1x16xf32>,
      %get3A_1465 = vector.shape_cast %get3A_1464 : vector<1x16xf32> to vector<16xf32>
      %swap3A_1466 = arith.constant 40 : i32
      %swap3A_1467 = arith.index_cast %swap3A_1466 : i32 to index
      %swap3A_1468 = arith.constant 0 : index
      %swap3A_1469 = tpu.vector_load %arg11[%swap3A_1467, %swap3A_1468] {strides = array<i32>} : memref<50x44xf32, #tpu.memory_space<vmem>>, vector<1x16xf32>,
      %swap3A_1470 = vector.shape_cast %swap3A_1469 : vector<1x16xf32> to vector<16xf32>
      %swap3A_1471 = vector.shape_cast %get3A_1465 : vector<16xf32> to vector<1x16xf32>
      tpu.vector_store %arg11[%swap3A_1467, %swap3A_1468], %swap3A_1471 {strides = array<i32>} : memref<50x44xf32, #tpu.memory_space<vmem>>, vector<1x16xf32>,
      %get3A_1472 = arith.constant 40 : i32
      %get3A_1473 = arith.index_cast %get3A_1472 : i32 to index
      %get3A_1474 = arith.constant 16 : index
      %get3A_1475 = tpu.vector_load %arg10[%get3A_1473, %get3A_1474] {strides = array<i32>} : memref<50x128xf32, #tpu.memory_space<vmem>>, vector<1x16xf32>,
      %get3A_1476 = vector.shape_cast %get3A_1475 : vector<1x16xf32> to vector<16xf32>
      %swap3A_1477 = arith.constant 40 : i32
      %swap3A_1478 = arith.index_cast %swap3A_1477 : i32 to index
      %swap3A_1479 = arith.constant 16 : index
      %swap3A_1480 = tpu.vector_load %arg11[%swap3A_1478, %swap3A_1479] {strides = array<i32>} : memref<50x44xf32, #tpu.memory_space<vmem>>, vector<1x16xf32>,
      %swap3A_1481 = vector.shape_cast %swap3A_1480 : vector<1x16xf32> to vector<16xf32>
      %swap3A_1482 = vector.shape_cast %get3A_1476 : vector<16xf32> to vector<1x16xf32>
      tpu.vector_store %arg11[%swap3A_1478, %swap3A_1479], %swap3A_1482 {strides = array<i32>} : memref<50x44xf32, #tpu.memory_space<vmem>>, vector<1x16xf32>,
      %get3A_1483 = arith.constant 40 : i32
      %get3A_1484 = arith.index_cast %get3A_1483 : i32 to index
      %get3A_1485 = arith.constant 28 : index
      %get3A_1486 = tpu.vector_load %arg10[%get3A_1484, %get3A_1485] {strides = array<i32>} : memref<50x128xf32, #tpu.memory_space<vmem>>, vector<1x16xf32>,
      %get3A_1487 = vector.shape_cast %get3A_1486 : vector<1x16xf32> to vector<16xf32>
      %swap3A_1488 = arith.constant 40 : i32
      %swap3A_1489 = arith.index_cast %swap3A_1488 : i32 to index
      %swap3A_1490 = arith.constant 28 : index
      %swap3A_1491 = tpu.vector_load %arg11[%swap3A_1489, %swap3A_1490] {strides = array<i32>} : memref<50x44xf32, #tpu.memory_space<vmem>>, vector<1x16xf32>,
      %swap3A_1492 = vector.shape_cast %swap3A_1491 : vector<1x16xf32> to vector<16xf32>
      %swap3A_1493 = vector.shape_cast %get3A_1487 : vector<16xf32> to vector<1x16xf32>
      tpu.vector_store %arg11[%swap3A_1489, %swap3A_1490], %swap3A_1493 {strides = array<i32>} : memref<50x44xf32, #tpu.memory_space<vmem>>, vector<1x16xf32>,
      %get3A_1494 = arith.constant 41 : i32
      %get3A_1495 = arith.index_cast %get3A_1494 : i32 to index
      %get3A_1496 = arith.constant 0 : index
      %get3A_1497 = tpu.vector_load %arg10[%get3A_1495, %get3A_1496] {strides = array<i32>} : memref<50x128xf32, #tpu.memory_space<vmem>>, vector<1x16xf32>,
      %get3A_1498 = vector.shape_cast %get3A_1497 : vector<1x16xf32> to vector<16xf32>
      %swap3A_1499 = arith.constant 41 : i32
      %swap3A_1500 = arith.index_cast %swap3A_1499 : i32 to index
      %swap3A_1501 = arith.constant 0 : index
      %swap3A_1502 = tpu.vector_load %arg11[%swap3A_1500, %swap3A_1501] {strides = array<i32>} : memref<50x44xf32, #tpu.memory_space<vmem>>, vector<1x16xf32>,
      %swap3A_1503 = vector.shape_cast %swap3A_1502 : vector<1x16xf32> to vector<16xf32>
      %swap3A_1504 = vector.shape_cast %get3A_1498 : vector<16xf32> to vector<1x16xf32>
      tpu.vector_store %arg11[%swap3A_1500, %swap3A_1501], %swap3A_1504 {strides = array<i32>} : memref<50x44xf32, #tpu.memory_space<vmem>>, vector<1x16xf32>,
      %get3A_1505 = arith.constant 41 : i32
      %get3A_1506 = arith.index_cast %get3A_1505 : i32 to index
      %get3A_1507 = arith.constant 16 : index
      %get3A_1508 = tpu.vector_load %arg10[%get3A_1506, %get3A_1507] {strides = array<i32>} : memref<50x128xf32, #tpu.memory_space<vmem>>, vector<1x16xf32>,
      %get3A_1509 = vector.shape_cast %get3A_1508 : vector<1x16xf32> to vector<16xf32>
      %swap3A_1510 = arith.constant 41 : i32
      %swap3A_1511 = arith.index_cast %swap3A_1510 : i32 to index
      %swap3A_1512 = arith.constant 16 : index
      %swap3A_1513 = tpu.vector_load %arg11[%swap3A_1511, %swap3A_1512] {strides = array<i32>} : memref<50x44xf32, #tpu.memory_space<vmem>>, vector<1x16xf32>,
      %swap3A_1514 = vector.shape_cast %swap3A_1513 : vector<1x16xf32> to vector<16xf32>
      %swap3A_1515 = vector.shape_cast %get3A_1509 : vector<16xf32> to vector<1x16xf32>
      tpu.vector_store %arg11[%swap3A_1511, %swap3A_1512], %swap3A_1515 {strides = array<i32>} : memref<50x44xf32, #tpu.memory_space<vmem>>, vector<1x16xf32>,
      %get3A_1516 = arith.constant 41 : i32
      %get3A_1517 = arith.index_cast %get3A_1516 : i32 to index
      %get3A_1518 = arith.constant 28 : index
      %get3A_1519 = tpu.vector_load %arg10[%get3A_1517, %get3A_1518] {strides = array<i32>} : memref<50x128xf32, #tpu.memory_space<vmem>>, vector<1x16xf32>,
      %get3A_1520 = vector.shape_cast %get3A_1519 : vector<1x16xf32> to vector<16xf32>
      %swap3A_1521 = arith.constant 41 : i32
      %swap3A_1522 = arith.index_cast %swap3A_1521 : i32 to index
      %swap3A_1523 = arith.constant 28 : index
      %swap3A_1524 = tpu.vector_load %arg11[%swap3A_1522, %swap3A_1523] {strides = array<i32>} : memref<50x44xf32, #tpu.memory_space<vmem>>, vector<1x16xf32>,
      %swap3A_1525 = vector.shape_cast %swap3A_1524 : vector<1x16xf32> to vector<16xf32>
      %swap3A_1526 = vector.shape_cast %get3A_1520 : vector<16xf32> to vector<1x16xf32>
      tpu.vector_store %arg11[%swap3A_1522, %swap3A_1523], %swap3A_1526 {strides = array<i32>} : memref<50x44xf32, #tpu.memory_space<vmem>>, vector<1x16xf32>,
      %get3A_1527 = arith.constant 42 : i32
      %get3A_1528 = arith.index_cast %get3A_1527 : i32 to index
      %get3A_1529 = arith.constant 0 : index
      %get3A_1530 = tpu.vector_load %arg10[%get3A_1528, %get3A_1529] {strides = array<i32>} : memref<50x128xf32, #tpu.memory_space<vmem>>, vector<1x16xf32>,
      %get3A_1531 = vector.shape_cast %get3A_1530 : vector<1x16xf32> to vector<16xf32>
      %swap3A_1532 = arith.constant 42 : i32
      %swap3A_1533 = arith.index_cast %swap3A_1532 : i32 to index
      %swap3A_1534 = arith.constant 0 : index
      %swap3A_1535 = tpu.vector_load %arg11[%swap3A_1533, %swap3A_1534] {strides = array<i32>} : memref<50x44xf32, #tpu.memory_space<vmem>>, vector<1x16xf32>,
      %swap3A_1536 = vector.shape_cast %swap3A_1535 : vector<1x16xf32> to vector<16xf32>
      %swap3A_1537 = vector.shape_cast %get3A_1531 : vector<16xf32> to vector<1x16xf32>
      tpu.vector_store %arg11[%swap3A_1533, %swap3A_1534], %swap3A_1537 {strides = array<i32>} : memref<50x44xf32, #tpu.memory_space<vmem>>, vector<1x16xf32>,
      %get3A_1538 = arith.constant 42 : i32
      %get3A_1539 = arith.index_cast %get3A_1538 : i32 to index
      %get3A_1540 = arith.constant 16 : index
      %get3A_1541 = tpu.vector_load %arg10[%get3A_1539, %get3A_1540] {strides = array<i32>} : memref<50x128xf32, #tpu.memory_space<vmem>>, vector<1x16xf32>,
      %get3A_1542 = vector.shape_cast %get3A_1541 : vector<1x16xf32> to vector<16xf32>
      %swap3A_1543 = arith.constant 42 : i32
      %swap3A_1544 = arith.index_cast %swap3A_1543 : i32 to index
      %swap3A_1545 = arith.constant 16 : index
      %swap3A_1546 = tpu.vector_load %arg11[%swap3A_1544, %swap3A_1545] {strides = array<i32>} : memref<50x44xf32, #tpu.memory_space<vmem>>, vector<1x16xf32>,
      %swap3A_1547 = vector.shape_cast %swap3A_1546 : vector<1x16xf32> to vector<16xf32>
      %swap3A_1548 = vector.shape_cast %get3A_1542 : vector<16xf32> to vector<1x16xf32>
      tpu.vector_store %arg11[%swap3A_1544, %swap3A_1545], %swap3A_1548 {strides = array<i32>} : memref<50x44xf32, #tpu.memory_space<vmem>>, vector<1x16xf32>,
      %get3A_1549 = arith.constant 42 : i32
      %get3A_1550 = arith.index_cast %get3A_1549 : i32 to index
      %get3A_1551 = arith.constant 28 : index
      %get3A_1552 = tpu.vector_load %arg10[%get3A_1550, %get3A_1551] {strides = array<i32>} : memref<50x128xf32, #tpu.memory_space<vmem>>, vector<1x16xf32>,
      %get3A_1553 = vector.shape_cast %get3A_1552 : vector<1x16xf32> to vector<16xf32>
      %swap3A_1554 = arith.constant 42 : i32
      %swap3A_1555 = arith.index_cast %swap3A_1554 : i32 to index
      %swap3A_1556 = arith.constant 28 : index
      %swap3A_1557 = tpu.vector_load %arg11[%swap3A_1555, %swap3A_1556] {strides = array<i32>} : memref<50x44xf32, #tpu.memory_space<vmem>>, vector<1x16xf32>,
      %swap3A_1558 = vector.shape_cast %swap3A_1557 : vector<1x16xf32> to vector<16xf32>
      %swap3A_1559 = vector.shape_cast %get3A_1553 : vector<16xf32> to vector<1x16xf32>
      tpu.vector_store %arg11[%swap3A_1555, %swap3A_1556], %swap3A_1559 {strides = array<i32>} : memref<50x44xf32, #tpu.memory_space<vmem>>, vector<1x16xf32>,
      %get3A_1560 = arith.constant 43 : i32
      %get3A_1561 = arith.index_cast %get3A_1560 : i32 to index
      %get3A_1562 = arith.constant 0 : index
      %get3A_1563 = tpu.vector_load %arg10[%get3A_1561, %get3A_1562] {strides = array<i32>} : memref<50x128xf32, #tpu.memory_space<vmem>>, vector<1x16xf32>,
      %get3A_1564 = vector.shape_cast %get3A_1563 : vector<1x16xf32> to vector<16xf32>
      %swap3A_1565 = arith.constant 43 : i32
      %swap3A_1566 = arith.index_cast %swap3A_1565 : i32 to index
      %swap3A_1567 = arith.constant 0 : index
      %swap3A_1568 = tpu.vector_load %arg11[%swap3A_1566, %swap3A_1567] {strides = array<i32>} : memref<50x44xf32, #tpu.memory_space<vmem>>, vector<1x16xf32>,
      %swap3A_1569 = vector.shape_cast %swap3A_1568 : vector<1x16xf32> to vector<16xf32>
      %swap3A_1570 = vector.shape_cast %get3A_1564 : vector<16xf32> to vector<1x16xf32>
      tpu.vector_store %arg11[%swap3A_1566, %swap3A_1567], %swap3A_1570 {strides = array<i32>} : memref<50x44xf32, #tpu.memory_space<vmem>>, vector<1x16xf32>,
      %get3A_1571 = arith.constant 43 : i32
      %get3A_1572 = arith.index_cast %get3A_1571 : i32 to index
      %get3A_1573 = arith.constant 16 : index
      %get3A_1574 = tpu.vector_load %arg10[%get3A_1572, %get3A_1573] {strides = array<i32>} : memref<50x128xf32, #tpu.memory_space<vmem>>, vector<1x16xf32>,
      %get3A_1575 = vector.shape_cast %get3A_1574 : vector<1x16xf32> to vector<16xf32>
      %swap3A_1576 = arith.constant 43 : i32
      %swap3A_1577 = arith.index_cast %swap3A_1576 : i32 to index
      %swap3A_1578 = arith.constant 16 : index
      %swap3A_1579 = tpu.vector_load %arg11[%swap3A_1577, %swap3A_1578] {strides = array<i32>} : memref<50x44xf32, #tpu.memory_space<vmem>>, vector<1x16xf32>,
      %swap3A_1580 = vector.shape_cast %swap3A_1579 : vector<1x16xf32> to vector<16xf32>
      %swap3A_1581 = vector.shape_cast %get3A_1575 : vector<16xf32> to vector<1x16xf32>
      tpu.vector_store %arg11[%swap3A_1577, %swap3A_1578], %swap3A_1581 {strides = array<i32>} : memref<50x44xf32, #tpu.memory_space<vmem>>, vector<1x16xf32>,
      %get3A_1582 = arith.constant 43 : i32
      %get3A_1583 = arith.index_cast %get3A_1582 : i32 to index
      %get3A_1584 = arith.constant 28 : index
      %get3A_1585 = tpu.vector_load %arg10[%get3A_1583, %get3A_1584] {strides = array<i32>} : memref<50x128xf32, #tpu.memory_space<vmem>>, vector<1x16xf32>,
      %get3A_1586 = vector.shape_cast %get3A_1585 : vector<1x16xf32> to vector<16xf32>
      %swap3A_1587 = arith.constant 43 : i32
      %swap3A_1588 = arith.index_cast %swap3A_1587 : i32 to index
      %swap3A_1589 = arith.constant 28 : index
      %swap3A_1590 = tpu.vector_load %arg11[%swap3A_1588, %swap3A_1589] {strides = array<i32>} : memref<50x44xf32, #tpu.memory_space<vmem>>, vector<1x16xf32>,
      %swap3A_1591 = vector.shape_cast %swap3A_1590 : vector<1x16xf32> to vector<16xf32>
      %swap3A_1592 = vector.shape_cast %get3A_1586 : vector<16xf32> to vector<1x16xf32>
      tpu.vector_store %arg11[%swap3A_1588, %swap3A_1589], %swap3A_1592 {strides = array<i32>} : memref<50x44xf32, #tpu.memory_space<vmem>>, vector<1x16xf32>,
      %get3A_1593 = arith.constant 44 : i32
      %get3A_1594 = arith.index_cast %get3A_1593 : i32 to index
      %get3A_1595 = arith.constant 0 : index
      %get3A_1596 = tpu.vector_load %arg10[%get3A_1594, %get3A_1595] {strides = array<i32>} : memref<50x128xf32, #tpu.memory_space<vmem>>, vector<1x16xf32>,
      %get3A_1597 = vector.shape_cast %get3A_1596 : vector<1x16xf32> to vector<16xf32>
      %swap3A_1598 = arith.constant 44 : i32
      %swap3A_1599 = arith.index_cast %swap3A_1598 : i32 to index
      %swap3A_1600 = arith.constant 0 : index
      %swap3A_1601 = tpu.vector_load %arg11[%swap3A_1599, %swap3A_1600] {strides = array<i32>} : memref<50x44xf32, #tpu.memory_space<vmem>>, vector<1x16xf32>,
      %swap3A_1602 = vector.shape_cast %swap3A_1601 : vector<1x16xf32> to vector<16xf32>
      %swap3A_1603 = vector.shape_cast %get3A_1597 : vector<16xf32> to vector<1x16xf32>
      tpu.vector_store %arg11[%swap3A_1599, %swap3A_1600], %swap3A_1603 {strides = array<i32>} : memref<50x44xf32, #tpu.memory_space<vmem>>, vector<1x16xf32>,
      %get3A_1604 = arith.constant 44 : i32
      %get3A_1605 = arith.index_cast %get3A_1604 : i32 to index
      %get3A_1606 = arith.constant 16 : index
      %get3A_1607 = tpu.vector_load %arg10[%get3A_1605, %get3A_1606] {strides = array<i32>} : memref<50x128xf32, #tpu.memory_space<vmem>>, vector<1x16xf32>,
      %get3A_1608 = vector.shape_cast %get3A_1607 : vector<1x16xf32> to vector<16xf32>
      %swap3A_1609 = arith.constant 44 : i32
      %swap3A_1610 = arith.index_cast %swap3A_1609 : i32 to index
      %swap3A_1611 = arith.constant 16 : index
      %swap3A_1612 = tpu.vector_load %arg11[%swap3A_1610, %swap3A_1611] {strides = array<i32>} : memref<50x44xf32, #tpu.memory_space<vmem>>, vector<1x16xf32>,
      %swap3A_1613 = vector.shape_cast %swap3A_1612 : vector<1x16xf32> to vector<16xf32>
      %swap3A_1614 = vector.shape_cast %get3A_1608 : vector<16xf32> to vector<1x16xf32>
      tpu.vector_store %arg11[%swap3A_1610, %swap3A_1611], %swap3A_1614 {strides = array<i32>} : memref<50x44xf32, #tpu.memory_space<vmem>>, vector<1x16xf32>,
      %get3A_1615 = arith.constant 44 : i32
      %get3A_1616 = arith.index_cast %get3A_1615 : i32 to index
      %get3A_1617 = arith.constant 28 : index
      %get3A_1618 = tpu.vector_load %arg10[%get3A_1616, %get3A_1617] {strides = array<i32>} : memref<50x128xf32, #tpu.memory_space<vmem>>, vector<1x16xf32>,
      %get3A_1619 = vector.shape_cast %get3A_1618 : vector<1x16xf32> to vector<16xf32>
      %swap3A_1620 = arith.constant 44 : i32
      %swap3A_1621 = arith.index_cast %swap3A_1620 : i32 to index
      %swap3A_1622 = arith.constant 28 : index
      %swap3A_1623 = tpu.vector_load %arg11[%swap3A_1621, %swap3A_1622] {strides = array<i32>} : memref<50x44xf32, #tpu.memory_space<vmem>>, vector<1x16xf32>,
      %swap3A_1624 = vector.shape_cast %swap3A_1623 : vector<1x16xf32> to vector<16xf32>
      %swap3A_1625 = vector.shape_cast %get3A_1619 : vector<16xf32> to vector<1x16xf32>
      tpu.vector_store %arg11[%swap3A_1621, %swap3A_1622], %swap3A_1625 {strides = array<i32>} : memref<50x44xf32, #tpu.memory_space<vmem>>, vector<1x16xf32>,
      %get3A_1626 = arith.constant 45 : i32
      %get3A_1627 = arith.index_cast %get3A_1626 : i32 to index
      %get3A_1628 = arith.constant 0 : index
      %get3A_1629 = tpu.vector_load %arg10[%get3A_1627, %get3A_1628] {strides = array<i32>} : memref<50x128xf32, #tpu.memory_space<vmem>>, vector<1x16xf32>,
      %get3A_1630 = vector.shape_cast %get3A_1629 : vector<1x16xf32> to vector<16xf32>
      %swap3A_1631 = arith.constant 45 : i32
      %swap3A_1632 = arith.index_cast %swap3A_1631 : i32 to index
      %swap3A_1633 = arith.constant 0 : index
      %swap3A_1634 = tpu.vector_load %arg11[%swap3A_1632, %swap3A_1633] {strides = array<i32>} : memref<50x44xf32, #tpu.memory_space<vmem>>, vector<1x16xf32>,
      %swap3A_1635 = vector.shape_cast %swap3A_1634 : vector<1x16xf32> to vector<16xf32>
      %swap3A_1636 = vector.shape_cast %get3A_1630 : vector<16xf32> to vector<1x16xf32>
      tpu.vector_store %arg11[%swap3A_1632, %swap3A_1633], %swap3A_1636 {strides = array<i32>} : memref<50x44xf32, #tpu.memory_space<vmem>>, vector<1x16xf32>,
      %get3A_1637 = arith.constant 45 : i32
      %get3A_1638 = arith.index_cast %get3A_1637 : i32 to index
      %get3A_1639 = arith.constant 16 : index
      %get3A_1640 = tpu.vector_load %arg10[%get3A_1638, %get3A_1639] {strides = array<i32>} : memref<50x128xf32, #tpu.memory_space<vmem>>, vector<1x16xf32>,
      %get3A_1641 = vector.shape_cast %get3A_1640 : vector<1x16xf32> to vector<16xf32>
      %swap3A_1642 = arith.constant 45 : i32
      %swap3A_1643 = arith.index_cast %swap3A_1642 : i32 to index
      %swap3A_1644 = arith.constant 16 : index
      %swap3A_1645 = tpu.vector_load %arg11[%swap3A_1643, %swap3A_1644] {strides = array<i32>} : memref<50x44xf32, #tpu.memory_space<vmem>>, vector<1x16xf32>,
      %swap3A_1646 = vector.shape_cast %swap3A_1645 : vector<1x16xf32> to vector<16xf32>
      %swap3A_1647 = vector.shape_cast %get3A_1641 : vector<16xf32> to vector<1x16xf32>
      tpu.vector_store %arg11[%swap3A_1643, %swap3A_1644], %swap3A_1647 {strides = array<i32>} : memref<50x44xf32, #tpu.memory_space<vmem>>, vector<1x16xf32>,
      %get3A_1648 = arith.constant 45 : i32
      %get3A_1649 = arith.index_cast %get3A_1648 : i32 to index
      %get3A_1650 = arith.constant 28 : index
      %get3A_1651 = tpu.vector_load %arg10[%get3A_1649, %get3A_1650] {strides = array<i32>} : memref<50x128xf32, #tpu.memory_space<vmem>>, vector<1x16xf32>,
      %get3A_1652 = vector.shape_cast %get3A_1651 : vector<1x16xf32> to vector<16xf32>
      %swap3A_1653 = arith.constant 45 : i32
      %swap3A_1654 = arith.index_cast %swap3A_1653 : i32 to index
      %swap3A_1655 = arith.constant 28 : index
      %swap3A_1656 = tpu.vector_load %arg11[%swap3A_1654, %swap3A_1655] {strides = array<i32>} : memref<50x44xf32, #tpu.memory_space<vmem>>, vector<1x16xf32>,
      %swap3A_1657 = vector.shape_cast %swap3A_1656 : vector<1x16xf32> to vector<16xf32>
      %swap3A_1658 = vector.shape_cast %get3A_1652 : vector<16xf32> to vector<1x16xf32>
      tpu.vector_store %arg11[%swap3A_1654, %swap3A_1655], %swap3A_1658 {strides = array<i32>} : memref<50x44xf32, #tpu.memory_space<vmem>>, vector<1x16xf32>,
      %get3A_1659 = arith.constant 46 : i32
      %get3A_1660 = arith.index_cast %get3A_1659 : i32 to index
      %get3A_1661 = arith.constant 0 : index
      %get3A_1662 = tpu.vector_load %arg10[%get3A_1660, %get3A_1661] {strides = array<i32>} : memref<50x128xf32, #tpu.memory_space<vmem>>, vector<1x16xf32>,
      %get3A_1663 = vector.shape_cast %get3A_1662 : vector<1x16xf32> to vector<16xf32>
      %swap3A_1664 = arith.constant 46 : i32
      %swap3A_1665 = arith.index_cast %swap3A_1664 : i32 to index
      %swap3A_1666 = arith.constant 0 : index
      %swap3A_1667 = tpu.vector_load %arg11[%swap3A_1665, %swap3A_1666] {strides = array<i32>} : memref<50x44xf32, #tpu.memory_space<vmem>>, vector<1x16xf32>,
      %swap3A_1668 = vector.shape_cast %swap3A_1667 : vector<1x16xf32> to vector<16xf32>
      %swap3A_1669 = vector.shape_cast %get3A_1663 : vector<16xf32> to vector<1x16xf32>
      tpu.vector_store %arg11[%swap3A_1665, %swap3A_1666], %swap3A_1669 {strides = array<i32>} : memref<50x44xf32, #tpu.memory_space<vmem>>, vector<1x16xf32>,
      %get3A_1670 = arith.constant 46 : i32
      %get3A_1671 = arith.index_cast %get3A_1670 : i32 to index
      %get3A_1672 = arith.constant 16 : index
      %get3A_1673 = tpu.vector_load %arg10[%get3A_1671, %get3A_1672] {strides = array<i32>} : memref<50x128xf32, #tpu.memory_space<vmem>>, vector<1x16xf32>,
      %get3A_1674 = vector.shape_cast %get3A_1673 : vector<1x16xf32> to vector<16xf32>
      %swap3A_1675 = arith.constant 46 : i32
      %swap3A_1676 = arith.index_cast %swap3A_1675 : i32 to index
      %swap3A_1677 = arith.constant 16 : index
      %swap3A_1678 = tpu.vector_load %arg11[%swap3A_1676, %swap3A_1677] {strides = array<i32>} : memref<50x44xf32, #tpu.memory_space<vmem>>, vector<1x16xf32>,
      %swap3A_1679 = vector.shape_cast %swap3A_1678 : vector<1x16xf32> to vector<16xf32>
      %swap3A_1680 = vector.shape_cast %get3A_1674 : vector<16xf32> to vector<1x16xf32>
      tpu.vector_store %arg11[%swap3A_1676, %swap3A_1677], %swap3A_1680 {strides = array<i32>} : memref<50x44xf32, #tpu.memory_space<vmem>>, vector<1x16xf32>,
      %get3A_1681 = arith.constant 46 : i32
      %get3A_1682 = arith.index_cast %get3A_1681 : i32 to index
      %get3A_1683 = arith.constant 28 : index
      %get3A_1684 = tpu.vector_load %arg10[%get3A_1682, %get3A_1683] {strides = array<i32>} : memref<50x128xf32, #tpu.memory_space<vmem>>, vector<1x16xf32>,
      %get3A_1685 = vector.shape_cast %get3A_1684 : vector<1x16xf32> to vector<16xf32>
      %swap3A_1686 = arith.constant 46 : i32
      %swap3A_1687 = arith.index_cast %swap3A_1686 : i32 to index
      %swap3A_1688 = arith.constant 28 : index
      %swap3A_1689 = tpu.vector_load %arg11[%swap3A_1687, %swap3A_1688] {strides = array<i32>} : memref<50x44xf32, #tpu.memory_space<vmem>>, vector<1x16xf32>,
      %swap3A_1690 = vector.shape_cast %swap3A_1689 : vector<1x16xf32> to vector<16xf32>
      %swap3A_1691 = vector.shape_cast %get3A_1685 : vector<16xf32> to vector<1x16xf32>
      tpu.vector_store %arg11[%swap3A_1687, %swap3A_1688], %swap3A_1691 {strides = array<i32>} : memref<50x44xf32, #tpu.memory_space<vmem>>, vector<1x16xf32>,
      %get3A_1692 = arith.constant 47 : i32
      %get3A_1693 = arith.index_cast %get3A_1692 : i32 to index
      %get3A_1694 = arith.constant 0 : index
      %get3A_1695 = tpu.vector_load %arg10[%get3A_1693, %get3A_1694] {strides = array<i32>} : memref<50x128xf32, #tpu.memory_space<vmem>>, vector<1x16xf32>,
      %get3A_1696 = vector.shape_cast %get3A_1695 : vector<1x16xf32> to vector<16xf32>
      %swap3A_1697 = arith.constant 47 : i32
      %swap3A_1698 = arith.index_cast %swap3A_1697 : i32 to index
      %swap3A_1699 = arith.constant 0 : index
      %swap3A_1700 = tpu.vector_load %arg11[%swap3A_1698, %swap3A_1699] {strides = array<i32>} : memref<50x44xf32, #tpu.memory_space<vmem>>, vector<1x16xf32>,
      %swap3A_1701 = vector.shape_cast %swap3A_1700 : vector<1x16xf32> to vector<16xf32>
      %swap3A_1702 = vector.shape_cast %get3A_1696 : vector<16xf32> to vector<1x16xf32>
      tpu.vector_store %arg11[%swap3A_1698, %swap3A_1699], %swap3A_1702 {strides = array<i32>} : memref<50x44xf32, #tpu.memory_space<vmem>>, vector<1x16xf32>,
      %get3A_1703 = arith.constant 47 : i32
      %get3A_1704 = arith.index_cast %get3A_1703 : i32 to index
      %get3A_1705 = arith.constant 16 : index
      %get3A_1706 = tpu.vector_load %arg10[%get3A_1704, %get3A_1705] {strides = array<i32>} : memref<50x128xf32, #tpu.memory_space<vmem>>, vector<1x16xf32>,
      %get3A_1707 = vector.shape_cast %get3A_1706 : vector<1x16xf32> to vector<16xf32>
      %swap3A_1708 = arith.constant 47 : i32
      %swap3A_1709 = arith.index_cast %swap3A_1708 : i32 to index
      %swap3A_1710 = arith.constant 16 : index
      %swap3A_1711 = tpu.vector_load %arg11[%swap3A_1709, %swap3A_1710] {strides = array<i32>} : memref<50x44xf32, #tpu.memory_space<vmem>>, vector<1x16xf32>,
      %swap3A_1712 = vector.shape_cast %swap3A_1711 : vector<1x16xf32> to vector<16xf32>
      %swap3A_1713 = vector.shape_cast %get3A_1707 : vector<16xf32> to vector<1x16xf32>
      tpu.vector_store %arg11[%swap3A_1709, %swap3A_1710], %swap3A_1713 {strides = array<i32>} : memref<50x44xf32, #tpu.memory_space<vmem>>, vector<1x16xf32>,
      %get3A_1714 = arith.constant 47 : i32
      %get3A_1715 = arith.index_cast %get3A_1714 : i32 to index
      %get3A_1716 = arith.constant 28 : index
      %get3A_1717 = tpu.vector_load %arg10[%get3A_1715, %get3A_1716] {strides = array<i32>} : memref<50x128xf32, #tpu.memory_space<vmem>>, vector<1x16xf32>,
      %get3A_1718 = vector.shape_cast %get3A_1717 : vector<1x16xf32> to vector<16xf32>
      %swap3A_1719 = arith.constant 47 : i32
      %swap3A_1720 = arith.index_cast %swap3A_1719 : i32 to index
      %swap3A_1721 = arith.constant 28 : index
      %swap3A_1722 = tpu.vector_load %arg11[%swap3A_1720, %swap3A_1721] {strides = array<i32>} : memref<50x44xf32, #tpu.memory_space<vmem>>, vector<1x16xf32>,
      %swap3A_1723 = vector.shape_cast %swap3A_1722 : vector<1x16xf32> to vector<16xf32>
      %swap3A_1724 = vector.shape_cast %get3A_1718 : vector<16xf32> to vector<1x16xf32>
      tpu.vector_store %arg11[%swap3A_1720, %swap3A_1721], %swap3A_1724 {strides = array<i32>} : memref<50x44xf32, #tpu.memory_space<vmem>>, vector<1x16xf32>,
      %get3A_1725 = arith.constant 48 : i32
      %get3A_1726 = arith.index_cast %get3A_1725 : i32 to index
      %get3A_1727 = arith.constant 0 : index
      %get3A_1728 = tpu.vector_load %arg10[%get3A_1726, %get3A_1727] {strides = array<i32>} : memref<50x128xf32, #tpu.memory_space<vmem>>, vector<1x16xf32>,
      %get3A_1729 = vector.shape_cast %get3A_1728 : vector<1x16xf32> to vector<16xf32>
      %swap3A_1730 = arith.constant 48 : i32
      %swap3A_1731 = arith.index_cast %swap3A_1730 : i32 to index
      %swap3A_1732 = arith.constant 0 : index
      %swap3A_1733 = tpu.vector_load %arg11[%swap3A_1731, %swap3A_1732] {strides = array<i32>} : memref<50x44xf32, #tpu.memory_space<vmem>>, vector<1x16xf32>,
      %swap3A_1734 = vector.shape_cast %swap3A_1733 : vector<1x16xf32> to vector<16xf32>
      %swap3A_1735 = vector.shape_cast %get3A_1729 : vector<16xf32> to vector<1x16xf32>
      tpu.vector_store %arg11[%swap3A_1731, %swap3A_1732], %swap3A_1735 {strides = array<i32>} : memref<50x44xf32, #tpu.memory_space<vmem>>, vector<1x16xf32>,
      %get3A_1736 = arith.constant 48 : i32
      %get3A_1737 = arith.index_cast %get3A_1736 : i32 to index
      %get3A_1738 = arith.constant 16 : index
      %get3A_1739 = tpu.vector_load %arg10[%get3A_1737, %get3A_1738] {strides = array<i32>} : memref<50x128xf32, #tpu.memory_space<vmem>>, vector<1x16xf32>,
      %get3A_1740 = vector.shape_cast %get3A_1739 : vector<1x16xf32> to vector<16xf32>
      %swap3A_1741 = arith.constant 48 : i32
      %swap3A_1742 = arith.index_cast %swap3A_1741 : i32 to index
      %swap3A_1743 = arith.constant 16 : index
      %swap3A_1744 = tpu.vector_load %arg11[%swap3A_1742, %swap3A_1743] {strides = array<i32>} : memref<50x44xf32, #tpu.memory_space<vmem>>, vector<1x16xf32>,
      %swap3A_1745 = vector.shape_cast %swap3A_1744 : vector<1x16xf32> to vector<16xf32>
      %swap3A_1746 = vector.shape_cast %get3A_1740 : vector<16xf32> to vector<1x16xf32>
      tpu.vector_store %arg11[%swap3A_1742, %swap3A_1743], %swap3A_1746 {strides = array<i32>} : memref<50x44xf32, #tpu.memory_space<vmem>>, vector<1x16xf32>,
      %get3A_1747 = arith.constant 48 : i32
      %get3A_1748 = arith.index_cast %get3A_1747 : i32 to index
      %get3A_1749 = arith.constant 28 : index
      %get3A_1750 = tpu.vector_load %arg10[%get3A_1748, %get3A_1749] {strides = array<i32>} : memref<50x128xf32, #tpu.memory_space<vmem>>, vector<1x16xf32>,
      %get3A_1751 = vector.shape_cast %get3A_1750 : vector<1x16xf32> to vector<16xf32>
      %swap3A_1752 = arith.constant 48 : i32
      %swap3A_1753 = arith.index_cast %swap3A_1752 : i32 to index
      %swap3A_1754 = arith.constant 28 : index
      %swap3A_1755 = tpu.vector_load %arg11[%swap3A_1753, %swap3A_1754] {strides = array<i32>} : memref<50x44xf32, #tpu.memory_space<vmem>>, vector<1x16xf32>,
      %swap3A_1756 = vector.shape_cast %swap3A_1755 : vector<1x16xf32> to vector<16xf32>
      %swap3A_1757 = vector.shape_cast %get3A_1751 : vector<16xf32> to vector<1x16xf32>
      tpu.vector_store %arg11[%swap3A_1753, %swap3A_1754], %swap3A_1757 {strides = array<i32>} : memref<50x44xf32, #tpu.memory_space<vmem>>, vector<1x16xf32>,
      %get3A_1758 = arith.constant 49 : i32
      %get3A_1759 = arith.index_cast %get3A_1758 : i32 to index
      %get3A_1760 = arith.constant 0 : index
      %get3A_1761 = tpu.vector_load %arg10[%get3A_1759, %get3A_1760] {strides = array<i32>} : memref<50x128xf32, #tpu.memory_space<vmem>>, vector<1x16xf32>,
      %get3A_1762 = vector.shape_cast %get3A_1761 : vector<1x16xf32> to vector<16xf32>
      %swap3A_1763 = arith.constant 49 : i32
      %swap3A_1764 = arith.index_cast %swap3A_1763 : i32 to index
      %swap3A_1765 = arith.constant 0 : index
      %swap3A_1766 = tpu.vector_load %arg11[%swap3A_1764, %swap3A_1765] {strides = array<i32>} : memref<50x44xf32, #tpu.memory_space<vmem>>, vector<1x16xf32>,
      %swap3A_1767 = vector.shape_cast %swap3A_1766 : vector<1x16xf32> to vector<16xf32>
      %swap3A_1768 = vector.shape_cast %get3A_1762 : vector<16xf32> to vector<1x16xf32>
      tpu.vector_store %arg11[%swap3A_1764, %swap3A_1765], %swap3A_1768 {strides = array<i32>} : memref<50x44xf32, #tpu.memory_space<vmem>>, vector<1x16xf32>,
      %get3A_1769 = arith.constant 49 : i32
      %get3A_1770 = arith.index_cast %get3A_1769 : i32 to index
      %get3A_1771 = arith.constant 16 : index
      %get3A_1772 = tpu.vector_load %arg10[%get3A_1770, %get3A_1771] {strides = array<i32>} : memref<50x128xf32, #tpu.memory_space<vmem>>, vector<1x16xf32>,
      %get3A_1773 = vector.shape_cast %get3A_1772 : vector<1x16xf32> to vector<16xf32>
      %swap3A_1774 = arith.constant 49 : i32
      %swap3A_1775 = arith.index_cast %swap3A_1774 : i32 to index
      %swap3A_1776 = arith.constant 16 : index
      %swap3A_1777 = tpu.vector_load %arg11[%swap3A_1775, %swap3A_1776] {strides = array<i32>} : memref<50x44xf32, #tpu.memory_space<vmem>>, vector<1x16xf32>,
      %swap3A_1778 = vector.shape_cast %swap3A_1777 : vector<1x16xf32> to vector<16xf32>
      %swap3A_1779 = vector.shape_cast %get3A_1773 : vector<16xf32> to vector<1x16xf32>
      tpu.vector_store %arg11[%swap3A_1775, %swap3A_1776], %swap3A_1779 {strides = array<i32>} : memref<50x44xf32, #tpu.memory_space<vmem>>, vector<1x16xf32>,
      %get3A_1780 = arith.constant 49 : i32
      %get3A_1781 = arith.index_cast %get3A_1780 : i32 to index
      %get3A_1782 = arith.constant 28 : index
      %get3A_1783 = tpu.vector_load %arg10[%get3A_1781, %get3A_1782] {strides = array<i32>} : memref<50x128xf32, #tpu.memory_space<vmem>>, vector<1x16xf32>,
      %get3A_1784 = vector.shape_cast %get3A_1783 : vector<1x16xf32> to vector<16xf32>
      %swap3A_1785 = arith.constant 49 : i32
      %swap3A_1786 = arith.index_cast %swap3A_1785 : i32 to index
      %swap3A_1787 = arith.constant 28 : index
      %swap3A_1788 = tpu.vector_load %arg11[%swap3A_1786, %swap3A_1787] {strides = array<i32>} : memref<50x44xf32, #tpu.memory_space<vmem>>, vector<1x16xf32>,
      %swap3A_1789 = vector.shape_cast %swap3A_1788 : vector<1x16xf32> to vector<16xf32>
      %swap3A_1790 = vector.shape_cast %get3A_1784 : vector<16xf32> to vector<1x16xf32>
      tpu.vector_store %arg11[%swap3A_1786, %swap3A_1787], %swap3A_1790 {strides = array<i32>} : memref<50x44xf32, #tpu.memory_space<vmem>>, vector<1x16xf32>,
      %dma_start3A_1791 = arith.constant 0 : i32
      %dma_start3A_1792 = arith.constant 0 : i32
      %dma_start3A_1793 = tpu.memref_slice %arg6[%add3A_124, %dma_start3A_1791, %dma_start3A_1792] : memref<4096x50x300xf32, #tpu.memory_space<hbm>> -> memref<1x50x128xf32, #tpu.memory_space<hbm>>
      %dma_start3A_1794 = tpu.memref_squeeze %dma_start3A_1793 : memref<1x50x128xf32, #tpu.memory_space<hbm>> -> memref<50x128xf32, #tpu.memory_space<hbm>>
      %dma_start3A_1795 = arith.constant 0 : i32
      %dma_start3A_1796 = arith.constant 0 : i32
      %dma_start3A_1797 = tpu.memref_slice %arg6[%add3A_124, %dma_start3A_1795, %dma_start3A_1796] : memref<4096x50x300xf32, #tpu.memory_space<hbm>> -> memref<1x50x128xf32, #tpu.memory_space<hbm>>
      %dma_start3A_1798 = tpu.memref_squeeze %dma_start3A_1797 : memref<1x50x128xf32, #tpu.memory_space<hbm>> -> memref<50x128xf32, #tpu.memory_space<hbm>>
      tpu.enqueue_dma source(%arg8 : memref<50x128xf32, #tpu.memory_space<vmem>>) target(%dma_start3A_1798 : memref<50x128xf32, #tpu.memory_space<hbm>>) target_semaphore(%arg13 : memref<!tpu.dma_semaphore, #tpu.memory_space<semaphore_mem>>)
      %dma_start3A_1799 = arith.constant 0 : i32
      %dma_start3A_1800 = arith.constant 128 : i32
      %dma_start3A_1801 = tpu.memref_slice %arg6[%add3A_124, %dma_start3A_1799, %dma_start3A_1800] : memref<4096x50x300xf32, #tpu.memory_space<hbm>> -> memref<1x50x128xf32, #tpu.memory_space<hbm>>
      %dma_start3A_1802 = tpu.memref_squeeze %dma_start3A_1801 : memref<1x50x128xf32, #tpu.memory_space<hbm>> -> memref<50x128xf32, #tpu.memory_space<hbm>>
      %dma_start3A_1803 = arith.constant 0 : i32
      %dma_start3A_1804 = arith.constant 128 : i32
      %dma_start3A_1805 = tpu.memref_slice %arg6[%add3A_124, %dma_start3A_1803, %dma_start3A_1804] : memref<4096x50x300xf32, #tpu.memory_space<hbm>> -> memref<1x50x128xf32, #tpu.memory_space<hbm>>
      %dma_start3A_1806 = tpu.memref_squeeze %dma_start3A_1805 : memref<1x50x128xf32, #tpu.memory_space<hbm>> -> memref<50x128xf32, #tpu.memory_space<hbm>>
      tpu.enqueue_dma source(%arg9 : memref<50x128xf32, #tpu.memory_space<vmem>>) target(%dma_start3A_1806 : memref<50x128xf32, #tpu.memory_space<hbm>>) target_semaphore(%arg13 : memref<!tpu.dma_semaphore, #tpu.memory_space<semaphore_mem>>)
      %dma_start3A_1807 = arith.constant 0 : i32
      %dma_start3A_1808 = arith.constant 256 : i32
      %dma_start3A_1809 = tpu.memref_slice %arg6[%add3A_124, %dma_start3A_1807, %dma_start3A_1808] : memref<4096x50x300xf32, #tpu.memory_space<hbm>> -> memref<1x50x44xf32, #tpu.memory_space<hbm>>
      %dma_start3A_1810 = tpu.memref_squeeze %dma_start3A_1809 : memref<1x50x44xf32, #tpu.memory_space<hbm>> -> memref<50x44xf32, #tpu.memory_space<hbm>>
      %dma_start3A_1811 = arith.constant 0 : i32
      %dma_start3A_1812 = arith.constant 256 : i32
      %dma_start3A_1813 = tpu.memref_slice %arg6[%add3A_124, %dma_start3A_1811, %dma_start3A_1812] : memref<4096x50x300xf32, #tpu.memory_space<hbm>> -> memref<1x50x44xf32, #tpu.memory_space<hbm>>
      %dma_start3A_1814 = tpu.memref_squeeze %dma_start3A_1813 : memref<1x50x44xf32, #tpu.memory_space<hbm>> -> memref<50x44xf32, #tpu.memory_space<hbm>>
      tpu.enqueue_dma source(%arg11 : memref<50x44xf32, #tpu.memory_space<vmem>>) target(%dma_start3A_1814 : memref<50x44xf32, #tpu.memory_space<hbm>>) target_semaphore(%arg13 : memref<!tpu.dma_semaphore, #tpu.memory_space<semaphore_mem>>)
      %mul3A_1815 = arith.constant 2 : i32
      %mul3A_1816 = arith.muli %scan3A_65, %mul3A_1815 : i32
      %add3A_1817 = arith.constant 1 : i32
      %add3A_1818 = arith.addi %mul3A_1816, %add3A_1817 : i32
      %add3A_1819 = arith.addi %mul3A_2, %add3A_1818 : i32
      %dma_wait3A_1820 = arith.constant 0 : i32
      %dma_wait3A_1821 = tpu.memref_slice %arg7[%add3A_1818, %dma_wait3A_1820] : memref<128x50xi32, #tpu.memory_space<vmem>> -> memref<1x50xi32, #tpu.memory_space<vmem>>
      %dma_wait3A_1822 = tpu.memref_squeeze %dma_wait3A_1821 : memref<1x50xi32, #tpu.memory_space<vmem>> -> memref<50xi32, #tpu.memory_space<vmem>>
      %dma_wait3A_1823 = arith.constant 0 : i32
      %dma_wait3A_1824 = arith.constant 0 : i32
      %dma_wait3A_1825 = tpu.memref_slice %arg20[%dma_wait3A_1823, %dma_wait3A_1824] : memref<1000x128xf32, #tpu.memory_space<vmem_shared>> -> memref<1000x128xf32, #tpu.memory_space<vmem_shared>>
      tpu.wait_indirect_dma semaphore(%arg18 : memref<!tpu.dma_semaphore, #tpu.memory_space<semaphore_mem>>) src(%dma_wait3A_1825 : memref<1000x128xf32, #tpu.memory_space<vmem_shared>>) dst(%arg14 : memref<50x128xf32, #tpu.memory_space<vmem>>)
      %dma_wait3A_1826 = arith.constant 0 : i32
      %dma_wait3A_1827 = tpu.memref_slice %arg7[%add3A_1818, %dma_wait3A_1826] : memref<128x50xi32, #tpu.memory_space<vmem>> -> memref<1x50xi32, #tpu.memory_space<vmem>>
      %dma_wait3A_1828 = tpu.memref_squeeze %dma_wait3A_1827 : memref<1x50xi32, #tpu.memory_space<vmem>> -> memref<50xi32, #tpu.memory_space<vmem>>
      %dma_wait3A_1829 = arith.constant 0 : i32
      %dma_wait3A_1830 = arith.constant 0 : i32
      %dma_wait3A_1831 = tpu.memref_slice %arg21[%dma_wait3A_1829, %dma_wait3A_1830] : memref<1000x128xf32, #tpu.memory_space<vmem_shared>> -> memref<1000x128xf32, #tpu.memory_space<vmem_shared>>
      tpu.wait_indirect_dma semaphore(%arg18 : memref<!tpu.dma_semaphore, #tpu.memory_space<semaphore_mem>>) src(%dma_wait3A_1831 : memref<1000x128xf32, #tpu.memory_space<vmem_shared>>) dst(%arg15 : memref<50x128xf32, #tpu.memory_space<vmem>>)
      %dma_wait3A_1832 = arith.constant 0 : i32
      %dma_wait3A_1833 = tpu.memref_slice %arg7[%add3A_1818, %dma_wait3A_1832] : memref<128x50xi32, #tpu.memory_space<vmem>> -> memref<1x50xi32, #tpu.memory_space<vmem>>
      %dma_wait3A_1834 = tpu.memref_squeeze %dma_wait3A_1833 : memref<1x50xi32, #tpu.memory_space<vmem>> -> memref<50xi32, #tpu.memory_space<vmem>>
      %dma_wait3A_1835 = arith.constant 0 : i32
      %dma_wait3A_1836 = arith.constant 0 : i32
      %dma_wait3A_1837 = tpu.memref_slice %arg22[%dma_wait3A_1835, %dma_wait3A_1836] : memref<1000x128xf32, #tpu.memory_space<vmem_shared>> -> memref<1000x128xf32, #tpu.memory_space<vmem_shared>>
      tpu.wait_indirect_dma semaphore(%arg18 : memref<!tpu.dma_semaphore, #tpu.memory_space<semaphore_mem>>) src(%dma_wait3A_1837 : memref<1000x128xf32, #tpu.memory_space<vmem_shared>>) dst(%arg16 : memref<50x128xf32, #tpu.memory_space<vmem>>)
      %get3A_1838 = arith.constant 0 : i32
      %get3A_1839 = arith.index_cast %get3A_1838 : i32 to index
      %get3A_1840 = arith.constant 0 : index
      %get3A_1841 = tpu.vector_load %arg16[%get3A_1839, %get3A_1840] {strides = array<i32>} : memref<50x128xf32, #tpu.memory_space<vmem>>, vector<1x16xf32>,
      %get3A_1842 = vector.shape_cast %get3A_1841 : vector<1x16xf32> to vector<16xf32>
      %swap3A_1843 = arith.constant 0 : i32
      %swap3A_1844 = arith.index_cast %swap3A_1843 : i32 to index
      %swap3A_1845 = arith.constant 0 : index
      %swap3A_1846 = tpu.vector_load %arg17[%swap3A_1844, %swap3A_1845] {strides = array<i32>} : memref<50x44xf32, #tpu.memory_space<vmem>>, vector<1x16xf32>,
      %swap3A_1847 = vector.shape_cast %swap3A_1846 : vector<1x16xf32> to vector<16xf32>
      %swap3A_1848 = vector.shape_cast %get3A_1842 : vector<16xf32> to vector<1x16xf32>
      tpu.vector_store %arg17[%swap3A_1844, %swap3A_1845], %swap3A_1848 {strides = array<i32>} : memref<50x44xf32, #tpu.memory_space<vmem>>, vector<1x16xf32>,
      %get3A_1849 = arith.constant 0 : i32
      %get3A_1850 = arith.index_cast %get3A_1849 : i32 to index
      %get3A_1851 = arith.constant 16 : index
      %get3A_1852 = tpu.vector_load %arg16[%get3A_1850, %get3A_1851] {strides = array<i32>} : memref<50x128xf32, #tpu.memory_space<vmem>>, vector<1x16xf32>,
      %get3A_1853 = vector.shape_cast %get3A_1852 : vector<1x16xf32> to vector<16xf32>
      %swap3A_1854 = arith.constant 0 : i32
      %swap3A_1855 = arith.index_cast %swap3A_1854 : i32 to index
      %swap3A_1856 = arith.constant 16 : index
      %swap3A_1857 = tpu.vector_load %arg17[%swap3A_1855, %swap3A_1856] {strides = array<i32>} : memref<50x44xf32, #tpu.memory_space<vmem>>, vector<1x16xf32>,
      %swap3A_1858 = vector.shape_cast %swap3A_1857 : vector<1x16xf32> to vector<16xf32>
      %swap3A_1859 = vector.shape_cast %get3A_1853 : vector<16xf32> to vector<1x16xf32>
      tpu.vector_store %arg17[%swap3A_1855, %swap3A_1856], %swap3A_1859 {strides = array<i32>} : memref<50x44xf32, #tpu.memory_space<vmem>>, vector<1x16xf32>,
      %get3A_1860 = arith.constant 0 : i32
      %get3A_1861 = arith.index_cast %get3A_1860 : i32 to index
      %get3A_1862 = arith.constant 28 : index
      %get3A_1863 = tpu.vector_load %arg16[%get3A_1861, %get3A_1862] {strides = array<i32>} : memref<50x128xf32, #tpu.memory_space<vmem>>, vector<1x16xf32>,
      %get3A_1864 = vector.shape_cast %get3A_1863 : vector<1x16xf32> to vector<16xf32>
      %swap3A_1865 = arith.constant 0 : i32
      %swap3A_1866 = arith.index_cast %swap3A_1865 : i32 to index
      %swap3A_1867 = arith.constant 28 : index
      %swap3A_1868 = tpu.vector_load %arg17[%swap3A_1866, %swap3A_1867] {strides = array<i32>} : memref<50x44xf32, #tpu.memory_space<vmem>>, vector<1x16xf32>,
      %swap3A_1869 = vector.shape_cast %swap3A_1868 : vector<1x16xf32> to vector<16xf32>
      %swap3A_1870 = vector.shape_cast %get3A_1864 : vector<16xf32> to vector<1x16xf32>
      tpu.vector_store %arg17[%swap3A_1866, %swap3A_1867], %swap3A_1870 {strides = array<i32>} : memref<50x44xf32, #tpu.memory_space<vmem>>, vector<1x16xf32>,
      %get3A_1871 = arith.constant 1 : i32
      %get3A_1872 = arith.index_cast %get3A_1871 : i32 to index
      %get3A_1873 = arith.constant 0 : index
      %get3A_1874 = tpu.vector_load %arg16[%get3A_1872, %get3A_1873] {strides = array<i32>} : memref<50x128xf32, #tpu.memory_space<vmem>>, vector<1x16xf32>,
      %get3A_1875 = vector.shape_cast %get3A_1874 : vector<1x16xf32> to vector<16xf32>
      %swap3A_1876 = arith.constant 1 : i32
      %swap3A_1877 = arith.index_cast %swap3A_1876 : i32 to index
      %swap3A_1878 = arith.constant 0 : index
      %swap3A_1879 = tpu.vector_load %arg17[%swap3A_1877, %swap3A_1878] {strides = array<i32>} : memref<50x44xf32, #tpu.memory_space<vmem>>, vector<1x16xf32>,
      %swap3A_1880 = vector.shape_cast %swap3A_1879 : vector<1x16xf32> to vector<16xf32>
      %swap3A_1881 = vector.shape_cast %get3A_1875 : vector<16xf32> to vector<1x16xf32>
      tpu.vector_store %arg17[%swap3A_1877, %swap3A_1878], %swap3A_1881 {strides = array<i32>} : memref<50x44xf32, #tpu.memory_space<vmem>>, vector<1x16xf32>,
      %get3A_1882 = arith.constant 1 : i32
      %get3A_1883 = arith.index_cast %get3A_1882 : i32 to index
      %get3A_1884 = arith.constant 16 : index
      %get3A_1885 = tpu.vector_load %arg16[%get3A_1883, %get3A_1884] {strides = array<i32>} : memref<50x128xf32, #tpu.memory_space<vmem>>, vector<1x16xf32>,
      %get3A_1886 = vector.shape_cast %get3A_1885 : vector<1x16xf32> to vector<16xf32>
      %swap3A_1887 = arith.constant 1 : i32
      %swap3A_1888 = arith.index_cast %swap3A_1887 : i32 to index
      %swap3A_1889 = arith.constant 16 : index
      %swap3A_1890 = tpu.vector_load %arg17[%swap3A_1888, %swap3A_1889] {strides = array<i32>} : memref<50x44xf32, #tpu.memory_space<vmem>>, vector<1x16xf32>,
      %swap3A_1891 = vector.shape_cast %swap3A_1890 : vector<1x16xf32> to vector<16xf32>
      %swap3A_1892 = vector.shape_cast %get3A_1886 : vector<16xf32> to vector<1x16xf32>
      tpu.vector_store %arg17[%swap3A_1888, %swap3A_1889], %swap3A_1892 {strides = array<i32>} : memref<50x44xf32, #tpu.memory_space<vmem>>, vector<1x16xf32>,
      %get3A_1893 = arith.constant 1 : i32
      %get3A_1894 = arith.index_cast %get3A_1893 : i32 to index
      %get3A_1895 = arith.constant 28 : index
      %get3A_1896 = tpu.vector_load %arg16[%get3A_1894, %get3A_1895] {strides = array<i32>} : memref<50x128xf32, #tpu.memory_space<vmem>>, vector<1x16xf32>,
      %get3A_1897 = vector.shape_cast %get3A_1896 : vector<1x16xf32> to vector<16xf32>
      %swap3A_1898 = arith.constant 1 : i32
      %swap3A_1899 = arith.index_cast %swap3A_1898 : i32 to index
      %swap3A_1900 = arith.constant 28 : index
      %swap3A_1901 = tpu.vector_load %arg17[%swap3A_1899, %swap3A_1900] {strides = array<i32>} : memref<50x44xf32, #tpu.memory_space<vmem>>, vector<1x16xf32>,
      %swap3A_1902 = vector.shape_cast %swap3A_1901 : vector<1x16xf32> to vector<16xf32>
      %swap3A_1903 = vector.shape_cast %get3A_1897 : vector<16xf32> to vector<1x16xf32>
      tpu.vector_store %arg17[%swap3A_1899, %swap3A_1900], %swap3A_1903 {strides = array<i32>} : memref<50x44xf32, #tpu.memory_space<vmem>>, vector<1x16xf32>,
      %get3A_1904 = arith.constant 2 : i32
      %get3A_1905 = arith.index_cast %get3A_1904 : i32 to index
      %get3A_1906 = arith.constant 0 : index
      %get3A_1907 = tpu.vector_load %arg16[%get3A_1905, %get3A_1906] {strides = array<i32>} : memref<50x128xf32, #tpu.memory_space<vmem>>, vector<1x16xf32>,
      %get3A_1908 = vector.shape_cast %get3A_1907 : vector<1x16xf32> to vector<16xf32>
      %swap3A_1909 = arith.constant 2 : i32
      %swap3A_1910 = arith.index_cast %swap3A_1909 : i32 to index
      %swap3A_1911 = arith.constant 0 : index
      %swap3A_1912 = tpu.vector_load %arg17[%swap3A_1910, %swap3A_1911] {strides = array<i32>} : memref<50x44xf32, #tpu.memory_space<vmem>>, vector<1x16xf32>,
      %swap3A_1913 = vector.shape_cast %swap3A_1912 : vector<1x16xf32> to vector<16xf32>
      %swap3A_1914 = vector.shape_cast %get3A_1908 : vector<16xf32> to vector<1x16xf32>
      tpu.vector_store %arg17[%swap3A_1910, %swap3A_1911], %swap3A_1914 {strides = array<i32>} : memref<50x44xf32, #tpu.memory_space<vmem>>, vector<1x16xf32>,
      %get3A_1915 = arith.constant 2 : i32
      %get3A_1916 = arith.index_cast %get3A_1915 : i32 to index
      %get3A_1917 = arith.constant 16 : index
      %get3A_1918 = tpu.vector_load %arg16[%get3A_1916, %get3A_1917] {strides = array<i32>} : memref<50x128xf32, #tpu.memory_space<vmem>>, vector<1x16xf32>,
      %get3A_1919 = vector.shape_cast %get3A_1918 : vector<1x16xf32> to vector<16xf32>
      %swap3A_1920 = arith.constant 2 : i32
      %swap3A_1921 = arith.index_cast %swap3A_1920 : i32 to index
      %swap3A_1922 = arith.constant 16 : index
      %swap3A_1923 = tpu.vector_load %arg17[%swap3A_1921, %swap3A_1922] {strides = array<i32>} : memref<50x44xf32, #tpu.memory_space<vmem>>, vector<1x16xf32>,
      %swap3A_1924 = vector.shape_cast %swap3A_1923 : vector<1x16xf32> to vector<16xf32>
      %swap3A_1925 = vector.shape_cast %get3A_1919 : vector<16xf32> to vector<1x16xf32>
      tpu.vector_store %arg17[%swap3A_1921, %swap3A_1922], %swap3A_1925 {strides = array<i32>} : memref<50x44xf32, #tpu.memory_space<vmem>>, vector<1x16xf32>,
      %get3A_1926 = arith.constant 2 : i32
      %get3A_1927 = arith.index_cast %get3A_1926 : i32 to index
      %get3A_1928 = arith.constant 28 : index
      %get3A_1929 = tpu.vector_load %arg16[%get3A_1927, %get3A_1928] {strides = array<i32>} : memref<50x128xf32, #tpu.memory_space<vmem>>, vector<1x16xf32>,
      %get3A_1930 = vector.shape_cast %get3A_1929 : vector<1x16xf32> to vector<16xf32>
      %swap3A_1931 = arith.constant 2 : i32
      %swap3A_1932 = arith.index_cast %swap3A_1931 : i32 to index
      %swap3A_1933 = arith.constant 28 : index
      %swap3A_1934 = tpu.vector_load %arg17[%swap3A_1932, %swap3A_1933] {strides = array<i32>} : memref<50x44xf32, #tpu.memory_space<vmem>>, vector<1x16xf32>,
      %swap3A_1935 = vector.shape_cast %swap3A_1934 : vector<1x16xf32> to vector<16xf32>
      %swap3A_1936 = vector.shape_cast %get3A_1930 : vector<16xf32> to vector<1x16xf32>
      tpu.vector_store %arg17[%swap3A_1932, %swap3A_1933], %swap3A_1936 {strides = array<i32>} : memref<50x44xf32, #tpu.memory_space<vmem>>, vector<1x16xf32>,
      %get3A_1937 = arith.constant 3 : i32
      %get3A_1938 = arith.index_cast %get3A_1937 : i32 to index
      %get3A_1939 = arith.constant 0 : index
      %get3A_1940 = tpu.vector_load %arg16[%get3A_1938, %get3A_1939] {strides = array<i32>} : memref<50x128xf32, #tpu.memory_space<vmem>>, vector<1x16xf32>,
      %get3A_1941 = vector.shape_cast %get3A_1940 : vector<1x16xf32> to vector<16xf32>
      %swap3A_1942 = arith.constant 3 : i32
      %swap3A_1943 = arith.index_cast %swap3A_1942 : i32 to index
      %swap3A_1944 = arith.constant 0 : index
      %swap3A_1945 = tpu.vector_load %arg17[%swap3A_1943, %swap3A_1944] {strides = array<i32>} : memref<50x44xf32, #tpu.memory_space<vmem>>, vector<1x16xf32>,
      %swap3A_1946 = vector.shape_cast %swap3A_1945 : vector<1x16xf32> to vector<16xf32>
      %swap3A_1947 = vector.shape_cast %get3A_1941 : vector<16xf32> to vector<1x16xf32>
      tpu.vector_store %arg17[%swap3A_1943, %swap3A_1944], %swap3A_1947 {strides = array<i32>} : memref<50x44xf32, #tpu.memory_space<vmem>>, vector<1x16xf32>,
      %get3A_1948 = arith.constant 3 : i32
      %get3A_1949 = arith.index_cast %get3A_1948 : i32 to index
      %get3A_1950 = arith.constant 16 : index
      %get3A_1951 = tpu.vector_load %arg16[%get3A_1949, %get3A_1950] {strides = array<i32>} : memref<50x128xf32, #tpu.memory_space<vmem>>, vector<1x16xf32>,
      %get3A_1952 = vector.shape_cast %get3A_1951 : vector<1x16xf32> to vector<16xf32>
      %swap3A_1953 = arith.constant 3 : i32
      %swap3A_1954 = arith.index_cast %swap3A_1953 : i32 to index
      %swap3A_1955 = arith.constant 16 : index
      %swap3A_1956 = tpu.vector_load %arg17[%swap3A_1954, %swap3A_1955] {strides = array<i32>} : memref<50x44xf32, #tpu.memory_space<vmem>>, vector<1x16xf32>,
      %swap3A_1957 = vector.shape_cast %swap3A_1956 : vector<1x16xf32> to vector<16xf32>
      %swap3A_1958 = vector.shape_cast %get3A_1952 : vector<16xf32> to vector<1x16xf32>
      tpu.vector_store %arg17[%swap3A_1954, %swap3A_1955], %swap3A_1958 {strides = array<i32>} : memref<50x44xf32, #tpu.memory_space<vmem>>, vector<1x16xf32>,
      %get3A_1959 = arith.constant 3 : i32
      %get3A_1960 = arith.index_cast %get3A_1959 : i32 to index
      %get3A_1961 = arith.constant 28 : index
      %get3A_1962 = tpu.vector_load %arg16[%get3A_1960, %get3A_1961] {strides = array<i32>} : memref<50x128xf32, #tpu.memory_space<vmem>>, vector<1x16xf32>,
      %get3A_1963 = vector.shape_cast %get3A_1962 : vector<1x16xf32> to vector<16xf32>
      %swap3A_1964 = arith.constant 3 : i32
      %swap3A_1965 = arith.index_cast %swap3A_1964 : i32 to index
      %swap3A_1966 = arith.constant 28 : index
      %swap3A_1967 = tpu.vector_load %arg17[%swap3A_1965, %swap3A_1966] {strides = array<i32>} : memref<50x44xf32, #tpu.memory_space<vmem>>, vector<1x16xf32>,
      %swap3A_1968 = vector.shape_cast %swap3A_1967 : vector<1x16xf32> to vector<16xf32>
      %swap3A_1969 = vector.shape_cast %get3A_1963 : vector<16xf32> to vector<1x16xf32>
      tpu.vector_store %arg17[%swap3A_1965, %swap3A_1966], %swap3A_1969 {strides = array<i32>} : memref<50x44xf32, #tpu.memory_space<vmem>>, vector<1x16xf32>,
      %get3A_1970 = arith.constant 4 : i32
      %get3A_1971 = arith.index_cast %get3A_1970 : i32 to index
      %get3A_1972 = arith.constant 0 : index
      %get3A_1973 = tpu.vector_load %arg16[%get3A_1971, %get3A_1972] {strides = array<i32>} : memref<50x128xf32, #tpu.memory_space<vmem>>, vector<1x16xf32>,
      %get3A_1974 = vector.shape_cast %get3A_1973 : vector<1x16xf32> to vector<16xf32>
      %swap3A_1975 = arith.constant 4 : i32
      %swap3A_1976 = arith.index_cast %swap3A_1975 : i32 to index
      %swap3A_1977 = arith.constant 0 : index
      %swap3A_1978 = tpu.vector_load %arg17[%swap3A_1976, %swap3A_1977] {strides = array<i32>} : memref<50x44xf32, #tpu.memory_space<vmem>>, vector<1x16xf32>,
      %swap3A_1979 = vector.shape_cast %swap3A_1978 : vector<1x16xf32> to vector<16xf32>
      %swap3A_1980 = vector.shape_cast %get3A_1974 : vector<16xf32> to vector<1x16xf32>
      tpu.vector_store %arg17[%swap3A_1976, %swap3A_1977], %swap3A_1980 {strides = array<i32>} : memref<50x44xf32, #tpu.memory_space<vmem>>, vector<1x16xf32>,
      %get3A_1981 = arith.constant 4 : i32
      %get3A_1982 = arith.index_cast %get3A_1981 : i32 to index
      %get3A_1983 = arith.constant 16 : index
      %get3A_1984 = tpu.vector_load %arg16[%get3A_1982, %get3A_1983] {strides = array<i32>} : memref<50x128xf32, #tpu.memory_space<vmem>>, vector<1x16xf32>,
      %get3A_1985 = vector.shape_cast %get3A_1984 : vector<1x16xf32> to vector<16xf32>
      %swap3A_1986 = arith.constant 4 : i32
      %swap3A_1987 = arith.index_cast %swap3A_1986 : i32 to index
      %swap3A_1988 = arith.constant 16 : index
      %swap3A_1989 = tpu.vector_load %arg17[%swap3A_1987, %swap3A_1988] {strides = array<i32>} : memref<50x44xf32, #tpu.memory_space<vmem>>, vector<1x16xf32>,
      %swap3A_1990 = vector.shape_cast %swap3A_1989 : vector<1x16xf32> to vector<16xf32>
      %swap3A_1991 = vector.shape_cast %get3A_1985 : vector<16xf32> to vector<1x16xf32>
      tpu.vector_store %arg17[%swap3A_1987, %swap3A_1988], %swap3A_1991 {strides = array<i32>} : memref<50x44xf32, #tpu.memory_space<vmem>>, vector<1x16xf32>,
      %get3A_1992 = arith.constant 4 : i32
      %get3A_1993 = arith.index_cast %get3A_1992 : i32 to index
      %get3A_1994 = arith.constant 28 : index
      %get3A_1995 = tpu.vector_load %arg16[%get3A_1993, %get3A_1994] {strides = array<i32>} : memref<50x128xf32, #tpu.memory_space<vmem>>, vector<1x16xf32>,
      %get3A_1996 = vector.shape_cast %get3A_1995 : vector<1x16xf32> to vector<16xf32>
      %swap3A_1997 = arith.constant 4 : i32
      %swap3A_1998 = arith.index_cast %swap3A_1997 : i32 to index
      %swap3A_1999 = arith.constant 28 : index
      %swap3A_2000 = tpu.vector_load %arg17[%swap3A_1998, %swap3A_1999] {strides = array<i32>} : memref<50x44xf32, #tpu.memory_space<vmem>>, vector<1x16xf32>,
      %swap3A_2001 = vector.shape_cast %swap3A_2000 : vector<1x16xf32> to vector<16xf32>
      %swap3A_2002 = vector.shape_cast %get3A_1996 : vector<16xf32> to vector<1x16xf32>
      tpu.vector_store %arg17[%swap3A_1998, %swap3A_1999], %swap3A_2002 {strides = array<i32>} : memref<50x44xf32, #tpu.memory_space<vmem>>, vector<1x16xf32>,
      %get3A_2003 = arith.constant 5 : i32
      %get3A_2004 = arith.index_cast %get3A_2003 : i32 to index
      %get3A_2005 = arith.constant 0 : index
      %get3A_2006 = tpu.vector_load %arg16[%get3A_2004, %get3A_2005] {strides = array<i32>} : memref<50x128xf32, #tpu.memory_space<vmem>>, vector<1x16xf32>,
      %get3A_2007 = vector.shape_cast %get3A_2006 : vector<1x16xf32> to vector<16xf32>
      %swap3A_2008 = arith.constant 5 : i32
      %swap3A_2009 = arith.index_cast %swap3A_2008 : i32 to index
      %swap3A_2010 = arith.constant 0 : index
      %swap3A_2011 = tpu.vector_load %arg17[%swap3A_2009, %swap3A_2010] {strides = array<i32>} : memref<50x44xf32, #tpu.memory_space<vmem>>, vector<1x16xf32>,
      %swap3A_2012 = vector.shape_cast %swap3A_2011 : vector<1x16xf32> to vector<16xf32>
      %swap3A_2013 = vector.shape_cast %get3A_2007 : vector<16xf32> to vector<1x16xf32>
      tpu.vector_store %arg17[%swap3A_2009, %swap3A_2010], %swap3A_2013 {strides = array<i32>} : memref<50x44xf32, #tpu.memory_space<vmem>>, vector<1x16xf32>,
      %get3A_2014 = arith.constant 5 : i32
      %get3A_2015 = arith.index_cast %get3A_2014 : i32 to index
      %get3A_2016 = arith.constant 16 : index
      %get3A_2017 = tpu.vector_load %arg16[%get3A_2015, %get3A_2016] {strides = array<i32>} : memref<50x128xf32, #tpu.memory_space<vmem>>, vector<1x16xf32>,
      %get3A_2018 = vector.shape_cast %get3A_2017 : vector<1x16xf32> to vector<16xf32>
      %swap3A_2019 = arith.constant 5 : i32
      %swap3A_2020 = arith.index_cast %swap3A_2019 : i32 to index
      %swap3A_2021 = arith.constant 16 : index
      %swap3A_2022 = tpu.vector_load %arg17[%swap3A_2020, %swap3A_2021] {strides = array<i32>} : memref<50x44xf32, #tpu.memory_space<vmem>>, vector<1x16xf32>,
      %swap3A_2023 = vector.shape_cast %swap3A_2022 : vector<1x16xf32> to vector<16xf32>
      %swap3A_2024 = vector.shape_cast %get3A_2018 : vector<16xf32> to vector<1x16xf32>
      tpu.vector_store %arg17[%swap3A_2020, %swap3A_2021], %swap3A_2024 {strides = array<i32>} : memref<50x44xf32, #tpu.memory_space<vmem>>, vector<1x16xf32>,
      %get3A_2025 = arith.constant 5 : i32
      %get3A_2026 = arith.index_cast %get3A_2025 : i32 to index
      %get3A_2027 = arith.constant 28 : index
      %get3A_2028 = tpu.vector_load %arg16[%get3A_2026, %get3A_2027] {strides = array<i32>} : memref<50x128xf32, #tpu.memory_space<vmem>>, vector<1x16xf32>,
      %get3A_2029 = vector.shape_cast %get3A_2028 : vector<1x16xf32> to vector<16xf32>
      %swap3A_2030 = arith.constant 5 : i32
      %swap3A_2031 = arith.index_cast %swap3A_2030 : i32 to index
      %swap3A_2032 = arith.constant 28 : index
      %swap3A_2033 = tpu.vector_load %arg17[%swap3A_2031, %swap3A_2032] {strides = array<i32>} : memref<50x44xf32, #tpu.memory_space<vmem>>, vector<1x16xf32>,
      %swap3A_2034 = vector.shape_cast %swap3A_2033 : vector<1x16xf32> to vector<16xf32>
      %swap3A_2035 = vector.shape_cast %get3A_2029 : vector<16xf32> to vector<1x16xf32>
      tpu.vector_store %arg17[%swap3A_2031, %swap3A_2032], %swap3A_2035 {strides = array<i32>} : memref<50x44xf32, #tpu.memory_space<vmem>>, vector<1x16xf32>,
      %get3A_2036 = arith.constant 6 : i32
      %get3A_2037 = arith.index_cast %get3A_2036 : i32 to index
      %get3A_2038 = arith.constant 0 : index
      %get3A_2039 = tpu.vector_load %arg16[%get3A_2037, %get3A_2038] {strides = array<i32>} : memref<50x128xf32, #tpu.memory_space<vmem>>, vector<1x16xf32>,
      %get3A_2040 = vector.shape_cast %get3A_2039 : vector<1x16xf32> to vector<16xf32>
      %swap3A_2041 = arith.constant 6 : i32
      %swap3A_2042 = arith.index_cast %swap3A_2041 : i32 to index
      %swap3A_2043 = arith.constant 0 : index
      %swap3A_2044 = tpu.vector_load %arg17[%swap3A_2042, %swap3A_2043] {strides = array<i32>} : memref<50x44xf32, #tpu.memory_space<vmem>>, vector<1x16xf32>,
      %swap3A_2045 = vector.shape_cast %swap3A_2044 : vector<1x16xf32> to vector<16xf32>
      %swap3A_2046 = vector.shape_cast %get3A_2040 : vector<16xf32> to vector<1x16xf32>
      tpu.vector_store %arg17[%swap3A_2042, %swap3A_2043], %swap3A_2046 {strides = array<i32>} : memref<50x44xf32, #tpu.memory_space<vmem>>, vector<1x16xf32>,
      %get3A_2047 = arith.constant 6 : i32
      %get3A_2048 = arith.index_cast %get3A_2047 : i32 to index
      %get3A_2049 = arith.constant 16 : index
      %get3A_2050 = tpu.vector_load %arg16[%get3A_2048, %get3A_2049] {strides = array<i32>} : memref<50x128xf32, #tpu.memory_space<vmem>>, vector<1x16xf32>,
      %get3A_2051 = vector.shape_cast %get3A_2050 : vector<1x16xf32> to vector<16xf32>
      %swap3A_2052 = arith.constant 6 : i32
      %swap3A_2053 = arith.index_cast %swap3A_2052 : i32 to index
      %swap3A_2054 = arith.constant 16 : index
      %swap3A_2055 = tpu.vector_load %arg17[%swap3A_2053, %swap3A_2054] {strides = array<i32>} : memref<50x44xf32, #tpu.memory_space<vmem>>, vector<1x16xf32>,
      %swap3A_2056 = vector.shape_cast %swap3A_2055 : vector<1x16xf32> to vector<16xf32>
      %swap3A_2057 = vector.shape_cast %get3A_2051 : vector<16xf32> to vector<1x16xf32>
      tpu.vector_store %arg17[%swap3A_2053, %swap3A_2054], %swap3A_2057 {strides = array<i32>} : memref<50x44xf32, #tpu.memory_space<vmem>>, vector<1x16xf32>,
      %get3A_2058 = arith.constant 6 : i32
      %get3A_2059 = arith.index_cast %get3A_2058 : i32 to index
      %get3A_2060 = arith.constant 28 : index
      %get3A_2061 = tpu.vector_load %arg16[%get3A_2059, %get3A_2060] {strides = array<i32>} : memref<50x128xf32, #tpu.memory_space<vmem>>, vector<1x16xf32>,
      %get3A_2062 = vector.shape_cast %get3A_2061 : vector<1x16xf32> to vector<16xf32>
      %swap3A_2063 = arith.constant 6 : i32
      %swap3A_2064 = arith.index_cast %swap3A_2063 : i32 to index
      %swap3A_2065 = arith.constant 28 : index
      %swap3A_2066 = tpu.vector_load %arg17[%swap3A_2064, %swap3A_2065] {strides = array<i32>} : memref<50x44xf32, #tpu.memory_space<vmem>>, vector<1x16xf32>,
      %swap3A_2067 = vector.shape_cast %swap3A_2066 : vector<1x16xf32> to vector<16xf32>
      %swap3A_2068 = vector.shape_cast %get3A_2062 : vector<16xf32> to vector<1x16xf32>
      tpu.vector_store %arg17[%swap3A_2064, %swap3A_2065], %swap3A_2068 {strides = array<i32>} : memref<50x44xf32, #tpu.memory_space<vmem>>, vector<1x16xf32>,
      %get3A_2069 = arith.constant 7 : i32
      %get3A_2070 = arith.index_cast %get3A_2069 : i32 to index
      %get3A_2071 = arith.constant 0 : index
      %get3A_2072 = tpu.vector_load %arg16[%get3A_2070, %get3A_2071] {strides = array<i32>} : memref<50x128xf32, #tpu.memory_space<vmem>>, vector<1x16xf32>,
      %get3A_2073 = vector.shape_cast %get3A_2072 : vector<1x16xf32> to vector<16xf32>
      %swap3A_2074 = arith.constant 7 : i32
      %swap3A_2075 = arith.index_cast %swap3A_2074 : i32 to index
      %swap3A_2076 = arith.constant 0 : index
      %swap3A_2077 = tpu.vector_load %arg17[%swap3A_2075, %swap3A_2076] {strides = array<i32>} : memref<50x44xf32, #tpu.memory_space<vmem>>, vector<1x16xf32>,
      %swap3A_2078 = vector.shape_cast %swap3A_2077 : vector<1x16xf32> to vector<16xf32>
      %swap3A_2079 = vector.shape_cast %get3A_2073 : vector<16xf32> to vector<1x16xf32>
      tpu.vector_store %arg17[%swap3A_2075, %swap3A_2076], %swap3A_2079 {strides = array<i32>} : memref<50x44xf32, #tpu.memory_space<vmem>>, vector<1x16xf32>,
      %get3A_2080 = arith.constant 7 : i32
      %get3A_2081 = arith.index_cast %get3A_2080 : i32 to index
      %get3A_2082 = arith.constant 16 : index
      %get3A_2083 = tpu.vector_load %arg16[%get3A_2081, %get3A_2082] {strides = array<i32>} : memref<50x128xf32, #tpu.memory_space<vmem>>, vector<1x16xf32>,
      %get3A_2084 = vector.shape_cast %get3A_2083 : vector<1x16xf32> to vector<16xf32>
      %swap3A_2085 = arith.constant 7 : i32
      %swap3A_2086 = arith.index_cast %swap3A_2085 : i32 to index
      %swap3A_2087 = arith.constant 16 : index
      %swap3A_2088 = tpu.vector_load %arg17[%swap3A_2086, %swap3A_2087] {strides = array<i32>} : memref<50x44xf32, #tpu.memory_space<vmem>>, vector<1x16xf32>,
      %swap3A_2089 = vector.shape_cast %swap3A_2088 : vector<1x16xf32> to vector<16xf32>
      %swap3A_2090 = vector.shape_cast %get3A_2084 : vector<16xf32> to vector<1x16xf32>
      tpu.vector_store %arg17[%swap3A_2086, %swap3A_2087], %swap3A_2090 {strides = array<i32>} : memref<50x44xf32, #tpu.memory_space<vmem>>, vector<1x16xf32>,
      %get3A_2091 = arith.constant 7 : i32
      %get3A_2092 = arith.index_cast %get3A_2091 : i32 to index
      %get3A_2093 = arith.constant 28 : index
      %get3A_2094 = tpu.vector_load %arg16[%get3A_2092, %get3A_2093] {strides = array<i32>} : memref<50x128xf32, #tpu.memory_space<vmem>>, vector<1x16xf32>,
      %get3A_2095 = vector.shape_cast %get3A_2094 : vector<1x16xf32> to vector<16xf32>
      %swap3A_2096 = arith.constant 7 : i32
      %swap3A_2097 = arith.index_cast %swap3A_2096 : i32 to index
      %swap3A_2098 = arith.constant 28 : index
      %swap3A_2099 = tpu.vector_load %arg17[%swap3A_2097, %swap3A_2098] {strides = array<i32>} : memref<50x44xf32, #tpu.memory_space<vmem>>, vector<1x16xf32>,
      %swap3A_2100 = vector.shape_cast %swap3A_2099 : vector<1x16xf32> to vector<16xf32>
      %swap3A_2101 = vector.shape_cast %get3A_2095 : vector<16xf32> to vector<1x16xf32>
      tpu.vector_store %arg17[%swap3A_2097, %swap3A_2098], %swap3A_2101 {strides = array<i32>} : memref<50x44xf32, #tpu.memory_space<vmem>>, vector<1x16xf32>,
      %get3A_2102 = arith.constant 8 : i32
      %get3A_2103 = arith.index_cast %get3A_2102 : i32 to index
      %get3A_2104 = arith.constant 0 : index
      %get3A_2105 = tpu.vector_load %arg16[%get3A_2103, %get3A_2104] {strides = array<i32>} : memref<50x128xf32, #tpu.memory_space<vmem>>, vector<1x16xf32>,
      %get3A_2106 = vector.shape_cast %get3A_2105 : vector<1x16xf32> to vector<16xf32>
      %swap3A_2107 = arith.constant 8 : i32
      %swap3A_2108 = arith.index_cast %swap3A_2107 : i32 to index
      %swap3A_2109 = arith.constant 0 : index
      %swap3A_2110 = tpu.vector_load %arg17[%swap3A_2108, %swap3A_2109] {strides = array<i32>} : memref<50x44xf32, #tpu.memory_space<vmem>>, vector<1x16xf32>,
      %swap3A_2111 = vector.shape_cast %swap3A_2110 : vector<1x16xf32> to vector<16xf32>
      %swap3A_2112 = vector.shape_cast %get3A_2106 : vector<16xf32> to vector<1x16xf32>
      tpu.vector_store %arg17[%swap3A_2108, %swap3A_2109], %swap3A_2112 {strides = array<i32>} : memref<50x44xf32, #tpu.memory_space<vmem>>, vector<1x16xf32>,
      %get3A_2113 = arith.constant 8 : i32
      %get3A_2114 = arith.index_cast %get3A_2113 : i32 to index
      %get3A_2115 = arith.constant 16 : index
      %get3A_2116 = tpu.vector_load %arg16[%get3A_2114, %get3A_2115] {strides = array<i32>} : memref<50x128xf32, #tpu.memory_space<vmem>>, vector<1x16xf32>,
      %get3A_2117 = vector.shape_cast %get3A_2116 : vector<1x16xf32> to vector<16xf32>
      %swap3A_2118 = arith.constant 8 : i32
      %swap3A_2119 = arith.index_cast %swap3A_2118 : i32 to index
      %swap3A_2120 = arith.constant 16 : index
      %swap3A_2121 = tpu.vector_load %arg17[%swap3A_2119, %swap3A_2120] {strides = array<i32>} : memref<50x44xf32, #tpu.memory_space<vmem>>, vector<1x16xf32>,
      %swap3A_2122 = vector.shape_cast %swap3A_2121 : vector<1x16xf32> to vector<16xf32>
      %swap3A_2123 = vector.shape_cast %get3A_2117 : vector<16xf32> to vector<1x16xf32>
      tpu.vector_store %arg17[%swap3A_2119, %swap3A_2120], %swap3A_2123 {strides = array<i32>} : memref<50x44xf32, #tpu.memory_space<vmem>>, vector<1x16xf32>,
      %get3A_2124 = arith.constant 8 : i32
      %get3A_2125 = arith.index_cast %get3A_2124 : i32 to index
      %get3A_2126 = arith.constant 28 : index
      %get3A_2127 = tpu.vector_load %arg16[%get3A_2125, %get3A_2126] {strides = array<i32>} : memref<50x128xf32, #tpu.memory_space<vmem>>, vector<1x16xf32>,
      %get3A_2128 = vector.shape_cast %get3A_2127 : vector<1x16xf32> to vector<16xf32>
      %swap3A_2129 = arith.constant 8 : i32
      %swap3A_2130 = arith.index_cast %swap3A_2129 : i32 to index
      %swap3A_2131 = arith.constant 28 : index
      %swap3A_2132 = tpu.vector_load %arg17[%swap3A_2130, %swap3A_2131] {strides = array<i32>} : memref<50x44xf32, #tpu.memory_space<vmem>>, vector<1x16xf32>,
      %swap3A_2133 = vector.shape_cast %swap3A_2132 : vector<1x16xf32> to vector<16xf32>
      %swap3A_2134 = vector.shape_cast %get3A_2128 : vector<16xf32> to vector<1x16xf32>
      tpu.vector_store %arg17[%swap3A_2130, %swap3A_2131], %swap3A_2134 {strides = array<i32>} : memref<50x44xf32, #tpu.memory_space<vmem>>, vector<1x16xf32>,
      %get3A_2135 = arith.constant 9 : i32
      %get3A_2136 = arith.index_cast %get3A_2135 : i32 to index
      %get3A_2137 = arith.constant 0 : index
      %get3A_2138 = tpu.vector_load %arg16[%get3A_2136, %get3A_2137] {strides = array<i32>} : memref<50x128xf32, #tpu.memory_space<vmem>>, vector<1x16xf32>,
      %get3A_2139 = vector.shape_cast %get3A_2138 : vector<1x16xf32> to vector<16xf32>
      %swap3A_2140 = arith.constant 9 : i32
      %swap3A_2141 = arith.index_cast %swap3A_2140 : i32 to index
      %swap3A_2142 = arith.constant 0 : index
      %swap3A_2143 = tpu.vector_load %arg17[%swap3A_2141, %swap3A_2142] {strides = array<i32>} : memref<50x44xf32, #tpu.memory_space<vmem>>, vector<1x16xf32>,
      %swap3A_2144 = vector.shape_cast %swap3A_2143 : vector<1x16xf32> to vector<16xf32>
      %swap3A_2145 = vector.shape_cast %get3A_2139 : vector<16xf32> to vector<1x16xf32>
      tpu.vector_store %arg17[%swap3A_2141, %swap3A_2142], %swap3A_2145 {strides = array<i32>} : memref<50x44xf32, #tpu.memory_space<vmem>>, vector<1x16xf32>,
      %get3A_2146 = arith.constant 9 : i32
      %get3A_2147 = arith.index_cast %get3A_2146 : i32 to index
      %get3A_2148 = arith.constant 16 : index
      %get3A_2149 = tpu.vector_load %arg16[%get3A_2147, %get3A_2148] {strides = array<i32>} : memref<50x128xf32, #tpu.memory_space<vmem>>, vector<1x16xf32>,
      %get3A_2150 = vector.shape_cast %get3A_2149 : vector<1x16xf32> to vector<16xf32>
      %swap3A_2151 = arith.constant 9 : i32
      %swap3A_2152 = arith.index_cast %swap3A_2151 : i32 to index
      %swap3A_2153 = arith.constant 16 : index
      %swap3A_2154 = tpu.vector_load %arg17[%swap3A_2152, %swap3A_2153] {strides = array<i32>} : memref<50x44xf32, #tpu.memory_space<vmem>>, vector<1x16xf32>,
      %swap3A_2155 = vector.shape_cast %swap3A_2154 : vector<1x16xf32> to vector<16xf32>
      %swap3A_2156 = vector.shape_cast %get3A_2150 : vector<16xf32> to vector<1x16xf32>
      tpu.vector_store %arg17[%swap3A_2152, %swap3A_2153], %swap3A_2156 {strides = array<i32>} : memref<50x44xf32, #tpu.memory_space<vmem>>, vector<1x16xf32>,
      %get3A_2157 = arith.constant 9 : i32
      %get3A_2158 = arith.index_cast %get3A_2157 : i32 to index
      %get3A_2159 = arith.constant 28 : index
      %get3A_2160 = tpu.vector_load %arg16[%get3A_2158, %get3A_2159] {strides = array<i32>} : memref<50x128xf32, #tpu.memory_space<vmem>>, vector<1x16xf32>,
      %get3A_2161 = vector.shape_cast %get3A_2160 : vector<1x16xf32> to vector<16xf32>
      %swap3A_2162 = arith.constant 9 : i32
      %swap3A_2163 = arith.index_cast %swap3A_2162 : i32 to index
      %swap3A_2164 = arith.constant 28 : index
      %swap3A_2165 = tpu.vector_load %arg17[%swap3A_2163, %swap3A_2164] {strides = array<i32>} : memref<50x44xf32, #tpu.memory_space<vmem>>, vector<1x16xf32>,
      %swap3A_2166 = vector.shape_cast %swap3A_2165 : vector<1x16xf32> to vector<16xf32>
      %swap3A_2167 = vector.shape_cast %get3A_2161 : vector<16xf32> to vector<1x16xf32>
      tpu.vector_store %arg17[%swap3A_2163, %swap3A_2164], %swap3A_2167 {strides = array<i32>} : memref<50x44xf32, #tpu.memory_space<vmem>>, vector<1x16xf32>,
      %get3A_2168 = arith.constant 10 : i32
      %get3A_2169 = arith.index_cast %get3A_2168 : i32 to index
      %get3A_2170 = arith.constant 0 : index
      %get3A_2171 = tpu.vector_load %arg16[%get3A_2169, %get3A_2170] {strides = array<i32>} : memref<50x128xf32, #tpu.memory_space<vmem>>, vector<1x16xf32>,
      %get3A_2172 = vector.shape_cast %get3A_2171 : vector<1x16xf32> to vector<16xf32>
      %swap3A_2173 = arith.constant 10 : i32
      %swap3A_2174 = arith.index_cast %swap3A_2173 : i32 to index
      %swap3A_2175 = arith.constant 0 : index
      %swap3A_2176 = tpu.vector_load %arg17[%swap3A_2174, %swap3A_2175] {strides = array<i32>} : memref<50x44xf32, #tpu.memory_space<vmem>>, vector<1x16xf32>,
      %swap3A_2177 = vector.shape_cast %swap3A_2176 : vector<1x16xf32> to vector<16xf32>
      %swap3A_2178 = vector.shape_cast %get3A_2172 : vector<16xf32> to vector<1x16xf32>
      tpu.vector_store %arg17[%swap3A_2174, %swap3A_2175], %swap3A_2178 {strides = array<i32>} : memref<50x44xf32, #tpu.memory_space<vmem>>, vector<1x16xf32>,
      %get3A_2179 = arith.constant 10 : i32
      %get3A_2180 = arith.index_cast %get3A_2179 : i32 to index
      %get3A_2181 = arith.constant 16 : index
      %get3A_2182 = tpu.vector_load %arg16[%get3A_2180, %get3A_2181] {strides = array<i32>} : memref<50x128xf32, #tpu.memory_space<vmem>>, vector<1x16xf32>,
      %get3A_2183 = vector.shape_cast %get3A_2182 : vector<1x16xf32> to vector<16xf32>
      %swap3A_2184 = arith.constant 10 : i32
      %swap3A_2185 = arith.index_cast %swap3A_2184 : i32 to index
      %swap3A_2186 = arith.constant 16 : index
      %swap3A_2187 = tpu.vector_load %arg17[%swap3A_2185, %swap3A_2186] {strides = array<i32>} : memref<50x44xf32, #tpu.memory_space<vmem>>, vector<1x16xf32>,
      %swap3A_2188 = vector.shape_cast %swap3A_2187 : vector<1x16xf32> to vector<16xf32>
      %swap3A_2189 = vector.shape_cast %get3A_2183 : vector<16xf32> to vector<1x16xf32>
      tpu.vector_store %arg17[%swap3A_2185, %swap3A_2186], %swap3A_2189 {strides = array<i32>} : memref<50x44xf32, #tpu.memory_space<vmem>>, vector<1x16xf32>,
      %get3A_2190 = arith.constant 10 : i32
      %get3A_2191 = arith.index_cast %get3A_2190 : i32 to index
      %get3A_2192 = arith.constant 28 : index
      %get3A_2193 = tpu.vector_load %arg16[%get3A_2191, %get3A_2192] {strides = array<i32>} : memref<50x128xf32, #tpu.memory_space<vmem>>, vector<1x16xf32>,
      %get3A_2194 = vector.shape_cast %get3A_2193 : vector<1x16xf32> to vector<16xf32>
      %swap3A_2195 = arith.constant 10 : i32
      %swap3A_2196 = arith.index_cast %swap3A_2195 : i32 to index
      %swap3A_2197 = arith.constant 28 : index
      %swap3A_2198 = tpu.vector_load %arg17[%swap3A_2196, %swap3A_2197] {strides = array<i32>} : memref<50x44xf32, #tpu.memory_space<vmem>>, vector<1x16xf32>,
      %swap3A_2199 = vector.shape_cast %swap3A_2198 : vector<1x16xf32> to vector<16xf32>
      %swap3A_2200 = vector.shape_cast %get3A_2194 : vector<16xf32> to vector<1x16xf32>
      tpu.vector_store %arg17[%swap3A_2196, %swap3A_2197], %swap3A_2200 {strides = array<i32>} : memref<50x44xf32, #tpu.memory_space<vmem>>, vector<1x16xf32>,
      %get3A_2201 = arith.constant 11 : i32
      %get3A_2202 = arith.index_cast %get3A_2201 : i32 to index
      %get3A_2203 = arith.constant 0 : index
      %get3A_2204 = tpu.vector_load %arg16[%get3A_2202, %get3A_2203] {strides = array<i32>} : memref<50x128xf32, #tpu.memory_space<vmem>>, vector<1x16xf32>,
      %get3A_2205 = vector.shape_cast %get3A_2204 : vector<1x16xf32> to vector<16xf32>
      %swap3A_2206 = arith.constant 11 : i32
      %swap3A_2207 = arith.index_cast %swap3A_2206 : i32 to index
      %swap3A_2208 = arith.constant 0 : index
      %swap3A_2209 = tpu.vector_load %arg17[%swap3A_2207, %swap3A_2208] {strides = array<i32>} : memref<50x44xf32, #tpu.memory_space<vmem>>, vector<1x16xf32>,
      %swap3A_2210 = vector.shape_cast %swap3A_2209 : vector<1x16xf32> to vector<16xf32>
      %swap3A_2211 = vector.shape_cast %get3A_2205 : vector<16xf32> to vector<1x16xf32>
      tpu.vector_store %arg17[%swap3A_2207, %swap3A_2208], %swap3A_2211 {strides = array<i32>} : memref<50x44xf32, #tpu.memory_space<vmem>>, vector<1x16xf32>,
      %get3A_2212 = arith.constant 11 : i32
      %get3A_2213 = arith.index_cast %get3A_2212 : i32 to index
      %get3A_2214 = arith.constant 16 : index
      %get3A_2215 = tpu.vector_load %arg16[%get3A_2213, %get3A_2214] {strides = array<i32>} : memref<50x128xf32, #tpu.memory_space<vmem>>, vector<1x16xf32>,
      %get3A_2216 = vector.shape_cast %get3A_2215 : vector<1x16xf32> to vector<16xf32>
      %swap3A_2217 = arith.constant 11 : i32
      %swap3A_2218 = arith.index_cast %swap3A_2217 : i32 to index
      %swap3A_2219 = arith.constant 16 : index
      %swap3A_2220 = tpu.vector_load %arg17[%swap3A_2218, %swap3A_2219] {strides = array<i32>} : memref<50x44xf32, #tpu.memory_space<vmem>>, vector<1x16xf32>,
      %swap3A_2221 = vector.shape_cast %swap3A_2220 : vector<1x16xf32> to vector<16xf32>
      %swap3A_2222 = vector.shape_cast %get3A_2216 : vector<16xf32> to vector<1x16xf32>
      tpu.vector_store %arg17[%swap3A_2218, %swap3A_2219], %swap3A_2222 {strides = array<i32>} : memref<50x44xf32, #tpu.memory_space<vmem>>, vector<1x16xf32>,
      %get3A_2223 = arith.constant 11 : i32
      %get3A_2224 = arith.index_cast %get3A_2223 : i32 to index
      %get3A_2225 = arith.constant 28 : index
      %get3A_2226 = tpu.vector_load %arg16[%get3A_2224, %get3A_2225] {strides = array<i32>} : memref<50x128xf32, #tpu.memory_space<vmem>>, vector<1x16xf32>,
      %get3A_2227 = vector.shape_cast %get3A_2226 : vector<1x16xf32> to vector<16xf32>
      %swap3A_2228 = arith.constant 11 : i32
      %swap3A_2229 = arith.index_cast %swap3A_2228 : i32 to index
      %swap3A_2230 = arith.constant 28 : index
      %swap3A_2231 = tpu.vector_load %arg17[%swap3A_2229, %swap3A_2230] {strides = array<i32>} : memref<50x44xf32, #tpu.memory_space<vmem>>, vector<1x16xf32>,
      %swap3A_2232 = vector.shape_cast %swap3A_2231 : vector<1x16xf32> to vector<16xf32>
      %swap3A_2233 = vector.shape_cast %get3A_2227 : vector<16xf32> to vector<1x16xf32>
      tpu.vector_store %arg17[%swap3A_2229, %swap3A_2230], %swap3A_2233 {strides = array<i32>} : memref<50x44xf32, #tpu.memory_space<vmem>>, vector<1x16xf32>,
      %get3A_2234 = arith.constant 12 : i32
      %get3A_2235 = arith.index_cast %get3A_2234 : i32 to index
      %get3A_2236 = arith.constant 0 : index
      %get3A_2237 = tpu.vector_load %arg16[%get3A_2235, %get3A_2236] {strides = array<i32>} : memref<50x128xf32, #tpu.memory_space<vmem>>, vector<1x16xf32>,
      %get3A_2238 = vector.shape_cast %get3A_2237 : vector<1x16xf32> to vector<16xf32>
      %swap3A_2239 = arith.constant 12 : i32
      %swap3A_2240 = arith.index_cast %swap3A_2239 : i32 to index
      %swap3A_2241 = arith.constant 0 : index
      %swap3A_2242 = tpu.vector_load %arg17[%swap3A_2240, %swap3A_2241] {strides = array<i32>} : memref<50x44xf32, #tpu.memory_space<vmem>>, vector<1x16xf32>,
      %swap3A_2243 = vector.shape_cast %swap3A_2242 : vector<1x16xf32> to vector<16xf32>
      %swap3A_2244 = vector.shape_cast %get3A_2238 : vector<16xf32> to vector<1x16xf32>
      tpu.vector_store %arg17[%swap3A_2240, %swap3A_2241], %swap3A_2244 {strides = array<i32>} : memref<50x44xf32, #tpu.memory_space<vmem>>, vector<1x16xf32>,
      %get3A_2245 = arith.constant 12 : i32
      %get3A_2246 = arith.index_cast %get3A_2245 : i32 to index
      %get3A_2247 = arith.constant 16 : index
      %get3A_2248 = tpu.vector_load %arg16[%get3A_2246, %get3A_2247] {strides = array<i32>} : memref<50x128xf32, #tpu.memory_space<vmem>>, vector<1x16xf32>,
      %get3A_2249 = vector.shape_cast %get3A_2248 : vector<1x16xf32> to vector<16xf32>
      %swap3A_2250 = arith.constant 12 : i32
      %swap3A_2251 = arith.index_cast %swap3A_2250 : i32 to index
      %swap3A_2252 = arith.constant 16 : index
      %swap3A_2253 = tpu.vector_load %arg17[%swap3A_2251, %swap3A_2252] {strides = array<i32>} : memref<50x44xf32, #tpu.memory_space<vmem>>, vector<1x16xf32>,
      %swap3A_2254 = vector.shape_cast %swap3A_2253 : vector<1x16xf32> to vector<16xf32>
      %swap3A_2255 = vector.shape_cast %get3A_2249 : vector<16xf32> to vector<1x16xf32>
      tpu.vector_store %arg17[%swap3A_2251, %swap3A_2252], %swap3A_2255 {strides = array<i32>} : memref<50x44xf32, #tpu.memory_space<vmem>>, vector<1x16xf32>,
      %get3A_2256 = arith.constant 12 : i32
      %get3A_2257 = arith.index_cast %get3A_2256 : i32 to index
      %get3A_2258 = arith.constant 28 : index
      %get3A_2259 = tpu.vector_load %arg16[%get3A_2257, %get3A_2258] {strides = array<i32>} : memref<50x128xf32, #tpu.memory_space<vmem>>, vector<1x16xf32>,
      %get3A_2260 = vector.shape_cast %get3A_2259 : vector<1x16xf32> to vector<16xf32>
      %swap3A_2261 = arith.constant 12 : i32
      %swap3A_2262 = arith.index_cast %swap3A_2261 : i32 to index
      %swap3A_2263 = arith.constant 28 : index
      %swap3A_2264 = tpu.vector_load %arg17[%swap3A_2262, %swap3A_2263] {strides = array<i32>} : memref<50x44xf32, #tpu.memory_space<vmem>>, vector<1x16xf32>,
      %swap3A_2265 = vector.shape_cast %swap3A_2264 : vector<1x16xf32> to vector<16xf32>
      %swap3A_2266 = vector.shape_cast %get3A_2260 : vector<16xf32> to vector<1x16xf32>
      tpu.vector_store %arg17[%swap3A_2262, %swap3A_2263], %swap3A_2266 {strides = array<i32>} : memref<50x44xf32, #tpu.memory_space<vmem>>, vector<1x16xf32>,
      %get3A_2267 = arith.constant 13 : i32
      %get3A_2268 = arith.index_cast %get3A_2267 : i32 to index
      %get3A_2269 = arith.constant 0 : index
      %get3A_2270 = tpu.vector_load %arg16[%get3A_2268, %get3A_2269] {strides = array<i32>} : memref<50x128xf32, #tpu.memory_space<vmem>>, vector<1x16xf32>,
      %get3A_2271 = vector.shape_cast %get3A_2270 : vector<1x16xf32> to vector<16xf32>
      %swap3A_2272 = arith.constant 13 : i32
      %swap3A_2273 = arith.index_cast %swap3A_2272 : i32 to index
      %swap3A_2274 = arith.constant 0 : index
      %swap3A_2275 = tpu.vector_load %arg17[%swap3A_2273, %swap3A_2274] {strides = array<i32>} : memref<50x44xf32, #tpu.memory_space<vmem>>, vector<1x16xf32>,
      %swap3A_2276 = vector.shape_cast %swap3A_2275 : vector<1x16xf32> to vector<16xf32>
      %swap3A_2277 = vector.shape_cast %get3A_2271 : vector<16xf32> to vector<1x16xf32>
      tpu.vector_store %arg17[%swap3A_2273, %swap3A_2274], %swap3A_2277 {strides = array<i32>} : memref<50x44xf32, #tpu.memory_space<vmem>>, vector<1x16xf32>,
      %get3A_2278 = arith.constant 13 : i32
      %get3A_2279 = arith.index_cast %get3A_2278 : i32 to index
      %get3A_2280 = arith.constant 16 : index
      %get3A_2281 = tpu.vector_load %arg16[%get3A_2279, %get3A_2280] {strides = array<i32>} : memref<50x128xf32, #tpu.memory_space<vmem>>, vector<1x16xf32>,
      %get3A_2282 = vector.shape_cast %get3A_2281 : vector<1x16xf32> to vector<16xf32>
      %swap3A_2283 = arith.constant 13 : i32
      %swap3A_2284 = arith.index_cast %swap3A_2283 : i32 to index
      %swap3A_2285 = arith.constant 16 : index
      %swap3A_2286 = tpu.vector_load %arg17[%swap3A_2284, %swap3A_2285] {strides = array<i32>} : memref<50x44xf32, #tpu.memory_space<vmem>>, vector<1x16xf32>,
      %swap3A_2287 = vector.shape_cast %swap3A_2286 : vector<1x16xf32> to vector<16xf32>
      %swap3A_2288 = vector.shape_cast %get3A_2282 : vector<16xf32> to vector<1x16xf32>
      tpu.vector_store %arg17[%swap3A_2284, %swap3A_2285], %swap3A_2288 {strides = array<i32>} : memref<50x44xf32, #tpu.memory_space<vmem>>, vector<1x16xf32>,
      %get3A_2289 = arith.constant 13 : i32
      %get3A_2290 = arith.index_cast %get3A_2289 : i32 to index
      %get3A_2291 = arith.constant 28 : index
      %get3A_2292 = tpu.vector_load %arg16[%get3A_2290, %get3A_2291] {strides = array<i32>} : memref<50x128xf32, #tpu.memory_space<vmem>>, vector<1x16xf32>,
      %get3A_2293 = vector.shape_cast %get3A_2292 : vector<1x16xf32> to vector<16xf32>
      %swap3A_2294 = arith.constant 13 : i32
      %swap3A_2295 = arith.index_cast %swap3A_2294 : i32 to index
      %swap3A_2296 = arith.constant 28 : index
      %swap3A_2297 = tpu.vector_load %arg17[%swap3A_2295, %swap3A_2296] {strides = array<i32>} : memref<50x44xf32, #tpu.memory_space<vmem>>, vector<1x16xf32>,
      %swap3A_2298 = vector.shape_cast %swap3A_2297 : vector<1x16xf32> to vector<16xf32>
      %swap3A_2299 = vector.shape_cast %get3A_2293 : vector<16xf32> to vector<1x16xf32>
      tpu.vector_store %arg17[%swap3A_2295, %swap3A_2296], %swap3A_2299 {strides = array<i32>} : memref<50x44xf32, #tpu.memory_space<vmem>>, vector<1x16xf32>,
      %get3A_2300 = arith.constant 14 : i32
      %get3A_2301 = arith.index_cast %get3A_2300 : i32 to index
      %get3A_2302 = arith.constant 0 : index
      %get3A_2303 = tpu.vector_load %arg16[%get3A_2301, %get3A_2302] {strides = array<i32>} : memref<50x128xf32, #tpu.memory_space<vmem>>, vector<1x16xf32>,
      %get3A_2304 = vector.shape_cast %get3A_2303 : vector<1x16xf32> to vector<16xf32>
      %swap3A_2305 = arith.constant 14 : i32
      %swap3A_2306 = arith.index_cast %swap3A_2305 : i32 to index
      %swap3A_2307 = arith.constant 0 : index
      %swap3A_2308 = tpu.vector_load %arg17[%swap3A_2306, %swap3A_2307] {strides = array<i32>} : memref<50x44xf32, #tpu.memory_space<vmem>>, vector<1x16xf32>,
      %swap3A_2309 = vector.shape_cast %swap3A_2308 : vector<1x16xf32> to vector<16xf32>
      %swap3A_2310 = vector.shape_cast %get3A_2304 : vector<16xf32> to vector<1x16xf32>
      tpu.vector_store %arg17[%swap3A_2306, %swap3A_2307], %swap3A_2310 {strides = array<i32>} : memref<50x44xf32, #tpu.memory_space<vmem>>, vector<1x16xf32>,
      %get3A_2311 = arith.constant 14 : i32
      %get3A_2312 = arith.index_cast %get3A_2311 : i32 to index
      %get3A_2313 = arith.constant 16 : index
      %get3A_2314 = tpu.vector_load %arg16[%get3A_2312, %get3A_2313] {strides = array<i32>} : memref<50x128xf32, #tpu.memory_space<vmem>>, vector<1x16xf32>,
      %get3A_2315 = vector.shape_cast %get3A_2314 : vector<1x16xf32> to vector<16xf32>
      %swap3A_2316 = arith.constant 14 : i32
      %swap3A_2317 = arith.index_cast %swap3A_2316 : i32 to index
      %swap3A_2318 = arith.constant 16 : index
      %swap3A_2319 = tpu.vector_load %arg17[%swap3A_2317, %swap3A_2318] {strides = array<i32>} : memref<50x44xf32, #tpu.memory_space<vmem>>, vector<1x16xf32>,
      %swap3A_2320 = vector.shape_cast %swap3A_2319 : vector<1x16xf32> to vector<16xf32>
      %swap3A_2321 = vector.shape_cast %get3A_2315 : vector<16xf32> to vector<1x16xf32>
      tpu.vector_store %arg17[%swap3A_2317, %swap3A_2318], %swap3A_2321 {strides = array<i32>} : memref<50x44xf32, #tpu.memory_space<vmem>>, vector<1x16xf32>,
      %get3A_2322 = arith.constant 14 : i32
      %get3A_2323 = arith.index_cast %get3A_2322 : i32 to index
      %get3A_2324 = arith.constant 28 : index
      %get3A_2325 = tpu.vector_load %arg16[%get3A_2323, %get3A_2324] {strides = array<i32>} : memref<50x128xf32, #tpu.memory_space<vmem>>, vector<1x16xf32>,
      %get3A_2326 = vector.shape_cast %get3A_2325 : vector<1x16xf32> to vector<16xf32>
      %swap3A_2327 = arith.constant 14 : i32
      %swap3A_2328 = arith.index_cast %swap3A_2327 : i32 to index
      %swap3A_2329 = arith.constant 28 : index
      %swap3A_2330 = tpu.vector_load %arg17[%swap3A_2328, %swap3A_2329] {strides = array<i32>} : memref<50x44xf32, #tpu.memory_space<vmem>>, vector<1x16xf32>,
      %swap3A_2331 = vector.shape_cast %swap3A_2330 : vector<1x16xf32> to vector<16xf32>
      %swap3A_2332 = vector.shape_cast %get3A_2326 : vector<16xf32> to vector<1x16xf32>
      tpu.vector_store %arg17[%swap3A_2328, %swap3A_2329], %swap3A_2332 {strides = array<i32>} : memref<50x44xf32, #tpu.memory_space<vmem>>, vector<1x16xf32>,
      %get3A_2333 = arith.constant 15 : i32
      %get3A_2334 = arith.index_cast %get3A_2333 : i32 to index
      %get3A_2335 = arith.constant 0 : index
      %get3A_2336 = tpu.vector_load %arg16[%get3A_2334, %get3A_2335] {strides = array<i32>} : memref<50x128xf32, #tpu.memory_space<vmem>>, vector<1x16xf32>,
      %get3A_2337 = vector.shape_cast %get3A_2336 : vector<1x16xf32> to vector<16xf32>
      %swap3A_2338 = arith.constant 15 : i32
      %swap3A_2339 = arith.index_cast %swap3A_2338 : i32 to index
      %swap3A_2340 = arith.constant 0 : index
      %swap3A_2341 = tpu.vector_load %arg17[%swap3A_2339, %swap3A_2340] {strides = array<i32>} : memref<50x44xf32, #tpu.memory_space<vmem>>, vector<1x16xf32>,
      %swap3A_2342 = vector.shape_cast %swap3A_2341 : vector<1x16xf32> to vector<16xf32>
      %swap3A_2343 = vector.shape_cast %get3A_2337 : vector<16xf32> to vector<1x16xf32>
      tpu.vector_store %arg17[%swap3A_2339, %swap3A_2340], %swap3A_2343 {strides = array<i32>} : memref<50x44xf32, #tpu.memory_space<vmem>>, vector<1x16xf32>,
      %get3A_2344 = arith.constant 15 : i32
      %get3A_2345 = arith.index_cast %get3A_2344 : i32 to index
      %get3A_2346 = arith.constant 16 : index
      %get3A_2347 = tpu.vector_load %arg16[%get3A_2345, %get3A_2346] {strides = array<i32>} : memref<50x128xf32, #tpu.memory_space<vmem>>, vector<1x16xf32>,
      %get3A_2348 = vector.shape_cast %get3A_2347 : vector<1x16xf32> to vector<16xf32>
      %swap3A_2349 = arith.constant 15 : i32
      %swap3A_2350 = arith.index_cast %swap3A_2349 : i32 to index
      %swap3A_2351 = arith.constant 16 : index
      %swap3A_2352 = tpu.vector_load %arg17[%swap3A_2350, %swap3A_2351] {strides = array<i32>} : memref<50x44xf32, #tpu.memory_space<vmem>>, vector<1x16xf32>,
      %swap3A_2353 = vector.shape_cast %swap3A_2352 : vector<1x16xf32> to vector<16xf32>
      %swap3A_2354 = vector.shape_cast %get3A_2348 : vector<16xf32> to vector<1x16xf32>
      tpu.vector_store %arg17[%swap3A_2350, %swap3A_2351], %swap3A_2354 {strides = array<i32>} : memref<50x44xf32, #tpu.memory_space<vmem>>, vector<1x16xf32>,
      %get3A_2355 = arith.constant 15 : i32
      %get3A_2356 = arith.index_cast %get3A_2355 : i32 to index
      %get3A_2357 = arith.constant 28 : index
      %get3A_2358 = tpu.vector_load %arg16[%get3A_2356, %get3A_2357] {strides = array<i32>} : memref<50x128xf32, #tpu.memory_space<vmem>>, vector<1x16xf32>,
      %get3A_2359 = vector.shape_cast %get3A_2358 : vector<1x16xf32> to vector<16xf32>
      %swap3A_2360 = arith.constant 15 : i32
      %swap3A_2361 = arith.index_cast %swap3A_2360 : i32 to index
      %swap3A_2362 = arith.constant 28 : index
      %swap3A_2363 = tpu.vector_load %arg17[%swap3A_2361, %swap3A_2362] {strides = array<i32>} : memref<50x44xf32, #tpu.memory_space<vmem>>, vector<1x16xf32>,
      %swap3A_2364 = vector.shape_cast %swap3A_2363 : vector<1x16xf32> to vector<16xf32>
      %swap3A_2365 = vector.shape_cast %get3A_2359 : vector<16xf32> to vector<1x16xf32>
      tpu.vector_store %arg17[%swap3A_2361, %swap3A_2362], %swap3A_2365 {strides = array<i32>} : memref<50x44xf32, #tpu.memory_space<vmem>>, vector<1x16xf32>,
      %get3A_2366 = arith.constant 16 : i32
      %get3A_2367 = arith.index_cast %get3A_2366 : i32 to index
      %get3A_2368 = arith.constant 0 : index
      %get3A_2369 = tpu.vector_load %arg16[%get3A_2367, %get3A_2368] {strides = array<i32>} : memref<50x128xf32, #tpu.memory_space<vmem>>, vector<1x16xf32>,
      %get3A_2370 = vector.shape_cast %get3A_2369 : vector<1x16xf32> to vector<16xf32>
      %swap3A_2371 = arith.constant 16 : i32
      %swap3A_2372 = arith.index_cast %swap3A_2371 : i32 to index
      %swap3A_2373 = arith.constant 0 : index
      %swap3A_2374 = tpu.vector_load %arg17[%swap3A_2372, %swap3A_2373] {strides = array<i32>} : memref<50x44xf32, #tpu.memory_space<vmem>>, vector<1x16xf32>,
      %swap3A_2375 = vector.shape_cast %swap3A_2374 : vector<1x16xf32> to vector<16xf32>
      %swap3A_2376 = vector.shape_cast %get3A_2370 : vector<16xf32> to vector<1x16xf32>
      tpu.vector_store %arg17[%swap3A_2372, %swap3A_2373], %swap3A_2376 {strides = array<i32>} : memref<50x44xf32, #tpu.memory_space<vmem>>, vector<1x16xf32>,
      %get3A_2377 = arith.constant 16 : i32
      %get3A_2378 = arith.index_cast %get3A_2377 : i32 to index
      %get3A_2379 = arith.constant 16 : index
      %get3A_2380 = tpu.vector_load %arg16[%get3A_2378, %get3A_2379] {strides = array<i32>} : memref<50x128xf32, #tpu.memory_space<vmem>>, vector<1x16xf32>,
      %get3A_2381 = vector.shape_cast %get3A_2380 : vector<1x16xf32> to vector<16xf32>
      %swap3A_2382 = arith.constant 16 : i32
      %swap3A_2383 = arith.index_cast %swap3A_2382 : i32 to index
      %swap3A_2384 = arith.constant 16 : index
      %swap3A_2385 = tpu.vector_load %arg17[%swap3A_2383, %swap3A_2384] {strides = array<i32>} : memref<50x44xf32, #tpu.memory_space<vmem>>, vector<1x16xf32>,
      %swap3A_2386 = vector.shape_cast %swap3A_2385 : vector<1x16xf32> to vector<16xf32>
      %swap3A_2387 = vector.shape_cast %get3A_2381 : vector<16xf32> to vector<1x16xf32>
      tpu.vector_store %arg17[%swap3A_2383, %swap3A_2384], %swap3A_2387 {strides = array<i32>} : memref<50x44xf32, #tpu.memory_space<vmem>>, vector<1x16xf32>,
      %get3A_2388 = arith.constant 16 : i32
      %get3A_2389 = arith.index_cast %get3A_2388 : i32 to index
      %get3A_2390 = arith.constant 28 : index
      %get3A_2391 = tpu.vector_load %arg16[%get3A_2389, %get3A_2390] {strides = array<i32>} : memref<50x128xf32, #tpu.memory_space<vmem>>, vector<1x16xf32>,
      %get3A_2392 = vector.shape_cast %get3A_2391 : vector<1x16xf32> to vector<16xf32>
      %swap3A_2393 = arith.constant 16 : i32
      %swap3A_2394 = arith.index_cast %swap3A_2393 : i32 to index
      %swap3A_2395 = arith.constant 28 : index
      %swap3A_2396 = tpu.vector_load %arg17[%swap3A_2394, %swap3A_2395] {strides = array<i32>} : memref<50x44xf32, #tpu.memory_space<vmem>>, vector<1x16xf32>,
      %swap3A_2397 = vector.shape_cast %swap3A_2396 : vector<1x16xf32> to vector<16xf32>
      %swap3A_2398 = vector.shape_cast %get3A_2392 : vector<16xf32> to vector<1x16xf32>
      tpu.vector_store %arg17[%swap3A_2394, %swap3A_2395], %swap3A_2398 {strides = array<i32>} : memref<50x44xf32, #tpu.memory_space<vmem>>, vector<1x16xf32>,
      %get3A_2399 = arith.constant 17 : i32
      %get3A_2400 = arith.index_cast %get3A_2399 : i32 to index
      %get3A_2401 = arith.constant 0 : index
      %get3A_2402 = tpu.vector_load %arg16[%get3A_2400, %get3A_2401] {strides = array<i32>} : memref<50x128xf32, #tpu.memory_space<vmem>>, vector<1x16xf32>,
      %get3A_2403 = vector.shape_cast %get3A_2402 : vector<1x16xf32> to vector<16xf32>
      %swap3A_2404 = arith.constant 17 : i32
      %swap3A_2405 = arith.index_cast %swap3A_2404 : i32 to index
      %swap3A_2406 = arith.constant 0 : index
      %swap3A_2407 = tpu.vector_load %arg17[%swap3A_2405, %swap3A_2406] {strides = array<i32>} : memref<50x44xf32, #tpu.memory_space<vmem>>, vector<1x16xf32>,
      %swap3A_2408 = vector.shape_cast %swap3A_2407 : vector<1x16xf32> to vector<16xf32>
      %swap3A_2409 = vector.shape_cast %get3A_2403 : vector<16xf32> to vector<1x16xf32>
      tpu.vector_store %arg17[%swap3A_2405, %swap3A_2406], %swap3A_2409 {strides = array<i32>} : memref<50x44xf32, #tpu.memory_space<vmem>>, vector<1x16xf32>,
      %get3A_2410 = arith.constant 17 : i32
      %get3A_2411 = arith.index_cast %get3A_2410 : i32 to index
      %get3A_2412 = arith.constant 16 : index
      %get3A_2413 = tpu.vector_load %arg16[%get3A_2411, %get3A_2412] {strides = array<i32>} : memref<50x128xf32, #tpu.memory_space<vmem>>, vector<1x16xf32>,
      %get3A_2414 = vector.shape_cast %get3A_2413 : vector<1x16xf32> to vector<16xf32>
      %swap3A_2415 = arith.constant 17 : i32
      %swap3A_2416 = arith.index_cast %swap3A_2415 : i32 to index
      %swap3A_2417 = arith.constant 16 : index
      %swap3A_2418 = tpu.vector_load %arg17[%swap3A_2416, %swap3A_2417] {strides = array<i32>} : memref<50x44xf32, #tpu.memory_space<vmem>>, vector<1x16xf32>,
      %swap3A_2419 = vector.shape_cast %swap3A_2418 : vector<1x16xf32> to vector<16xf32>
      %swap3A_2420 = vector.shape_cast %get3A_2414 : vector<16xf32> to vector<1x16xf32>
      tpu.vector_store %arg17[%swap3A_2416, %swap3A_2417], %swap3A_2420 {strides = array<i32>} : memref<50x44xf32, #tpu.memory_space<vmem>>, vector<1x16xf32>,
      %get3A_2421 = arith.constant 17 : i32
      %get3A_2422 = arith.index_cast %get3A_2421 : i32 to index
      %get3A_2423 = arith.constant 28 : index
      %get3A_2424 = tpu.vector_load %arg16[%get3A_2422, %get3A_2423] {strides = array<i32>} : memref<50x128xf32, #tpu.memory_space<vmem>>, vector<1x16xf32>,
      %get3A_2425 = vector.shape_cast %get3A_2424 : vector<1x16xf32> to vector<16xf32>
      %swap3A_2426 = arith.constant 17 : i32
      %swap3A_2427 = arith.index_cast %swap3A_2426 : i32 to index
      %swap3A_2428 = arith.constant 28 : index
      %swap3A_2429 = tpu.vector_load %arg17[%swap3A_2427, %swap3A_2428] {strides = array<i32>} : memref<50x44xf32, #tpu.memory_space<vmem>>, vector<1x16xf32>,
      %swap3A_2430 = vector.shape_cast %swap3A_2429 : vector<1x16xf32> to vector<16xf32>
      %swap3A_2431 = vector.shape_cast %get3A_2425 : vector<16xf32> to vector<1x16xf32>
      tpu.vector_store %arg17[%swap3A_2427, %swap3A_2428], %swap3A_2431 {strides = array<i32>} : memref<50x44xf32, #tpu.memory_space<vmem>>, vector<1x16xf32>,
      %get3A_2432 = arith.constant 18 : i32
      %get3A_2433 = arith.index_cast %get3A_2432 : i32 to index
      %get3A_2434 = arith.constant 0 : index
      %get3A_2435 = tpu.vector_load %arg16[%get3A_2433, %get3A_2434] {strides = array<i32>} : memref<50x128xf32, #tpu.memory_space<vmem>>, vector<1x16xf32>,
      %get3A_2436 = vector.shape_cast %get3A_2435 : vector<1x16xf32> to vector<16xf32>
      %swap3A_2437 = arith.constant 18 : i32
      %swap3A_2438 = arith.index_cast %swap3A_2437 : i32 to index
      %swap3A_2439 = arith.constant 0 : index
      %swap3A_2440 = tpu.vector_load %arg17[%swap3A_2438, %swap3A_2439] {strides = array<i32>} : memref<50x44xf32, #tpu.memory_space<vmem>>, vector<1x16xf32>,
      %swap3A_2441 = vector.shape_cast %swap3A_2440 : vector<1x16xf32> to vector<16xf32>
      %swap3A_2442 = vector.shape_cast %get3A_2436 : vector<16xf32> to vector<1x16xf32>
      tpu.vector_store %arg17[%swap3A_2438, %swap3A_2439], %swap3A_2442 {strides = array<i32>} : memref<50x44xf32, #tpu.memory_space<vmem>>, vector<1x16xf32>,
      %get3A_2443 = arith.constant 18 : i32
      %get3A_2444 = arith.index_cast %get3A_2443 : i32 to index
      %get3A_2445 = arith.constant 16 : index
      %get3A_2446 = tpu.vector_load %arg16[%get3A_2444, %get3A_2445] {strides = array<i32>} : memref<50x128xf32, #tpu.memory_space<vmem>>, vector<1x16xf32>,
      %get3A_2447 = vector.shape_cast %get3A_2446 : vector<1x16xf32> to vector<16xf32>
      %swap3A_2448 = arith.constant 18 : i32
      %swap3A_2449 = arith.index_cast %swap3A_2448 : i32 to index
      %swap3A_2450 = arith.constant 16 : index
      %swap3A_2451 = tpu.vector_load %arg17[%swap3A_2449, %swap3A_2450] {strides = array<i32>} : memref<50x44xf32, #tpu.memory_space<vmem>>, vector<1x16xf32>,
      %swap3A_2452 = vector.shape_cast %swap3A_2451 : vector<1x16xf32> to vector<16xf32>
      %swap3A_2453 = vector.shape_cast %get3A_2447 : vector<16xf32> to vector<1x16xf32>
      tpu.vector_store %arg17[%swap3A_2449, %swap3A_2450], %swap3A_2453 {strides = array<i32>} : memref<50x44xf32, #tpu.memory_space<vmem>>, vector<1x16xf32>,
      %get3A_2454 = arith.constant 18 : i32
      %get3A_2455 = arith.index_cast %get3A_2454 : i32 to index
      %get3A_2456 = arith.constant 28 : index
      %get3A_2457 = tpu.vector_load %arg16[%get3A_2455, %get3A_2456] {strides = array<i32>} : memref<50x128xf32, #tpu.memory_space<vmem>>, vector<1x16xf32>,
      %get3A_2458 = vector.shape_cast %get3A_2457 : vector<1x16xf32> to vector<16xf32>
      %swap3A_2459 = arith.constant 18 : i32
      %swap3A_2460 = arith.index_cast %swap3A_2459 : i32 to index
      %swap3A_2461 = arith.constant 28 : index
      %swap3A_2462 = tpu.vector_load %arg17[%swap3A_2460, %swap3A_2461] {strides = array<i32>} : memref<50x44xf32, #tpu.memory_space<vmem>>, vector<1x16xf32>,
      %swap3A_2463 = vector.shape_cast %swap3A_2462 : vector<1x16xf32> to vector<16xf32>
      %swap3A_2464 = vector.shape_cast %get3A_2458 : vector<16xf32> to vector<1x16xf32>
      tpu.vector_store %arg17[%swap3A_2460, %swap3A_2461], %swap3A_2464 {strides = array<i32>} : memref<50x44xf32, #tpu.memory_space<vmem>>, vector<1x16xf32>,
      %get3A_2465 = arith.constant 19 : i32
      %get3A_2466 = arith.index_cast %get3A_2465 : i32 to index
      %get3A_2467 = arith.constant 0 : index
      %get3A_2468 = tpu.vector_load %arg16[%get3A_2466, %get3A_2467] {strides = array<i32>} : memref<50x128xf32, #tpu.memory_space<vmem>>, vector<1x16xf32>,
      %get3A_2469 = vector.shape_cast %get3A_2468 : vector<1x16xf32> to vector<16xf32>
      %swap3A_2470 = arith.constant 19 : i32
      %swap3A_2471 = arith.index_cast %swap3A_2470 : i32 to index
      %swap3A_2472 = arith.constant 0 : index
      %swap3A_2473 = tpu.vector_load %arg17[%swap3A_2471, %swap3A_2472] {strides = array<i32>} : memref<50x44xf32, #tpu.memory_space<vmem>>, vector<1x16xf32>,
      %swap3A_2474 = vector.shape_cast %swap3A_2473 : vector<1x16xf32> to vector<16xf32>
      %swap3A_2475 = vector.shape_cast %get3A_2469 : vector<16xf32> to vector<1x16xf32>
      tpu.vector_store %arg17[%swap3A_2471, %swap3A_2472], %swap3A_2475 {strides = array<i32>} : memref<50x44xf32, #tpu.memory_space<vmem>>, vector<1x16xf32>,
      %get3A_2476 = arith.constant 19 : i32
      %get3A_2477 = arith.index_cast %get3A_2476 : i32 to index
      %get3A_2478 = arith.constant 16 : index
      %get3A_2479 = tpu.vector_load %arg16[%get3A_2477, %get3A_2478] {strides = array<i32>} : memref<50x128xf32, #tpu.memory_space<vmem>>, vector<1x16xf32>,
      %get3A_2480 = vector.shape_cast %get3A_2479 : vector<1x16xf32> to vector<16xf32>
      %swap3A_2481 = arith.constant 19 : i32
      %swap3A_2482 = arith.index_cast %swap3A_2481 : i32 to index
      %swap3A_2483 = arith.constant 16 : index
      %swap3A_2484 = tpu.vector_load %arg17[%swap3A_2482, %swap3A_2483] {strides = array<i32>} : memref<50x44xf32, #tpu.memory_space<vmem>>, vector<1x16xf32>,
      %swap3A_2485 = vector.shape_cast %swap3A_2484 : vector<1x16xf32> to vector<16xf32>
      %swap3A_2486 = vector.shape_cast %get3A_2480 : vector<16xf32> to vector<1x16xf32>
      tpu.vector_store %arg17[%swap3A_2482, %swap3A_2483], %swap3A_2486 {strides = array<i32>} : memref<50x44xf32, #tpu.memory_space<vmem>>, vector<1x16xf32>,
      %get3A_2487 = arith.constant 19 : i32
      %get3A_2488 = arith.index_cast %get3A_2487 : i32 to index
      %get3A_2489 = arith.constant 28 : index
      %get3A_2490 = tpu.vector_load %arg16[%get3A_2488, %get3A_2489] {strides = array<i32>} : memref<50x128xf32, #tpu.memory_space<vmem>>, vector<1x16xf32>,
      %get3A_2491 = vector.shape_cast %get3A_2490 : vector<1x16xf32> to vector<16xf32>
      %swap3A_2492 = arith.constant 19 : i32
      %swap3A_2493 = arith.index_cast %swap3A_2492 : i32 to index
      %swap3A_2494 = arith.constant 28 : index
      %swap3A_2495 = tpu.vector_load %arg17[%swap3A_2493, %swap3A_2494] {strides = array<i32>} : memref<50x44xf32, #tpu.memory_space<vmem>>, vector<1x16xf32>,
      %swap3A_2496 = vector.shape_cast %swap3A_2495 : vector<1x16xf32> to vector<16xf32>
      %swap3A_2497 = vector.shape_cast %get3A_2491 : vector<16xf32> to vector<1x16xf32>
      tpu.vector_store %arg17[%swap3A_2493, %swap3A_2494], %swap3A_2497 {strides = array<i32>} : memref<50x44xf32, #tpu.memory_space<vmem>>, vector<1x16xf32>,
      %get3A_2498 = arith.constant 20 : i32
      %get3A_2499 = arith.index_cast %get3A_2498 : i32 to index
      %get3A_2500 = arith.constant 0 : index
      %get3A_2501 = tpu.vector_load %arg16[%get3A_2499, %get3A_2500] {strides = array<i32>} : memref<50x128xf32, #tpu.memory_space<vmem>>, vector<1x16xf32>,
      %get3A_2502 = vector.shape_cast %get3A_2501 : vector<1x16xf32> to vector<16xf32>
      %swap3A_2503 = arith.constant 20 : i32
      %swap3A_2504 = arith.index_cast %swap3A_2503 : i32 to index
      %swap3A_2505 = arith.constant 0 : index
      %swap3A_2506 = tpu.vector_load %arg17[%swap3A_2504, %swap3A_2505] {strides = array<i32>} : memref<50x44xf32, #tpu.memory_space<vmem>>, vector<1x16xf32>,
      %swap3A_2507 = vector.shape_cast %swap3A_2506 : vector<1x16xf32> to vector<16xf32>
      %swap3A_2508 = vector.shape_cast %get3A_2502 : vector<16xf32> to vector<1x16xf32>
      tpu.vector_store %arg17[%swap3A_2504, %swap3A_2505], %swap3A_2508 {strides = array<i32>} : memref<50x44xf32, #tpu.memory_space<vmem>>, vector<1x16xf32>,
      %get3A_2509 = arith.constant 20 : i32
      %get3A_2510 = arith.index_cast %get3A_2509 : i32 to index
      %get3A_2511 = arith.constant 16 : index
      %get3A_2512 = tpu.vector_load %arg16[%get3A_2510, %get3A_2511] {strides = array<i32>} : memref<50x128xf32, #tpu.memory_space<vmem>>, vector<1x16xf32>,
      %get3A_2513 = vector.shape_cast %get3A_2512 : vector<1x16xf32> to vector<16xf32>
      %swap3A_2514 = arith.constant 20 : i32
      %swap3A_2515 = arith.index_cast %swap3A_2514 : i32 to index
      %swap3A_2516 = arith.constant 16 : index
      %swap3A_2517 = tpu.vector_load %arg17[%swap3A_2515, %swap3A_2516] {strides = array<i32>} : memref<50x44xf32, #tpu.memory_space<vmem>>, vector<1x16xf32>,
      %swap3A_2518 = vector.shape_cast %swap3A_2517 : vector<1x16xf32> to vector<16xf32>
      %swap3A_2519 = vector.shape_cast %get3A_2513 : vector<16xf32> to vector<1x16xf32>
      tpu.vector_store %arg17[%swap3A_2515, %swap3A_2516], %swap3A_2519 {strides = array<i32>} : memref<50x44xf32, #tpu.memory_space<vmem>>, vector<1x16xf32>,
      %get3A_2520 = arith.constant 20 : i32
      %get3A_2521 = arith.index_cast %get3A_2520 : i32 to index
      %get3A_2522 = arith.constant 28 : index
      %get3A_2523 = tpu.vector_load %arg16[%get3A_2521, %get3A_2522] {strides = array<i32>} : memref<50x128xf32, #tpu.memory_space<vmem>>, vector<1x16xf32>,
      %get3A_2524 = vector.shape_cast %get3A_2523 : vector<1x16xf32> to vector<16xf32>
      %swap3A_2525 = arith.constant 20 : i32
      %swap3A_2526 = arith.index_cast %swap3A_2525 : i32 to index
      %swap3A_2527 = arith.constant 28 : index
      %swap3A_2528 = tpu.vector_load %arg17[%swap3A_2526, %swap3A_2527] {strides = array<i32>} : memref<50x44xf32, #tpu.memory_space<vmem>>, vector<1x16xf32>,
      %swap3A_2529 = vector.shape_cast %swap3A_2528 : vector<1x16xf32> to vector<16xf32>
      %swap3A_2530 = vector.shape_cast %get3A_2524 : vector<16xf32> to vector<1x16xf32>
      tpu.vector_store %arg17[%swap3A_2526, %swap3A_2527], %swap3A_2530 {strides = array<i32>} : memref<50x44xf32, #tpu.memory_space<vmem>>, vector<1x16xf32>,
      %get3A_2531 = arith.constant 21 : i32
      %get3A_2532 = arith.index_cast %get3A_2531 : i32 to index
      %get3A_2533 = arith.constant 0 : index
      %get3A_2534 = tpu.vector_load %arg16[%get3A_2532, %get3A_2533] {strides = array<i32>} : memref<50x128xf32, #tpu.memory_space<vmem>>, vector<1x16xf32>,
      %get3A_2535 = vector.shape_cast %get3A_2534 : vector<1x16xf32> to vector<16xf32>
      %swap3A_2536 = arith.constant 21 : i32
      %swap3A_2537 = arith.index_cast %swap3A_2536 : i32 to index
      %swap3A_2538 = arith.constant 0 : index
      %swap3A_2539 = tpu.vector_load %arg17[%swap3A_2537, %swap3A_2538] {strides = array<i32>} : memref<50x44xf32, #tpu.memory_space<vmem>>, vector<1x16xf32>,
      %swap3A_2540 = vector.shape_cast %swap3A_2539 : vector<1x16xf32> to vector<16xf32>
      %swap3A_2541 = vector.shape_cast %get3A_2535 : vector<16xf32> to vector<1x16xf32>
      tpu.vector_store %arg17[%swap3A_2537, %swap3A_2538], %swap3A_2541 {strides = array<i32>} : memref<50x44xf32, #tpu.memory_space<vmem>>, vector<1x16xf32>,
      %get3A_2542 = arith.constant 21 : i32
      %get3A_2543 = arith.index_cast %get3A_2542 : i32 to index
      %get3A_2544 = arith.constant 16 : index
      %get3A_2545 = tpu.vector_load %arg16[%get3A_2543, %get3A_2544] {strides = array<i32>} : memref<50x128xf32, #tpu.memory_space<vmem>>, vector<1x16xf32>,
      %get3A_2546 = vector.shape_cast %get3A_2545 : vector<1x16xf32> to vector<16xf32>
      %swap3A_2547 = arith.constant 21 : i32
      %swap3A_2548 = arith.index_cast %swap3A_2547 : i32 to index
      %swap3A_2549 = arith.constant 16 : index
      %swap3A_2550 = tpu.vector_load %arg17[%swap3A_2548, %swap3A_2549] {strides = array<i32>} : memref<50x44xf32, #tpu.memory_space<vmem>>, vector<1x16xf32>,
      %swap3A_2551 = vector.shape_cast %swap3A_2550 : vector<1x16xf32> to vector<16xf32>
      %swap3A_2552 = vector.shape_cast %get3A_2546 : vector<16xf32> to vector<1x16xf32>
      tpu.vector_store %arg17[%swap3A_2548, %swap3A_2549], %swap3A_2552 {strides = array<i32>} : memref<50x44xf32, #tpu.memory_space<vmem>>, vector<1x16xf32>,
      %get3A_2553 = arith.constant 21 : i32
      %get3A_2554 = arith.index_cast %get3A_2553 : i32 to index
      %get3A_2555 = arith.constant 28 : index
      %get3A_2556 = tpu.vector_load %arg16[%get3A_2554, %get3A_2555] {strides = array<i32>} : memref<50x128xf32, #tpu.memory_space<vmem>>, vector<1x16xf32>,
      %get3A_2557 = vector.shape_cast %get3A_2556 : vector<1x16xf32> to vector<16xf32>
      %swap3A_2558 = arith.constant 21 : i32
      %swap3A_2559 = arith.index_cast %swap3A_2558 : i32 to index
      %swap3A_2560 = arith.constant 28 : index
      %swap3A_2561 = tpu.vector_load %arg17[%swap3A_2559, %swap3A_2560] {strides = array<i32>} : memref<50x44xf32, #tpu.memory_space<vmem>>, vector<1x16xf32>,
      %swap3A_2562 = vector.shape_cast %swap3A_2561 : vector<1x16xf32> to vector<16xf32>
      %swap3A_2563 = vector.shape_cast %get3A_2557 : vector<16xf32> to vector<1x16xf32>
      tpu.vector_store %arg17[%swap3A_2559, %swap3A_2560], %swap3A_2563 {strides = array<i32>} : memref<50x44xf32, #tpu.memory_space<vmem>>, vector<1x16xf32>,
      %get3A_2564 = arith.constant 22 : i32
      %get3A_2565 = arith.index_cast %get3A_2564 : i32 to index
      %get3A_2566 = arith.constant 0 : index
      %get3A_2567 = tpu.vector_load %arg16[%get3A_2565, %get3A_2566] {strides = array<i32>} : memref<50x128xf32, #tpu.memory_space<vmem>>, vector<1x16xf32>,
      %get3A_2568 = vector.shape_cast %get3A_2567 : vector<1x16xf32> to vector<16xf32>
      %swap3A_2569 = arith.constant 22 : i32
      %swap3A_2570 = arith.index_cast %swap3A_2569 : i32 to index
      %swap3A_2571 = arith.constant 0 : index
      %swap3A_2572 = tpu.vector_load %arg17[%swap3A_2570, %swap3A_2571] {strides = array<i32>} : memref<50x44xf32, #tpu.memory_space<vmem>>, vector<1x16xf32>,
      %swap3A_2573 = vector.shape_cast %swap3A_2572 : vector<1x16xf32> to vector<16xf32>
      %swap3A_2574 = vector.shape_cast %get3A_2568 : vector<16xf32> to vector<1x16xf32>
      tpu.vector_store %arg17[%swap3A_2570, %swap3A_2571], %swap3A_2574 {strides = array<i32>} : memref<50x44xf32, #tpu.memory_space<vmem>>, vector<1x16xf32>,
      %get3A_2575 = arith.constant 22 : i32
      %get3A_2576 = arith.index_cast %get3A_2575 : i32 to index
      %get3A_2577 = arith.constant 16 : index
      %get3A_2578 = tpu.vector_load %arg16[%get3A_2576, %get3A_2577] {strides = array<i32>} : memref<50x128xf32, #tpu.memory_space<vmem>>, vector<1x16xf32>,
      %get3A_2579 = vector.shape_cast %get3A_2578 : vector<1x16xf32> to vector<16xf32>
      %swap3A_2580 = arith.constant 22 : i32
      %swap3A_2581 = arith.index_cast %swap3A_2580 : i32 to index
      %swap3A_2582 = arith.constant 16 : index
      %swap3A_2583 = tpu.vector_load %arg17[%swap3A_2581, %swap3A_2582] {strides = array<i32>} : memref<50x44xf32, #tpu.memory_space<vmem>>, vector<1x16xf32>,
      %swap3A_2584 = vector.shape_cast %swap3A_2583 : vector<1x16xf32> to vector<16xf32>
      %swap3A_2585 = vector.shape_cast %get3A_2579 : vector<16xf32> to vector<1x16xf32>
      tpu.vector_store %arg17[%swap3A_2581, %swap3A_2582], %swap3A_2585 {strides = array<i32>} : memref<50x44xf32, #tpu.memory_space<vmem>>, vector<1x16xf32>,
      %get3A_2586 = arith.constant 22 : i32
      %get3A_2587 = arith.index_cast %get3A_2586 : i32 to index
      %get3A_2588 = arith.constant 28 : index
      %get3A_2589 = tpu.vector_load %arg16[%get3A_2587, %get3A_2588] {strides = array<i32>} : memref<50x128xf32, #tpu.memory_space<vmem>>, vector<1x16xf32>,
      %get3A_2590 = vector.shape_cast %get3A_2589 : vector<1x16xf32> to vector<16xf32>
      %swap3A_2591 = arith.constant 22 : i32
      %swap3A_2592 = arith.index_cast %swap3A_2591 : i32 to index
      %swap3A_2593 = arith.constant 28 : index
      %swap3A_2594 = tpu.vector_load %arg17[%swap3A_2592, %swap3A_2593] {strides = array<i32>} : memref<50x44xf32, #tpu.memory_space<vmem>>, vector<1x16xf32>,
      %swap3A_2595 = vector.shape_cast %swap3A_2594 : vector<1x16xf32> to vector<16xf32>
      %swap3A_2596 = vector.shape_cast %get3A_2590 : vector<16xf32> to vector<1x16xf32>
      tpu.vector_store %arg17[%swap3A_2592, %swap3A_2593], %swap3A_2596 {strides = array<i32>} : memref<50x44xf32, #tpu.memory_space<vmem>>, vector<1x16xf32>,
      %get3A_2597 = arith.constant 23 : i32
      %get3A_2598 = arith.index_cast %get3A_2597 : i32 to index
      %get3A_2599 = arith.constant 0 : index
      %get3A_2600 = tpu.vector_load %arg16[%get3A_2598, %get3A_2599] {strides = array<i32>} : memref<50x128xf32, #tpu.memory_space<vmem>>, vector<1x16xf32>,
      %get3A_2601 = vector.shape_cast %get3A_2600 : vector<1x16xf32> to vector<16xf32>
      %swap3A_2602 = arith.constant 23 : i32
      %swap3A_2603 = arith.index_cast %swap3A_2602 : i32 to index
      %swap3A_2604 = arith.constant 0 : index
      %swap3A_2605 = tpu.vector_load %arg17[%swap3A_2603, %swap3A_2604] {strides = array<i32>} : memref<50x44xf32, #tpu.memory_space<vmem>>, vector<1x16xf32>,
      %swap3A_2606 = vector.shape_cast %swap3A_2605 : vector<1x16xf32> to vector<16xf32>
      %swap3A_2607 = vector.shape_cast %get3A_2601 : vector<16xf32> to vector<1x16xf32>
      tpu.vector_store %arg17[%swap3A_2603, %swap3A_2604], %swap3A_2607 {strides = array<i32>} : memref<50x44xf32, #tpu.memory_space<vmem>>, vector<1x16xf32>,
      %get3A_2608 = arith.constant 23 : i32
      %get3A_2609 = arith.index_cast %get3A_2608 : i32 to index
      %get3A_2610 = arith.constant 16 : index
      %get3A_2611 = tpu.vector_load %arg16[%get3A_2609, %get3A_2610] {strides = array<i32>} : memref<50x128xf32, #tpu.memory_space<vmem>>, vector<1x16xf32>,
      %get3A_2612 = vector.shape_cast %get3A_2611 : vector<1x16xf32> to vector<16xf32>
      %swap3A_2613 = arith.constant 23 : i32
      %swap3A_2614 = arith.index_cast %swap3A_2613 : i32 to index
      %swap3A_2615 = arith.constant 16 : index
      %swap3A_2616 = tpu.vector_load %arg17[%swap3A_2614, %swap3A_2615] {strides = array<i32>} : memref<50x44xf32, #tpu.memory_space<vmem>>, vector<1x16xf32>,
      %swap3A_2617 = vector.shape_cast %swap3A_2616 : vector<1x16xf32> to vector<16xf32>
      %swap3A_2618 = vector.shape_cast %get3A_2612 : vector<16xf32> to vector<1x16xf32>
      tpu.vector_store %arg17[%swap3A_2614, %swap3A_2615], %swap3A_2618 {strides = array<i32>} : memref<50x44xf32, #tpu.memory_space<vmem>>, vector<1x16xf32>,
      %get3A_2619 = arith.constant 23 : i32
      %get3A_2620 = arith.index_cast %get3A_2619 : i32 to index
      %get3A_2621 = arith.constant 28 : index
      %get3A_2622 = tpu.vector_load %arg16[%get3A_2620, %get3A_2621] {strides = array<i32>} : memref<50x128xf32, #tpu.memory_space<vmem>>, vector<1x16xf32>,
      %get3A_2623 = vector.shape_cast %get3A_2622 : vector<1x16xf32> to vector<16xf32>
      %swap3A_2624 = arith.constant 23 : i32
      %swap3A_2625 = arith.index_cast %swap3A_2624 : i32 to index
      %swap3A_2626 = arith.constant 28 : index
      %swap3A_2627 = tpu.vector_load %arg17[%swap3A_2625, %swap3A_2626] {strides = array<i32>} : memref<50x44xf32, #tpu.memory_space<vmem>>, vector<1x16xf32>,
      %swap3A_2628 = vector.shape_cast %swap3A_2627 : vector<1x16xf32> to vector<16xf32>
      %swap3A_2629 = vector.shape_cast %get3A_2623 : vector<16xf32> to vector<1x16xf32>
      tpu.vector_store %arg17[%swap3A_2625, %swap3A_2626], %swap3A_2629 {strides = array<i32>} : memref<50x44xf32, #tpu.memory_space<vmem>>, vector<1x16xf32>,
      %get3A_2630 = arith.constant 24 : i32
      %get3A_2631 = arith.index_cast %get3A_2630 : i32 to index
      %get3A_2632 = arith.constant 0 : index
      %get3A_2633 = tpu.vector_load %arg16[%get3A_2631, %get3A_2632] {strides = array<i32>} : memref<50x128xf32, #tpu.memory_space<vmem>>, vector<1x16xf32>,
      %get3A_2634 = vector.shape_cast %get3A_2633 : vector<1x16xf32> to vector<16xf32>
      %swap3A_2635 = arith.constant 24 : i32
      %swap3A_2636 = arith.index_cast %swap3A_2635 : i32 to index
      %swap3A_2637 = arith.constant 0 : index
      %swap3A_2638 = tpu.vector_load %arg17[%swap3A_2636, %swap3A_2637] {strides = array<i32>} : memref<50x44xf32, #tpu.memory_space<vmem>>, vector<1x16xf32>,
      %swap3A_2639 = vector.shape_cast %swap3A_2638 : vector<1x16xf32> to vector<16xf32>
      %swap3A_2640 = vector.shape_cast %get3A_2634 : vector<16xf32> to vector<1x16xf32>
      tpu.vector_store %arg17[%swap3A_2636, %swap3A_2637], %swap3A_2640 {strides = array<i32>} : memref<50x44xf32, #tpu.memory_space<vmem>>, vector<1x16xf32>,
      %get3A_2641 = arith.constant 24 : i32
      %get3A_2642 = arith.index_cast %get3A_2641 : i32 to index
      %get3A_2643 = arith.constant 16 : index
      %get3A_2644 = tpu.vector_load %arg16[%get3A_2642, %get3A_2643] {strides = array<i32>} : memref<50x128xf32, #tpu.memory_space<vmem>>, vector<1x16xf32>,
      %get3A_2645 = vector.shape_cast %get3A_2644 : vector<1x16xf32> to vector<16xf32>
      %swap3A_2646 = arith.constant 24 : i32
      %swap3A_2647 = arith.index_cast %swap3A_2646 : i32 to index
      %swap3A_2648 = arith.constant 16 : index
      %swap3A_2649 = tpu.vector_load %arg17[%swap3A_2647, %swap3A_2648] {strides = array<i32>} : memref<50x44xf32, #tpu.memory_space<vmem>>, vector<1x16xf32>,
      %swap3A_2650 = vector.shape_cast %swap3A_2649 : vector<1x16xf32> to vector<16xf32>
      %swap3A_2651 = vector.shape_cast %get3A_2645 : vector<16xf32> to vector<1x16xf32>
      tpu.vector_store %arg17[%swap3A_2647, %swap3A_2648], %swap3A_2651 {strides = array<i32>} : memref<50x44xf32, #tpu.memory_space<vmem>>, vector<1x16xf32>,
      %get3A_2652 = arith.constant 24 : i32
      %get3A_2653 = arith.index_cast %get3A_2652 : i32 to index
      %get3A_2654 = arith.constant 28 : index
      %get3A_2655 = tpu.vector_load %arg16[%get3A_2653, %get3A_2654] {strides = array<i32>} : memref<50x128xf32, #tpu.memory_space<vmem>>, vector<1x16xf32>,
      %get3A_2656 = vector.shape_cast %get3A_2655 : vector<1x16xf32> to vector<16xf32>
      %swap3A_2657 = arith.constant 24 : i32
      %swap3A_2658 = arith.index_cast %swap3A_2657 : i32 to index
      %swap3A_2659 = arith.constant 28 : index
      %swap3A_2660 = tpu.vector_load %arg17[%swap3A_2658, %swap3A_2659] {strides = array<i32>} : memref<50x44xf32, #tpu.memory_space<vmem>>, vector<1x16xf32>,
      %swap3A_2661 = vector.shape_cast %swap3A_2660 : vector<1x16xf32> to vector<16xf32>
      %swap3A_2662 = vector.shape_cast %get3A_2656 : vector<16xf32> to vector<1x16xf32>
      tpu.vector_store %arg17[%swap3A_2658, %swap3A_2659], %swap3A_2662 {strides = array<i32>} : memref<50x44xf32, #tpu.memory_space<vmem>>, vector<1x16xf32>,
      %get3A_2663 = arith.constant 25 : i32
      %get3A_2664 = arith.index_cast %get3A_2663 : i32 to index
      %get3A_2665 = arith.constant 0 : index
      %get3A_2666 = tpu.vector_load %arg16[%get3A_2664, %get3A_2665] {strides = array<i32>} : memref<50x128xf32, #tpu.memory_space<vmem>>, vector<1x16xf32>,
      %get3A_2667 = vector.shape_cast %get3A_2666 : vector<1x16xf32> to vector<16xf32>
      %swap3A_2668 = arith.constant 25 : i32
      %swap3A_2669 = arith.index_cast %swap3A_2668 : i32 to index
      %swap3A_2670 = arith.constant 0 : index
      %swap3A_2671 = tpu.vector_load %arg17[%swap3A_2669, %swap3A_2670] {strides = array<i32>} : memref<50x44xf32, #tpu.memory_space<vmem>>, vector<1x16xf32>,
      %swap3A_2672 = vector.shape_cast %swap3A_2671 : vector<1x16xf32> to vector<16xf32>
      %swap3A_2673 = vector.shape_cast %get3A_2667 : vector<16xf32> to vector<1x16xf32>
      tpu.vector_store %arg17[%swap3A_2669, %swap3A_2670], %swap3A_2673 {strides = array<i32>} : memref<50x44xf32, #tpu.memory_space<vmem>>, vector<1x16xf32>,
      %get3A_2674 = arith.constant 25 : i32
      %get3A_2675 = arith.index_cast %get3A_2674 : i32 to index
      %get3A_2676 = arith.constant 16 : index
      %get3A_2677 = tpu.vector_load %arg16[%get3A_2675, %get3A_2676] {strides = array<i32>} : memref<50x128xf32, #tpu.memory_space<vmem>>, vector<1x16xf32>,
      %get3A_2678 = vector.shape_cast %get3A_2677 : vector<1x16xf32> to vector<16xf32>
      %swap3A_2679 = arith.constant 25 : i32
      %swap3A_2680 = arith.index_cast %swap3A_2679 : i32 to index
      %swap3A_2681 = arith.constant 16 : index
      %swap3A_2682 = tpu.vector_load %arg17[%swap3A_2680, %swap3A_2681] {strides = array<i32>} : memref<50x44xf32, #tpu.memory_space<vmem>>, vector<1x16xf32>,
      %swap3A_2683 = vector.shape_cast %swap3A_2682 : vector<1x16xf32> to vector<16xf32>
      %swap3A_2684 = vector.shape_cast %get3A_2678 : vector<16xf32> to vector<1x16xf32>
      tpu.vector_store %arg17[%swap3A_2680, %swap3A_2681], %swap3A_2684 {strides = array<i32>} : memref<50x44xf32, #tpu.memory_space<vmem>>, vector<1x16xf32>,
      %get3A_2685 = arith.constant 25 : i32
      %get3A_2686 = arith.index_cast %get3A_2685 : i32 to index
      %get3A_2687 = arith.constant 28 : index
      %get3A_2688 = tpu.vector_load %arg16[%get3A_2686, %get3A_2687] {strides = array<i32>} : memref<50x128xf32, #tpu.memory_space<vmem>>, vector<1x16xf32>,
      %get3A_2689 = vector.shape_cast %get3A_2688 : vector<1x16xf32> to vector<16xf32>
      %swap3A_2690 = arith.constant 25 : i32
      %swap3A_2691 = arith.index_cast %swap3A_2690 : i32 to index
      %swap3A_2692 = arith.constant 28 : index
      %swap3A_2693 = tpu.vector_load %arg17[%swap3A_2691, %swap3A_2692] {strides = array<i32>} : memref<50x44xf32, #tpu.memory_space<vmem>>, vector<1x16xf32>,
      %swap3A_2694 = vector.shape_cast %swap3A_2693 : vector<1x16xf32> to vector<16xf32>
      %swap3A_2695 = vector.shape_cast %get3A_2689 : vector<16xf32> to vector<1x16xf32>
      tpu.vector_store %arg17[%swap3A_2691, %swap3A_2692], %swap3A_2695 {strides = array<i32>} : memref<50x44xf32, #tpu.memory_space<vmem>>, vector<1x16xf32>,
      %get3A_2696 = arith.constant 26 : i32
      %get3A_2697 = arith.index_cast %get3A_2696 : i32 to index
      %get3A_2698 = arith.constant 0 : index
      %get3A_2699 = tpu.vector_load %arg16[%get3A_2697, %get3A_2698] {strides = array<i32>} : memref<50x128xf32, #tpu.memory_space<vmem>>, vector<1x16xf32>,
      %get3A_2700 = vector.shape_cast %get3A_2699 : vector<1x16xf32> to vector<16xf32>
      %swap3A_2701 = arith.constant 26 : i32
      %swap3A_2702 = arith.index_cast %swap3A_2701 : i32 to index
      %swap3A_2703 = arith.constant 0 : index
      %swap3A_2704 = tpu.vector_load %arg17[%swap3A_2702, %swap3A_2703] {strides = array<i32>} : memref<50x44xf32, #tpu.memory_space<vmem>>, vector<1x16xf32>,
      %swap3A_2705 = vector.shape_cast %swap3A_2704 : vector<1x16xf32> to vector<16xf32>
      %swap3A_2706 = vector.shape_cast %get3A_2700 : vector<16xf32> to vector<1x16xf32>
      tpu.vector_store %arg17[%swap3A_2702, %swap3A_2703], %swap3A_2706 {strides = array<i32>} : memref<50x44xf32, #tpu.memory_space<vmem>>, vector<1x16xf32>,
      %get3A_2707 = arith.constant 26 : i32
      %get3A_2708 = arith.index_cast %get3A_2707 : i32 to index
      %get3A_2709 = arith.constant 16 : index
      %get3A_2710 = tpu.vector_load %arg16[%get3A_2708, %get3A_2709] {strides = array<i32>} : memref<50x128xf32, #tpu.memory_space<vmem>>, vector<1x16xf32>,
      %get3A_2711 = vector.shape_cast %get3A_2710 : vector<1x16xf32> to vector<16xf32>
      %swap3A_2712 = arith.constant 26 : i32
      %swap3A_2713 = arith.index_cast %swap3A_2712 : i32 to index
      %swap3A_2714 = arith.constant 16 : index
      %swap3A_2715 = tpu.vector_load %arg17[%swap3A_2713, %swap3A_2714] {strides = array<i32>} : memref<50x44xf32, #tpu.memory_space<vmem>>, vector<1x16xf32>,
      %swap3A_2716 = vector.shape_cast %swap3A_2715 : vector<1x16xf32> to vector<16xf32>
      %swap3A_2717 = vector.shape_cast %get3A_2711 : vector<16xf32> to vector<1x16xf32>
      tpu.vector_store %arg17[%swap3A_2713, %swap3A_2714], %swap3A_2717 {strides = array<i32>} : memref<50x44xf32, #tpu.memory_space<vmem>>, vector<1x16xf32>,
      %get3A_2718 = arith.constant 26 : i32
      %get3A_2719 = arith.index_cast %get3A_2718 : i32 to index
      %get3A_2720 = arith.constant 28 : index
      %get3A_2721 = tpu.vector_load %arg16[%get3A_2719, %get3A_2720] {strides = array<i32>} : memref<50x128xf32, #tpu.memory_space<vmem>>, vector<1x16xf32>,
      %get3A_2722 = vector.shape_cast %get3A_2721 : vector<1x16xf32> to vector<16xf32>
      %swap3A_2723 = arith.constant 26 : i32
      %swap3A_2724 = arith.index_cast %swap3A_2723 : i32 to index
      %swap3A_2725 = arith.constant 28 : index
      %swap3A_2726 = tpu.vector_load %arg17[%swap3A_2724, %swap3A_2725] {strides = array<i32>} : memref<50x44xf32, #tpu.memory_space<vmem>>, vector<1x16xf32>,
      %swap3A_2727 = vector.shape_cast %swap3A_2726 : vector<1x16xf32> to vector<16xf32>
      %swap3A_2728 = vector.shape_cast %get3A_2722 : vector<16xf32> to vector<1x16xf32>
      tpu.vector_store %arg17[%swap3A_2724, %swap3A_2725], %swap3A_2728 {strides = array<i32>} : memref<50x44xf32, #tpu.memory_space<vmem>>, vector<1x16xf32>,
      %get3A_2729 = arith.constant 27 : i32
      %get3A_2730 = arith.index_cast %get3A_2729 : i32 to index
      %get3A_2731 = arith.constant 0 : index
      %get3A_2732 = tpu.vector_load %arg16[%get3A_2730, %get3A_2731] {strides = array<i32>} : memref<50x128xf32, #tpu.memory_space<vmem>>, vector<1x16xf32>,
      %get3A_2733 = vector.shape_cast %get3A_2732 : vector<1x16xf32> to vector<16xf32>
      %swap3A_2734 = arith.constant 27 : i32
      %swap3A_2735 = arith.index_cast %swap3A_2734 : i32 to index
      %swap3A_2736 = arith.constant 0 : index
      %swap3A_2737 = tpu.vector_load %arg17[%swap3A_2735, %swap3A_2736] {strides = array<i32>} : memref<50x44xf32, #tpu.memory_space<vmem>>, vector<1x16xf32>,
      %swap3A_2738 = vector.shape_cast %swap3A_2737 : vector<1x16xf32> to vector<16xf32>
      %swap3A_2739 = vector.shape_cast %get3A_2733 : vector<16xf32> to vector<1x16xf32>
      tpu.vector_store %arg17[%swap3A_2735, %swap3A_2736], %swap3A_2739 {strides = array<i32>} : memref<50x44xf32, #tpu.memory_space<vmem>>, vector<1x16xf32>,
      %get3A_2740 = arith.constant 27 : i32
      %get3A_2741 = arith.index_cast %get3A_2740 : i32 to index
      %get3A_2742 = arith.constant 16 : index
      %get3A_2743 = tpu.vector_load %arg16[%get3A_2741, %get3A_2742] {strides = array<i32>} : memref<50x128xf32, #tpu.memory_space<vmem>>, vector<1x16xf32>,
      %get3A_2744 = vector.shape_cast %get3A_2743 : vector<1x16xf32> to vector<16xf32>
      %swap3A_2745 = arith.constant 27 : i32
      %swap3A_2746 = arith.index_cast %swap3A_2745 : i32 to index
      %swap3A_2747 = arith.constant 16 : index
      %swap3A_2748 = tpu.vector_load %arg17[%swap3A_2746, %swap3A_2747] {strides = array<i32>} : memref<50x44xf32, #tpu.memory_space<vmem>>, vector<1x16xf32>,
      %swap3A_2749 = vector.shape_cast %swap3A_2748 : vector<1x16xf32> to vector<16xf32>
      %swap3A_2750 = vector.shape_cast %get3A_2744 : vector<16xf32> to vector<1x16xf32>
      tpu.vector_store %arg17[%swap3A_2746, %swap3A_2747], %swap3A_2750 {strides = array<i32>} : memref<50x44xf32, #tpu.memory_space<vmem>>, vector<1x16xf32>,
      %get3A_2751 = arith.constant 27 : i32
      %get3A_2752 = arith.index_cast %get3A_2751 : i32 to index
      %get3A_2753 = arith.constant 28 : index
      %get3A_2754 = tpu.vector_load %arg16[%get3A_2752, %get3A_2753] {strides = array<i32>} : memref<50x128xf32, #tpu.memory_space<vmem>>, vector<1x16xf32>,
      %get3A_2755 = vector.shape_cast %get3A_2754 : vector<1x16xf32> to vector<16xf32>
      %swap3A_2756 = arith.constant 27 : i32
      %swap3A_2757 = arith.index_cast %swap3A_2756 : i32 to index
      %swap3A_2758 = arith.constant 28 : index
      %swap3A_2759 = tpu.vector_load %arg17[%swap3A_2757, %swap3A_2758] {strides = array<i32>} : memref<50x44xf32, #tpu.memory_space<vmem>>, vector<1x16xf32>,
      %swap3A_2760 = vector.shape_cast %swap3A_2759 : vector<1x16xf32> to vector<16xf32>
      %swap3A_2761 = vector.shape_cast %get3A_2755 : vector<16xf32> to vector<1x16xf32>
      tpu.vector_store %arg17[%swap3A_2757, %swap3A_2758], %swap3A_2761 {strides = array<i32>} : memref<50x44xf32, #tpu.memory_space<vmem>>, vector<1x16xf32>,
      %get3A_2762 = arith.constant 28 : i32
      %get3A_2763 = arith.index_cast %get3A_2762 : i32 to index
      %get3A_2764 = arith.constant 0 : index
      %get3A_2765 = tpu.vector_load %arg16[%get3A_2763, %get3A_2764] {strides = array<i32>} : memref<50x128xf32, #tpu.memory_space<vmem>>, vector<1x16xf32>,
      %get3A_2766 = vector.shape_cast %get3A_2765 : vector<1x16xf32> to vector<16xf32>
      %swap3A_2767 = arith.constant 28 : i32
      %swap3A_2768 = arith.index_cast %swap3A_2767 : i32 to index
      %swap3A_2769 = arith.constant 0 : index
      %swap3A_2770 = tpu.vector_load %arg17[%swap3A_2768, %swap3A_2769] {strides = array<i32>} : memref<50x44xf32, #tpu.memory_space<vmem>>, vector<1x16xf32>,
      %swap3A_2771 = vector.shape_cast %swap3A_2770 : vector<1x16xf32> to vector<16xf32>
      %swap3A_2772 = vector.shape_cast %get3A_2766 : vector<16xf32> to vector<1x16xf32>
      tpu.vector_store %arg17[%swap3A_2768, %swap3A_2769], %swap3A_2772 {strides = array<i32>} : memref<50x44xf32, #tpu.memory_space<vmem>>, vector<1x16xf32>,
      %get3A_2773 = arith.constant 28 : i32
      %get3A_2774 = arith.index_cast %get3A_2773 : i32 to index
      %get3A_2775 = arith.constant 16 : index
      %get3A_2776 = tpu.vector_load %arg16[%get3A_2774, %get3A_2775] {strides = array<i32>} : memref<50x128xf32, #tpu.memory_space<vmem>>, vector<1x16xf32>,
      %get3A_2777 = vector.shape_cast %get3A_2776 : vector<1x16xf32> to vector<16xf32>
      %swap3A_2778 = arith.constant 28 : i32
      %swap3A_2779 = arith.index_cast %swap3A_2778 : i32 to index
      %swap3A_2780 = arith.constant 16 : index
      %swap3A_2781 = tpu.vector_load %arg17[%swap3A_2779, %swap3A_2780] {strides = array<i32>} : memref<50x44xf32, #tpu.memory_space<vmem>>, vector<1x16xf32>,
      %swap3A_2782 = vector.shape_cast %swap3A_2781 : vector<1x16xf32> to vector<16xf32>
      %swap3A_2783 = vector.shape_cast %get3A_2777 : vector<16xf32> to vector<1x16xf32>
      tpu.vector_store %arg17[%swap3A_2779, %swap3A_2780], %swap3A_2783 {strides = array<i32>} : memref<50x44xf32, #tpu.memory_space<vmem>>, vector<1x16xf32>,
      %get3A_2784 = arith.constant 28 : i32
      %get3A_2785 = arith.index_cast %get3A_2784 : i32 to index
      %get3A_2786 = arith.constant 28 : index
      %get3A_2787 = tpu.vector_load %arg16[%get3A_2785, %get3A_2786] {strides = array<i32>} : memref<50x128xf32, #tpu.memory_space<vmem>>, vector<1x16xf32>,
      %get3A_2788 = vector.shape_cast %get3A_2787 : vector<1x16xf32> to vector<16xf32>
      %swap3A_2789 = arith.constant 28 : i32
      %swap3A_2790 = arith.index_cast %swap3A_2789 : i32 to index
      %swap3A_2791 = arith.constant 28 : index
      %swap3A_2792 = tpu.vector_load %arg17[%swap3A_2790, %swap3A_2791] {strides = array<i32>} : memref<50x44xf32, #tpu.memory_space<vmem>>, vector<1x16xf32>,
      %swap3A_2793 = vector.shape_cast %swap3A_2792 : vector<1x16xf32> to vector<16xf32>
      %swap3A_2794 = vector.shape_cast %get3A_2788 : vector<16xf32> to vector<1x16xf32>
      tpu.vector_store %arg17[%swap3A_2790, %swap3A_2791], %swap3A_2794 {strides = array<i32>} : memref<50x44xf32, #tpu.memory_space<vmem>>, vector<1x16xf32>,
      %get3A_2795 = arith.constant 29 : i32
      %get3A_2796 = arith.index_cast %get3A_2795 : i32 to index
      %get3A_2797 = arith.constant 0 : index
      %get3A_2798 = tpu.vector_load %arg16[%get3A_2796, %get3A_2797] {strides = array<i32>} : memref<50x128xf32, #tpu.memory_space<vmem>>, vector<1x16xf32>,
      %get3A_2799 = vector.shape_cast %get3A_2798 : vector<1x16xf32> to vector<16xf32>
      %swap3A_2800 = arith.constant 29 : i32
      %swap3A_2801 = arith.index_cast %swap3A_2800 : i32 to index
      %swap3A_2802 = arith.constant 0 : index
      %swap3A_2803 = tpu.vector_load %arg17[%swap3A_2801, %swap3A_2802] {strides = array<i32>} : memref<50x44xf32, #tpu.memory_space<vmem>>, vector<1x16xf32>,
      %swap3A_2804 = vector.shape_cast %swap3A_2803 : vector<1x16xf32> to vector<16xf32>
      %swap3A_2805 = vector.shape_cast %get3A_2799 : vector<16xf32> to vector<1x16xf32>
      tpu.vector_store %arg17[%swap3A_2801, %swap3A_2802], %swap3A_2805 {strides = array<i32>} : memref<50x44xf32, #tpu.memory_space<vmem>>, vector<1x16xf32>,
      %get3A_2806 = arith.constant 29 : i32
      %get3A_2807 = arith.index_cast %get3A_2806 : i32 to index
      %get3A_2808 = arith.constant 16 : index
      %get3A_2809 = tpu.vector_load %arg16[%get3A_2807, %get3A_2808] {strides = array<i32>} : memref<50x128xf32, #tpu.memory_space<vmem>>, vector<1x16xf32>,
      %get3A_2810 = vector.shape_cast %get3A_2809 : vector<1x16xf32> to vector<16xf32>
      %swap3A_2811 = arith.constant 29 : i32
      %swap3A_2812 = arith.index_cast %swap3A_2811 : i32 to index
      %swap3A_2813 = arith.constant 16 : index
      %swap3A_2814 = tpu.vector_load %arg17[%swap3A_2812, %swap3A_2813] {strides = array<i32>} : memref<50x44xf32, #tpu.memory_space<vmem>>, vector<1x16xf32>,
      %swap3A_2815 = vector.shape_cast %swap3A_2814 : vector<1x16xf32> to vector<16xf32>
      %swap3A_2816 = vector.shape_cast %get3A_2810 : vector<16xf32> to vector<1x16xf32>
      tpu.vector_store %arg17[%swap3A_2812, %swap3A_2813], %swap3A_2816 {strides = array<i32>} : memref<50x44xf32, #tpu.memory_space<vmem>>, vector<1x16xf32>,
      %get3A_2817 = arith.constant 29 : i32
      %get3A_2818 = arith.index_cast %get3A_2817 : i32 to index
      %get3A_2819 = arith.constant 28 : index
      %get3A_2820 = tpu.vector_load %arg16[%get3A_2818, %get3A_2819] {strides = array<i32>} : memref<50x128xf32, #tpu.memory_space<vmem>>, vector<1x16xf32>,
      %get3A_2821 = vector.shape_cast %get3A_2820 : vector<1x16xf32> to vector<16xf32>
      %swap3A_2822 = arith.constant 29 : i32
      %swap3A_2823 = arith.index_cast %swap3A_2822 : i32 to index
      %swap3A_2824 = arith.constant 28 : index
      %swap3A_2825 = tpu.vector_load %arg17[%swap3A_2823, %swap3A_2824] {strides = array<i32>} : memref<50x44xf32, #tpu.memory_space<vmem>>, vector<1x16xf32>,
      %swap3A_2826 = vector.shape_cast %swap3A_2825 : vector<1x16xf32> to vector<16xf32>
      %swap3A_2827 = vector.shape_cast %get3A_2821 : vector<16xf32> to vector<1x16xf32>
      tpu.vector_store %arg17[%swap3A_2823, %swap3A_2824], %swap3A_2827 {strides = array<i32>} : memref<50x44xf32, #tpu.memory_space<vmem>>, vector<1x16xf32>,
      %get3A_2828 = arith.constant 30 : i32
      %get3A_2829 = arith.index_cast %get3A_2828 : i32 to index
      %get3A_2830 = arith.constant 0 : index
      %get3A_2831 = tpu.vector_load %arg16[%get3A_2829, %get3A_2830] {strides = array<i32>} : memref<50x128xf32, #tpu.memory_space<vmem>>, vector<1x16xf32>,
      %get3A_2832 = vector.shape_cast %get3A_2831 : vector<1x16xf32> to vector<16xf32>
      %swap3A_2833 = arith.constant 30 : i32
      %swap3A_2834 = arith.index_cast %swap3A_2833 : i32 to index
      %swap3A_2835 = arith.constant 0 : index
      %swap3A_2836 = tpu.vector_load %arg17[%swap3A_2834, %swap3A_2835] {strides = array<i32>} : memref<50x44xf32, #tpu.memory_space<vmem>>, vector<1x16xf32>,
      %swap3A_2837 = vector.shape_cast %swap3A_2836 : vector<1x16xf32> to vector<16xf32>
      %swap3A_2838 = vector.shape_cast %get3A_2832 : vector<16xf32> to vector<1x16xf32>
      tpu.vector_store %arg17[%swap3A_2834, %swap3A_2835], %swap3A_2838 {strides = array<i32>} : memref<50x44xf32, #tpu.memory_space<vmem>>, vector<1x16xf32>,
      %get3A_2839 = arith.constant 30 : i32
      %get3A_2840 = arith.index_cast %get3A_2839 : i32 to index
      %get3A_2841 = arith.constant 16 : index
      %get3A_2842 = tpu.vector_load %arg16[%get3A_2840, %get3A_2841] {strides = array<i32>} : memref<50x128xf32, #tpu.memory_space<vmem>>, vector<1x16xf32>,
      %get3A_2843 = vector.shape_cast %get3A_2842 : vector<1x16xf32> to vector<16xf32>
      %swap3A_2844 = arith.constant 30 : i32
      %swap3A_2845 = arith.index_cast %swap3A_2844 : i32 to index
      %swap3A_2846 = arith.constant 16 : index
      %swap3A_2847 = tpu.vector_load %arg17[%swap3A_2845, %swap3A_2846] {strides = array<i32>} : memref<50x44xf32, #tpu.memory_space<vmem>>, vector<1x16xf32>,
      %swap3A_2848 = vector.shape_cast %swap3A_2847 : vector<1x16xf32> to vector<16xf32>
      %swap3A_2849 = vector.shape_cast %get3A_2843 : vector<16xf32> to vector<1x16xf32>
      tpu.vector_store %arg17[%swap3A_2845, %swap3A_2846], %swap3A_2849 {strides = array<i32>} : memref<50x44xf32, #tpu.memory_space<vmem>>, vector<1x16xf32>,
      %get3A_2850 = arith.constant 30 : i32
      %get3A_2851 = arith.index_cast %get3A_2850 : i32 to index
      %get3A_2852 = arith.constant 28 : index
      %get3A_2853 = tpu.vector_load %arg16[%get3A_2851, %get3A_2852] {strides = array<i32>} : memref<50x128xf32, #tpu.memory_space<vmem>>, vector<1x16xf32>,
      %get3A_2854 = vector.shape_cast %get3A_2853 : vector<1x16xf32> to vector<16xf32>
      %swap3A_2855 = arith.constant 30 : i32
      %swap3A_2856 = arith.index_cast %swap3A_2855 : i32 to index
      %swap3A_2857 = arith.constant 28 : index
      %swap3A_2858 = tpu.vector_load %arg17[%swap3A_2856, %swap3A_2857] {strides = array<i32>} : memref<50x44xf32, #tpu.memory_space<vmem>>, vector<1x16xf32>,
      %swap3A_2859 = vector.shape_cast %swap3A_2858 : vector<1x16xf32> to vector<16xf32>
      %swap3A_2860 = vector.shape_cast %get3A_2854 : vector<16xf32> to vector<1x16xf32>
      tpu.vector_store %arg17[%swap3A_2856, %swap3A_2857], %swap3A_2860 {strides = array<i32>} : memref<50x44xf32, #tpu.memory_space<vmem>>, vector<1x16xf32>,
      %get3A_2861 = arith.constant 31 : i32
      %get3A_2862 = arith.index_cast %get3A_2861 : i32 to index
      %get3A_2863 = arith.constant 0 : index
      %get3A_2864 = tpu.vector_load %arg16[%get3A_2862, %get3A_2863] {strides = array<i32>} : memref<50x128xf32, #tpu.memory_space<vmem>>, vector<1x16xf32>,
      %get3A_2865 = vector.shape_cast %get3A_2864 : vector<1x16xf32> to vector<16xf32>
      %swap3A_2866 = arith.constant 31 : i32
      %swap3A_2867 = arith.index_cast %swap3A_2866 : i32 to index
      %swap3A_2868 = arith.constant 0 : index
      %swap3A_2869 = tpu.vector_load %arg17[%swap3A_2867, %swap3A_2868] {strides = array<i32>} : memref<50x44xf32, #tpu.memory_space<vmem>>, vector<1x16xf32>,
      %swap3A_2870 = vector.shape_cast %swap3A_2869 : vector<1x16xf32> to vector<16xf32>
      %swap3A_2871 = vector.shape_cast %get3A_2865 : vector<16xf32> to vector<1x16xf32>
      tpu.vector_store %arg17[%swap3A_2867, %swap3A_2868], %swap3A_2871 {strides = array<i32>} : memref<50x44xf32, #tpu.memory_space<vmem>>, vector<1x16xf32>,
      %get3A_2872 = arith.constant 31 : i32
      %get3A_2873 = arith.index_cast %get3A_2872 : i32 to index
      %get3A_2874 = arith.constant 16 : index
      %get3A_2875 = tpu.vector_load %arg16[%get3A_2873, %get3A_2874] {strides = array<i32>} : memref<50x128xf32, #tpu.memory_space<vmem>>, vector<1x16xf32>,
      %get3A_2876 = vector.shape_cast %get3A_2875 : vector<1x16xf32> to vector<16xf32>
      %swap3A_2877 = arith.constant 31 : i32
      %swap3A_2878 = arith.index_cast %swap3A_2877 : i32 to index
      %swap3A_2879 = arith.constant 16 : index
      %swap3A_2880 = tpu.vector_load %arg17[%swap3A_2878, %swap3A_2879] {strides = array<i32>} : memref<50x44xf32, #tpu.memory_space<vmem>>, vector<1x16xf32>,
      %swap3A_2881 = vector.shape_cast %swap3A_2880 : vector<1x16xf32> to vector<16xf32>
      %swap3A_2882 = vector.shape_cast %get3A_2876 : vector<16xf32> to vector<1x16xf32>
      tpu.vector_store %arg17[%swap3A_2878, %swap3A_2879], %swap3A_2882 {strides = array<i32>} : memref<50x44xf32, #tpu.memory_space<vmem>>, vector<1x16xf32>,
      %get3A_2883 = arith.constant 31 : i32
      %get3A_2884 = arith.index_cast %get3A_2883 : i32 to index
      %get3A_2885 = arith.constant 28 : index
      %get3A_2886 = tpu.vector_load %arg16[%get3A_2884, %get3A_2885] {strides = array<i32>} : memref<50x128xf32, #tpu.memory_space<vmem>>, vector<1x16xf32>,
      %get3A_2887 = vector.shape_cast %get3A_2886 : vector<1x16xf32> to vector<16xf32>
      %swap3A_2888 = arith.constant 31 : i32
      %swap3A_2889 = arith.index_cast %swap3A_2888 : i32 to index
      %swap3A_2890 = arith.constant 28 : index
      %swap3A_2891 = tpu.vector_load %arg17[%swap3A_2889, %swap3A_2890] {strides = array<i32>} : memref<50x44xf32, #tpu.memory_space<vmem>>, vector<1x16xf32>,
      %swap3A_2892 = vector.shape_cast %swap3A_2891 : vector<1x16xf32> to vector<16xf32>
      %swap3A_2893 = vector.shape_cast %get3A_2887 : vector<16xf32> to vector<1x16xf32>
      tpu.vector_store %arg17[%swap3A_2889, %swap3A_2890], %swap3A_2893 {strides = array<i32>} : memref<50x44xf32, #tpu.memory_space<vmem>>, vector<1x16xf32>,
      %get3A_2894 = arith.constant 32 : i32
      %get3A_2895 = arith.index_cast %get3A_2894 : i32 to index
      %get3A_2896 = arith.constant 0 : index
      %get3A_2897 = tpu.vector_load %arg16[%get3A_2895, %get3A_2896] {strides = array<i32>} : memref<50x128xf32, #tpu.memory_space<vmem>>, vector<1x16xf32>,
      %get3A_2898 = vector.shape_cast %get3A_2897 : vector<1x16xf32> to vector<16xf32>
      %swap3A_2899 = arith.constant 32 : i32
      %swap3A_2900 = arith.index_cast %swap3A_2899 : i32 to index
      %swap3A_2901 = arith.constant 0 : index
      %swap3A_2902 = tpu.vector_load %arg17[%swap3A_2900, %swap3A_2901] {strides = array<i32>} : memref<50x44xf32, #tpu.memory_space<vmem>>, vector<1x16xf32>,
      %swap3A_2903 = vector.shape_cast %swap3A_2902 : vector<1x16xf32> to vector<16xf32>
      %swap3A_2904 = vector.shape_cast %get3A_2898 : vector<16xf32> to vector<1x16xf32>
      tpu.vector_store %arg17[%swap3A_2900, %swap3A_2901], %swap3A_2904 {strides = array<i32>} : memref<50x44xf32, #tpu.memory_space<vmem>>, vector<1x16xf32>,
      %get3A_2905 = arith.constant 32 : i32
      %get3A_2906 = arith.index_cast %get3A_2905 : i32 to index
      %get3A_2907 = arith.constant 16 : index
      %get3A_2908 = tpu.vector_load %arg16[%get3A_2906, %get3A_2907] {strides = array<i32>} : memref<50x128xf32, #tpu.memory_space<vmem>>, vector<1x16xf32>,
      %get3A_2909 = vector.shape_cast %get3A_2908 : vector<1x16xf32> to vector<16xf32>
      %swap3A_2910 = arith.constant 32 : i32
      %swap3A_2911 = arith.index_cast %swap3A_2910 : i32 to index
      %swap3A_2912 = arith.constant 16 : index
      %swap3A_2913 = tpu.vector_load %arg17[%swap3A_2911, %swap3A_2912] {strides = array<i32>} : memref<50x44xf32, #tpu.memory_space<vmem>>, vector<1x16xf32>,
      %swap3A_2914 = vector.shape_cast %swap3A_2913 : vector<1x16xf32> to vector<16xf32>
      %swap3A_2915 = vector.shape_cast %get3A_2909 : vector<16xf32> to vector<1x16xf32>
      tpu.vector_store %arg17[%swap3A_2911, %swap3A_2912], %swap3A_2915 {strides = array<i32>} : memref<50x44xf32, #tpu.memory_space<vmem>>, vector<1x16xf32>,
      %get3A_2916 = arith.constant 32 : i32
      %get3A_2917 = arith.index_cast %get3A_2916 : i32 to index
      %get3A_2918 = arith.constant 28 : index
      %get3A_2919 = tpu.vector_load %arg16[%get3A_2917, %get3A_2918] {strides = array<i32>} : memref<50x128xf32, #tpu.memory_space<vmem>>, vector<1x16xf32>,
      %get3A_2920 = vector.shape_cast %get3A_2919 : vector<1x16xf32> to vector<16xf32>
      %swap3A_2921 = arith.constant 32 : i32
      %swap3A_2922 = arith.index_cast %swap3A_2921 : i32 to index
      %swap3A_2923 = arith.constant 28 : index
      %swap3A_2924 = tpu.vector_load %arg17[%swap3A_2922, %swap3A_2923] {strides = array<i32>} : memref<50x44xf32, #tpu.memory_space<vmem>>, vector<1x16xf32>,
      %swap3A_2925 = vector.shape_cast %swap3A_2924 : vector<1x16xf32> to vector<16xf32>
      %swap3A_2926 = vector.shape_cast %get3A_2920 : vector<16xf32> to vector<1x16xf32>
      tpu.vector_store %arg17[%swap3A_2922, %swap3A_2923], %swap3A_2926 {strides = array<i32>} : memref<50x44xf32, #tpu.memory_space<vmem>>, vector<1x16xf32>,
      %get3A_2927 = arith.constant 33 : i32
      %get3A_2928 = arith.index_cast %get3A_2927 : i32 to index
      %get3A_2929 = arith.constant 0 : index
      %get3A_2930 = tpu.vector_load %arg16[%get3A_2928, %get3A_2929] {strides = array<i32>} : memref<50x128xf32, #tpu.memory_space<vmem>>, vector<1x16xf32>,
      %get3A_2931 = vector.shape_cast %get3A_2930 : vector<1x16xf32> to vector<16xf32>
      %swap3A_2932 = arith.constant 33 : i32
      %swap3A_2933 = arith.index_cast %swap3A_2932 : i32 to index
      %swap3A_2934 = arith.constant 0 : index
      %swap3A_2935 = tpu.vector_load %arg17[%swap3A_2933, %swap3A_2934] {strides = array<i32>} : memref<50x44xf32, #tpu.memory_space<vmem>>, vector<1x16xf32>,
      %swap3A_2936 = vector.shape_cast %swap3A_2935 : vector<1x16xf32> to vector<16xf32>
      %swap3A_2937 = vector.shape_cast %get3A_2931 : vector<16xf32> to vector<1x16xf32>
      tpu.vector_store %arg17[%swap3A_2933, %swap3A_2934], %swap3A_2937 {strides = array<i32>} : memref<50x44xf32, #tpu.memory_space<vmem>>, vector<1x16xf32>,
      %get3A_2938 = arith.constant 33 : i32
      %get3A_2939 = arith.index_cast %get3A_2938 : i32 to index
      %get3A_2940 = arith.constant 16 : index
      %get3A_2941 = tpu.vector_load %arg16[%get3A_2939, %get3A_2940] {strides = array<i32>} : memref<50x128xf32, #tpu.memory_space<vmem>>, vector<1x16xf32>,
      %get3A_2942 = vector.shape_cast %get3A_2941 : vector<1x16xf32> to vector<16xf32>
      %swap3A_2943 = arith.constant 33 : i32
      %swap3A_2944 = arith.index_cast %swap3A_2943 : i32 to index
      %swap3A_2945 = arith.constant 16 : index
      %swap3A_2946 = tpu.vector_load %arg17[%swap3A_2944, %swap3A_2945] {strides = array<i32>} : memref<50x44xf32, #tpu.memory_space<vmem>>, vector<1x16xf32>,
      %swap3A_2947 = vector.shape_cast %swap3A_2946 : vector<1x16xf32> to vector<16xf32>
      %swap3A_2948 = vector.shape_cast %get3A_2942 : vector<16xf32> to vector<1x16xf32>
      tpu.vector_store %arg17[%swap3A_2944, %swap3A_2945], %swap3A_2948 {strides = array<i32>} : memref<50x44xf32, #tpu.memory_space<vmem>>, vector<1x16xf32>,
      %get3A_2949 = arith.constant 33 : i32
      %get3A_2950 = arith.index_cast %get3A_2949 : i32 to index
      %get3A_2951 = arith.constant 28 : index
      %get3A_2952 = tpu.vector_load %arg16[%get3A_2950, %get3A_2951] {strides = array<i32>} : memref<50x128xf32, #tpu.memory_space<vmem>>, vector<1x16xf32>,
      %get3A_2953 = vector.shape_cast %get3A_2952 : vector<1x16xf32> to vector<16xf32>
      %swap3A_2954 = arith.constant 33 : i32
      %swap3A_2955 = arith.index_cast %swap3A_2954 : i32 to index
      %swap3A_2956 = arith.constant 28 : index
      %swap3A_2957 = tpu.vector_load %arg17[%swap3A_2955, %swap3A_2956] {strides = array<i32>} : memref<50x44xf32, #tpu.memory_space<vmem>>, vector<1x16xf32>,
      %swap3A_2958 = vector.shape_cast %swap3A_2957 : vector<1x16xf32> to vector<16xf32>
      %swap3A_2959 = vector.shape_cast %get3A_2953 : vector<16xf32> to vector<1x16xf32>
      tpu.vector_store %arg17[%swap3A_2955, %swap3A_2956], %swap3A_2959 {strides = array<i32>} : memref<50x44xf32, #tpu.memory_space<vmem>>, vector<1x16xf32>,
      %get3A_2960 = arith.constant 34 : i32
      %get3A_2961 = arith.index_cast %get3A_2960 : i32 to index
      %get3A_2962 = arith.constant 0 : index
      %get3A_2963 = tpu.vector_load %arg16[%get3A_2961, %get3A_2962] {strides = array<i32>} : memref<50x128xf32, #tpu.memory_space<vmem>>, vector<1x16xf32>,
      %get3A_2964 = vector.shape_cast %get3A_2963 : vector<1x16xf32> to vector<16xf32>
      %swap3A_2965 = arith.constant 34 : i32
      %swap3A_2966 = arith.index_cast %swap3A_2965 : i32 to index
      %swap3A_2967 = arith.constant 0 : index
      %swap3A_2968 = tpu.vector_load %arg17[%swap3A_2966, %swap3A_2967] {strides = array<i32>} : memref<50x44xf32, #tpu.memory_space<vmem>>, vector<1x16xf32>,
      %swap3A_2969 = vector.shape_cast %swap3A_2968 : vector<1x16xf32> to vector<16xf32>
      %swap3A_2970 = vector.shape_cast %get3A_2964 : vector<16xf32> to vector<1x16xf32>
      tpu.vector_store %arg17[%swap3A_2966, %swap3A_2967], %swap3A_2970 {strides = array<i32>} : memref<50x44xf32, #tpu.memory_space<vmem>>, vector<1x16xf32>,
      %get3A_2971 = arith.constant 34 : i32
      %get3A_2972 = arith.index_cast %get3A_2971 : i32 to index
      %get3A_2973 = arith.constant 16 : index
      %get3A_2974 = tpu.vector_load %arg16[%get3A_2972, %get3A_2973] {strides = array<i32>} : memref<50x128xf32, #tpu.memory_space<vmem>>, vector<1x16xf32>,
      %get3A_2975 = vector.shape_cast %get3A_2974 : vector<1x16xf32> to vector<16xf32>
      %swap3A_2976 = arith.constant 34 : i32
      %swap3A_2977 = arith.index_cast %swap3A_2976 : i32 to index
      %swap3A_2978 = arith.constant 16 : index
      %swap3A_2979 = tpu.vector_load %arg17[%swap3A_2977, %swap3A_2978] {strides = array<i32>} : memref<50x44xf32, #tpu.memory_space<vmem>>, vector<1x16xf32>,
      %swap3A_2980 = vector.shape_cast %swap3A_2979 : vector<1x16xf32> to vector<16xf32>
      %swap3A_2981 = vector.shape_cast %get3A_2975 : vector<16xf32> to vector<1x16xf32>
      tpu.vector_store %arg17[%swap3A_2977, %swap3A_2978], %swap3A_2981 {strides = array<i32>} : memref<50x44xf32, #tpu.memory_space<vmem>>, vector<1x16xf32>,
      %get3A_2982 = arith.constant 34 : i32
      %get3A_2983 = arith.index_cast %get3A_2982 : i32 to index
      %get3A_2984 = arith.constant 28 : index
      %get3A_2985 = tpu.vector_load %arg16[%get3A_2983, %get3A_2984] {strides = array<i32>} : memref<50x128xf32, #tpu.memory_space<vmem>>, vector<1x16xf32>,
      %get3A_2986 = vector.shape_cast %get3A_2985 : vector<1x16xf32> to vector<16xf32>
      %swap3A_2987 = arith.constant 34 : i32
      %swap3A_2988 = arith.index_cast %swap3A_2987 : i32 to index
      %swap3A_2989 = arith.constant 28 : index
      %swap3A_2990 = tpu.vector_load %arg17[%swap3A_2988, %swap3A_2989] {strides = array<i32>} : memref<50x44xf32, #tpu.memory_space<vmem>>, vector<1x16xf32>,
      %swap3A_2991 = vector.shape_cast %swap3A_2990 : vector<1x16xf32> to vector<16xf32>
      %swap3A_2992 = vector.shape_cast %get3A_2986 : vector<16xf32> to vector<1x16xf32>
      tpu.vector_store %arg17[%swap3A_2988, %swap3A_2989], %swap3A_2992 {strides = array<i32>} : memref<50x44xf32, #tpu.memory_space<vmem>>, vector<1x16xf32>,
      %get3A_2993 = arith.constant 35 : i32
      %get3A_2994 = arith.index_cast %get3A_2993 : i32 to index
      %get3A_2995 = arith.constant 0 : index
      %get3A_2996 = tpu.vector_load %arg16[%get3A_2994, %get3A_2995] {strides = array<i32>} : memref<50x128xf32, #tpu.memory_space<vmem>>, vector<1x16xf32>,
      %get3A_2997 = vector.shape_cast %get3A_2996 : vector<1x16xf32> to vector<16xf32>
      %swap3A_2998 = arith.constant 35 : i32
      %swap3A_2999 = arith.index_cast %swap3A_2998 : i32 to index
      %swap3A_3000 = arith.constant 0 : index
      %swap3A_3001 = tpu.vector_load %arg17[%swap3A_2999, %swap3A_3000] {strides = array<i32>} : memref<50x44xf32, #tpu.memory_space<vmem>>, vector<1x16xf32>,
      %swap3A_3002 = vector.shape_cast %swap3A_3001 : vector<1x16xf32> to vector<16xf32>
      %swap3A_3003 = vector.shape_cast %get3A_2997 : vector<16xf32> to vector<1x16xf32>
      tpu.vector_store %arg17[%swap3A_2999, %swap3A_3000], %swap3A_3003 {strides = array<i32>} : memref<50x44xf32, #tpu.memory_space<vmem>>, vector<1x16xf32>,
      %get3A_3004 = arith.constant 35 : i32
      %get3A_3005 = arith.index_cast %get3A_3004 : i32 to index
      %get3A_3006 = arith.constant 16 : index
      %get3A_3007 = tpu.vector_load %arg16[%get3A_3005, %get3A_3006] {strides = array<i32>} : memref<50x128xf32, #tpu.memory_space<vmem>>, vector<1x16xf32>,
      %get3A_3008 = vector.shape_cast %get3A_3007 : vector<1x16xf32> to vector<16xf32>
      %swap3A_3009 = arith.constant 35 : i32
      %swap3A_3010 = arith.index_cast %swap3A_3009 : i32 to index
      %swap3A_3011 = arith.constant 16 : index
      %swap3A_3012 = tpu.vector_load %arg17[%swap3A_3010, %swap3A_3011] {strides = array<i32>} : memref<50x44xf32, #tpu.memory_space<vmem>>, vector<1x16xf32>,
      %swap3A_3013 = vector.shape_cast %swap3A_3012 : vector<1x16xf32> to vector<16xf32>
      %swap3A_3014 = vector.shape_cast %get3A_3008 : vector<16xf32> to vector<1x16xf32>
      tpu.vector_store %arg17[%swap3A_3010, %swap3A_3011], %swap3A_3014 {strides = array<i32>} : memref<50x44xf32, #tpu.memory_space<vmem>>, vector<1x16xf32>,
      %get3A_3015 = arith.constant 35 : i32
      %get3A_3016 = arith.index_cast %get3A_3015 : i32 to index
      %get3A_3017 = arith.constant 28 : index
      %get3A_3018 = tpu.vector_load %arg16[%get3A_3016, %get3A_3017] {strides = array<i32>} : memref<50x128xf32, #tpu.memory_space<vmem>>, vector<1x16xf32>,
      %get3A_3019 = vector.shape_cast %get3A_3018 : vector<1x16xf32> to vector<16xf32>
      %swap3A_3020 = arith.constant 35 : i32
      %swap3A_3021 = arith.index_cast %swap3A_3020 : i32 to index
      %swap3A_3022 = arith.constant 28 : index
      %swap3A_3023 = tpu.vector_load %arg17[%swap3A_3021, %swap3A_3022] {strides = array<i32>} : memref<50x44xf32, #tpu.memory_space<vmem>>, vector<1x16xf32>,
      %swap3A_3024 = vector.shape_cast %swap3A_3023 : vector<1x16xf32> to vector<16xf32>
      %swap3A_3025 = vector.shape_cast %get3A_3019 : vector<16xf32> to vector<1x16xf32>
      tpu.vector_store %arg17[%swap3A_3021, %swap3A_3022], %swap3A_3025 {strides = array<i32>} : memref<50x44xf32, #tpu.memory_space<vmem>>, vector<1x16xf32>,
      %get3A_3026 = arith.constant 36 : i32
      %get3A_3027 = arith.index_cast %get3A_3026 : i32 to index
      %get3A_3028 = arith.constant 0 : index
      %get3A_3029 = tpu.vector_load %arg16[%get3A_3027, %get3A_3028] {strides = array<i32>} : memref<50x128xf32, #tpu.memory_space<vmem>>, vector<1x16xf32>,
      %get3A_3030 = vector.shape_cast %get3A_3029 : vector<1x16xf32> to vector<16xf32>
      %swap3A_3031 = arith.constant 36 : i32
      %swap3A_3032 = arith.index_cast %swap3A_3031 : i32 to index
      %swap3A_3033 = arith.constant 0 : index
      %swap3A_3034 = tpu.vector_load %arg17[%swap3A_3032, %swap3A_3033] {strides = array<i32>} : memref<50x44xf32, #tpu.memory_space<vmem>>, vector<1x16xf32>,
      %swap3A_3035 = vector.shape_cast %swap3A_3034 : vector<1x16xf32> to vector<16xf32>
      %swap3A_3036 = vector.shape_cast %get3A_3030 : vector<16xf32> to vector<1x16xf32>
      tpu.vector_store %arg17[%swap3A_3032, %swap3A_3033], %swap3A_3036 {strides = array<i32>} : memref<50x44xf32, #tpu.memory_space<vmem>>, vector<1x16xf32>,
      %get3A_3037 = arith.constant 36 : i32
      %get3A_3038 = arith.index_cast %get3A_3037 : i32 to index
      %get3A_3039 = arith.constant 16 : index
      %get3A_3040 = tpu.vector_load %arg16[%get3A_3038, %get3A_3039] {strides = array<i32>} : memref<50x128xf32, #tpu.memory_space<vmem>>, vector<1x16xf32>,
      %get3A_3041 = vector.shape_cast %get3A_3040 : vector<1x16xf32> to vector<16xf32>
      %swap3A_3042 = arith.constant 36 : i32
      %swap3A_3043 = arith.index_cast %swap3A_3042 : i32 to index
      %swap3A_3044 = arith.constant 16 : index
      %swap3A_3045 = tpu.vector_load %arg17[%swap3A_3043, %swap3A_3044] {strides = array<i32>} : memref<50x44xf32, #tpu.memory_space<vmem>>, vector<1x16xf32>,
      %swap3A_3046 = vector.shape_cast %swap3A_3045 : vector<1x16xf32> to vector<16xf32>
      %swap3A_3047 = vector.shape_cast %get3A_3041 : vector<16xf32> to vector<1x16xf32>
      tpu.vector_store %arg17[%swap3A_3043, %swap3A_3044], %swap3A_3047 {strides = array<i32>} : memref<50x44xf32, #tpu.memory_space<vmem>>, vector<1x16xf32>,
      %get3A_3048 = arith.constant 36 : i32
      %get3A_3049 = arith.index_cast %get3A_3048 : i32 to index
      %get3A_3050 = arith.constant 28 : index
      %get3A_3051 = tpu.vector_load %arg16[%get3A_3049, %get3A_3050] {strides = array<i32>} : memref<50x128xf32, #tpu.memory_space<vmem>>, vector<1x16xf32>,
      %get3A_3052 = vector.shape_cast %get3A_3051 : vector<1x16xf32> to vector<16xf32>
      %swap3A_3053 = arith.constant 36 : i32
      %swap3A_3054 = arith.index_cast %swap3A_3053 : i32 to index
      %swap3A_3055 = arith.constant 28 : index
      %swap3A_3056 = tpu.vector_load %arg17[%swap3A_3054, %swap3A_3055] {strides = array<i32>} : memref<50x44xf32, #tpu.memory_space<vmem>>, vector<1x16xf32>,
      %swap3A_3057 = vector.shape_cast %swap3A_3056 : vector<1x16xf32> to vector<16xf32>
      %swap3A_3058 = vector.shape_cast %get3A_3052 : vector<16xf32> to vector<1x16xf32>
      tpu.vector_store %arg17[%swap3A_3054, %swap3A_3055], %swap3A_3058 {strides = array<i32>} : memref<50x44xf32, #tpu.memory_space<vmem>>, vector<1x16xf32>,
      %get3A_3059 = arith.constant 37 : i32
      %get3A_3060 = arith.index_cast %get3A_3059 : i32 to index
      %get3A_3061 = arith.constant 0 : index
      %get3A_3062 = tpu.vector_load %arg16[%get3A_3060, %get3A_3061] {strides = array<i32>} : memref<50x128xf32, #tpu.memory_space<vmem>>, vector<1x16xf32>,
      %get3A_3063 = vector.shape_cast %get3A_3062 : vector<1x16xf32> to vector<16xf32>
      %swap3A_3064 = arith.constant 37 : i32
      %swap3A_3065 = arith.index_cast %swap3A_3064 : i32 to index
      %swap3A_3066 = arith.constant 0 : index
      %swap3A_3067 = tpu.vector_load %arg17[%swap3A_3065, %swap3A_3066] {strides = array<i32>} : memref<50x44xf32, #tpu.memory_space<vmem>>, vector<1x16xf32>,
      %swap3A_3068 = vector.shape_cast %swap3A_3067 : vector<1x16xf32> to vector<16xf32>
      %swap3A_3069 = vector.shape_cast %get3A_3063 : vector<16xf32> to vector<1x16xf32>
      tpu.vector_store %arg17[%swap3A_3065, %swap3A_3066], %swap3A_3069 {strides = array<i32>} : memref<50x44xf32, #tpu.memory_space<vmem>>, vector<1x16xf32>,
      %get3A_3070 = arith.constant 37 : i32
      %get3A_3071 = arith.index_cast %get3A_3070 : i32 to index
      %get3A_3072 = arith.constant 16 : index
      %get3A_3073 = tpu.vector_load %arg16[%get3A_3071, %get3A_3072] {strides = array<i32>} : memref<50x128xf32, #tpu.memory_space<vmem>>, vector<1x16xf32>,
      %get3A_3074 = vector.shape_cast %get3A_3073 : vector<1x16xf32> to vector<16xf32>
      %swap3A_3075 = arith.constant 37 : i32
      %swap3A_3076 = arith.index_cast %swap3A_3075 : i32 to index
      %swap3A_3077 = arith.constant 16 : index
      %swap3A_3078 = tpu.vector_load %arg17[%swap3A_3076, %swap3A_3077] {strides = array<i32>} : memref<50x44xf32, #tpu.memory_space<vmem>>, vector<1x16xf32>,
      %swap3A_3079 = vector.shape_cast %swap3A_3078 : vector<1x16xf32> to vector<16xf32>
      %swap3A_3080 = vector.shape_cast %get3A_3074 : vector<16xf32> to vector<1x16xf32>
      tpu.vector_store %arg17[%swap3A_3076, %swap3A_3077], %swap3A_3080 {strides = array<i32>} : memref<50x44xf32, #tpu.memory_space<vmem>>, vector<1x16xf32>,
      %get3A_3081 = arith.constant 37 : i32
      %get3A_3082 = arith.index_cast %get3A_3081 : i32 to index
      %get3A_3083 = arith.constant 28 : index
      %get3A_3084 = tpu.vector_load %arg16[%get3A_3082, %get3A_3083] {strides = array<i32>} : memref<50x128xf32, #tpu.memory_space<vmem>>, vector<1x16xf32>,
      %get3A_3085 = vector.shape_cast %get3A_3084 : vector<1x16xf32> to vector<16xf32>
      %swap3A_3086 = arith.constant 37 : i32
      %swap3A_3087 = arith.index_cast %swap3A_3086 : i32 to index
      %swap3A_3088 = arith.constant 28 : index
      %swap3A_3089 = tpu.vector_load %arg17[%swap3A_3087, %swap3A_3088] {strides = array<i32>} : memref<50x44xf32, #tpu.memory_space<vmem>>, vector<1x16xf32>,
      %swap3A_3090 = vector.shape_cast %swap3A_3089 : vector<1x16xf32> to vector<16xf32>
      %swap3A_3091 = vector.shape_cast %get3A_3085 : vector<16xf32> to vector<1x16xf32>
      tpu.vector_store %arg17[%swap3A_3087, %swap3A_3088], %swap3A_3091 {strides = array<i32>} : memref<50x44xf32, #tpu.memory_space<vmem>>, vector<1x16xf32>,
      %get3A_3092 = arith.constant 38 : i32
      %get3A_3093 = arith.index_cast %get3A_3092 : i32 to index
      %get3A_3094 = arith.constant 0 : index
      %get3A_3095 = tpu.vector_load %arg16[%get3A_3093, %get3A_3094] {strides = array<i32>} : memref<50x128xf32, #tpu.memory_space<vmem>>, vector<1x16xf32>,
      %get3A_3096 = vector.shape_cast %get3A_3095 : vector<1x16xf32> to vector<16xf32>
      %swap3A_3097 = arith.constant 38 : i32
      %swap3A_3098 = arith.index_cast %swap3A_3097 : i32 to index
      %swap3A_3099 = arith.constant 0 : index
      %swap3A_3100 = tpu.vector_load %arg17[%swap3A_3098, %swap3A_3099] {strides = array<i32>} : memref<50x44xf32, #tpu.memory_space<vmem>>, vector<1x16xf32>,
      %swap3A_3101 = vector.shape_cast %swap3A_3100 : vector<1x16xf32> to vector<16xf32>
      %swap3A_3102 = vector.shape_cast %get3A_3096 : vector<16xf32> to vector<1x16xf32>
      tpu.vector_store %arg17[%swap3A_3098, %swap3A_3099], %swap3A_3102 {strides = array<i32>} : memref<50x44xf32, #tpu.memory_space<vmem>>, vector<1x16xf32>,
      %get3A_3103 = arith.constant 38 : i32
      %get3A_3104 = arith.index_cast %get3A_3103 : i32 to index
      %get3A_3105 = arith.constant 16 : index
      %get3A_3106 = tpu.vector_load %arg16[%get3A_3104, %get3A_3105] {strides = array<i32>} : memref<50x128xf32, #tpu.memory_space<vmem>>, vector<1x16xf32>,
      %get3A_3107 = vector.shape_cast %get3A_3106 : vector<1x16xf32> to vector<16xf32>
      %swap3A_3108 = arith.constant 38 : i32
      %swap3A_3109 = arith.index_cast %swap3A_3108 : i32 to index
      %swap3A_3110 = arith.constant 16 : index
      %swap3A_3111 = tpu.vector_load %arg17[%swap3A_3109, %swap3A_3110] {strides = array<i32>} : memref<50x44xf32, #tpu.memory_space<vmem>>, vector<1x16xf32>,
      %swap3A_3112 = vector.shape_cast %swap3A_3111 : vector<1x16xf32> to vector<16xf32>
      %swap3A_3113 = vector.shape_cast %get3A_3107 : vector<16xf32> to vector<1x16xf32>
      tpu.vector_store %arg17[%swap3A_3109, %swap3A_3110], %swap3A_3113 {strides = array<i32>} : memref<50x44xf32, #tpu.memory_space<vmem>>, vector<1x16xf32>,
      %get3A_3114 = arith.constant 38 : i32
      %get3A_3115 = arith.index_cast %get3A_3114 : i32 to index
      %get3A_3116 = arith.constant 28 : index
      %get3A_3117 = tpu.vector_load %arg16[%get3A_3115, %get3A_3116] {strides = array<i32>} : memref<50x128xf32, #tpu.memory_space<vmem>>, vector<1x16xf32>,
      %get3A_3118 = vector.shape_cast %get3A_3117 : vector<1x16xf32> to vector<16xf32>
      %swap3A_3119 = arith.constant 38 : i32
      %swap3A_3120 = arith.index_cast %swap3A_3119 : i32 to index
      %swap3A_3121 = arith.constant 28 : index
      %swap3A_3122 = tpu.vector_load %arg17[%swap3A_3120, %swap3A_3121] {strides = array<i32>} : memref<50x44xf32, #tpu.memory_space<vmem>>, vector<1x16xf32>,
      %swap3A_3123 = vector.shape_cast %swap3A_3122 : vector<1x16xf32> to vector<16xf32>
      %swap3A_3124 = vector.shape_cast %get3A_3118 : vector<16xf32> to vector<1x16xf32>
      tpu.vector_store %arg17[%swap3A_3120, %swap3A_3121], %swap3A_3124 {strides = array<i32>} : memref<50x44xf32, #tpu.memory_space<vmem>>, vector<1x16xf32>,
      %get3A_3125 = arith.constant 39 : i32
      %get3A_3126 = arith.index_cast %get3A_3125 : i32 to index
      %get3A_3127 = arith.constant 0 : index
      %get3A_3128 = tpu.vector_load %arg16[%get3A_3126, %get3A_3127] {strides = array<i32>} : memref<50x128xf32, #tpu.memory_space<vmem>>, vector<1x16xf32>,
      %get3A_3129 = vector.shape_cast %get3A_3128 : vector<1x16xf32> to vector<16xf32>
      %swap3A_3130 = arith.constant 39 : i32
      %swap3A_3131 = arith.index_cast %swap3A_3130 : i32 to index
      %swap3A_3132 = arith.constant 0 : index
      %swap3A_3133 = tpu.vector_load %arg17[%swap3A_3131, %swap3A_3132] {strides = array<i32>} : memref<50x44xf32, #tpu.memory_space<vmem>>, vector<1x16xf32>,
      %swap3A_3134 = vector.shape_cast %swap3A_3133 : vector<1x16xf32> to vector<16xf32>
      %swap3A_3135 = vector.shape_cast %get3A_3129 : vector<16xf32> to vector<1x16xf32>
      tpu.vector_store %arg17[%swap3A_3131, %swap3A_3132], %swap3A_3135 {strides = array<i32>} : memref<50x44xf32, #tpu.memory_space<vmem>>, vector<1x16xf32>,
      %get3A_3136 = arith.constant 39 : i32
      %get3A_3137 = arith.index_cast %get3A_3136 : i32 to index
      %get3A_3138 = arith.constant 16 : index
      %get3A_3139 = tpu.vector_load %arg16[%get3A_3137, %get3A_3138] {strides = array<i32>} : memref<50x128xf32, #tpu.memory_space<vmem>>, vector<1x16xf32>,
      %get3A_3140 = vector.shape_cast %get3A_3139 : vector<1x16xf32> to vector<16xf32>
      %swap3A_3141 = arith.constant 39 : i32
      %swap3A_3142 = arith.index_cast %swap3A_3141 : i32 to index
      %swap3A_3143 = arith.constant 16 : index
      %swap3A_3144 = tpu.vector_load %arg17[%swap3A_3142, %swap3A_3143] {strides = array<i32>} : memref<50x44xf32, #tpu.memory_space<vmem>>, vector<1x16xf32>,
      %swap3A_3145 = vector.shape_cast %swap3A_3144 : vector<1x16xf32> to vector<16xf32>
      %swap3A_3146 = vector.shape_cast %get3A_3140 : vector<16xf32> to vector<1x16xf32>
      tpu.vector_store %arg17[%swap3A_3142, %swap3A_3143], %swap3A_3146 {strides = array<i32>} : memref<50x44xf32, #tpu.memory_space<vmem>>, vector<1x16xf32>,
      %get3A_3147 = arith.constant 39 : i32
      %get3A_3148 = arith.index_cast %get3A_3147 : i32 to index
      %get3A_3149 = arith.constant 28 : index
      %get3A_3150 = tpu.vector_load %arg16[%get3A_3148, %get3A_3149] {strides = array<i32>} : memref<50x128xf32, #tpu.memory_space<vmem>>, vector<1x16xf32>,
      %get3A_3151 = vector.shape_cast %get3A_3150 : vector<1x16xf32> to vector<16xf32>
      %swap3A_3152 = arith.constant 39 : i32
      %swap3A_3153 = arith.index_cast %swap3A_3152 : i32 to index
      %swap3A_3154 = arith.constant 28 : index
      %swap3A_3155 = tpu.vector_load %arg17[%swap3A_3153, %swap3A_3154] {strides = array<i32>} : memref<50x44xf32, #tpu.memory_space<vmem>>, vector<1x16xf32>,
      %swap3A_3156 = vector.shape_cast %swap3A_3155 : vector<1x16xf32> to vector<16xf32>
      %swap3A_3157 = vector.shape_cast %get3A_3151 : vector<16xf32> to vector<1x16xf32>
      tpu.vector_store %arg17[%swap3A_3153, %swap3A_3154], %swap3A_3157 {strides = array<i32>} : memref<50x44xf32, #tpu.memory_space<vmem>>, vector<1x16xf32>,
      %get3A_3158 = arith.constant 40 : i32
      %get3A_3159 = arith.index_cast %get3A_3158 : i32 to index
      %get3A_3160 = arith.constant 0 : index
      %get3A_3161 = tpu.vector_load %arg16[%get3A_3159, %get3A_3160] {strides = array<i32>} : memref<50x128xf32, #tpu.memory_space<vmem>>, vector<1x16xf32>,
      %get3A_3162 = vector.shape_cast %get3A_3161 : vector<1x16xf32> to vector<16xf32>
      %swap3A_3163 = arith.constant 40 : i32
      %swap3A_3164 = arith.index_cast %swap3A_3163 : i32 to index
      %swap3A_3165 = arith.constant 0 : index
      %swap3A_3166 = tpu.vector_load %arg17[%swap3A_3164, %swap3A_3165] {strides = array<i32>} : memref<50x44xf32, #tpu.memory_space<vmem>>, vector<1x16xf32>,
      %swap3A_3167 = vector.shape_cast %swap3A_3166 : vector<1x16xf32> to vector<16xf32>
      %swap3A_3168 = vector.shape_cast %get3A_3162 : vector<16xf32> to vector<1x16xf32>
      tpu.vector_store %arg17[%swap3A_3164, %swap3A_3165], %swap3A_3168 {strides = array<i32>} : memref<50x44xf32, #tpu.memory_space<vmem>>, vector<1x16xf32>,
      %get3A_3169 = arith.constant 40 : i32
      %get3A_3170 = arith.index_cast %get3A_3169 : i32 to index
      %get3A_3171 = arith.constant 16 : index
      %get3A_3172 = tpu.vector_load %arg16[%get3A_3170, %get3A_3171] {strides = array<i32>} : memref<50x128xf32, #tpu.memory_space<vmem>>, vector<1x16xf32>,
      %get3A_3173 = vector.shape_cast %get3A_3172 : vector<1x16xf32> to vector<16xf32>
      %swap3A_3174 = arith.constant 40 : i32
      %swap3A_3175 = arith.index_cast %swap3A_3174 : i32 to index
      %swap3A_3176 = arith.constant 16 : index
      %swap3A_3177 = tpu.vector_load %arg17[%swap3A_3175, %swap3A_3176] {strides = array<i32>} : memref<50x44xf32, #tpu.memory_space<vmem>>, vector<1x16xf32>,
      %swap3A_3178 = vector.shape_cast %swap3A_3177 : vector<1x16xf32> to vector<16xf32>
      %swap3A_3179 = vector.shape_cast %get3A_3173 : vector<16xf32> to vector<1x16xf32>
      tpu.vector_store %arg17[%swap3A_3175, %swap3A_3176], %swap3A_3179 {strides = array<i32>} : memref<50x44xf32, #tpu.memory_space<vmem>>, vector<1x16xf32>,
      %get3A_3180 = arith.constant 40 : i32
      %get3A_3181 = arith.index_cast %get3A_3180 : i32 to index
      %get3A_3182 = arith.constant 28 : index
      %get3A_3183 = tpu.vector_load %arg16[%get3A_3181, %get3A_3182] {strides = array<i32>} : memref<50x128xf32, #tpu.memory_space<vmem>>, vector<1x16xf32>,
      %get3A_3184 = vector.shape_cast %get3A_3183 : vector<1x16xf32> to vector<16xf32>
      %swap3A_3185 = arith.constant 40 : i32
      %swap3A_3186 = arith.index_cast %swap3A_3185 : i32 to index
      %swap3A_3187 = arith.constant 28 : index
      %swap3A_3188 = tpu.vector_load %arg17[%swap3A_3186, %swap3A_3187] {strides = array<i32>} : memref<50x44xf32, #tpu.memory_space<vmem>>, vector<1x16xf32>,
      %swap3A_3189 = vector.shape_cast %swap3A_3188 : vector<1x16xf32> to vector<16xf32>
      %swap3A_3190 = vector.shape_cast %get3A_3184 : vector<16xf32> to vector<1x16xf32>
      tpu.vector_store %arg17[%swap3A_3186, %swap3A_3187], %swap3A_3190 {strides = array<i32>} : memref<50x44xf32, #tpu.memory_space<vmem>>, vector<1x16xf32>,
      %get3A_3191 = arith.constant 41 : i32
      %get3A_3192 = arith.index_cast %get3A_3191 : i32 to index
      %get3A_3193 = arith.constant 0 : index
      %get3A_3194 = tpu.vector_load %arg16[%get3A_3192, %get3A_3193] {strides = array<i32>} : memref<50x128xf32, #tpu.memory_space<vmem>>, vector<1x16xf32>,
      %get3A_3195 = vector.shape_cast %get3A_3194 : vector<1x16xf32> to vector<16xf32>
      %swap3A_3196 = arith.constant 41 : i32
      %swap3A_3197 = arith.index_cast %swap3A_3196 : i32 to index
      %swap3A_3198 = arith.constant 0 : index
      %swap3A_3199 = tpu.vector_load %arg17[%swap3A_3197, %swap3A_3198] {strides = array<i32>} : memref<50x44xf32, #tpu.memory_space<vmem>>, vector<1x16xf32>,
      %swap3A_3200 = vector.shape_cast %swap3A_3199 : vector<1x16xf32> to vector<16xf32>
      %swap3A_3201 = vector.shape_cast %get3A_3195 : vector<16xf32> to vector<1x16xf32>
      tpu.vector_store %arg17[%swap3A_3197, %swap3A_3198], %swap3A_3201 {strides = array<i32>} : memref<50x44xf32, #tpu.memory_space<vmem>>, vector<1x16xf32>,
      %get3A_3202 = arith.constant 41 : i32
      %get3A_3203 = arith.index_cast %get3A_3202 : i32 to index
      %get3A_3204 = arith.constant 16 : index
      %get3A_3205 = tpu.vector_load %arg16[%get3A_3203, %get3A_3204] {strides = array<i32>} : memref<50x128xf32, #tpu.memory_space<vmem>>, vector<1x16xf32>,
      %get3A_3206 = vector.shape_cast %get3A_3205 : vector<1x16xf32> to vector<16xf32>
      %swap3A_3207 = arith.constant 41 : i32
      %swap3A_3208 = arith.index_cast %swap3A_3207 : i32 to index
      %swap3A_3209 = arith.constant 16 : index
      %swap3A_3210 = tpu.vector_load %arg17[%swap3A_3208, %swap3A_3209] {strides = array<i32>} : memref<50x44xf32, #tpu.memory_space<vmem>>, vector<1x16xf32>,
      %swap3A_3211 = vector.shape_cast %swap3A_3210 : vector<1x16xf32> to vector<16xf32>
      %swap3A_3212 = vector.shape_cast %get3A_3206 : vector<16xf32> to vector<1x16xf32>
      tpu.vector_store %arg17[%swap3A_3208, %swap3A_3209], %swap3A_3212 {strides = array<i32>} : memref<50x44xf32, #tpu.memory_space<vmem>>, vector<1x16xf32>,
      %get3A_3213 = arith.constant 41 : i32
      %get3A_3214 = arith.index_cast %get3A_3213 : i32 to index
      %get3A_3215 = arith.constant 28 : index
      %get3A_3216 = tpu.vector_load %arg16[%get3A_3214, %get3A_3215] {strides = array<i32>} : memref<50x128xf32, #tpu.memory_space<vmem>>, vector<1x16xf32>,
      %get3A_3217 = vector.shape_cast %get3A_3216 : vector<1x16xf32> to vector<16xf32>
      %swap3A_3218 = arith.constant 41 : i32
      %swap3A_3219 = arith.index_cast %swap3A_3218 : i32 to index
      %swap3A_3220 = arith.constant 28 : index
      %swap3A_3221 = tpu.vector_load %arg17[%swap3A_3219, %swap3A_3220] {strides = array<i32>} : memref<50x44xf32, #tpu.memory_space<vmem>>, vector<1x16xf32>,
      %swap3A_3222 = vector.shape_cast %swap3A_3221 : vector<1x16xf32> to vector<16xf32>
      %swap3A_3223 = vector.shape_cast %get3A_3217 : vector<16xf32> to vector<1x16xf32>
      tpu.vector_store %arg17[%swap3A_3219, %swap3A_3220], %swap3A_3223 {strides = array<i32>} : memref<50x44xf32, #tpu.memory_space<vmem>>, vector<1x16xf32>,
      %get3A_3224 = arith.constant 42 : i32
      %get3A_3225 = arith.index_cast %get3A_3224 : i32 to index
      %get3A_3226 = arith.constant 0 : index
      %get3A_3227 = tpu.vector_load %arg16[%get3A_3225, %get3A_3226] {strides = array<i32>} : memref<50x128xf32, #tpu.memory_space<vmem>>, vector<1x16xf32>,
      %get3A_3228 = vector.shape_cast %get3A_3227 : vector<1x16xf32> to vector<16xf32>
      %swap3A_3229 = arith.constant 42 : i32
      %swap3A_3230 = arith.index_cast %swap3A_3229 : i32 to index
      %swap3A_3231 = arith.constant 0 : index
      %swap3A_3232 = tpu.vector_load %arg17[%swap3A_3230, %swap3A_3231] {strides = array<i32>} : memref<50x44xf32, #tpu.memory_space<vmem>>, vector<1x16xf32>,
      %swap3A_3233 = vector.shape_cast %swap3A_3232 : vector<1x16xf32> to vector<16xf32>
      %swap3A_3234 = vector.shape_cast %get3A_3228 : vector<16xf32> to vector<1x16xf32>
      tpu.vector_store %arg17[%swap3A_3230, %swap3A_3231], %swap3A_3234 {strides = array<i32>} : memref<50x44xf32, #tpu.memory_space<vmem>>, vector<1x16xf32>,
      %get3A_3235 = arith.constant 42 : i32
      %get3A_3236 = arith.index_cast %get3A_3235 : i32 to index
      %get3A_3237 = arith.constant 16 : index
      %get3A_3238 = tpu.vector_load %arg16[%get3A_3236, %get3A_3237] {strides = array<i32>} : memref<50x128xf32, #tpu.memory_space<vmem>>, vector<1x16xf32>,
      %get3A_3239 = vector.shape_cast %get3A_3238 : vector<1x16xf32> to vector<16xf32>
      %swap3A_3240 = arith.constant 42 : i32
      %swap3A_3241 = arith.index_cast %swap3A_3240 : i32 to index
      %swap3A_3242 = arith.constant 16 : index
      %swap3A_3243 = tpu.vector_load %arg17[%swap3A_3241, %swap3A_3242] {strides = array<i32>} : memref<50x44xf32, #tpu.memory_space<vmem>>, vector<1x16xf32>,
      %swap3A_3244 = vector.shape_cast %swap3A_3243 : vector<1x16xf32> to vector<16xf32>
      %swap3A_3245 = vector.shape_cast %get3A_3239 : vector<16xf32> to vector<1x16xf32>
      tpu.vector_store %arg17[%swap3A_3241, %swap3A_3242], %swap3A_3245 {strides = array<i32>} : memref<50x44xf32, #tpu.memory_space<vmem>>, vector<1x16xf32>,
      %get3A_3246 = arith.constant 42 : i32
      %get3A_3247 = arith.index_cast %get3A_3246 : i32 to index
      %get3A_3248 = arith.constant 28 : index
      %get3A_3249 = tpu.vector_load %arg16[%get3A_3247, %get3A_3248] {strides = array<i32>} : memref<50x128xf32, #tpu.memory_space<vmem>>, vector<1x16xf32>,
      %get3A_3250 = vector.shape_cast %get3A_3249 : vector<1x16xf32> to vector<16xf32>
      %swap3A_3251 = arith.constant 42 : i32
      %swap3A_3252 = arith.index_cast %swap3A_3251 : i32 to index
      %swap3A_3253 = arith.constant 28 : index
      %swap3A_3254 = tpu.vector_load %arg17[%swap3A_3252, %swap3A_3253] {strides = array<i32>} : memref<50x44xf32, #tpu.memory_space<vmem>>, vector<1x16xf32>,
      %swap3A_3255 = vector.shape_cast %swap3A_3254 : vector<1x16xf32> to vector<16xf32>
      %swap3A_3256 = vector.shape_cast %get3A_3250 : vector<16xf32> to vector<1x16xf32>
      tpu.vector_store %arg17[%swap3A_3252, %swap3A_3253], %swap3A_3256 {strides = array<i32>} : memref<50x44xf32, #tpu.memory_space<vmem>>, vector<1x16xf32>,
      %get3A_3257 = arith.constant 43 : i32
      %get3A_3258 = arith.index_cast %get3A_3257 : i32 to index
      %get3A_3259 = arith.constant 0 : index
      %get3A_3260 = tpu.vector_load %arg16[%get3A_3258, %get3A_3259] {strides = array<i32>} : memref<50x128xf32, #tpu.memory_space<vmem>>, vector<1x16xf32>,
      %get3A_3261 = vector.shape_cast %get3A_3260 : vector<1x16xf32> to vector<16xf32>
      %swap3A_3262 = arith.constant 43 : i32
      %swap3A_3263 = arith.index_cast %swap3A_3262 : i32 to index
      %swap3A_3264 = arith.constant 0 : index
      %swap3A_3265 = tpu.vector_load %arg17[%swap3A_3263, %swap3A_3264] {strides = array<i32>} : memref<50x44xf32, #tpu.memory_space<vmem>>, vector<1x16xf32>,
      %swap3A_3266 = vector.shape_cast %swap3A_3265 : vector<1x16xf32> to vector<16xf32>
      %swap3A_3267 = vector.shape_cast %get3A_3261 : vector<16xf32> to vector<1x16xf32>
      tpu.vector_store %arg17[%swap3A_3263, %swap3A_3264], %swap3A_3267 {strides = array<i32>} : memref<50x44xf32, #tpu.memory_space<vmem>>, vector<1x16xf32>,
      %get3A_3268 = arith.constant 43 : i32
      %get3A_3269 = arith.index_cast %get3A_3268 : i32 to index
      %get3A_3270 = arith.constant 16 : index
      %get3A_3271 = tpu.vector_load %arg16[%get3A_3269, %get3A_3270] {strides = array<i32>} : memref<50x128xf32, #tpu.memory_space<vmem>>, vector<1x16xf32>,
      %get3A_3272 = vector.shape_cast %get3A_3271 : vector<1x16xf32> to vector<16xf32>
      %swap3A_3273 = arith.constant 43 : i32
      %swap3A_3274 = arith.index_cast %swap3A_3273 : i32 to index
      %swap3A_3275 = arith.constant 16 : index
      %swap3A_3276 = tpu.vector_load %arg17[%swap3A_3274, %swap3A_3275] {strides = array<i32>} : memref<50x44xf32, #tpu.memory_space<vmem>>, vector<1x16xf32>,
      %swap3A_3277 = vector.shape_cast %swap3A_3276 : vector<1x16xf32> to vector<16xf32>
      %swap3A_3278 = vector.shape_cast %get3A_3272 : vector<16xf32> to vector<1x16xf32>
      tpu.vector_store %arg17[%swap3A_3274, %swap3A_3275], %swap3A_3278 {strides = array<i32>} : memref<50x44xf32, #tpu.memory_space<vmem>>, vector<1x16xf32>,
      %get3A_3279 = arith.constant 43 : i32
      %get3A_3280 = arith.index_cast %get3A_3279 : i32 to index
      %get3A_3281 = arith.constant 28 : index
      %get3A_3282 = tpu.vector_load %arg16[%get3A_3280, %get3A_3281] {strides = array<i32>} : memref<50x128xf32, #tpu.memory_space<vmem>>, vector<1x16xf32>,
      %get3A_3283 = vector.shape_cast %get3A_3282 : vector<1x16xf32> to vector<16xf32>
      %swap3A_3284 = arith.constant 43 : i32
      %swap3A_3285 = arith.index_cast %swap3A_3284 : i32 to index
      %swap3A_3286 = arith.constant 28 : index
      %swap3A_3287 = tpu.vector_load %arg17[%swap3A_3285, %swap3A_3286] {strides = array<i32>} : memref<50x44xf32, #tpu.memory_space<vmem>>, vector<1x16xf32>,
      %swap3A_3288 = vector.shape_cast %swap3A_3287 : vector<1x16xf32> to vector<16xf32>
      %swap3A_3289 = vector.shape_cast %get3A_3283 : vector<16xf32> to vector<1x16xf32>
      tpu.vector_store %arg17[%swap3A_3285, %swap3A_3286], %swap3A_3289 {strides = array<i32>} : memref<50x44xf32, #tpu.memory_space<vmem>>, vector<1x16xf32>,
      %get3A_3290 = arith.constant 44 : i32
      %get3A_3291 = arith.index_cast %get3A_3290 : i32 to index
      %get3A_3292 = arith.constant 0 : index
      %get3A_3293 = tpu.vector_load %arg16[%get3A_3291, %get3A_3292] {strides = array<i32>} : memref<50x128xf32, #tpu.memory_space<vmem>>, vector<1x16xf32>,
      %get3A_3294 = vector.shape_cast %get3A_3293 : vector<1x16xf32> to vector<16xf32>
      %swap3A_3295 = arith.constant 44 : i32
      %swap3A_3296 = arith.index_cast %swap3A_3295 : i32 to index
      %swap3A_3297 = arith.constant 0 : index
      %swap3A_3298 = tpu.vector_load %arg17[%swap3A_3296, %swap3A_3297] {strides = array<i32>} : memref<50x44xf32, #tpu.memory_space<vmem>>, vector<1x16xf32>,
      %swap3A_3299 = vector.shape_cast %swap3A_3298 : vector<1x16xf32> to vector<16xf32>
      %swap3A_3300 = vector.shape_cast %get3A_3294 : vector<16xf32> to vector<1x16xf32>
      tpu.vector_store %arg17[%swap3A_3296, %swap3A_3297], %swap3A_3300 {strides = array<i32>} : memref<50x44xf32, #tpu.memory_space<vmem>>, vector<1x16xf32>,
      %get3A_3301 = arith.constant 44 : i32
      %get3A_3302 = arith.index_cast %get3A_3301 : i32 to index
      %get3A_3303 = arith.constant 16 : index
      %get3A_3304 = tpu.vector_load %arg16[%get3A_3302, %get3A_3303] {strides = array<i32>} : memref<50x128xf32, #tpu.memory_space<vmem>>, vector<1x16xf32>,
      %get3A_3305 = vector.shape_cast %get3A_3304 : vector<1x16xf32> to vector<16xf32>
      %swap3A_3306 = arith.constant 44 : i32
      %swap3A_3307 = arith.index_cast %swap3A_3306 : i32 to index
      %swap3A_3308 = arith.constant 16 : index
      %swap3A_3309 = tpu.vector_load %arg17[%swap3A_3307, %swap3A_3308] {strides = array<i32>} : memref<50x44xf32, #tpu.memory_space<vmem>>, vector<1x16xf32>,
      %swap3A_3310 = vector.shape_cast %swap3A_3309 : vector<1x16xf32> to vector<16xf32>
      %swap3A_3311 = vector.shape_cast %get3A_3305 : vector<16xf32> to vector<1x16xf32>
      tpu.vector_store %arg17[%swap3A_3307, %swap3A_3308], %swap3A_3311 {strides = array<i32>} : memref<50x44xf32, #tpu.memory_space<vmem>>, vector<1x16xf32>,
      %get3A_3312 = arith.constant 44 : i32
      %get3A_3313 = arith.index_cast %get3A_3312 : i32 to index
      %get3A_3314 = arith.constant 28 : index
      %get3A_3315 = tpu.vector_load %arg16[%get3A_3313, %get3A_3314] {strides = array<i32>} : memref<50x128xf32, #tpu.memory_space<vmem>>, vector<1x16xf32>,
      %get3A_3316 = vector.shape_cast %get3A_3315 : vector<1x16xf32> to vector<16xf32>
      %swap3A_3317 = arith.constant 44 : i32
      %swap3A_3318 = arith.index_cast %swap3A_3317 : i32 to index
      %swap3A_3319 = arith.constant 28 : index
      %swap3A_3320 = tpu.vector_load %arg17[%swap3A_3318, %swap3A_3319] {strides = array<i32>} : memref<50x44xf32, #tpu.memory_space<vmem>>, vector<1x16xf32>,
      %swap3A_3321 = vector.shape_cast %swap3A_3320 : vector<1x16xf32> to vector<16xf32>
      %swap3A_3322 = vector.shape_cast %get3A_3316 : vector<16xf32> to vector<1x16xf32>
      tpu.vector_store %arg17[%swap3A_3318, %swap3A_3319], %swap3A_3322 {strides = array<i32>} : memref<50x44xf32, #tpu.memory_space<vmem>>, vector<1x16xf32>,
      %get3A_3323 = arith.constant 45 : i32
      %get3A_3324 = arith.index_cast %get3A_3323 : i32 to index
      %get3A_3325 = arith.constant 0 : index
      %get3A_3326 = tpu.vector_load %arg16[%get3A_3324, %get3A_3325] {strides = array<i32>} : memref<50x128xf32, #tpu.memory_space<vmem>>, vector<1x16xf32>,
      %get3A_3327 = vector.shape_cast %get3A_3326 : vector<1x16xf32> to vector<16xf32>
      %swap3A_3328 = arith.constant 45 : i32
      %swap3A_3329 = arith.index_cast %swap3A_3328 : i32 to index
      %swap3A_3330 = arith.constant 0 : index
      %swap3A_3331 = tpu.vector_load %arg17[%swap3A_3329, %swap3A_3330] {strides = array<i32>} : memref<50x44xf32, #tpu.memory_space<vmem>>, vector<1x16xf32>,
      %swap3A_3332 = vector.shape_cast %swap3A_3331 : vector<1x16xf32> to vector<16xf32>
      %swap3A_3333 = vector.shape_cast %get3A_3327 : vector<16xf32> to vector<1x16xf32>
      tpu.vector_store %arg17[%swap3A_3329, %swap3A_3330], %swap3A_3333 {strides = array<i32>} : memref<50x44xf32, #tpu.memory_space<vmem>>, vector<1x16xf32>,
      %get3A_3334 = arith.constant 45 : i32
      %get3A_3335 = arith.index_cast %get3A_3334 : i32 to index
      %get3A_3336 = arith.constant 16 : index
      %get3A_3337 = tpu.vector_load %arg16[%get3A_3335, %get3A_3336] {strides = array<i32>} : memref<50x128xf32, #tpu.memory_space<vmem>>, vector<1x16xf32>,
      %get3A_3338 = vector.shape_cast %get3A_3337 : vector<1x16xf32> to vector<16xf32>
      %swap3A_3339 = arith.constant 45 : i32
      %swap3A_3340 = arith.index_cast %swap3A_3339 : i32 to index
      %swap3A_3341 = arith.constant 16 : index
      %swap3A_3342 = tpu.vector_load %arg17[%swap3A_3340, %swap3A_3341] {strides = array<i32>} : memref<50x44xf32, #tpu.memory_space<vmem>>, vector<1x16xf32>,
      %swap3A_3343 = vector.shape_cast %swap3A_3342 : vector<1x16xf32> to vector<16xf32>
      %swap3A_3344 = vector.shape_cast %get3A_3338 : vector<16xf32> to vector<1x16xf32>
      tpu.vector_store %arg17[%swap3A_3340, %swap3A_3341], %swap3A_3344 {strides = array<i32>} : memref<50x44xf32, #tpu.memory_space<vmem>>, vector<1x16xf32>,
      %get3A_3345 = arith.constant 45 : i32
      %get3A_3346 = arith.index_cast %get3A_3345 : i32 to index
      %get3A_3347 = arith.constant 28 : index
      %get3A_3348 = tpu.vector_load %arg16[%get3A_3346, %get3A_3347] {strides = array<i32>} : memref<50x128xf32, #tpu.memory_space<vmem>>, vector<1x16xf32>,
      %get3A_3349 = vector.shape_cast %get3A_3348 : vector<1x16xf32> to vector<16xf32>
      %swap3A_3350 = arith.constant 45 : i32
      %swap3A_3351 = arith.index_cast %swap3A_3350 : i32 to index
      %swap3A_3352 = arith.constant 28 : index
      %swap3A_3353 = tpu.vector_load %arg17[%swap3A_3351, %swap3A_3352] {strides = array<i32>} : memref<50x44xf32, #tpu.memory_space<vmem>>, vector<1x16xf32>,
      %swap3A_3354 = vector.shape_cast %swap3A_3353 : vector<1x16xf32> to vector<16xf32>
      %swap3A_3355 = vector.shape_cast %get3A_3349 : vector<16xf32> to vector<1x16xf32>
      tpu.vector_store %arg17[%swap3A_3351, %swap3A_3352], %swap3A_3355 {strides = array<i32>} : memref<50x44xf32, #tpu.memory_space<vmem>>, vector<1x16xf32>,
      %get3A_3356 = arith.constant 46 : i32
      %get3A_3357 = arith.index_cast %get3A_3356 : i32 to index
      %get3A_3358 = arith.constant 0 : index
      %get3A_3359 = tpu.vector_load %arg16[%get3A_3357, %get3A_3358] {strides = array<i32>} : memref<50x128xf32, #tpu.memory_space<vmem>>, vector<1x16xf32>,
      %get3A_3360 = vector.shape_cast %get3A_3359 : vector<1x16xf32> to vector<16xf32>
      %swap3A_3361 = arith.constant 46 : i32
      %swap3A_3362 = arith.index_cast %swap3A_3361 : i32 to index
      %swap3A_3363 = arith.constant 0 : index
      %swap3A_3364 = tpu.vector_load %arg17[%swap3A_3362, %swap3A_3363] {strides = array<i32>} : memref<50x44xf32, #tpu.memory_space<vmem>>, vector<1x16xf32>,
      %swap3A_3365 = vector.shape_cast %swap3A_3364 : vector<1x16xf32> to vector<16xf32>
      %swap3A_3366 = vector.shape_cast %get3A_3360 : vector<16xf32> to vector<1x16xf32>
      tpu.vector_store %arg17[%swap3A_3362, %swap3A_3363], %swap3A_3366 {strides = array<i32>} : memref<50x44xf32, #tpu.memory_space<vmem>>, vector<1x16xf32>,
      %get3A_3367 = arith.constant 46 : i32
      %get3A_3368 = arith.index_cast %get3A_3367 : i32 to index
      %get3A_3369 = arith.constant 16 : index
      %get3A_3370 = tpu.vector_load %arg16[%get3A_3368, %get3A_3369] {strides = array<i32>} : memref<50x128xf32, #tpu.memory_space<vmem>>, vector<1x16xf32>,
      %get3A_3371 = vector.shape_cast %get3A_3370 : vector<1x16xf32> to vector<16xf32>
      %swap3A_3372 = arith.constant 46 : i32
      %swap3A_3373 = arith.index_cast %swap3A_3372 : i32 to index
      %swap3A_3374 = arith.constant 16 : index
      %swap3A_3375 = tpu.vector_load %arg17[%swap3A_3373, %swap3A_3374] {strides = array<i32>} : memref<50x44xf32, #tpu.memory_space<vmem>>, vector<1x16xf32>,
      %swap3A_3376 = vector.shape_cast %swap3A_3375 : vector<1x16xf32> to vector<16xf32>
      %swap3A_3377 = vector.shape_cast %get3A_3371 : vector<16xf32> to vector<1x16xf32>
      tpu.vector_store %arg17[%swap3A_3373, %swap3A_3374], %swap3A_3377 {strides = array<i32>} : memref<50x44xf32, #tpu.memory_space<vmem>>, vector<1x16xf32>,
      %get3A_3378 = arith.constant 46 : i32
      %get3A_3379 = arith.index_cast %get3A_3378 : i32 to index
      %get3A_3380 = arith.constant 28 : index
      %get3A_3381 = tpu.vector_load %arg16[%get3A_3379, %get3A_3380] {strides = array<i32>} : memref<50x128xf32, #tpu.memory_space<vmem>>, vector<1x16xf32>,
      %get3A_3382 = vector.shape_cast %get3A_3381 : vector<1x16xf32> to vector<16xf32>
      %swap3A_3383 = arith.constant 46 : i32
      %swap3A_3384 = arith.index_cast %swap3A_3383 : i32 to index
      %swap3A_3385 = arith.constant 28 : index
      %swap3A_3386 = tpu.vector_load %arg17[%swap3A_3384, %swap3A_3385] {strides = array<i32>} : memref<50x44xf32, #tpu.memory_space<vmem>>, vector<1x16xf32>,
      %swap3A_3387 = vector.shape_cast %swap3A_3386 : vector<1x16xf32> to vector<16xf32>
      %swap3A_3388 = vector.shape_cast %get3A_3382 : vector<16xf32> to vector<1x16xf32>
      tpu.vector_store %arg17[%swap3A_3384, %swap3A_3385], %swap3A_3388 {strides = array<i32>} : memref<50x44xf32, #tpu.memory_space<vmem>>, vector<1x16xf32>,
      %get3A_3389 = arith.constant 47 : i32
      %get3A_3390 = arith.index_cast %get3A_3389 : i32 to index
      %get3A_3391 = arith.constant 0 : index
      %get3A_3392 = tpu.vector_load %arg16[%get3A_3390, %get3A_3391] {strides = array<i32>} : memref<50x128xf32, #tpu.memory_space<vmem>>, vector<1x16xf32>,
      %get3A_3393 = vector.shape_cast %get3A_3392 : vector<1x16xf32> to vector<16xf32>
      %swap3A_3394 = arith.constant 47 : i32
      %swap3A_3395 = arith.index_cast %swap3A_3394 : i32 to index
      %swap3A_3396 = arith.constant 0 : index
      %swap3A_3397 = tpu.vector_load %arg17[%swap3A_3395, %swap3A_3396] {strides = array<i32>} : memref<50x44xf32, #tpu.memory_space<vmem>>, vector<1x16xf32>,
      %swap3A_3398 = vector.shape_cast %swap3A_3397 : vector<1x16xf32> to vector<16xf32>
      %swap3A_3399 = vector.shape_cast %get3A_3393 : vector<16xf32> to vector<1x16xf32>
      tpu.vector_store %arg17[%swap3A_3395, %swap3A_3396], %swap3A_3399 {strides = array<i32>} : memref<50x44xf32, #tpu.memory_space<vmem>>, vector<1x16xf32>,
      %get3A_3400 = arith.constant 47 : i32
      %get3A_3401 = arith.index_cast %get3A_3400 : i32 to index
      %get3A_3402 = arith.constant 16 : index
      %get3A_3403 = tpu.vector_load %arg16[%get3A_3401, %get3A_3402] {strides = array<i32>} : memref<50x128xf32, #tpu.memory_space<vmem>>, vector<1x16xf32>,
      %get3A_3404 = vector.shape_cast %get3A_3403 : vector<1x16xf32> to vector<16xf32>
      %swap3A_3405 = arith.constant 47 : i32
      %swap3A_3406 = arith.index_cast %swap3A_3405 : i32 to index
      %swap3A_3407 = arith.constant 16 : index
      %swap3A_3408 = tpu.vector_load %arg17[%swap3A_3406, %swap3A_3407] {strides = array<i32>} : memref<50x44xf32, #tpu.memory_space<vmem>>, vector<1x16xf32>,
      %swap3A_3409 = vector.shape_cast %swap3A_3408 : vector<1x16xf32> to vector<16xf32>
      %swap3A_3410 = vector.shape_cast %get3A_3404 : vector<16xf32> to vector<1x16xf32>
      tpu.vector_store %arg17[%swap3A_3406, %swap3A_3407], %swap3A_3410 {strides = array<i32>} : memref<50x44xf32, #tpu.memory_space<vmem>>, vector<1x16xf32>,
      %get3A_3411 = arith.constant 47 : i32
      %get3A_3412 = arith.index_cast %get3A_3411 : i32 to index
      %get3A_3413 = arith.constant 28 : index
      %get3A_3414 = tpu.vector_load %arg16[%get3A_3412, %get3A_3413] {strides = array<i32>} : memref<50x128xf32, #tpu.memory_space<vmem>>, vector<1x16xf32>,
      %get3A_3415 = vector.shape_cast %get3A_3414 : vector<1x16xf32> to vector<16xf32>
      %swap3A_3416 = arith.constant 47 : i32
      %swap3A_3417 = arith.index_cast %swap3A_3416 : i32 to index
      %swap3A_3418 = arith.constant 28 : index
      %swap3A_3419 = tpu.vector_load %arg17[%swap3A_3417, %swap3A_3418] {strides = array<i32>} : memref<50x44xf32, #tpu.memory_space<vmem>>, vector<1x16xf32>,
      %swap3A_3420 = vector.shape_cast %swap3A_3419 : vector<1x16xf32> to vector<16xf32>
      %swap3A_3421 = vector.shape_cast %get3A_3415 : vector<16xf32> to vector<1x16xf32>
      tpu.vector_store %arg17[%swap3A_3417, %swap3A_3418], %swap3A_3421 {strides = array<i32>} : memref<50x44xf32, #tpu.memory_space<vmem>>, vector<1x16xf32>,
      %get3A_3422 = arith.constant 48 : i32
      %get3A_3423 = arith.index_cast %get3A_3422 : i32 to index
      %get3A_3424 = arith.constant 0 : index
      %get3A_3425 = tpu.vector_load %arg16[%get3A_3423, %get3A_3424] {strides = array<i32>} : memref<50x128xf32, #tpu.memory_space<vmem>>, vector<1x16xf32>,
      %get3A_3426 = vector.shape_cast %get3A_3425 : vector<1x16xf32> to vector<16xf32>
      %swap3A_3427 = arith.constant 48 : i32
      %swap3A_3428 = arith.index_cast %swap3A_3427 : i32 to index
      %swap3A_3429 = arith.constant 0 : index
      %swap3A_3430 = tpu.vector_load %arg17[%swap3A_3428, %swap3A_3429] {strides = array<i32>} : memref<50x44xf32, #tpu.memory_space<vmem>>, vector<1x16xf32>,
      %swap3A_3431 = vector.shape_cast %swap3A_3430 : vector<1x16xf32> to vector<16xf32>
      %swap3A_3432 = vector.shape_cast %get3A_3426 : vector<16xf32> to vector<1x16xf32>
      tpu.vector_store %arg17[%swap3A_3428, %swap3A_3429], %swap3A_3432 {strides = array<i32>} : memref<50x44xf32, #tpu.memory_space<vmem>>, vector<1x16xf32>,
      %get3A_3433 = arith.constant 48 : i32
      %get3A_3434 = arith.index_cast %get3A_3433 : i32 to index
      %get3A_3435 = arith.constant 16 : index
      %get3A_3436 = tpu.vector_load %arg16[%get3A_3434, %get3A_3435] {strides = array<i32>} : memref<50x128xf32, #tpu.memory_space<vmem>>, vector<1x16xf32>,
      %get3A_3437 = vector.shape_cast %get3A_3436 : vector<1x16xf32> to vector<16xf32>
      %swap3A_3438 = arith.constant 48 : i32
      %swap3A_3439 = arith.index_cast %swap3A_3438 : i32 to index
      %swap3A_3440 = arith.constant 16 : index
      %swap3A_3441 = tpu.vector_load %arg17[%swap3A_3439, %swap3A_3440] {strides = array<i32>} : memref<50x44xf32, #tpu.memory_space<vmem>>, vector<1x16xf32>,
      %swap3A_3442 = vector.shape_cast %swap3A_3441 : vector<1x16xf32> to vector<16xf32>
      %swap3A_3443 = vector.shape_cast %get3A_3437 : vector<16xf32> to vector<1x16xf32>
      tpu.vector_store %arg17[%swap3A_3439, %swap3A_3440], %swap3A_3443 {strides = array<i32>} : memref<50x44xf32, #tpu.memory_space<vmem>>, vector<1x16xf32>,
      %get3A_3444 = arith.constant 48 : i32
      %get3A_3445 = arith.index_cast %get3A_3444 : i32 to index
      %get3A_3446 = arith.constant 28 : index
      %get3A_3447 = tpu.vector_load %arg16[%get3A_3445, %get3A_3446] {strides = array<i32>} : memref<50x128xf32, #tpu.memory_space<vmem>>, vector<1x16xf32>,
      %get3A_3448 = vector.shape_cast %get3A_3447 : vector<1x16xf32> to vector<16xf32>
      %swap3A_3449 = arith.constant 48 : i32
      %swap3A_3450 = arith.index_cast %swap3A_3449 : i32 to index
      %swap3A_3451 = arith.constant 28 : index
      %swap3A_3452 = tpu.vector_load %arg17[%swap3A_3450, %swap3A_3451] {strides = array<i32>} : memref<50x44xf32, #tpu.memory_space<vmem>>, vector<1x16xf32>,
      %swap3A_3453 = vector.shape_cast %swap3A_3452 : vector<1x16xf32> to vector<16xf32>
      %swap3A_3454 = vector.shape_cast %get3A_3448 : vector<16xf32> to vector<1x16xf32>
      tpu.vector_store %arg17[%swap3A_3450, %swap3A_3451], %swap3A_3454 {strides = array<i32>} : memref<50x44xf32, #tpu.memory_space<vmem>>, vector<1x16xf32>,
      %get3A_3455 = arith.constant 49 : i32
      %get3A_3456 = arith.index_cast %get3A_3455 : i32 to index
      %get3A_3457 = arith.constant 0 : index
      %get3A_3458 = tpu.vector_load %arg16[%get3A_3456, %get3A_3457] {strides = array<i32>} : memref<50x128xf32, #tpu.memory_space<vmem>>, vector<1x16xf32>,
      %get3A_3459 = vector.shape_cast %get3A_3458 : vector<1x16xf32> to vector<16xf32>
      %swap3A_3460 = arith.constant 49 : i32
      %swap3A_3461 = arith.index_cast %swap3A_3460 : i32 to index
      %swap3A_3462 = arith.constant 0 : index
      %swap3A_3463 = tpu.vector_load %arg17[%swap3A_3461, %swap3A_3462] {strides = array<i32>} : memref<50x44xf32, #tpu.memory_space<vmem>>, vector<1x16xf32>,
      %swap3A_3464 = vector.shape_cast %swap3A_3463 : vector<1x16xf32> to vector<16xf32>
      %swap3A_3465 = vector.shape_cast %get3A_3459 : vector<16xf32> to vector<1x16xf32>
      tpu.vector_store %arg17[%swap3A_3461, %swap3A_3462], %swap3A_3465 {strides = array<i32>} : memref<50x44xf32, #tpu.memory_space<vmem>>, vector<1x16xf32>,
      %get3A_3466 = arith.constant 49 : i32
      %get3A_3467 = arith.index_cast %get3A_3466 : i32 to index
      %get3A_3468 = arith.constant 16 : index
      %get3A_3469 = tpu.vector_load %arg16[%get3A_3467, %get3A_3468] {strides = array<i32>} : memref<50x128xf32, #tpu.memory_space<vmem>>, vector<1x16xf32>,
      %get3A_3470 = vector.shape_cast %get3A_3469 : vector<1x16xf32> to vector<16xf32>
      %swap3A_3471 = arith.constant 49 : i32
      %swap3A_3472 = arith.index_cast %swap3A_3471 : i32 to index
      %swap3A_3473 = arith.constant 16 : index
      %swap3A_3474 = tpu.vector_load %arg17[%swap3A_3472, %swap3A_3473] {strides = array<i32>} : memref<50x44xf32, #tpu.memory_space<vmem>>, vector<1x16xf32>,
      %swap3A_3475 = vector.shape_cast %swap3A_3474 : vector<1x16xf32> to vector<16xf32>
      %swap3A_3476 = vector.shape_cast %get3A_3470 : vector<16xf32> to vector<1x16xf32>
      tpu.vector_store %arg17[%swap3A_3472, %swap3A_3473], %swap3A_3476 {strides = array<i32>} : memref<50x44xf32, #tpu.memory_space<vmem>>, vector<1x16xf32>,
      %get3A_3477 = arith.constant 49 : i32
      %get3A_3478 = arith.index_cast %get3A_3477 : i32 to index
      %get3A_3479 = arith.constant 28 : index
      %get3A_3480 = tpu.vector_load %arg16[%get3A_3478, %get3A_3479] {strides = array<i32>} : memref<50x128xf32, #tpu.memory_space<vmem>>, vector<1x16xf32>,
      %get3A_3481 = vector.shape_cast %get3A_3480 : vector<1x16xf32> to vector<16xf32>
      %swap3A_3482 = arith.constant 49 : i32
      %swap3A_3483 = arith.index_cast %swap3A_3482 : i32 to index
      %swap3A_3484 = arith.constant 28 : index
      %swap3A_3485 = tpu.vector_load %arg17[%swap3A_3483, %swap3A_3484] {strides = array<i32>} : memref<50x44xf32, #tpu.memory_space<vmem>>, vector<1x16xf32>,
      %swap3A_3486 = vector.shape_cast %swap3A_3485 : vector<1x16xf32> to vector<16xf32>
      %swap3A_3487 = vector.shape_cast %get3A_3481 : vector<16xf32> to vector<1x16xf32>
      tpu.vector_store %arg17[%swap3A_3483, %swap3A_3484], %swap3A_3487 {strides = array<i32>} : memref<50x44xf32, #tpu.memory_space<vmem>>, vector<1x16xf32>,
      %dma_start3A_3488 = arith.constant 0 : i32
      %dma_start3A_3489 = arith.constant 0 : i32
      %dma_start3A_3490 = tpu.memref_slice %arg6[%add3A_1819, %dma_start3A_3488, %dma_start3A_3489] : memref<4096x50x300xf32, #tpu.memory_space<hbm>> -> memref<1x50x128xf32, #tpu.memory_space<hbm>>
      %dma_start3A_3491 = tpu.memref_squeeze %dma_start3A_3490 : memref<1x50x128xf32, #tpu.memory_space<hbm>> -> memref<50x128xf32, #tpu.memory_space<hbm>>
      %dma_start3A_3492 = arith.constant 0 : i32
      %dma_start3A_3493 = arith.constant 0 : i32
      %dma_start3A_3494 = tpu.memref_slice %arg6[%add3A_1819, %dma_start3A_3492, %dma_start3A_3493] : memref<4096x50x300xf32, #tpu.memory_space<hbm>> -> memref<1x50x128xf32, #tpu.memory_space<hbm>>
      %dma_start3A_3495 = tpu.memref_squeeze %dma_start3A_3494 : memref<1x50x128xf32, #tpu.memory_space<hbm>> -> memref<50x128xf32, #tpu.memory_space<hbm>>
      tpu.enqueue_dma source(%arg14 : memref<50x128xf32, #tpu.memory_space<vmem>>) target(%dma_start3A_3495 : memref<50x128xf32, #tpu.memory_space<hbm>>) target_semaphore(%arg19 : memref<!tpu.dma_semaphore, #tpu.memory_space<semaphore_mem>>)
      %dma_start3A_3496 = arith.constant 0 : i32
      %dma_start3A_3497 = arith.constant 128 : i32
      %dma_start3A_3498 = tpu.memref_slice %arg6[%add3A_1819, %dma_start3A_3496, %dma_start3A_3497] : memref<4096x50x300xf32, #tpu.memory_space<hbm>> -> memref<1x50x128xf32, #tpu.memory_space<hbm>>
      %dma_start3A_3499 = tpu.memref_squeeze %dma_start3A_3498 : memref<1x50x128xf32, #tpu.memory_space<hbm>> -> memref<50x128xf32, #tpu.memory_space<hbm>>
      %dma_start3A_3500 = arith.constant 0 : i32
      %dma_start3A_3501 = arith.constant 128 : i32
      %dma_start3A_3502 = tpu.memref_slice %arg6[%add3A_1819, %dma_start3A_3500, %dma_start3A_3501] : memref<4096x50x300xf32, #tpu.memory_space<hbm>> -> memref<1x50x128xf32, #tpu.memory_space<hbm>>
      %dma_start3A_3503 = tpu.memref_squeeze %dma_start3A_3502 : memref<1x50x128xf32, #tpu.memory_space<hbm>> -> memref<50x128xf32, #tpu.memory_space<hbm>>
      tpu.enqueue_dma source(%arg15 : memref<50x128xf32, #tpu.memory_space<vmem>>) target(%dma_start3A_3503 : memref<50x128xf32, #tpu.memory_space<hbm>>) target_semaphore(%arg19 : memref<!tpu.dma_semaphore, #tpu.memory_space<semaphore_mem>>)
      %dma_start3A_3504 = arith.constant 0 : i32
      %dma_start3A_3505 = arith.constant 256 : i32
      %dma_start3A_3506 = tpu.memref_slice %arg6[%add3A_1819, %dma_start3A_3504, %dma_start3A_3505] : memref<4096x50x300xf32, #tpu.memory_space<hbm>> -> memref<1x50x44xf32, #tpu.memory_space<hbm>>
      %dma_start3A_3507 = tpu.memref_squeeze %dma_start3A_3506 : memref<1x50x44xf32, #tpu.memory_space<hbm>> -> memref<50x44xf32, #tpu.memory_space<hbm>>
      %dma_start3A_3508 = arith.constant 0 : i32
      %dma_start3A_3509 = arith.constant 256 : i32
      %dma_start3A_3510 = tpu.memref_slice %arg6[%add3A_1819, %dma_start3A_3508, %dma_start3A_3509] : memref<4096x50x300xf32, #tpu.memory_space<hbm>> -> memref<1x50x44xf32, #tpu.memory_space<hbm>>
      %dma_start3A_3511 = tpu.memref_squeeze %dma_start3A_3510 : memref<1x50x44xf32, #tpu.memory_space<hbm>> -> memref<50x44xf32, #tpu.memory_space<hbm>>
      tpu.enqueue_dma source(%arg17 : memref<50x44xf32, #tpu.memory_space<vmem>>) target(%dma_start3A_3511 : memref<50x44xf32, #tpu.memory_space<hbm>>) target_semaphore(%arg19 : memref<!tpu.dma_semaphore, #tpu.memory_space<semaphore_mem>>)
    }
    %scan3A_9 = arith.constant 64 : i32
    %add3A_10 = arith.constant 126 : i32
    %add3A_11 = arith.addi %mul3A_2, %add3A_10 : i32
    %add3A_12 = arith.constant 0 : i32
    %add3A_13 = arith.addi %add3A_11, %add3A_12 : i32
    %dma_wait3A = arith.constant 0 : i32
    %dma_wait3A_14 = arith.constant 0 : i32
    %dma_wait3A_15 = tpu.memref_slice %arg6[%add3A_13, %dma_wait3A, %dma_wait3A_14] : memref<4096x50x300xf32, #tpu.memory_space<hbm>> -> memref<1x50x128xf32, #tpu.memory_space<hbm>>
    %dma_wait3A_16 = tpu.memref_squeeze %dma_wait3A_15 : memref<1x50x128xf32, #tpu.memory_space<hbm>> -> memref<50x128xf32, #tpu.memory_space<hbm>>
    %dma_wait3A_17 = arith.constant 0 : i32
    %dma_wait3A_18 = arith.constant 0 : i32
    %dma_wait3A_19 = tpu.memref_slice %arg6[%add3A_13, %dma_wait3A_17, %dma_wait3A_18] : memref<4096x50x300xf32, #tpu.memory_space<hbm>> -> memref<1x50x128xf32, #tpu.memory_space<hbm>>
    %dma_wait3A_20 = tpu.memref_squeeze %dma_wait3A_19 : memref<1x50x128xf32, #tpu.memory_space<hbm>> -> memref<50x128xf32, #tpu.memory_space<hbm>>
    tpu.wait_dma2 semaphore(%arg13 : memref<!tpu.dma_semaphore, #tpu.memory_space<semaphore_mem>>) src(%arg8 : memref<50x128xf32, #tpu.memory_space<vmem>>) dst(%dma_wait3A_20 : memref<50x128xf32, #tpu.memory_space<hbm>>)
    %dma_wait3A_21 = arith.constant 0 : i32
    %dma_wait3A_22 = arith.constant 128 : i32
    %dma_wait3A_23 = tpu.memref_slice %arg6[%add3A_13, %dma_wait3A_21, %dma_wait3A_22] : memref<4096x50x300xf32, #tpu.memory_space<hbm>> -> memref<1x50x128xf32, #tpu.memory_space<hbm>>
    %dma_wait3A_24 = tpu.memref_squeeze %dma_wait3A_23 : memref<1x50x128xf32, #tpu.memory_space<hbm>> -> memref<50x128xf32, #tpu.memory_space<hbm>>
    %dma_wait3A_25 = arith.constant 0 : i32
    %dma_wait3A_26 = arith.constant 128 : i32
    %dma_wait3A_27 = tpu.memref_slice %arg6[%add3A_13, %dma_wait3A_25, %dma_wait3A_26] : memref<4096x50x300xf32, #tpu.memory_space<hbm>> -> memref<1x50x128xf32, #tpu.memory_space<hbm>>
    %dma_wait3A_28 = tpu.memref_squeeze %dma_wait3A_27 : memref<1x50x128xf32, #tpu.memory_space<hbm>> -> memref<50x128xf32, #tpu.memory_space<hbm>>
    tpu.wait_dma2 semaphore(%arg13 : memref<!tpu.dma_semaphore, #tpu.memory_space<semaphore_mem>>) src(%arg9 : memref<50x128xf32, #tpu.memory_space<vmem>>) dst(%dma_wait3A_28 : memref<50x128xf32, #tpu.memory_space<hbm>>)
    %dma_wait3A_29 = arith.constant 0 : i32
    %dma_wait3A_30 = arith.constant 256 : i32
    %dma_wait3A_31 = tpu.memref_slice %arg6[%add3A_13, %dma_wait3A_29, %dma_wait3A_30] : memref<4096x50x300xf32, #tpu.memory_space<hbm>> -> memref<1x50x44xf32, #tpu.memory_space<hbm>>
    %dma_wait3A_32 = tpu.memref_squeeze %dma_wait3A_31 : memref<1x50x44xf32, #tpu.memory_space<hbm>> -> memref<50x44xf32, #tpu.memory_space<hbm>>
    %dma_wait3A_33 = arith.constant 0 : i32
    %dma_wait3A_34 = arith.constant 256 : i32
    %dma_wait3A_35 = tpu.memref_slice %arg6[%add3A_13, %dma_wait3A_33, %dma_wait3A_34] : memref<4096x50x300xf32, #tpu.memory_space<hbm>> -> memref<1x50x44xf32, #tpu.memory_space<hbm>>
    %dma_wait3A_36 = tpu.memref_squeeze %dma_wait3A_35 : memref<1x50x44xf32, #tpu.memory_space<hbm>> -> memref<50x44xf32, #tpu.memory_space<hbm>>
    tpu.wait_dma2 semaphore(%arg13 : memref<!tpu.dma_semaphore, #tpu.memory_space<semaphore_mem>>) src(%arg11 : memref<50x44xf32, #tpu.memory_space<vmem>>) dst(%dma_wait3A_36 : memref<50x44xf32, #tpu.memory_space<hbm>>)
    %add3A_37 = arith.constant 126 : i32
    %add3A_38 = arith.addi %mul3A_2, %add3A_37 : i32
    %add3A_39 = arith.constant 1 : i32
    %add3A_40 = arith.addi %add3A_38, %add3A_39 : i32
    %dma_wait3A_41 = arith.constant 0 : i32
    %dma_wait3A_42 = arith.constant 0 : i32
    %dma_wait3A_43 = tpu.memref_slice %arg6[%add3A_40, %dma_wait3A_41, %dma_wait3A_42] : memref<4096x50x300xf32, #tpu.memory_space<hbm>> -> memref<1x50x128xf32, #tpu.memory_space<hbm>>
    %dma_wait3A_44 = tpu.memref_squeeze %dma_wait3A_43 : memref<1x50x128xf32, #tpu.memory_space<hbm>> -> memref<50x128xf32, #tpu.memory_space<hbm>>
    %dma_wait3A_45 = arith.constant 0 : i32
    %dma_wait3A_46 = arith.constant 0 : i32
    %dma_wait3A_47 = tpu.memref_slice %arg6[%add3A_40, %dma_wait3A_45, %dma_wait3A_46] : memref<4096x50x300xf32, #tpu.memory_space<hbm>> -> memref<1x50x128xf32, #tpu.memory_space<hbm>>
    %dma_wait3A_48 = tpu.memref_squeeze %dma_wait3A_47 : memref<1x50x128xf32, #tpu.memory_space<hbm>> -> memref<50x128xf32, #tpu.memory_space<hbm>>
    tpu.wait_dma2 semaphore(%arg19 : memref<!tpu.dma_semaphore, #tpu.memory_space<semaphore_mem>>) src(%arg14 : memref<50x128xf32, #tpu.memory_space<vmem>>) dst(%dma_wait3A_48 : memref<50x128xf32, #tpu.memory_space<hbm>>)
    %dma_wait3A_49 = arith.constant 0 : i32
    %dma_wait3A_50 = arith.constant 128 : i32
    %dma_wait3A_51 = tpu.memref_slice %arg6[%add3A_40, %dma_wait3A_49, %dma_wait3A_50] : memref<4096x50x300xf32, #tpu.memory_space<hbm>> -> memref<1x50x128xf32, #tpu.memory_space<hbm>>
    %dma_wait3A_52 = tpu.memref_squeeze %dma_wait3A_51 : memref<1x50x128xf32, #tpu.memory_space<hbm>> -> memref<50x128xf32, #tpu.memory_space<hbm>>
    %dma_wait3A_53 = arith.constant 0 : i32
    %dma_wait3A_54 = arith.constant 128 : i32
    %dma_wait3A_55 = tpu.memref_slice %arg6[%add3A_40, %dma_wait3A_53, %dma_wait3A_54] : memref<4096x50x300xf32, #tpu.memory_space<hbm>> -> memref<1x50x128xf32, #tpu.memory_space<hbm>>
    %dma_wait3A_56 = tpu.memref_squeeze %dma_wait3A_55 : memref<1x50x128xf32, #tpu.memory_space<hbm>> -> memref<50x128xf32, #tpu.memory_space<hbm>>
    tpu.wait_dma2 semaphore(%arg19 : memref<!tpu.dma_semaphore, #tpu.memory_space<semaphore_mem>>) src(%arg15 : memref<50x128xf32, #tpu.memory_space<vmem>>) dst(%dma_wait3A_56 : memref<50x128xf32, #tpu.memory_space<hbm>>)
    %dma_wait3A_57 = arith.constant 0 : i32
    %dma_wait3A_58 = arith.constant 256 : i32
    %dma_wait3A_59 = tpu.memref_slice %arg6[%add3A_40, %dma_wait3A_57, %dma_wait3A_58] : memref<4096x50x300xf32, #tpu.memory_space<hbm>> -> memref<1x50x44xf32, #tpu.memory_space<hbm>>
    %dma_wait3A_60 = tpu.memref_squeeze %dma_wait3A_59 : memref<1x50x44xf32, #tpu.memory_space<hbm>> -> memref<50x44xf32, #tpu.memory_space<hbm>>
    %dma_wait3A_61 = arith.constant 0 : i32
    %dma_wait3A_62 = arith.constant 256 : i32
    %dma_wait3A_63 = tpu.memref_slice %arg6[%add3A_40, %dma_wait3A_61, %dma_wait3A_62] : memref<4096x50x300xf32, #tpu.memory_space<hbm>> -> memref<1x50x44xf32, #tpu.memory_space<hbm>>
    %dma_wait3A_64 = tpu.memref_squeeze %dma_wait3A_63 : memref<1x50x44xf32, #tpu.memory_space<hbm>> -> memref<50x44xf32, #tpu.memory_space<hbm>>
    tpu.wait_dma2 semaphore(%arg19 : memref<!tpu.dma_semaphore, #tpu.memory_space<semaphore_mem>>) src(%arg17 : memref<50x44xf32, #tpu.memory_space<vmem>>) dst(%dma_wait3A_64 : memref<50x44xf32, #tpu.memory_space<hbm>>)
    return
  }
}

</mosaic_0001>

<sc_bundles>
// kernel: kernel.3.cloned.1.call-start
scs
__scs_entry_jumppad:
0x0: {  	(pc) =	sbr.rel $0x88, $3  }
0x1: {  	(tag) =	ssettag $0x0;
	lr =	simm.s32 $0x1  }
0x2: {  	[smem:$0x3F9F] =	sst lr;
	_ =	strace $0xD0000000  }
0x3: {  	_ = 	snop  }
0x4: {  	_ = 	snop  }
0x5: {  	_ = 	snop  }
0x6: {  	_ = 	snop  }
0x7: {  	_ = 	snop  }
__scs_overlays_trampoline_lowered:
0x8: {  	[smem:$0x3FAE] =	sst s0  }
0x9: {  	[smem:$0x3FAF] =	sst s1  }
0xa: {  	[smem:$0x3FB0] =	sst s2  }
0xb: {  	[smem:$0x3FB1] =	sst s3  }
0xc: {  	[smem:$0x3FB2] =	sst s4  }
0xd: {  	[smem:$0x3FB3] =	sst s5  }
0xe: {  	[smem:$0x3FB4] =	sst s6  }
0xf: {  	[smem:$0x3FB5] =	sst s7  }
0x10: {  	[smem:$0x3FB6] =	sst s8  }
0x11: {  	[smem:$0x3FB7] =	sst s9;
	s0 =	simm.s32 @!p0 $0x0  }
0x12: {  	s1 =	sld [smem:$0x3F9D];
	s0 =	simm.s32 @p0 $0x1  }
0x13: {  	[smem:$0x3FB8] =	sst s0;
	s0 =	simm.s32 @!p1 $0x0  }
0x14: {  	s2 =	sld [smem:$0x3F9C];
	s0 =	simm.s32 @p1 $0x1  }
0x15: {  	[smem:$0x3FB9] =	sst s0;
	s0 =	simm.s32 @!p2 $0x0  }
0x16: {  	s3 =	sld [smem:$0x3FDB];
	s0 =	simm.s32 @p2 $0x1  }
0x17: {  	s4 =	simm.s32 $0x1BF5;
	[smem:$0x3FBB] =	sst s0  }
0x18: {  	s0 =	sld [smem:$0x3F9E];
	_ =	swait.ge [sflag:s4], $0x0  }
0x19: {  	s7 =	sld [smem:$0x3F9F]  }
0x1a: {  	s8 =	sadd.s32 $0xFFFFE003, lr  }
0x1b: {  	s9 =	sadd.s32 $0xFFFFFEF7, lr;
	s5 =	simm.s32 $0xFFFFFFFF;
	p2 =	slt.u32 s8, $0xFFFFF086  }
0x1c: {  	p1 =	slt.u32 s9, $0xF7A;
	s5 =	simm.s32 @!p2 $0x0  }
0x1d: {  	s5 =	simm.s32 @p1 $0x1;
	p0 =	seq.s32 s7, s2  }
0x1e: {  	s7 =	smul.u32 @!p0 $0xF7A, s2;
	p2 =	seq.s32 @!p0 s5, $0x0  }
0x1f: {  	s9 =	smul.u32 $0xF7A, s1;
	s8 =	simm.s32 @!p0 $0x1BF5;
	p2 =	por !p2, p0  }
0x20: {  	[sflag:s8] =	ssyncset.s32 @!p0 $0xFFFFF086;
	s6 =	sadd.s32 @!p0 s3, s7;
	s7 =	simm.s32 @!p0 $0x108  }
0x21: {  	s3 =	sadd.s32 s3, s9;
	s6 =	sadd.s32 @!p0 $0x88, s6;
	s7 =	simm.s32 @p2 $0x1082  }
0x22: {  	[simem:s7], [sflag:s8] =	dma.local @!p0 [hbm:s6], $0xF7A  }
0x23: {  	s9 =	sor.u32 $0xD0000000, s2;
	s6 =	simm.s32 $0x108;
	_ =	swait.ge @!p0 [sflag:s8], $0x0  }
0x24: {  	s3 =	sadd.s32 $0x88, s3;
	s6 =	simm.s32 @!p1 $0x1082;
	[sflag:s4] =	ssyncset.s32 $0xFFFFF086  }
0x25: {  	[simem:s6], [sflag:s4] =	dma.local [hbm:s3], $0xF7A  }
0x26: {  	[smem:$0x3F9F] =	sst s1;
	(tag) =	ssettag s2;
	_ =	strace s9  }
0x27: {  	s1 =	sld [smem:$0x3FAF]  }
0x28: {  	s2 =	sld [smem:$0x3FB0]  }
0x29: {  	s4 =	sld [smem:$0x3FB2]  }
0x2a: {  	p0 =	seq.s32 s5, $0x0;
	s5 =	sld [smem:$0x3FB3]  }
0x2b: {  	s6 =	sld [smem:$0x3FB4]  }
0x2c: {  	s7 =	sld [smem:$0x3FB5]  }
0x2d: {  	s3 =	simm.s32 $0x108;
	s8 =	sld [smem:$0x3FB6]  }
0x2e: {  	s3 =	simm.s32 @!p0 $0x1082;
	s9 =	sld [smem:$0x3FB7]  }
0x2f: {  	lr =	sadd.s32 s0, s3;
	s0 =	sld [smem:$0x3FAE]  }
0x30: {  	s3 =	sld [smem:$0x3FB1]  }
0x31: {  	[smem:$0x3FBA] =	sst s10  }
0x32: {  	s10 =	sld [smem:$0x3FB8];
	_ =	sdelay $0x3  }
0x33: {  	p0 =	seq.s32 s10, $0x1;
	s10 =	sld [smem:$0x3FBA];
	_ =	sdelay $0x3  }
0x34: {  	[smem:$0x3FBA] =	sst s10  }
0x35: {  	s10 =	sld [smem:$0x3FB9];
	_ =	sdelay $0x3  }
0x36: {  	p1 =	seq.s32 s10, $0x1;
	s10 =	sld [smem:$0x3FBA];
	_ =	sdelay $0x3  }
0x37: {  	[smem:$0x3FBA] =	sst s10  }
0x38: {  	s10 =	sld [smem:$0x3FBB]  }
0x39: {  	_ = 	snop;
	(pc) =	sbr.ind lr, $3  }
0x3a: {  	_ = 	snop  }
0x3b: {  	_ = 	snop  }
0x3c: {  	p2 =	seq.s32 s10, $0x1;
	s10 =	sld [smem:$0x3FBA]  }
0x3d: {  	_ =	shalt  }
0x3e: {  	_ =	shalt  }
0x3f: {  	_ =	shalt  }
0x40: {  	_ =	shalt  }
0x41: {  	_ =	shalt  }
0x42: {  	_ =	shalt  }
0x43: {  	_ =	shalt  }
0x44: {  	_ =	shalt  }
0x45: {  	_ =	shalt  }
0x46: {  	_ =	shalt  }
0x47: {  	_ =	shalt  }
0x48: {  	_ =	shalt  }
0x49: {  	_ =	shalt  }
0x4a: {  	_ =	shalt  }
0x4b: {  	_ =	shalt  }
0x4c: {  	_ =	shalt  }
0x4d: {  	_ =	shalt  }
0x4e: {  	_ =	shalt  }
0x4f: {  	_ =	shalt  }
0x50: {  	_ =	shalt  }
0x51: {  	_ =	shalt  }
0x52: {  	_ =	shalt  }
0x53: {  	_ =	shalt  }
0x54: {  	_ =	shalt  }
0x55: {  	_ =	shalt  }
0x56: {  	_ =	shalt  }
0x57: {  	_ =	shalt  }
0x58: {  	_ =	shalt  }
0x59: {  	_ =	shalt  }
0x5a: {  	_ =	shalt  }
0x5b: {  	_ =	shalt  }
0x5c: {  	_ =	shalt  }
0x5d: {  	_ =	shalt  }
0x5e: {  	_ =	shalt  }
0x5f: {  	_ =	shalt  }
0x60: {  	_ =	shalt  }
0x61: {  	_ =	shalt  }
0x62: {  	_ =	shalt  }
0x63: {  	_ =	shalt  }
0x64: {  	_ =	shalt  }
0x65: {  	_ =	shalt  }
0x66: {  	_ =	shalt  }
0x67: {  	_ =	shalt  }
0x68: {  	_ =	shalt  }
0x69: {  	_ =	shalt  }
0x6a: {  	_ =	shalt  }
0x6b: {  	_ =	shalt  }
0x6c: {  	_ =	shalt  }
0x6d: {  	_ =	shalt  }
0x6e: {  	_ =	shalt  }
0x6f: {  	_ =	shalt  }
0x70: {  	_ =	shalt  }
0x71: {  	_ =	shalt  }
0x72: {  	_ =	shalt  }
0x73: {  	_ =	shalt  }
0x74: {  	_ =	shalt  }
0x75: {  	_ =	shalt  }
0x76: {  	_ =	shalt  }
0x77: {  	_ =	shalt  }
0x78: {  	_ =	shalt  }
0x79: {  	_ =	shalt  }
0x7a: {  	_ =	shalt  }
0x7b: {  	_ =	shalt  }
0x7c: {  	_ =	shalt  }
0x7d: {  	_ =	shalt  }
0x7e: {  	_ =	shalt  }
0x7f: {  	_ =	shalt  }
0x80: {  	_ =	shalt  }
0x81: {  	_ =	shalt  }
0x82: {  	_ =	shalt  }
0x83: {  	_ =	shalt  }
0x84: {  	_ =	shalt  }
0x85: {  	_ =	shalt  }
0x86: {  	_ =	shalt  }
0x87: {  	_ =	shalt  }
.Lfunc_end0:
.L_simem_size_0:
called_computation_lowered:
.L_overlay_start_0:
0x88: {  	s2 =	sld [smem:$0x3FD9]  }
0x89: {  	s3 =	sld [smem:$0x3FFE];
	_ =	sdelay $0x1  }
0x8a: {  	s1 =	srdreg.scid  }
0x8b: {  	s0 =	sand.u32 $0x1, s1  }
0x8c: {  	s17 =	sshll.u32 s0, $0xA;
	s2 =	sadd.s32 s3, s2  }
0x8d: {  	s2 =	sadd.s32 s2, s17  }
0x8e: {  	[smem:$0x3FC6] =	sst s2  }
0x8f: {  	_ = 	snop  }
0x90: {  	s2 =	sld [smem:$0x3FD0];
	(tm) =	ssettm $0x1  }
0x91: {  	s18 =	sld [smem:$0x3FFB];
	_ =	sdelay $0x3  }
0x92: {  	_ =	strace s18  }
0x93: {  	s3 =	sld [smem:$0x3FFC];
	_ =	sdelay $0x3  }
0x94: {  	_ =	strace s3  }
0x95: {  	s3 =	sld [smem:$0x3FFD];
	_ =	sdelay $0x3  }
0x96: {  	_ =	strace s3  }
0x97: {  	_ =	strace $0x8FFFFFFF  }
0x98: {  	s19 =	sld [smem:$0x3FDB];
	_ =	sdelay $0x1  }
0x99: {  	s4 =	simm.s32 $_scs_section_size  }
0x9a: {  	s5 =	simm.s32 $_size__tile_overlayer_lowered;
	s6 =	simm.s32 $_tile_overlayer_lowered  }
0x9b: {  	s22 =	simm.s32 $0x1BFF;
	s21 =	sshll.u32 s6, $0x1;
	s3 =	sadd.s32 s4, s19  }
0x9c: {  	s7 =	simm.s32 $0x0;
	s20 =	sshll.u32 s5, $0x1;
	s5 =	sadd.s32 s21, s3  }
0x9d: {  	[timem:s7], [sflag:s22] =	dma.local [hbm:s5], s20  }
0x9e: {  	_ =	swait.ge [sflag:s22], s20  }
0x9f: {  	s4 =	ssub.s32 $0x0, s20;
	[sflag:s22] =	ssyncset.done $0x0  }
0xa0: {  	[sflag:s22] =	ssyncadd.s32 s4;
	_ =	sdelay $0x1  }
0xa1: {  	s23 =	simm.s32 $0x1B8B  }
0xa2: {  	_ =	swait.ge [sflag:s23], $0x1  }
0xa3: {  	[sflag:s23] =	ssyncset.done $0x0  }
0xa4: {  	s25 =	simm.s32 $0x1B8E;
	s24 =	sld [smem:$0x3FFE];
	[sflag:s23] =	ssyncadd.s32 $0xFFFFFFFF  }
0xa5: {  	s26 =	simm.s32 $execute0_lowered;
	[smem:$0x3FD2] =	sst s25  }
0xa6: {  	s5 =	sshll.u32 s26, $0x1;
	_ =	strace $0x80000046;
	[dreg:$0x1] =	wrdreg $0xFFFFFFFF  }
0xa7: {  	s28 =	simm.s32 $_size_execute0_lowered;
	s3 =	sadd.s32 s3, s5;
	[dreg:$0x0] =	wrdreg $0x0  }
0xa8: {  	s5 =	sshll.u32 s28, $0x1;
	[dreg:$0x2] =	wrdreg s3  }
0xa9: {  	[dreg:$0x3] =	wrdreg s5  }
0xaa: {  	[dreg:$0x4] =	wrdreg $0xC0  }
0xab: {  	_ =	task [dreg:s7], $0x5FFFF  }
0xac: {  	[dreg:$0x1] =	wrdreg $0xFFFFFFFF  }
0xad: {  	[dreg:$0x0] =	wrdreg $0x60  }
0xae: {  	[dreg:$0x2] =	wrdreg s2  }
0xaf: {  	[dreg:$0x3] =	wrdreg s24  }
0xb0: {  	[dreg:$0x4] =	wrdreg $0x120000  }
0xb1: {  	[dreg:$0x5] =	wrdreg $0x13F400  }
0xb2: {  	[dreg:$0x6] =	wrdreg $0x15E800  }
0xb3: {  	[dreg:$0x7] =	wrdreg $0x9  }
0xb4: {  	_ =	task.clear_ibuf [dreg:s7], $0x8FFFF;
	_ =	strace $0x90000046  }
0xb5: {  	s29 =	simm.s32 $0x9;
	_ =	strace $0x80000048  }
0xb6: {  	_ =	swait.ge [sflag:s29], $0x1  }
0xb7: {  	[sflag:s29] =	ssyncadd.s32 $0xFFFFFFFF  }
0xb8: {  	_ =	strace $0x90000048  }
0xb9: {  	_ =	sfence  }
0xba: {  	s30 =	sld [smem:$0x0];
	_ =	sdelay $0x2  }
0xbb: {  	s31 =	sshll.u32 s1, $0xD;
	s1 =	sshrl.u32 s1, $0x2  }
0xbc: {  	s3 =	sand.u32 $0x4000, s31;
	s1 =	sadd.s32 s1, s30  }
0xbd: {  	s0 =	sor.u32 s3, s0;
	s1 =	sshll.u32 s1, $0x11  }
0xbe: {  	s0 =	sor.u32 s1, s0  }
0xbf: {  	s0 =	sadd.s32 $0x8F2B, s0  }
0xc0: {  	[sflag:s0] =	ssyncadd.remote.s32 $0x1  }
0xc1: {  	_ =	sfence.sel $0xFFFF  }
0xc2: {  	[dreg:$0x0] =	wrdreg $0xFFFFFFFF;
	(pc) =	sbr.abs _section_cstart, $3  }
0xc3: {  	[dreg:$0x1] =	wrdreg $0xFFFFFFFF  }
0xc4: {  	_ =	task.clear_ibuf [dreg:s7], $0x2FFFF;
	_ =	strace $0x9FFFFFFF  }
0xc5: {  	(tm) =	ssettm $0x7FFFFFFF  }
tec
execute0_lowered:
.L_overlay_start_1:
0x0: {  	(tag) =	ssettag $0x1  }
0x1: {  	s8 =	rddreg [dreg:$0x0]  }
0x2: {  	s9 =	rddreg [dreg:$0x1]  }
0x3: {  	s1 =	rddreg [dreg:$0x2]  }
0x4: {  	s2 =	rddreg [dreg:$0x3]  }
0x5: {  	s3 =	rddreg [dreg:$0x4];
	s4 =	simm.s32 $0x0  }
0x6: {  	s5 =	srdreg.scid;
	s10 =	stileid.u32;
	s17 =	simm.s32 $0x7800  }
0x7: {  	s18 =	simm.s32 $0xE800;
	s19 =	simm.s32 $0x5800;
	s20 =	simm.s32 $0x7400  }
0x8: {  	s31 =	simm.s32 $0xE400;
	s28 =	simm.s32 $0x0;
	[smem:$0x7FF] =	sst s4  }
0x9: {  	s11 =	sand.u32 $0x1, s5;
	s12 =	smul.u32 $0x540000, s10;
	s0 =	sadd.s32 $0x4C00, s9  }
0xa: {  	s21 =	sadd.s32 $0xC00, s9;
	s7 =	sadd.s32 $0x8C00, s9;
	s9 =	sadd.s32 $0xCC00, s9  }
0xb: {  	s24 =	sshll.u32 s10, $0xC;
	_ =	strace $0x80000047;
	[dreg:$0x13] =	wrdreg s0  }
0xc: {  	s30 =	smul.u32 $0xA8000, s10;
	p0 =	sne.s32 s10, $0x0;
	[dreg:$0x14] =	wrdreg s21  }
0xd: {  	s13 =	smul.u32 $0x2A0000, s11;
	s14 =	ssub.s32 $0x2, s11;
	[dreg:$0xb] =	wrdreg s17  }
0xe: {  	s16 =	sshll.u32 s11, $0xB;
	s11 =	smul.u32 $0x54000, s11;
	[dreg:$0xc] =	wrdreg s18  }
0xf: {  	s10 =	sshrl.u32 @!p0 s1, $0x3;
	s17 =	simm.s32 $0xB000;
	[dreg:$0xd] =	wrdreg s19  }
0x10: {  	s18 =	simm.s32 $0xCC00;
	s19 =	simm.s32 $0x1;
	[dreg:$0xe] =	wrdreg s20  }
0x11: {  	s21 =	simm.s32 $0x9400;
	s20 =	simm.s32 $0x400;
	[dreg:$0x12] =	wrdreg s31  }
0x12: {  	s15 =	sshrl.u32 s14, $0x1;
	[dreg:$0xf] =	wrdreg s21;
	s21 =	simm.s32 $0xC00  }
0x13: {  	s12 =	sadd.s32 s13, s12;
	s22 =	ssub.s32 s14, s15;
	s15 =	sor.u32 s16, s24  }
0x14: {  	s13 =	simm.s32 $0x5;
	s16 =	simm.s32 $0x5C00;
	s24 =	simm.s32 $0x11C00  }
0x15: {  	s23 =	sor.u32 $0x800, s12;
	s25 =	sshrl.u32 s12, $0x3;
	s8 =	sadd.s32 s8, s15  }
0x16: {  	s29 =	sor.u32 $0x5C00, s12;
	s12 =	sor.u32 $0x5800, s12;
	s15 =	sadd.s32 s30, s9  }
0x17: {  	s14 =	sshrl.u32 s23, $0x3;
	s26 =	sadd.s32 s25, s9;
	s12 =	sshrl.u32 s12, $0x3  }
0x18: {  	s11 =	sadd.s32 s11, s15;
	s15 =	simm.s32 $0x4000;
	s23 =	simm.s32 $0xC800  }
0x19: {  	s25 =	simm.s32 $0x2;
	s14 =	sadd.s32 s14, s9;
	[dreg:$0x7] =	wrdreg s26  }
0x1a: {  	s11 =	sadd.s32 $0xA80, s11;
	[dreg:$0x11] =	wrdreg s23;
	s23 =	simm.s32 $0x10400  }
0x1b: {  	s26 =	simm.s32 $0x4;
	[dreg:$0x6] =	wrdreg s14;
	s14 =	sshrl.u32 s29, $0x3  }
0x1c: {  	[dreg:$0xa] =	wrdreg s11;
	s11 =	sshrl.u32 @!p0 s2, $0x3;
	s14 =	sadd.s32 s14, s9  }
0x1d: {  	s9 =	sadd.s32 s12, s9;
	s12 =	sshrl.u32 @!p0 s3, $0x3;
	[dreg:$0x8] =	wrdreg s14  }
0x1e: {  	[dreg:$0x9] =	wrdreg s9;
	s9 =	smax.u32 s22, $0x1;
	s22 =	simm.s32 $0xAC00  }
0x1f: {  	s14 =	simm.s32 $0x32;
	[dreg:$0x10] =	wrdreg s22;
	s22 =	simm.s32 $0x3  }
.LBB2_1:
0x20: {  	s29 =	simm.s32 @!p0 $0x1C05;
	s0 =	rddreg [dreg:$0x13];
	s30 =	simm.s32 @!p0 $0x5  }
0x21: {  	[spmem:s10], [sflag:s29] =	dma.local @!p0 [hbm:s0], $0x3E80  }
0x22: {  	_ =	swait.ge @!p0 [sflag:s30], $0x3E80  }
0x23: {  	[sflag:s30] =	ssyncset.done @!p0 $0x0  }
0x24: {  	s0 =	rddreg [dreg:$0x14];
	[sflag:s30] =	ssyncadd.s32 @!p0 $0xFFFFC180  }
0x25: {  	[spmem:s11], [sflag:s29] =	dma.local @!p0 [hbm:s0], $0x3E80  }
0x26: {  	_ =	swait.ge @!p0 [sflag:s30], $0x3E80  }
0x27: {  	[sflag:s30] =	ssyncset.done @!p0 $0x0  }
0x28: {  	[sflag:s30] =	ssyncadd.s32 @!p0 $0xFFFFC180  }
0x29: {  	[spmem:s12], [sflag:s29] =	dma.local @!p0 [hbm:s7], $0x3E80  }
0x2a: {  	_ =	swait.ge @!p0 [sflag:s30], $0x3E80  }
0x2b: {  	[sflag:s30] =	ssyncset.done @!p0 $0x0  }
0x2c: {  	[sflag:s30] =	ssyncadd.s32 @!p0 $0xFFFFC180  }
0x2d: {  	[tilespmem:s4], [sflag:$0x5] =	stream.linear.gather [hbm4b:s8+s4], $0x4000, $0x38;
	[tilespmem:$0x17DC0] =	vst v63  }
0x2e: {  	_ =	swait.ge [sflag:s13], $0x4000  }
0x2f: {  	[sflag:s13] =	ssyncset.done $0x0  }
0x30: {  	[sflag:s13] =	ssyncadd.s32 $0xFFFFC000  }
0x31: {  	s29 =	simm.s32 $0x0;
	s30 =	simm.s32 $0x0;
	[bflag:$0x0] =	sbarrier.arrive $0xFFFF  }
.LBB2_2:
0x32: {  	p1 =	seq.s32 s30, $0x0  }
0x33: {  	s31 =	simm.s32 @!p1 $0x2  }
0x34: {  	_ =	swait.ge @!p1 [sflag:s31], $0x1900  }
0x35: {  	[sflag:s31] =	ssyncset.done @!p1 $0x0  }
0x36: {  	[sflag:s31] =	ssyncadd.s32 @!p1 $0xFFFFE700  }
0x37: {  	_ =	swait.ge @!p1 [sflag:s31], $0x1900  }
0x38: {  	[sflag:s31] =	ssyncset.done @!p1 $0x0  }
0x39: {  	[sflag:s31] =	ssyncadd.s32 @!p1 $0xFFFFE700  }
0x3a: {  	_ =	swait.ge @!p1 [sflag:s31], $0x1900  }
0x3b: {  	[sflag:s31] =	ssyncset.done @!p1 $0x0  }
0x3c: {  	[sflag:s31] =	ssyncadd.s32 @!p1 $0xFFFFE700  }
0x3d: {  	[tilespmem:s15], [sflag:$0x1] =	stream.indirect.gather [spmem:s1], $0x80, s29, s14, $0xb8;
	[tilespmem:$0x17DC0] =	vst v63  }
0x3e: {  	_ = 	snop  }
0x3f: {  	[tilespmem:s16], [sflag:$0x1] =	stream.indirect.gather [spmem:s2], $0x80, s29, s14, $0xb8;
	[tilespmem:$0x17DC0] =	vst v63  }
0x40: {  	s5 =	rddreg [dreg:$0xb];
	s31 =	simm.s32 @!p1 $0x4  }
0x41: {  	[tilespmem:s5], [sflag:$0x1] =	stream.indirect.gather [spmem:s3], $0x80, s29, s14, $0xb8;
	[tilespmem:$0x17DC0] =	vst v63  }
0x42: {  	_ =	swait.ge @!p1 [sflag:s31], $0x1900  }
0x43: {  	[sflag:s31] =	ssyncset.done @!p1 $0x0  }
0x44: {  	[sflag:s31] =	ssyncadd.s32 @!p1 $0xFFFFE700  }
0x45: {  	_ =	swait.ge @!p1 [sflag:s31], $0x1900  }
0x46: {  	[sflag:s31] =	ssyncset.done @!p1 $0x0  }
0x47: {  	[sflag:s31] =	ssyncadd.s32 @!p1 $0xFFFFE700  }
0x48: {  	_ =	swait.ge @!p1 [sflag:s31], $0x1900  }
0x49: {  	[sflag:s31] =	ssyncset.done @!p1 $0x0  }
0x4a: {  	s6 =	sadd.s32 $0x80, s29;
	[sflag:s31] =	ssyncadd.s32 @!p1 $0xFFFFE700  }
0x4b: {  	[tilespmem:s17], [sflag:$0x3] =	stream.indirect.gather [spmem:s1], $0x80, s6, s14, $0xb8;
	[tilespmem:$0x17DC0] =	vst v63  }
0x4c: {  	_ = 	snop  }
0x4d: {  	[tilespmem:s18], [sflag:$0x3] =	stream.indirect.gather [spmem:s2], $0x80, s6, s14, $0xb8;
	[tilespmem:$0x17DC0] =	vst v63  }
0x4e: {  	s0 =	rddreg [dreg:$0xc]  }
0x4f: {  	[tilespmem:s0], [sflag:$0x3] =	stream.indirect.gather [spmem:s3], $0x80, s6, s14, $0xb8;
	[tilespmem:$0x17DC0] =	vst v63  }
0x50: {  	_ =	swait.ge [sflag:s19], $0x1900  }
0x51: {  	[sflag:s19] =	ssyncset.done $0x0  }
0x52: {  	[sflag:s19] =	ssyncadd.s32 $0xFFFFE700  }
0x53: {  	_ =	swait.ge [sflag:s19], $0x1900  }
0x54: {  	[sflag:s19] =	ssyncset.done $0x0  }
0x55: {  	[sflag:s19] =	ssyncadd.s32 $0xFFFFE700  }
0x56: {  	_ =	swait.ge [sflag:s19], $0x1900  }
0x57: {  	[sflag:s19] =	ssyncset.done $0x0  }
0x58: {  	[sflag:s19] =	ssyncadd.s32 $0xFFFFE700  }
0x59: {  	v0 =	vld [tilespmem:$0x7800]  }
0x5a: {  	v1 =	vld [tilespmem:$0x7810]  }
0x5b: {  	v3 =	vld [tilespmem:$0x7880]  }
0x5c: {  	v4 =	vld [tilespmem:$0x7890]  }
0x5d: {  	v51 =	vld [tilespmem:$0x7900]  }
0x5e: {  	v52 =	vld [tilespmem:$0x7910];
	[tilespmem:$0x9400] =	vst v0  }
0x5f: {  	v54 =	vld [tilespmem:$0x7980];
	[tilespmem:$0x9410] =	vst v1  }
0x60: {  	v55 =	vld [tilespmem:$0x7990];
	[tilespmem:$0x9480] =	vst v3  }
0x61: {  	v57 =	vld [tilespmem:$0x7A00];
	[tilespmem:$0x9490] =	vst v4  }
0x62: {  	v58 =	vld [tilespmem:$0x7A10];
	[tilespmem:$0x9500] =	vst v51  }
0x63: {  	v60 =	vld [tilespmem:$0x7A80];
	[tilespmem:$0x9510] =	vst v52  }
0x64: {  	v61 =	vld [tilespmem:$0x7A90];
	[tilespmem:$0x9580] =	vst v54  }
0x65: {  	v63 =	vld [tilespmem:$0x7B00];
	[tilespmem:$0x9590] =	vst v55  }
0x66: {  	v8 =	vld [tilespmem:$0x7B10];
	[tilespmem:$0x9600] =	vst v57  }
0x67: {  	v10 =	vld [tilespmem:$0x7B80];
	[tilespmem:$0x9610] =	vst v58  }
0x68: {  	v11 =	vld [tilespmem:$0x7B90];
	[tilespmem:$0x9680] =	vst v60  }
0x69: {  	v13 =	vld [tilespmem:$0x7C00];
	[tilespmem:$0x9690] =	vst v61  }
0x6a: {  	v14 =	vld [tilespmem:$0x7C10];
	[tilespmem:$0x9700] =	vst v63  }
0x6b: {  	v16 =	vld [tilespmem:$0x7C80];
	[tilespmem:$0x9710] =	vst v8  }
0x6c: {  	v17 =	vld [tilespmem:$0x7C90];
	[tilespmem:$0x9780] =	vst v10  }
0x6d: {  	v19 =	vld [tilespmem:$0x7D00];
	[tilespmem:$0x9790] =	vst v11  }
0x6e: {  	v20 =	vld [tilespmem:$0x7D10];
	[tilespmem:$0x9800] =	vst v13  }
0x6f: {  	v22 =	vld [tilespmem:$0x7D80];
	[tilespmem:$0x9810] =	vst v14  }
0x70: {  	v23 =	vld [tilespmem:$0x7D90];
	[tilespmem:$0x9880] =	vst v16  }
0x71: {  	v25 =	vld [tilespmem:$0x7E00];
	[tilespmem:$0x9890] =	vst v17  }
0x72: {  	v26 =	vld [tilespmem:$0x7E10];
	[tilespmem:$0x9900] =	vst v19  }
0x73: {  	v28 =	vld [tilespmem:$0x7E80];
	[tilespmem:$0x9910] =	vst v20  }
0x74: {  	v29 =	vld [tilespmem:$0x7E90];
	[tilespmem:$0x9980] =	vst v22  }
0x75: {  	v31 =	vld [tilespmem:$0x7F00];
	[tilespmem:$0x9990] =	vst v23  }
0x76: {  	v32 =	vld [tilespmem:$0x7F10];
	[tilespmem:$0x9A00] =	vst v25  }
0x77: {  	v34 =	vld [tilespmem:$0x7F80];
	[tilespmem:$0x9A10] =	vst v26  }
0x78: {  	v35 =	vld [tilespmem:$0x7F90];
	[tilespmem:$0x9A80] =	vst v28  }
0x79: {  	v37 =	vld [tilespmem:$0x8000];
	[tilespmem:$0x9A90] =	vst v29  }
0x7a: {  	v38 =	vld [tilespmem:$0x8010];
	[tilespmem:$0x9B00] =	vst v31  }
0x7b: {  	v40 =	vld [tilespmem:$0x8080];
	[tilespmem:$0x9B10] =	vst v32  }
0x7c: {  	v41 =	vld [tilespmem:$0x8090];
	[tilespmem:$0x9B80] =	vst v34  }
0x7d: {  	v43 =	vld [tilespmem:$0x8100];
	[tilespmem:$0x9B90] =	vst v35  }
0x7e: {  	v44 =	vld [tilespmem:$0x8110];
	[tilespmem:$0x9C00] =	vst v37  }
0x7f: {  	v46 =	vld [tilespmem:$0x8180];
	[tilespmem:$0x9C10] =	vst v38  }
0x80: {  	v47 =	vld [tilespmem:$0x8190];
	[tilespmem:$0x9C80] =	vst v40  }
0x81: {  	v49 =	vld [tilespmem:$0x8200];
	[tilespmem:$0x9C90] =	vst v41  }
0x82: {  	v2 =	vld [tilespmem:$0x781C];
	[tilespmem:$0x9D00] =	vst v43  }
0x83: {  	v50 =	vld [tilespmem:$0x789C];
	[tilespmem:$0x9D10] =	vst v44  }
0x84: {  	v53 =	vld [tilespmem:$0x791C];
	[tilespmem:$0x9D80] =	vst v46  }
0x85: {  	v56 =	vld [tilespmem:$0x799C];
	[tilespmem:$0x9D90] =	vst v47  }
0x86: {  	v59 =	vld [tilespmem:$0x7A1C];
	[tilespmem:$0x9E00] =	vst v49  }
0x87: {  	v62 =	vld [tilespmem:$0x7A9C];
	[tilespmem:$0x941C] =	vst v2  }
0x88: {  	v9 =	vld [tilespmem:$0x7B1C];
	[tilespmem:$0x949C] =	vst v50  }
0x89: {  	v12 =	vld [tilespmem:$0x7B9C];
	[tilespmem:$0x951C] =	vst v53  }
0x8a: {  	v15 =	vld [tilespmem:$0x7C1C];
	[tilespmem:$0x959C] =	vst v56  }
0x8b: {  	v18 =	vld [tilespmem:$0x7C9C];
	[tilespmem:$0x961C] =	vst v59  }
0x8c: {  	v21 =	vld [tilespmem:$0x7D1C];
	[tilespmem:$0x969C] =	vst v62  }
0x8d: {  	v24 =	vld [tilespmem:$0x7D9C];
	[tilespmem:$0x971C] =	vst v9  }
0x8e: {  	v27 =	vld [tilespmem:$0x7E1C];
	[tilespmem:$0x979C] =	vst v12  }
0x8f: {  	v30 =	vld [tilespmem:$0x7E9C];
	[tilespmem:$0x981C] =	vst v15  }
0x90: {  	v33 =	vld [tilespmem:$0x7F1C];
	[tilespmem:$0x989C] =	vst v18  }
0x91: {  	v36 =	vld [tilespmem:$0x7F9C];
	[tilespmem:$0x991C] =	vst v21  }
0x92: {  	v39 =	vld [tilespmem:$0x801C];
	[tilespmem:$0x999C] =	vst v24  }
0x93: {  	v42 =	vld [tilespmem:$0x809C];
	[tilespmem:$0x9A1C] =	vst v27  }
0x94: {  	v45 =	vld [tilespmem:$0x811C];
	[tilespmem:$0x9A9C] =	vst v30  }
0x95: {  	v48 =	vld [tilespmem:$0x819C];
	[tilespmem:$0x9B1C] =	vst v33  }
0x96: {  	v52 =	vld [tilespmem:$0x8280];
	[tilespmem:$0x9B9C] =	vst v36  }
0x97: {  	[tilespmem:$0x9C1C] =	vst v39;
	v50 =	vld [tilespmem:$0x8210]  }
0x98: {  	v51 =	vld [tilespmem:$0x821C];
	[tilespmem:$0x9C9C] =	vst v42  }
0x99: {  	[tilespmem:$0x9D1C] =	vst v45;
	v53 =	vld [tilespmem:$0x8290]  }
0x9a: {  	[tilespmem:$0x9D9C] =	vst v48  }
0x9b: {  	[tilespmem:$0x9E80] =	vst v52  }
0x9c: {  	[tilespmem:$0x9E10] =	vst v50  }
0x9d: {  	[tilespmem:$0x9E1C] =	vst v51  }
0x9e: {  	[tilespmem:$0x9E90] =	vst v53  }
0x9f: {  	v54 =	vld [tilespmem:$0x829C]  }
0xa0: {  	v55 =	vld [tilespmem:$0x8300]  }
0xa1: {  	v56 =	vld [tilespmem:$0x8310]  }
0xa2: {  	v4 =	vld [tilespmem:$0x8380]  }
0xa3: {  	v58 =	vld [tilespmem:$0x8390]  }
0xa4: {  	v60 =	vld [tilespmem:$0x8400];
	[tilespmem:$0x9E9C] =	vst v54  }
0xa5: {  	v61 =	vld [tilespmem:$0x8410];
	[tilespmem:$0x9F00] =	vst v55  }
0xa6: {  	v63 =	vld [tilespmem:$0x8480];
	[tilespmem:$0x9F10] =	vst v56  }
0xa7: {  	v8 =	vld [tilespmem:$0x8490];
	[tilespmem:$0x9F80] =	vst v4  }
0xa8: {  	v10 =	vld [tilespmem:$0x8500];
	[tilespmem:$0x9F90] =	vst v58  }
0xa9: {  	v11 =	vld [tilespmem:$0x8510];
	[tilespmem:$0xA000] =	vst v60  }
0xaa: {  	v13 =	vld [tilespmem:$0x8580];
	[tilespmem:$0xA010] =	vst v61  }
0xab: {  	v14 =	vld [tilespmem:$0x8590];
	[tilespmem:$0xA080] =	vst v63  }
0xac: {  	v16 =	vld [tilespmem:$0x8600];
	[tilespmem:$0xA090] =	vst v8  }
0xad: {  	v17 =	vld [tilespmem:$0x8610];
	[tilespmem:$0xA100] =	vst v10  }
0xae: {  	v19 =	vld [tilespmem:$0x8680];
	[tilespmem:$0xA110] =	vst v11  }
0xaf: {  	v20 =	vld [tilespmem:$0x8690];
	[tilespmem:$0xA180] =	vst v13  }
0xb0: {  	v22 =	vld [tilespmem:$0x8700];
	[tilespmem:$0xA190] =	vst v14  }
0xb1: {  	v23 =	vld [tilespmem:$0x8710];
	[tilespmem:$0xA200] =	vst v16  }
0xb2: {  	v25 =	vld [tilespmem:$0x8780];
	[tilespmem:$0xA210] =	vst v17  }
0xb3: {  	v26 =	vld [tilespmem:$0x8790];
	[tilespmem:$0xA280] =	vst v19  }
0xb4: {  	v28 =	vld [tilespmem:$0x8800];
	[tilespmem:$0xA290] =	vst v20  }
0xb5: {  	v29 =	vld [tilespmem:$0x8810];
	[tilespmem:$0xA300] =	vst v22  }
0xb6: {  	v31 =	vld [tilespmem:$0x8880];
	[tilespmem:$0xA310] =	vst v23  }
0xb7: {  	v32 =	vld [tilespmem:$0x8890];
	[tilespmem:$0xA380] =	vst v25  }
0xb8: {  	v34 =	vld [tilespmem:$0x8900];
	[tilespmem:$0xA390] =	vst v26  }
0xb9: {  	v35 =	vld [tilespmem:$0x8910];
	[tilespmem:$0xA400] =	vst v28  }
0xba: {  	v37 =	vld [tilespmem:$0x8980];
	[tilespmem:$0xA410] =	vst v29  }
0xbb: {  	v38 =	vld [tilespmem:$0x8990];
	[tilespmem:$0xA480] =	vst v31  }
0xbc: {  	v40 =	vld [tilespmem:$0x8A00];
	[tilespmem:$0xA490] =	vst v32  }
0xbd: {  	v41 =	vld [tilespmem:$0x8A10];
	[tilespmem:$0xA500] =	vst v34  }
0xbe: {  	v43 =	vld [tilespmem:$0x8A80];
	[tilespmem:$0xA510] =	vst v35  }
0xbf: {  	v44 =	vld [tilespmem:$0x8A90];
	[tilespmem:$0xA580] =	vst v37  }
0xc0: {  	v46 =	vld [tilespmem:$0x8B00];
	[tilespmem:$0xA590] =	vst v38  }
0xc1: {  	v47 =	vld [tilespmem:$0x8B10];
	[tilespmem:$0xA600] =	vst v40  }
0xc2: {  	v49 =	vld [tilespmem:$0x8B80];
	[tilespmem:$0xA610] =	vst v41  }
0xc3: {  	v50 =	vld [tilespmem:$0x8B90];
	[tilespmem:$0xA680] =	vst v43  }
0xc4: {  	v52 =	vld [tilespmem:$0x8C00];
	[tilespmem:$0xA690] =	vst v44  }
0xc5: {  	v53 =	vld [tilespmem:$0x8C10];
	[tilespmem:$0xA700] =	vst v46  }
0xc6: {  	v57 =	vld [tilespmem:$0x831C];
	[tilespmem:$0xA710] =	vst v47  }
0xc7: {  	v59 =	vld [tilespmem:$0x839C];
	[tilespmem:$0xA780] =	vst v49  }
0xc8: {  	v62 =	vld [tilespmem:$0x841C];
	[tilespmem:$0xA790] =	vst v50  }
0xc9: {  	v9 =	vld [tilespmem:$0x849C];
	[tilespmem:$0xA800] =	vst v52  }
0xca: {  	v12 =	vld [tilespmem:$0x851C];
	[tilespmem:$0xA810] =	vst v53  }
0xcb: {  	v15 =	vld [tilespmem:$0x859C];
	[tilespmem:$0x9F1C] =	vst v57  }
0xcc: {  	v18 =	vld [tilespmem:$0x861C];
	[tilespmem:$0x9F9C] =	vst v59  }
0xcd: {  	v21 =	vld [tilespmem:$0x869C];
	[tilespmem:$0xA01C] =	vst v62  }
0xce: {  	v24 =	vld [tilespmem:$0x871C];
	[tilespmem:$0xA09C] =	vst v9  }
0xcf: {  	v27 =	vld [tilespmem:$0x879C];
	[tilespmem:$0xA11C] =	vst v12  }
0xd0: {  	v30 =	vld [tilespmem:$0x881C];
	[tilespmem:$0xA19C] =	vst v15  }
0xd1: {  	v33 =	vld [tilespmem:$0x889C];
	[tilespmem:$0xA21C] =	vst v18  }
0xd2: {  	v36 =	vld [tilespmem:$0x891C];
	[tilespmem:$0xA29C] =	vst v21  }
0xd3: {  	v39 =	vld [tilespmem:$0x899C];
	[tilespmem:$0xA31C] =	vst v24  }
0xd4: {  	v42 =	vld [tilespmem:$0x8A1C];
	[tilespmem:$0xA39C] =	vst v27  }
0xd5: {  	v45 =	vld [tilespmem:$0x8A9C];
	[tilespmem:$0xA41C] =	vst v30  }
0xd6: {  	v48 =	vld [tilespmem:$0x8B1C];
	[tilespmem:$0xA49C] =	vst v33  }
0xd7: {  	v51 =	vld [tilespmem:$0x8B9C];
	[tilespmem:$0xA51C] =	vst v36  }
0xd8: {  	v54 =	vld [tilespmem:$0x8C1C];
	[tilespmem:$0xA59C] =	vst v39  }
0xd9: {  	v55 =	vld [tilespmem:$0x8C80];
	[tilespmem:$0xA61C] =	vst v42  }
0xda: {  	v56 =	vld [tilespmem:$0x8C90];
	[tilespmem:$0xA69C] =	vst v45  }
0xdb: {  	v58 =	vld [tilespmem:$0x8D00];
	[tilespmem:$0xA71C] =	vst v48  }
0xdc: {  	v61 =	vld [tilespmem:$0x8D80];
	[tilespmem:$0xA79C] =	vst v51  }
0xdd: {  	v8 =	vld [tilespmem:$0x8E00];
	[tilespmem:$0xA81C] =	vst v54  }
0xde: {  	v11 =	vld [tilespmem:$0x8E80];
	[tilespmem:$0xA880] =	vst v55  }
0xdf: {  	v14 =	vld [tilespmem:$0x8F00];
	[tilespmem:$0xA890] =	vst v56  }
0xe0: {  	v17 =	vld [tilespmem:$0x8F80];
	[tilespmem:$0xA900] =	vst v58  }
0xe1: {  	v20 =	vld [tilespmem:$0x9000];
	[tilespmem:$0xA980] =	vst v61  }
0xe2: {  	v23 =	vld [tilespmem:$0x9080];
	[tilespmem:$0xAA00] =	vst v8  }
0xe3: {  	v57 =	vld [tilespmem:$0x8C9C];
	[tilespmem:$0xAA80] =	vst v11  }
0xe4: {  	v59 =	vld [tilespmem:$0x8D10];
	[tilespmem:$0xAB00] =	vst v14  }
0xe5: {  	v62 =	vld [tilespmem:$0x8D90];
	[tilespmem:$0xAB80] =	vst v17  }
0xe6: {  	v9 =	vld [tilespmem:$0x8E10];
	[tilespmem:$0xAC00] =	vst v20  }
0xe7: {  	v12 =	vld [tilespmem:$0x8E90];
	[tilespmem:$0xAC80] =	vst v23  }
0xe8: {  	v15 =	vld [tilespmem:$0x8F10];
	[tilespmem:$0xA89C] =	vst v57  }
0xe9: {  	v18 =	vld [tilespmem:$0x8F90];
	[tilespmem:$0xA910] =	vst v59  }
0xea: {  	v21 =	vld [tilespmem:$0x9010];
	[tilespmem:$0xA990] =	vst v62  }
0xeb: {  	v24 =	vld [tilespmem:$0x9090];
	[tilespmem:$0xAA10] =	vst v9  }
0xec: {  	v60 =	vld [tilespmem:$0x8D1C];
	[tilespmem:$0xAA90] =	vst v12  }
0xed: {  	v63 =	vld [tilespmem:$0x8D9C];
	[tilespmem:$0xAB10] =	vst v15  }
0xee: {  	v10 =	vld [tilespmem:$0x8E1C];
	[tilespmem:$0xAB90] =	vst v18  }
0xef: {  	v13 =	vld [tilespmem:$0x8E9C];
	[tilespmem:$0xAC10] =	vst v21  }
0xf0: {  	v16 =	vld [tilespmem:$0x8F1C];
	[tilespmem:$0xAC90] =	vst v24  }
0xf1: {  	v19 =	vld [tilespmem:$0x8F9C];
	[tilespmem:$0xA91C] =	vst v60  }
0xf2: {  	v22 =	vld [tilespmem:$0x901C];
	[tilespmem:$0xA99C] =	vst v63  }
0xf3: {  	v25 =	vld [tilespmem:$0x909C];
	[tilespmem:$0xAA1C] =	vst v10  }
0xf4: {  	[tilespmem:$0xAA9C] =	vst v13  }
0xf5: {  	[tilespmem:$0xAB1C] =	vst v16  }
0xf6: {  	[tilespmem:$0xAB9C] =	vst v19  }
0xf7: {  	s5 =	rddreg [dreg:$0x7];
	[tilespmem:$0xAC1C] =	vst v22  }
0xf8: {  	s0 =	sadd.s32 s30, s5;
	[tilespmem:$0xAC9C] =	vst v25  }
0xf9: {  	[hbm4b:s0+s20] =	stream.strided.scatter [tilespmem:s15], [sflag:$0x2], $0x1800, s21, s20, $0x38;
	[tilespmem:$0x17DC0] =	vst v63  }
0xfa: {  	s6 =	rddreg [dreg:$0xd];
	s5 =	sadd.s32 $0x900, s0  }
0xfb: {  	[hbm4b:s5+s4] =	stream.linear.scatter [tilespmem:s6], [sflag:$0x2], $0x100, $0x38;
	[tilespmem:$0x17DC0] =	vst v63  }
0xfc: {  	s31 =	sadd.s32 $0x80, s0;
	s5 =	rddreg [dreg:$0xe]  }
0xfd: {  	[hbm4b:s31+s20] =	stream.strided.scatter [tilespmem:s16], [sflag:$0x2], $0x1800, s21, s20, $0x38;
	[tilespmem:$0x17DC0] =	vst v63  }
0xfe: {  	s0 =	sadd.s32 $0x980, s0;
	s31 =	rddreg [dreg:$0x6]  }
0xff: {  	[hbm4b:s0+s4] =	stream.linear.scatter [tilespmem:s5], [sflag:$0x2], $0x100, $0x38;
	[tilespmem:$0x17DC0] =	vst v63  }
0x100: {  	s6 =	rddreg [dreg:$0xf];
	s5 =	sadd.s32 s30, s31  }
0x101: {  	[hbm4b:s5+s20] =	stream.strided.scatter [tilespmem:s6], [sflag:$0x2], $0x1800, s21, s20, $0x38;
	[tilespmem:$0x17DC0] =	vst v63  }
0x102: {  	s31 =	rddreg [dreg:$0x10];
	s0 =	sadd.s32 $0x900, s5  }
0x103: {  	[hbm4b:s0+s4] =	stream.linear.scatter [tilespmem:s31], [sflag:$0x2], $0x100, $0x38;
	[tilespmem:$0x17DC0] =	vst v63  }
0x104: {  	_ =	swait.ge [sflag:s22], $0x1900  }
0x105: {  	[sflag:s22] =	ssyncset.done $0x0  }
0x106: {  	[sflag:s22] =	ssyncadd.s32 $0xFFFFE700  }
0x107: {  	_ =	swait.ge [sflag:s22], $0x1900  }
0x108: {  	[sflag:s22] =	ssyncset.done $0x0  }
0x109: {  	[sflag:s22] =	ssyncadd.s32 $0xFFFFE700  }
0x10a: {  	_ =	swait.ge [sflag:s22], $0x1900  }
0x10b: {  	[sflag:s22] =	ssyncset.done $0x0  }
0x10c: {  	[sflag:s22] =	ssyncadd.s32 $0xFFFFE700  }
0x10d: {  	v26 =	vld [tilespmem:$0xE800]  }
0x10e: {  	v27 =	vld [tilespmem:$0xE810]  }
0x10f: {  	v29 =	vld [tilespmem:$0xE880]  }
0x110: {  	v30 =	vld [tilespmem:$0xE890]  }
0x111: {  	v32 =	vld [tilespmem:$0xE900]  }
0x112: {  	v33 =	vld [tilespmem:$0xE910];
	[tilespmem:$0x10400] =	vst v26  }
0x113: {  	v35 =	vld [tilespmem:$0xE980];
	[tilespmem:$0x10410] =	vst v27  }
0x114: {  	v36 =	vld [tilespmem:$0xE990];
	[tilespmem:$0x10480] =	vst v29  }
0x115: {  	v38 =	vld [tilespmem:$0xEA00];
	[tilespmem:$0x10490] =	vst v30  }
0x116: {  	v39 =	vld [tilespmem:$0xEA10];
	[tilespmem:$0x10500] =	vst v32  }
0x117: {  	v41 =	vld [tilespmem:$0xEA80];
	[tilespmem:$0x10510] =	vst v33  }
0x118: {  	v42 =	vld [tilespmem:$0xEA90];
	[tilespmem:$0x10580] =	vst v35  }
0x119: {  	v44 =	vld [tilespmem:$0xEB00];
	[tilespmem:$0x10590] =	vst v36  }
0x11a: {  	v45 =	vld [tilespmem:$0xEB10];
	[tilespmem:$0x10600] =	vst v38  }
0x11b: {  	v47 =	vld [tilespmem:$0xEB80];
	[tilespmem:$0x10610] =	vst v39  }
0x11c: {  	v48 =	vld [tilespmem:$0xEB90];
	[tilespmem:$0x10680] =	vst v41  }
0x11d: {  	v50 =	vld [tilespmem:$0xEC00];
	[tilespmem:$0x10690] =	vst v42  }
0x11e: {  	v51 =	vld [tilespmem:$0xEC10];
	[tilespmem:$0x10700] =	vst v44  }
0x11f: {  	v53 =	vld [tilespmem:$0xEC80];
	[tilespmem:$0x10710] =	vst v45  }
0x120: {  	v54 =	vld [tilespmem:$0xEC90];
	[tilespmem:$0x10780] =	vst v47  }
0x121: {  	v56 =	vld [tilespmem:$0xED00];
	[tilespmem:$0x10790] =	vst v48  }
0x122: {  	v57 =	vld [tilespmem:$0xED10];
	[tilespmem:$0x10800] =	vst v50  }
0x123: {  	v59 =	vld [tilespmem:$0xED80];
	[tilespmem:$0x10810] =	vst v51  }
0x124: {  	v60 =	vld [tilespmem:$0xED90];
	[tilespmem:$0x10880] =	vst v53  }
0x125: {  	v62 =	vld [tilespmem:$0xEE00];
	[tilespmem:$0x10890] =	vst v54  }
0x126: {  	v63 =	vld [tilespmem:$0xEE10];
	[tilespmem:$0x10900] =	vst v56  }
0x127: {  	v9 =	vld [tilespmem:$0xEE80];
	[tilespmem:$0x10910] =	vst v57  }
0x128: {  	v10 =	vld [tilespmem:$0xEE90];
	[tilespmem:$0x10980] =	vst v59  }
0x129: {  	v12 =	vld [tilespmem:$0xEF00];
	[tilespmem:$0x10990] =	vst v60  }
0x12a: {  	v13 =	vld [tilespmem:$0xEF10];
	[tilespmem:$0x10A00] =	vst v62  }
0x12b: {  	v15 =	vld [tilespmem:$0xEF80];
	[tilespmem:$0x10A10] =	vst v63  }
0x12c: {  	v16 =	vld [tilespmem:$0xEF90];
	[tilespmem:$0x10A80] =	vst v9  }
0x12d: {  	v18 =	vld [tilespmem:$0xF000];
	[tilespmem:$0x10A90] =	vst v10  }
0x12e: {  	v19 =	vld [tilespmem:$0xF010];
	[tilespmem:$0x10B00] =	vst v12  }
0x12f: {  	v21 =	vld [tilespmem:$0xF080];
	[tilespmem:$0x10B10] =	vst v13  }
0x130: {  	v22 =	vld [tilespmem:$0xF090];
	[tilespmem:$0x10B80] =	vst v15  }
0x131: {  	v24 =	vld [tilespmem:$0xF100];
	[tilespmem:$0x10B90] =	vst v16  }
0x132: {  	v25 =	vld [tilespmem:$0xF110];
	[tilespmem:$0x10C00] =	vst v18  }
0x133: {  	v28 =	vld [tilespmem:$0xE81C];
	[tilespmem:$0x10C10] =	vst v19  }
0x134: {  	v31 =	vld [tilespmem:$0xE89C];
	[tilespmem:$0x10C80] =	vst v21  }
0x135: {  	v34 =	vld [tilespmem:$0xE91C];
	[tilespmem:$0x10C90] =	vst v22  }
0x136: {  	v37 =	vld [tilespmem:$0xE99C];
	[tilespmem:$0x10D00] =	vst v24  }
0x137: {  	v40 =	vld [tilespmem:$0xEA1C];
	[tilespmem:$0x10D10] =	vst v25  }
0x138: {  	v43 =	vld [tilespmem:$0xEA9C];
	[tilespmem:$0x1041C] =	vst v28  }
0x139: {  	v46 =	vld [tilespmem:$0xEB1C];
	[tilespmem:$0x1049C] =	vst v31  }
0x13a: {  	v49 =	vld [tilespmem:$0xEB9C];
	[tilespmem:$0x1051C] =	vst v34  }
0x13b: {  	v52 =	vld [tilespmem:$0xEC1C];
	[tilespmem:$0x1059C] =	vst v37  }
0x13c: {  	v55 =	vld [tilespmem:$0xEC9C];
	[tilespmem:$0x1061C] =	vst v40  }
0x13d: {  	v58 =	vld [tilespmem:$0xED1C];
	[tilespmem:$0x1069C] =	vst v43  }
0x13e: {  	v61 =	vld [tilespmem:$0xED9C];
	[tilespmem:$0x1071C] =	vst v46  }
0x13f: {  	v8 =	vld [tilespmem:$0xEE1C];
	[tilespmem:$0x1079C] =	vst v49  }
0x140: {  	v11 =	vld [tilespmem:$0xEE9C];
	[tilespmem:$0x1081C] =	vst v52  }
0x141: {  	v14 =	vld [tilespmem:$0xEF1C];
	[tilespmem:$0x1089C] =	vst v55  }
0x142: {  	v17 =	vld [tilespmem:$0xEF9C];
	[tilespmem:$0x1091C] =	vst v58  }
0x143: {  	v20 =	vld [tilespmem:$0xF01C];
	[tilespmem:$0x1099C] =	vst v61  }
0x144: {  	v23 =	vld [tilespmem:$0xF09C];
	[tilespmem:$0x10A1C] =	vst v8  }
0x145: {  	v26 =	vld [tilespmem:$0xF11C];
	[tilespmem:$0x10A9C] =	vst v11  }
0x146: {  	v27 =	vld [tilespmem:$0xF180];
	[tilespmem:$0x10B1C] =	vst v14  }
0x147: {  	v30 =	vld [tilespmem:$0xF200];
	[tilespmem:$0x10B9C] =	vst v17  }
0x148: {  	v33 =	vld [tilespmem:$0xF280];
	[tilespmem:$0x10C1C] =	vst v20  }
0x149: {  	v36 =	vld [tilespmem:$0xF300];
	[tilespmem:$0x10C9C] =	vst v23  }
0x14a: {  	v39 =	vld [tilespmem:$0xF380];
	[tilespmem:$0x10D1C] =	vst v26  }
0x14b: {  	v42 =	vld [tilespmem:$0xF400];
	[tilespmem:$0x10D80] =	vst v27  }
0x14c: {  	v45 =	vld [tilespmem:$0xF480];
	[tilespmem:$0x10E00] =	vst v30  }
0x14d: {  	v48 =	vld [tilespmem:$0xF500];
	[tilespmem:$0x10E80] =	vst v33  }
0x14e: {  	v51 =	vld [tilespmem:$0xF580];
	[tilespmem:$0x10F00] =	vst v36  }
0x14f: {  	v54 =	vld [tilespmem:$0xF600];
	[tilespmem:$0x10F80] =	vst v39  }
0x150: {  	v57 =	vld [tilespmem:$0xF680];
	[tilespmem:$0x11000] =	vst v42  }
0x151: {  	v60 =	vld [tilespmem:$0xF700];
	[tilespmem:$0x11080] =	vst v45  }
0x152: {  	v63 =	vld [tilespmem:$0xF780];
	[tilespmem:$0x11100] =	vst v48  }
0x153: {  	v10 =	vld [tilespmem:$0xF800];
	[tilespmem:$0x11180] =	vst v51  }
0x154: {  	v13 =	vld [tilespmem:$0xF880];
	[tilespmem:$0x11200] =	vst v54  }
0x155: {  	v16 =	vld [tilespmem:$0xF900];
	[tilespmem:$0x11280] =	vst v57  }
0x156: {  	v19 =	vld [tilespmem:$0xF980];
	[tilespmem:$0x11300] =	vst v60  }
0x157: {  	v22 =	vld [tilespmem:$0xFA00];
	[tilespmem:$0x11380] =	vst v63  }
0x158: {  	v25 =	vld [tilespmem:$0xFA80];
	[tilespmem:$0x11400] =	vst v10  }
0x159: {  	v28 =	vld [tilespmem:$0xF190];
	[tilespmem:$0x11480] =	vst v13  }
0x15a: {  	v31 =	vld [tilespmem:$0xF210];
	[tilespmem:$0x11500] =	vst v16  }
0x15b: {  	v34 =	vld [tilespmem:$0xF290];
	[tilespmem:$0x11580] =	vst v19  }
0x15c: {  	v37 =	vld [tilespmem:$0xF310];
	[tilespmem:$0x11600] =	vst v22  }
0x15d: {  	v40 =	vld [tilespmem:$0xF390];
	[tilespmem:$0x11680] =	vst v25  }
0x15e: {  	v43 =	vld [tilespmem:$0xF410];
	[tilespmem:$0x10D90] =	vst v28  }
0x15f: {  	v46 =	vld [tilespmem:$0xF490];
	[tilespmem:$0x10E10] =	vst v31  }
0x160: {  	v49 =	vld [tilespmem:$0xF510];
	[tilespmem:$0x10E90] =	vst v34  }
0x161: {  	v52 =	vld [tilespmem:$0xF590];
	[tilespmem:$0x10F10] =	vst v37  }
0x162: {  	v55 =	vld [tilespmem:$0xF610];
	[tilespmem:$0x10F90] =	vst v40  }
0x163: {  	v58 =	vld [tilespmem:$0xF690];
	[tilespmem:$0x11010] =	vst v43  }
0x164: {  	v61 =	vld [tilespmem:$0xF710];
	[tilespmem:$0x11090] =	vst v46  }
0x165: {  	v8 =	vld [tilespmem:$0xF790];
	[tilespmem:$0x11110] =	vst v49  }
0x166: {  	v11 =	vld [tilespmem:$0xF810];
	[tilespmem:$0x11190] =	vst v52  }
0x167: {  	v14 =	vld [tilespmem:$0xF890];
	[tilespmem:$0x11210] =	vst v55  }
0x168: {  	v17 =	vld [tilespmem:$0xF910];
	[tilespmem:$0x11290] =	vst v58  }
0x169: {  	v20 =	vld [tilespmem:$0xF990];
	[tilespmem:$0x11310] =	vst v61  }
0x16a: {  	v23 =	vld [tilespmem:$0xFA10];
	[tilespmem:$0x11390] =	vst v8  }
0x16b: {  	v29 =	vld [tilespmem:$0xF19C];
	[tilespmem:$0x11410] =	vst v11  }
0x16c: {  	v32 =	vld [tilespmem:$0xF21C];
	[tilespmem:$0x11490] =	vst v14  }
0x16d: {  	v35 =	vld [tilespmem:$0xF29C];
	[tilespmem:$0x11510] =	vst v17  }
0x16e: {  	v38 =	vld [tilespmem:$0xF31C];
	[tilespmem:$0x11590] =	vst v20  }
0x16f: {  	v41 =	vld [tilespmem:$0xF39C];
	[tilespmem:$0x11610] =	vst v23  }
0x170: {  	v44 =	vld [tilespmem:$0xF41C];
	[tilespmem:$0x10D9C] =	vst v29  }
0x171: {  	v47 =	vld [tilespmem:$0xF49C];
	[tilespmem:$0x10E1C] =	vst v32  }
0x172: {  	v50 =	vld [tilespmem:$0xF51C];
	[tilespmem:$0x10E9C] =	vst v35  }
0x173: {  	v53 =	vld [tilespmem:$0xF59C];
	[tilespmem:$0x10F1C] =	vst v38  }
0x174: {  	v56 =	vld [tilespmem:$0xF61C];
	[tilespmem:$0x10F9C] =	vst v41  }
0x175: {  	v59 =	vld [tilespmem:$0xF69C];
	[tilespmem:$0x1101C] =	vst v44  }
0x176: {  	v62 =	vld [tilespmem:$0xF71C];
	[tilespmem:$0x1109C] =	vst v47  }
0x177: {  	v9 =	vld [tilespmem:$0xF79C];
	[tilespmem:$0x1111C] =	vst v50  }
0x178: {  	v12 =	vld [tilespmem:$0xF81C];
	[tilespmem:$0x1119C] =	vst v53  }
0x179: {  	v15 =	vld [tilespmem:$0xF89C];
	[tilespmem:$0x1121C] =	vst v56  }
0x17a: {  	v18 =	vld [tilespmem:$0xF91C];
	[tilespmem:$0x1129C] =	vst v59  }
0x17b: {  	v21 =	vld [tilespmem:$0xF99C];
	[tilespmem:$0x1131C] =	vst v62  }
0x17c: {  	v24 =	vld [tilespmem:$0xFA1C];
	[tilespmem:$0x1139C] =	vst v9  }
0x17d: {  	v26 =	vld [tilespmem:$0xFA90];
	[tilespmem:$0x1141C] =	vst v12  }
0x17e: {  	v27 =	vld [tilespmem:$0xFA9C];
	[tilespmem:$0x1149C] =	vst v15  }
0x17f: {  	v28 =	vld [tilespmem:$0xFB00];
	[tilespmem:$0x1151C] =	vst v18  }
0x180: {  	v31 =	vld [tilespmem:$0xFB80];
	[tilespmem:$0x1159C] =	vst v21  }
0x181: {  	v34 =	vld [tilespmem:$0xFC00];
	[tilespmem:$0x1161C] =	vst v24  }
0x182: {  	v37 =	vld [tilespmem:$0xFC80];
	[tilespmem:$0x11690] =	vst v26  }
0x183: {  	v40 =	vld [tilespmem:$0xFD00];
	[tilespmem:$0x1169C] =	vst v27  }
0x184: {  	v43 =	vld [tilespmem:$0xFD80];
	[tilespmem:$0x11700] =	vst v28  }
0x185: {  	v46 =	vld [tilespmem:$0xFE00];
	[tilespmem:$0x11780] =	vst v31  }
0x186: {  	v49 =	vld [tilespmem:$0xFE80];
	[tilespmem:$0x11800] =	vst v34  }
0x187: {  	v52 =	vld [tilespmem:$0xFF00];
	[tilespmem:$0x11880] =	vst v37  }
0x188: {  	v55 =	vld [tilespmem:$0xFF80];
	[tilespmem:$0x11900] =	vst v40  }
0x189: {  	v58 =	vld [tilespmem:$0x10000];
	[tilespmem:$0x11980] =	vst v43  }
0x18a: {  	v61 =	vld [tilespmem:$0x10080];
	[tilespmem:$0x11A00] =	vst v46  }
0x18b: {  	v29 =	vld [tilespmem:$0xFB10];
	[tilespmem:$0x11A80] =	vst v49  }
0x18c: {  	v32 =	vld [tilespmem:$0xFB90];
	[tilespmem:$0x11B00] =	vst v52  }
0x18d: {  	v35 =	vld [tilespmem:$0xFC10];
	[tilespmem:$0x11B80] =	vst v55  }
0x18e: {  	v38 =	vld [tilespmem:$0xFC90];
	[tilespmem:$0x11C00] =	vst v58  }
0x18f: {  	v41 =	vld [tilespmem:$0xFD10];
	[tilespmem:$0x11C80] =	vst v61  }
0x190: {  	v44 =	vld [tilespmem:$0xFD90];
	[tilespmem:$0x11710] =	vst v29  }
0x191: {  	v47 =	vld [tilespmem:$0xFE10];
	[tilespmem:$0x11790] =	vst v32  }
0x192: {  	v50 =	vld [tilespmem:$0xFE90];
	[tilespmem:$0x11810] =	vst v35  }
0x193: {  	v53 =	vld [tilespmem:$0xFF10];
	[tilespmem:$0x11890] =	vst v38  }
0x194: {  	v56 =	vld [tilespmem:$0xFF90];
	[tilespmem:$0x11910] =	vst v41  }
0x195: {  	v59 =	vld [tilespmem:$0x10010];
	[tilespmem:$0x11990] =	vst v44  }
0x196: {  	v62 =	vld [tilespmem:$0x10090];
	[tilespmem:$0x11A10] =	vst v47  }
0x197: {  	v30 =	vld [tilespmem:$0xFB1C];
	[tilespmem:$0x11A90] =	vst v50  }
0x198: {  	v33 =	vld [tilespmem:$0xFB9C];
	[tilespmem:$0x11B10] =	vst v53  }
0x199: {  	v36 =	vld [tilespmem:$0xFC1C];
	[tilespmem:$0x11B90] =	vst v56  }
0x19a: {  	v39 =	vld [tilespmem:$0xFC9C];
	[tilespmem:$0x11C10] =	vst v59  }
0x19b: {  	v42 =	vld [tilespmem:$0xFD1C];
	[tilespmem:$0x11C90] =	vst v62  }
0x19c: {  	v45 =	vld [tilespmem:$0xFD9C];
	[tilespmem:$0x1171C] =	vst v30  }
0x19d: {  	v48 =	vld [tilespmem:$0xFE1C];
	[tilespmem:$0x1179C] =	vst v33  }
0x19e: {  	v51 =	vld [tilespmem:$0xFE9C];
	[tilespmem:$0x1181C] =	vst v36  }
0x19f: {  	v54 =	vld [tilespmem:$0xFF1C];
	[tilespmem:$0x1189C] =	vst v39  }
0x1a0: {  	v57 =	vld [tilespmem:$0xFF9C];
	[tilespmem:$0x1191C] =	vst v42  }
0x1a1: {  	v60 =	vld [tilespmem:$0x1001C];
	[tilespmem:$0x1199C] =	vst v45  }
0x1a2: {  	v63 =	vld [tilespmem:$0x1009C];
	[tilespmem:$0x11A1C] =	vst v48  }
0x1a3: {  	[tilespmem:$0x11A9C] =	vst v51  }
0x1a4: {  	[tilespmem:$0x11B1C] =	vst v54  }
0x1a5: {  	s5 =	rddreg [dreg:$0xa];
	[tilespmem:$0x11B9C] =	vst v57  }
0x1a6: {  	s6 =	rddreg [dreg:$0x11];
	[tilespmem:$0x11C1C] =	vst v60  }
0x1a7: {  	s31 =	rddreg [dreg:$0x9];
	s0 =	sadd.s32 s30, s5;
	[tilespmem:$0x11C9C] =	vst v63  }
0x1a8: {  	[hbm4b:s0+s20] =	stream.strided.scatter [tilespmem:s17], [sflag:$0x4], $0x1800, s21, s20, $0x38;
	[tilespmem:$0x17DC0] =	vst v63  }
0x1a9: {  	s5 =	sadd.s32 s30, s31;
	s31 =	rddreg [dreg:$0x8];
	s0 =	sadd.s32 $0x900, s0  }
0x1aa: {  	[hbm4b:s0+s4] =	stream.linear.scatter [tilespmem:s6], [sflag:$0x4], $0x100, $0x38;
	[tilespmem:$0x17DC0] =	vst v63  }
0x1ab: {  	s31 =	sadd.s32 s30, s31;
	s30 =	sadd.s32 $0x1500, s30  }
0x1ac: {  	[hbm4b:s5+s20] =	stream.strided.scatter [tilespmem:s18], [sflag:$0x4], $0x1800, s21, s20, $0x38;
	[tilespmem:$0x17DC0] =	vst v63  }
0x1ad: {  	p1 =	sne.s32 s30, $0x54000;
	s6 =	rddreg [dreg:$0x12];
	s0 =	sadd.s32 $0x900, s5  }
0x1ae: {  	[hbm4b:s0+s4] =	stream.linear.scatter [tilespmem:s6], [sflag:$0x4], $0x100, $0x38;
	[tilespmem:$0x17DC0] =	vst v63  }
.Ltmp0:
0x1af: {  	_ = 	snop;
	(pc) =	sbr.rel @p1 .LBB2_2-.Ltmp0, $4  }
0x1b0: {  	_ = 	snop  }
0x1b1: {  	[hbm4b:s31+s20] =	stream.strided.scatter [tilespmem:s23], [sflag:$0x4], $0x1800, s21, s20, $0x38;
	[tilespmem:$0x17DC0] =	vst v63  }
0x1b2: {  	s29 =	sadd.s32 $0x100, s29;
	s0 =	sadd.s32 $0x900, s31  }
0x1b3: {  	[hbm4b:s0+s4] =	stream.linear.scatter [tilespmem:s24], [sflag:$0x4], $0x100, $0x38;
	[tilespmem:$0x17DC0] =	vst v63  }
0x1b4: {  	_ =	swait.ge [sflag:s25], $0x1900  }
0x1b5: {  	[sflag:s25] =	ssyncset.done $0x0  }
0x1b6: {  	[sflag:s25] =	ssyncadd.s32 $0xFFFFE700  }
0x1b7: {  	_ =	swait.ge [sflag:s25], $0x1900  }
0x1b8: {  	[sflag:s25] =	ssyncset.done $0x0  }
0x1b9: {  	[sflag:s25] =	ssyncadd.s32 $0xFFFFE700  }
0x1ba: {  	_ =	swait.ge [sflag:s25], $0x1900  }
0x1bb: {  	[sflag:s25] =	ssyncset.done $0x0  }
0x1bc: {  	[sflag:s25] =	ssyncadd.s32 $0xFFFFE700  }
0x1bd: {  	_ =	swait.ge [sflag:s26], $0x1900  }
0x1be: {  	[sflag:s26] =	ssyncset.done $0x0  }
0x1bf: {  	s28 =	sadd.s32 $0x1, s28;
	[sflag:s26] =	ssyncadd.s32 $0xFFFFE700  }
0x1c0: {  	p1 =	sne.s32 s28, s9;
	_ =	swait.ge [sflag:s26], $0x1900  }
.Ltmp1:
0x1c1: {  	[sflag:s26] =	ssyncset.done $0x0;
	(pc) =	sbr.rel @p1 .LBB2_1-.Ltmp1, $4  }
0x1c2: {  	[sflag:s26] =	ssyncadd.s32 $0xFFFFE700  }
0x1c3: {  	_ =	swait.ge [sflag:s26], $0x1900  }
0x1c4: {  	[sflag:s26] =	ssyncset.done $0x0  }
0x1c5: {  	[sflag:s26] =	ssyncadd.s32 $0xFFFFE700  }
0x1c6: {  	_ =	sfence.sel $0x180000  }
0x1c7: {  	[bflag:$0x0] =	sbarrier.arrive $0xFFFF  }
0x1c8: {  	_ =	strace $0x90000047  }
0x1c9: {  	[bflag:$0x2] =	sbarrier.arrive $0xFFFF  }
0x1ca: {  	s0 =	rddreg [dreg:$0x5]  }
0x1cb: {  	s0 =	sadd.s32 @!p0 $0x100000, s0  }
0x1cc: {  	[sflag:s0] =	ssyncadd.tile.s32 @!p0 $0x1;
	_ =	shalt  }
.Lfunc_end2:
_tile_overlayer_lowered:
.L_overlay_start_2:
0x1cd: {  	(tag) =	ssettag $0x2  }
0x1ce: {  	s0 =	rddreg [dreg:$0x0];
	s2 =	stileid.u32  }
0x1cf: {  	s1 =	rddreg [dreg:$0x1];
	p0 =	sne.s32 s2, $0x0  }
0x1d0: {  	s3 =	rddreg [dreg:$0x2];
	[bflag:$0x3] =	sbarrier.arrive $0xFFFF;
	s2 =	simm.s32 @!p0 $0x1C05  }
0x1d1: {  	[timem:s3], [sflag:s2] =	dma.local @!p0 [hbm:s0], s1  }
0x1d2: {  	s0 =	simm.s32 @!p0 $0x5  }
0x1d3: {  	_ =	swait.ge @!p0 [sflag:s0], s1  }
0x1d4: {  	s1 =	ssub.s32 @!p0 $0x0, s1;
	[sflag:s0] =	ssyncset.done @!p0 $0x0  }
0x1d5: {  	[sflag:s0] =	ssyncadd.s32 @!p0 s1  }
0x1d6: {  	[bflag:$0x3] =	sbarrier.arrive $0xFFFF  }
0x1d7: {  	_ =	shalt  }

</sc_bundles>
